<compile_context>
chip_gen: v7x
topology: tpu7x:2x2x1
jax: 0.10.2.dev20260603
libtpu: 0.0.44.dev20260713+nightly
codegen_flags: <defaults>
</compile_context>

<pallas_src>
import functools

import jax
import jax.numpy as jnp
from jax import lax
from jax.experimental import pallas as pl
from jax.experimental.pallas import tpu as pltpu
from jax.experimental.pallas import tpu_sc as plsc

N = 10000
NPAD = 10240
E_RAW = 320000
E_TOT = E_RAW + N
NTILES = 32
EPAD = 331776
PAD1D = EPAD + 12800
RPT = NPAD // 16

_MESH = plsc.VectorSubcoreMesh(core_axis_name="c", subcore_axis_name="s")

_SPLIT = {128: (128, 81), 64: (128, 81), 32: (128, 82), 16: (128, 81)}


def _sc_degree(dst_r):
    nmax = 100

    @functools.partial(
        pl.kernel,
        out_type=jax.ShapeDtypeStruct((2, NPAD, 16), jnp.float32),
        mesh=_MESH,
        compiler_params=pltpu.CompilerParams(use_tc_tiling_on_sc=False),
        scratch_types=[
            pltpu.VMEM((nmax, 128), jnp.int32),
            pltpu.VMEM((128, 16), jnp.float32),
            pltpu.VMEM_SHARED((NPAD, 16), jnp.float32),
            pltpu.SemaphoreType.DMA,
        ],
    )
    def k(dst_hbm, out_hbm, idx_v, ones_v, acc, isem):
        c = lax.axis_index("c")
        s = lax.axis_index("s")
        start = s * 162 + c * 81
        pltpu.async_copy(dst_hbm.at[pl.ds(start, nmax)], idx_v, isem)

        def fill(val):
            def body(j, _):
                ones_v[j, :] = jnp.full((16,), val, jnp.float32)
                return 0
            return lax.fori_loop(0, 128, body, 0)

        fill(0.0)
        for t in range(RPT // 128):
            pltpu.sync_copy(ones_v, acc.at[pl.ds(s * RPT + t * 128, 128)])
        fill(1.0)
        plsc.subcore_barrier()
        pltpu.make_async_copy(dst_hbm.at[pl.ds(start, nmax)], idx_v, isem).wait()

        def body(j, _):
            pltpu.async_copy(ones_v, acc.at[idx_v.at[j]], isem, add=True)
            return 0

        lax.fori_loop(0, 81, body, 0)

        def drain(j, _):
            pltpu.make_async_copy(ones_v, acc.at[idx_v.at[0]], isem).wait()
            return 0

        lax.fori_loop(0, 81, drain, 0)
        plsc.subcore_barrier()
        pltpu.sync_copy(acc.at[pl.ds(s * RPT, RPT)],
                        out_hbm.at[c, pl.ds(s * RPT, RPT)])

    return k(dst_r)


def _sc_propagate(g, src_f, dst_f, width):
    chunk, n0 = _SPLIT[width]
    t16 = EPAD // chunk // 16
    n1 = t16 - n0
    nmax = 100
    halves = 2 if width == 128 else 1
    hw = width // halves
    out_t = (2, NPAD, width)

    @functools.partial(
        pl.kernel,
        out_type=jax.ShapeDtypeStruct(out_t, jnp.float32),
        mesh=_MESH,
        compiler_params=pltpu.CompilerParams(use_tc_tiling_on_sc=False),
        scratch_types=[
            pltpu.VMEM((nmax, chunk), jnp.int32),
            pltpu.VMEM((nmax, chunk), jnp.int32),
            pltpu.VMEM((2, chunk, hw), jnp.float32),
            pltpu.VMEM_SHARED((NPAD, hw), jnp.float32),
            pltpu.VMEM_SHARED((NPAD, hw), jnp.float32),
            pltpu.SemaphoreType.DMA((2,)),
            pltpu.SemaphoreType.DMA((2,)),
            pltpu.SemaphoreType.DMA,
        ],
    )
    def k(g_hbm, src_hbm, dst_hbm, out_hbm, src_v, dst_v, rows_v, acc, table,
          gsem, ssem, isem):
        c = lax.axis_index("c")
        s = lax.axis_index("s")
        start = s * t16 + c * n0
        cnt = jnp.where(c == 0, n0, n1)
        strip = pl.ds(s * RPT, RPT)

        def gslab(h):
            return (g_hbm.at[strip, pl.ds(h * hw, hw)] if halves == 2
                    else g_hbm.at[strip])

        pltpu.async_copy(src_hbm.at[pl.ds(start, nmax)], src_v, isem)
        pltpu.async_copy(dst_hbm.at[pl.ds(start, nmax)], dst_v, isem)
        pltpu.async_copy(gslab(0), table.at[strip], isem)

        zeros16 = jnp.zeros((16,), jnp.float32)

        def zero_acc():
            def zbody(i, _):
                for kk in range(hw // 16):
                    rows_v[0, i, pl.ds(kk * 16, 16)] = zeros16
                return 0

            lax.fori_loop(0, chunk, zbody, 0)
            for t in range(RPT // chunk):
                pltpu.sync_copy(rows_v.at[0],
                                acc.at[pl.ds(s * RPT + t * chunk, chunk)])

        def run_half(h):
            pltpu.async_copy(table.at[src_v.at[0]], rows_v.at[0], gsem.at[0])

            def body(j, _):
                par = lax.rem(j, 2)
                npar = lax.rem(j + 1, 2)

                @pl.when(j >= 1)
                def _():
                    pltpu.make_async_copy(rows_v.at[npar], acc.at[dst_v.at[0]],
                                          ssem.at[npar]).wait()

                @pl.when(j < cnt - 1)
                def _():
                    pltpu.async_copy(table.at[src_v.at[j + 1]], rows_v.at[npar],
                                     gsem.at[npar])

                pltpu.make_async_copy(table.at[src_v.at[j]], rows_v.at[par],
                                      gsem.at[par]).wait()
                pltpu.async_copy(rows_v.at[par], acc.at[dst_v.at[j]],
                                 ssem.at[par], add=True)
                return 0

            lax.fori_loop(0, cnt, body, 0)
            last = lax.rem(cnt - 1, 2)
            pltpu.make_async_copy(rows_v.at[last], acc.at[dst_v.at[0]],
                                  ssem.at[last]).wait()
            plsc.subcore_barrier()
            if halves == 2:
                pltpu.sync_copy(acc.at[strip],
                                out_hbm.at[c, strip, pl.ds(h * hw, hw)])
            else:
                pltpu.sync_copy(acc.at[strip], out_hbm.at[c, strip])

        zero_acc()
        pltpu.make_async_copy(src_hbm.at[pl.ds(start, nmax)], src_v, isem).wait()
        pltpu.make_async_copy(dst_hbm.at[pl.ds(start, nmax)], dst_v, isem).wait()
        pltpu.make_async_copy(gslab(0), table.at[strip], isem).wait()
        plsc.subcore_barrier()
        run_half(0)
        if halves == 2:
            pltpu.async_copy(gslab(1), table.at[strip], isem)
            zero_acc()
            pltpu.make_async_copy(gslab(1), table.at[strip], isem).wait()
            plsc.subcore_barrier()
            run_half(1)

    return k(g, src_f, dst_f)


def _k0_body(dp_ref, x_ref, w_ref, g_ref, dis_ref):
    deg = (dp_ref[0] + dp_ref[1])[:, 0:1]
    row = lax.broadcasted_iota(jnp.int32, (NPAD, 1), 0)
    dis = jnp.where((deg > 0) & (row < N), lax.rsqrt(deg), 0.0)
    g_ref[...] = jnp.dot(x_ref[...], w_ref[...],
                         preferred_element_type=jnp.float32) * dis
    dis_ref[...] = dis


def _kmid_body(p_ref, dis_ref, b_ref, w_ref, g_ref):
    dis = dis_ref[...]
    z = jnp.maximum((p_ref[0] + p_ref[1]) * dis + b_ref[...], 0.0)
    g_ref[...] = jnp.dot(z, w_ref[...], preferred_element_type=jnp.float32) * dis


def _k4_body(p_ref, dis_ref, b_ref, g_ref):
    dis = dis_ref[...]
    g_ref[...] = jnp.maximum((p_ref[0] + p_ref[1]) * dis + b_ref[...], 0.0) * dis


def _k5_body(p_ref, dis_ref, b_ref, w_ref, o_ref):
    o_ref[...] = jnp.dot((p_ref[0] + p_ref[1]) * dis_ref[...], w_ref[...],
                         preferred_element_type=jnp.float32) + b_ref[...]


def _views(flat1d, chunk, nmax):
    rows = EPAD // chunk + nmax
    return lax.slice(flat1d, (0,), (rows * chunk,)).reshape(rows, chunk)


def kernel(x, edge_index, W1, b1, W2, b2, W3, b3, W4, b4, W5, b5):
    f32 = jnp.float32
    xp = jnp.concatenate([x, jnp.zeros((NPAD - N, x.shape[1]), f32)], axis=0)
    loop = jnp.arange(N, dtype=jnp.int32)
    padv = jnp.full((PAD1D - E_TOT,), N, dtype=jnp.int32)
    src1d = jnp.concatenate([edge_index[0].astype(jnp.int32), loop, padv])
    dst1d = jnp.concatenate([edge_index[1].astype(jnp.int32), loop, padv])
    src128, dst128 = _views(src1d, 128, 100), _views(dst1d, 128, 100)

    deg_parts = _sc_degree(dst128)
    g, dis = pl.pallas_call(_k0_body, out_shape=(
        jax.ShapeDtypeStruct((NPAD, 128), f32),
        jax.ShapeDtypeStruct((NPAD, 1), f32)))(deg_parts, xp, W1)

    p = _sc_propagate(g, src128, dst128, 128)
    g = pl.pallas_call(_kmid_body, out_shape=jax.ShapeDtypeStruct(
        (NPAD, 64), f32))(p, dis, b1.reshape(1, -1), W2)
    p = _sc_propagate(g, src128, dst128, 64)
    g = pl.pallas_call(_kmid_body, out_shape=jax.ShapeDtypeStruct(
        (NPAD, 32), f32))(p, dis, b2.reshape(1, -1), W3)
    p = _sc_propagate(g, src128, dst128, 32)
    g = pl.pallas_call(_kmid_body, out_shape=jax.ShapeDtypeStruct(
        (NPAD, 16), f32))(p, dis, b3.reshape(1, -1), W4)
    p = _sc_propagate(g, src128, dst128, 16)
    g = pl.pallas_call(_k4_body, out_shape=jax.ShapeDtypeStruct(
        (NPAD, 16), f32))(p, dis, b4.reshape(1, -1))
    p = _sc_propagate(g, src128, dst128, 16)
    out = pl.pallas_call(_k5_body, out_shape=jax.ShapeDtypeStruct(
        (NPAD, 40), f32))(p, dis, b5.reshape(1, -1), W5)
    return out[:N]

# --- scband reference (transcript-rebuilt; emitter-appended) ---
"""Pipeline reference for scband-gcn-44057774522704 (READ-ONLY COPY).

The authoritative reference and input builder live on the scoring server;
editing this copy changes nothing except your own understanding.
"""

import jax, jax.numpy as jnp
import numpy as np

N_NODES = 10000


def gcn_conv(x, src, dst, W, b, n):
    h = x @ W
    ones = jnp.ones(src.shape[0], dtype=h.dtype)
    deg = jax.ops.segment_sum(ones, dst, num_segments=n)
    deg_inv_sqrt = jnp.where(deg > 0, deg ** -0.5, 0.0)
    norm = deg_inv_sqrt[src] * deg_inv_sqrt[dst]
    msg = h[src] * norm[:, None]
    out = jax.ops.segment_sum(msg, dst, num_segments=n)
    return out + b


def setup_inputs(seed: int = 0) -> dict:
    key = jax.random.key(seed)
    ks = jax.random.split(key, 12)
    x = jax.random.normal(ks[0], (N_NODES, 128), dtype=jnp.float32)
    edge_index = jax.random.randint(ks[1], (2, 320000), 0, N_NODES, dtype=jnp.int64 if jax.config.jax_enable_x64 else jnp.int32).astype(jnp.int32)
    dims = [(128, 128), (128, 64), (64, 32), (32, 16), (16, 40)]
    params = {}
    for i, (din, dout) in enumerate(dims):
        scale = 1.0 / np.sqrt(din)
        params[f"W{i+1}"] = jax.random.uniform(ks[2 + 2 * i], (din, dout), minval=-scale, maxval=scale, dtype=jnp.float32)
        params[f"b{i+1}"] = jnp.zeros((dout,), dtype=jnp.float32)
    return {"x": x, "edge_index": edge_index, **params}


def reference(x, edge_index, W1, b1, W2, b2, W3, b3, W4, b4, W5, b5):
    n = x.shape[0]
    loop = jnp.arange(n, dtype=edge_index.dtype)
    src = jnp.concatenate([edge_index[0], loop])
    dst = jnp.concatenate([edge_index[1], loop])
    h = gcn_conv(x, src, dst, W1, b1, n)
    h = jax.nn.relu(h)
    h = gcn_conv(h, src, dst, W2, b2, n)
    h = jax.nn.relu(h)
    h = gcn_conv(h, src, dst, W3, b3, n)
    h = jax.nn.relu(h)
    h = gcn_conv(h, src, dst, W4, b4, n)
    h = jax.nn.relu(h)
    h = gcn_conv(h, src, dst, W5, b5, n)
    return h

if __name__ == "__main__":
    import jax
    _d = setup_inputs()
    print(jax.jit(kernel)(*tuple(_d.values())))

</pallas_src>

<mosaic_0001>
#map = affine_map<(d0, d1) -> (0, 0)>
#map1 = affine_map<(d0, d1) -> (0, 0, 0)>
module attributes {stable_mosaic.version = 14 : i64} {
  func.func @k(%arg0: i32, %arg1: i32, %arg2: memref<2692x128xi32, #tpu.memory_space<hbm>>, %arg3: memref<2x10240x16xf32, #tpu.memory_space<hbm>>, %arg4: memref<100x128xi32, #tpu.memory_space<vmem>>, %arg5: memref<128x16xf32, #tpu.memory_space<vmem>>, %arg6: memref<10240x16xf32, #tpu.memory_space<vmem_shared>>, %arg7: memref<!tpu.dma_semaphore, #tpu.memory_space<semaphore_mem>>) attributes {dimension_semantics = [#tpu.dimension_semantics<core_parallel>, #tpu.dimension_semantics<subcore_parallel>], iteration_bounds = array<i64: 2, 16>, scalar_prefetch = 0 : i64, scratch_operands = 4 : i64, tpu.core_type = #tpu.core_type<sc_vector_subcore>, window_params = [{transform_indices = #map}, {transform_indices = #map1}]} {
    %mul3A = arith.constant 162 : i32
    %mul3A_0 = arith.muli %arg1, %mul3A : i32
    %mul3A_1 = arith.constant 81 : i32
    %mul3A_2 = arith.muli %arg0, %mul3A_1 : i32
    %add3A = arith.addi %mul3A_0, %mul3A_2 : i32
    %dma_start3A = arith.constant 0 : i32
    %dma_start3A_3 = tpu.memref_slice %arg2[%add3A, %dma_start3A] : memref<2692x128xi32, #tpu.memory_space<hbm>> -> memref<100x128xi32, #tpu.memory_space<hbm>>
    %dma_start3A_4 = arith.constant 0 : i32
    %dma_start3A_5 = tpu.memref_slice %arg2[%add3A, %dma_start3A_4] : memref<2692x128xi32, #tpu.memory_space<hbm>> -> memref<100x128xi32, #tpu.memory_space<hbm>>
    tpu.enqueue_dma source(%dma_start3A_5 : memref<100x128xi32, #tpu.memory_space<hbm>>) target(%arg4 : memref<100x128xi32, #tpu.memory_space<vmem>>) target_semaphore(%arg7 : memref<!tpu.dma_semaphore, #tpu.memory_space<semaphore_mem>>)
    %scan3A = arith.constant 0 : i32
    %scan3A_6 = arith.constant 0 : i32
    %scan3A_7 = arith.constant 128 : i32
    %scan3A_8 = arith.addi %scan3A_6, %scan3A_7 : i32
    %scan3A_9 = arith.constant 1 : i32
    %scan3A_10 = scf.for %scan3A_61 = %scan3A_6 to %scan3A_8 step %scan3A_9 iter_args(%scan3A_62 = %scan3A) -> (i32)  : i32 {
      %broadcast_in_dim3A = arith.constant 0.000000e+00 : f32
      %broadcast_in_dim3A_63 = vector.broadcast %broadcast_in_dim3A : f32 to vector<16xf32>
      %swap3A = arith.index_cast %scan3A_61 : i32 to index
      %swap3A_64 = arith.constant 0 : index
      %swap3A_65 = tpu.vector_load %arg5[%swap3A, %swap3A_64] {strides = array<i32>} : memref<128x16xf32, #tpu.memory_space<vmem>>, vector<1x16xf32>,
      %swap3A_66 = vector.shape_cast %swap3A_65 : vector<1x16xf32> to vector<16xf32>
      %swap3A_67 = vector.shape_cast %broadcast_in_dim3A_63 : vector<16xf32> to vector<1x16xf32>
      tpu.vector_store %arg5[%swap3A, %swap3A_64], %swap3A_67 {strides = array<i32>} : memref<128x16xf32, #tpu.memory_space<vmem>>, vector<1x16xf32>,
      %scan3A_68 = arith.constant 0 : i32
      scf.yield %scan3A_68 : i32
    }
    %scan3A_11 = arith.constant 128 : i32
    %mul3A_12 = arith.constant 640 : i32
    %mul3A_13 = arith.muli %arg1, %mul3A_12 : i32
    %add3A_14 = arith.constant 0 : i32
    %add3A_15 = arith.addi %mul3A_13, %add3A_14 : i32
    "tpu.region"() ({
      %run_scoped3A = tpu.sem_alloc : memref<!tpu.dma_semaphore, #tpu.memory_space<semaphore_mem>>
      %dma_start3A_61 = arith.constant 0 : i32
      %dma_start3A_62 = tpu.memref_slice %arg6[%add3A_15, %dma_start3A_61] : memref<10240x16xf32, #tpu.memory_space<vmem_shared>> -> memref<128x16xf32, #tpu.memory_space<vmem_shared>>
      %dma_start3A_63 = arith.constant 0 : i32
      %dma_start3A_64 = tpu.memref_slice %arg6[%add3A_15, %dma_start3A_63] : memref<10240x16xf32, #tpu.memory_space<vmem_shared>> -> memref<128x16xf32, #tpu.memory_space<vmem_shared>>
      tpu.enqueue_dma source(%arg5 : memref<128x16xf32, #tpu.memory_space<vmem>>) target(%dma_start3A_64 : memref<128x16xf32, #tpu.memory_space<vmem_shared>>) target_semaphore(%run_scoped3A : memref<!tpu.dma_semaphore, #tpu.memory_space<semaphore_mem>>)
      %dma_wait3A_65 = arith.constant 0 : i32
      %dma_wait3A_66 = tpu.memref_slice %arg6[%add3A_15, %dma_wait3A_65] : memref<10240x16xf32, #tpu.memory_space<vmem_shared>> -> memref<128x16xf32, #tpu.memory_space<vmem_shared>>
      %dma_wait3A_67 = arith.constant 0 : i32
      %dma_wait3A_68 = tpu.memref_slice %arg6[%add3A_15, %dma_wait3A_67] : memref<10240x16xf32, #tpu.memory_space<vmem_shared>> -> memref<128x16xf32, #tpu.memory_space<vmem_shared>>
      tpu.wait_dma2 semaphore(%run_scoped3A : memref<!tpu.dma_semaphore, #tpu.memory_space<semaphore_mem>>) src(%arg5 : memref<128x16xf32, #tpu.memory_space<vmem>>) dst(%dma_wait3A_68 : memref<128x16xf32, #tpu.memory_space<vmem_shared>>)
      tpu.yield
    }) : () -> ()
    %mul3A_16 = arith.constant 640 : i32
    %mul3A_17 = arith.muli %arg1, %mul3A_16 : i32
    %add3A_18 = arith.constant 128 : i32
    %add3A_19 = arith.addi %mul3A_17, %add3A_18 : i32
    "tpu.region"() ({
      %run_scoped3A = tpu.sem_alloc : memref<!tpu.dma_semaphore, #tpu.memory_space<semaphore_mem>>
      %dma_start3A_61 = arith.constant 0 : i32
      %dma_start3A_62 = tpu.memref_slice %arg6[%add3A_19, %dma_start3A_61] : memref<10240x16xf32, #tpu.memory_space<vmem_shared>> -> memref<128x16xf32, #tpu.memory_space<vmem_shared>>
      %dma_start3A_63 = arith.constant 0 : i32
      %dma_start3A_64 = tpu.memref_slice %arg6[%add3A_19, %dma_start3A_63] : memref<10240x16xf32, #tpu.memory_space<vmem_shared>> -> memref<128x16xf32, #tpu.memory_space<vmem_shared>>
      tpu.enqueue_dma source(%arg5 : memref<128x16xf32, #tpu.memory_space<vmem>>) target(%dma_start3A_64 : memref<128x16xf32, #tpu.memory_space<vmem_shared>>) target_semaphore(%run_scoped3A : memref<!tpu.dma_semaphore, #tpu.memory_space<semaphore_mem>>)
      %dma_wait3A_65 = arith.constant 0 : i32
      %dma_wait3A_66 = tpu.memref_slice %arg6[%add3A_19, %dma_wait3A_65] : memref<10240x16xf32, #tpu.memory_space<vmem_shared>> -> memref<128x16xf32, #tpu.memory_space<vmem_shared>>
      %dma_wait3A_67 = arith.constant 0 : i32
      %dma_wait3A_68 = tpu.memref_slice %arg6[%add3A_19, %dma_wait3A_67] : memref<10240x16xf32, #tpu.memory_space<vmem_shared>> -> memref<128x16xf32, #tpu.memory_space<vmem_shared>>
      tpu.wait_dma2 semaphore(%run_scoped3A : memref<!tpu.dma_semaphore, #tpu.memory_space<semaphore_mem>>) src(%arg5 : memref<128x16xf32, #tpu.memory_space<vmem>>) dst(%dma_wait3A_68 : memref<128x16xf32, #tpu.memory_space<vmem_shared>>)
      tpu.yield
    }) : () -> ()
    %mul3A_20 = arith.constant 640 : i32
    %mul3A_21 = arith.muli %arg1, %mul3A_20 : i32
    %add3A_22 = arith.constant 256 : i32
    %add3A_23 = arith.addi %mul3A_21, %add3A_22 : i32
    "tpu.region"() ({
      %run_scoped3A = tpu.sem_alloc : memref<!tpu.dma_semaphore, #tpu.memory_space<semaphore_mem>>
      %dma_start3A_61 = arith.constant 0 : i32
      %dma_start3A_62 = tpu.memref_slice %arg6[%add3A_23, %dma_start3A_61] : memref<10240x16xf32, #tpu.memory_space<vmem_shared>> -> memref<128x16xf32, #tpu.memory_space<vmem_shared>>
      %dma_start3A_63 = arith.constant 0 : i32
      %dma_start3A_64 = tpu.memref_slice %arg6[%add3A_23, %dma_start3A_63] : memref<10240x16xf32, #tpu.memory_space<vmem_shared>> -> memref<128x16xf32, #tpu.memory_space<vmem_shared>>
      tpu.enqueue_dma source(%arg5 : memref<128x16xf32, #tpu.memory_space<vmem>>) target(%dma_start3A_64 : memref<128x16xf32, #tpu.memory_space<vmem_shared>>) target_semaphore(%run_scoped3A : memref<!tpu.dma_semaphore, #tpu.memory_space<semaphore_mem>>)
      %dma_wait3A_65 = arith.constant 0 : i32
      %dma_wait3A_66 = tpu.memref_slice %arg6[%add3A_23, %dma_wait3A_65] : memref<10240x16xf32, #tpu.memory_space<vmem_shared>> -> memref<128x16xf32, #tpu.memory_space<vmem_shared>>
      %dma_wait3A_67 = arith.constant 0 : i32
      %dma_wait3A_68 = tpu.memref_slice %arg6[%add3A_23, %dma_wait3A_67] : memref<10240x16xf32, #tpu.memory_space<vmem_shared>> -> memref<128x16xf32, #tpu.memory_space<vmem_shared>>
      tpu.wait_dma2 semaphore(%run_scoped3A : memref<!tpu.dma_semaphore, #tpu.memory_space<semaphore_mem>>) src(%arg5 : memref<128x16xf32, #tpu.memory_space<vmem>>) dst(%dma_wait3A_68 : memref<128x16xf32, #tpu.memory_space<vmem_shared>>)
      tpu.yield
    }) : () -> ()
    %mul3A_24 = arith.constant 640 : i32
    %mul3A_25 = arith.muli %arg1, %mul3A_24 : i32
    %add3A_26 = arith.constant 384 : i32
    %add3A_27 = arith.addi %mul3A_25, %add3A_26 : i32
    "tpu.region"() ({
      %run_scoped3A = tpu.sem_alloc : memref<!tpu.dma_semaphore, #tpu.memory_space<semaphore_mem>>
      %dma_start3A_61 = arith.constant 0 : i32
      %dma_start3A_62 = tpu.memref_slice %arg6[%add3A_27, %dma_start3A_61] : memref<10240x16xf32, #tpu.memory_space<vmem_shared>> -> memref<128x16xf32, #tpu.memory_space<vmem_shared>>
      %dma_start3A_63 = arith.constant 0 : i32
      %dma_start3A_64 = tpu.memref_slice %arg6[%add3A_27, %dma_start3A_63] : memref<10240x16xf32, #tpu.memory_space<vmem_shared>> -> memref<128x16xf32, #tpu.memory_space<vmem_shared>>
      tpu.enqueue_dma source(%arg5 : memref<128x16xf32, #tpu.memory_space<vmem>>) target(%dma_start3A_64 : memref<128x16xf32, #tpu.memory_space<vmem_shared>>) target_semaphore(%run_scoped3A : memref<!tpu.dma_semaphore, #tpu.memory_space<semaphore_mem>>)
      %dma_wait3A_65 = arith.constant 0 : i32
      %dma_wait3A_66 = tpu.memref_slice %arg6[%add3A_27, %dma_wait3A_65] : memref<10240x16xf32, #tpu.memory_space<vmem_shared>> -> memref<128x16xf32, #tpu.memory_space<vmem_shared>>
      %dma_wait3A_67 = arith.constant 0 : i32
      %dma_wait3A_68 = tpu.memref_slice %arg6[%add3A_27, %dma_wait3A_67] : memref<10240x16xf32, #tpu.memory_space<vmem_shared>> -> memref<128x16xf32, #tpu.memory_space<vmem_shared>>
      tpu.wait_dma2 semaphore(%run_scoped3A : memref<!tpu.dma_semaphore, #tpu.memory_space<semaphore_mem>>) src(%arg5 : memref<128x16xf32, #tpu.memory_space<vmem>>) dst(%dma_wait3A_68 : memref<128x16xf32, #tpu.memory_space<vmem_shared>>)
      tpu.yield
    }) : () -> ()
    %mul3A_28 = arith.constant 640 : i32
    %mul3A_29 = arith.muli %arg1, %mul3A_28 : i32
    %add3A_30 = arith.constant 512 : i32
    %add3A_31 = arith.addi %mul3A_29, %add3A_30 : i32
    "tpu.region"() ({
      %run_scoped3A = tpu.sem_alloc : memref<!tpu.dma_semaphore, #tpu.memory_space<semaphore_mem>>
      %dma_start3A_61 = arith.constant 0 : i32
      %dma_start3A_62 = tpu.memref_slice %arg6[%add3A_31, %dma_start3A_61] : memref<10240x16xf32, #tpu.memory_space<vmem_shared>> -> memref<128x16xf32, #tpu.memory_space<vmem_shared>>
      %dma_start3A_63 = arith.constant 0 : i32
      %dma_start3A_64 = tpu.memref_slice %arg6[%add3A_31, %dma_start3A_63] : memref<10240x16xf32, #tpu.memory_space<vmem_shared>> -> memref<128x16xf32, #tpu.memory_space<vmem_shared>>
      tpu.enqueue_dma source(%arg5 : memref<128x16xf32, #tpu.memory_space<vmem>>) target(%dma_start3A_64 : memref<128x16xf32, #tpu.memory_space<vmem_shared>>) target_semaphore(%run_scoped3A : memref<!tpu.dma_semaphore, #tpu.memory_space<semaphore_mem>>)
      %dma_wait3A_65 = arith.constant 0 : i32
      %dma_wait3A_66 = tpu.memref_slice %arg6[%add3A_31, %dma_wait3A_65] : memref<10240x16xf32, #tpu.memory_space<vmem_shared>> -> memref<128x16xf32, #tpu.memory_space<vmem_shared>>
      %dma_wait3A_67 = arith.constant 0 : i32
      %dma_wait3A_68 = tpu.memref_slice %arg6[%add3A_31, %dma_wait3A_67] : memref<10240x16xf32, #tpu.memory_space<vmem_shared>> -> memref<128x16xf32, #tpu.memory_space<vmem_shared>>
      tpu.wait_dma2 semaphore(%run_scoped3A : memref<!tpu.dma_semaphore, #tpu.memory_space<semaphore_mem>>) src(%arg5 : memref<128x16xf32, #tpu.memory_space<vmem>>) dst(%dma_wait3A_68 : memref<128x16xf32, #tpu.memory_space<vmem_shared>>)
      tpu.yield
    }) : () -> ()
    %scan3A_32 = arith.constant 0 : i32
    %scan3A_33 = arith.constant 0 : i32
    %scan3A_34 = arith.constant 128 : i32
    %scan3A_35 = arith.addi %scan3A_33, %scan3A_34 : i32
    %scan3A_36 = arith.constant 1 : i32
    %scan3A_37 = scf.for %scan3A_61 = %scan3A_33 to %scan3A_35 step %scan3A_36 iter_args(%scan3A_62 = %scan3A_32) -> (i32)  : i32 {
      %broadcast_in_dim3A = arith.constant 1.000000e+00 : f32
      %broadcast_in_dim3A_63 = vector.broadcast %broadcast_in_dim3A : f32 to vector<16xf32>
      %swap3A = arith.index_cast %scan3A_61 : i32 to index
      %swap3A_64 = arith.constant 0 : index
      %swap3A_65 = tpu.vector_load %arg5[%swap3A, %swap3A_64] {strides = array<i32>} : memref<128x16xf32, #tpu.memory_space<vmem>>, vector<1x16xf32>,
      %swap3A_66 = vector.shape_cast %swap3A_65 : vector<1x16xf32> to vector<16xf32>
      %swap3A_67 = vector.shape_cast %broadcast_in_dim3A_63 : vector<16xf32> to vector<1x16xf32>
      tpu.vector_store %arg5[%swap3A, %swap3A_64], %swap3A_67 {strides = array<i32>} : memref<128x16xf32, #tpu.memory_space<vmem>>, vector<1x16xf32>,
      %scan3A_68 = arith.constant 0 : i32
      scf.yield %scan3A_68 : i32
    }
    %scan3A_38 = arith.constant 128 : i32
    %barrier3A = arith.constant 0 : index
    tpu.barrier barrier_id(%barrier3A)
    %dma_wait3A = arith.constant 0 : i32
    %dma_wait3A_39 = tpu.memref_slice %arg2[%add3A, %dma_wait3A] : memref<2692x128xi32, #tpu.memory_space<hbm>> -> memref<100x128xi32, #tpu.memory_space<hbm>>
    %dma_wait3A_40 = arith.constant 0 : i32
    %dma_wait3A_41 = tpu.memref_slice %arg2[%add3A, %dma_wait3A_40] : memref<2692x128xi32, #tpu.memory_space<hbm>> -> memref<100x128xi32, #tpu.memory_space<hbm>>
    tpu.wait_dma2 semaphore(%arg7 : memref<!tpu.dma_semaphore, #tpu.memory_space<semaphore_mem>>) src(%dma_wait3A_41 : memref<100x128xi32, #tpu.memory_space<hbm>>) dst(%arg4 : memref<100x128xi32, #tpu.memory_space<vmem>>)
    %scan3A_42 = arith.constant 0 : i32
    %scan3A_43 = arith.constant 0 : i32
    %scan3A_44 = arith.constant 81 : i32
    %scan3A_45 = arith.addi %scan3A_43, %scan3A_44 : i32
    %scan3A_46 = arith.constant 1 : i32
    %scan3A_47 = scf.for %scan3A_61 = %scan3A_43 to %scan3A_45 step %scan3A_46 iter_args(%scan3A_62 = %scan3A_42) -> (i32)  : i32 {
      %dma_start3A_63 = arith.constant 0 : i32
      %dma_start3A_64 = tpu.memref_slice %arg4[%scan3A_61, %dma_start3A_63] : memref<100x128xi32, #tpu.memory_space<vmem>> -> memref<1x128xi32, #tpu.memory_space<vmem>>
      %dma_start3A_65 = tpu.memref_squeeze %dma_start3A_64 : memref<1x128xi32, #tpu.memory_space<vmem>> -> memref<128xi32, #tpu.memory_space<vmem>>
      %dma_start3A_66 = arith.constant 0 : i32
      %dma_start3A_67 = arith.constant 0 : i32
      %dma_start3A_68 = tpu.memref_slice %arg6[%dma_start3A_66, %dma_start3A_67] : memref<10240x16xf32, #tpu.memory_space<vmem_shared>> -> memref<10240x16xf32, #tpu.memory_space<vmem_shared>>
      tpu.enqueue_indirect_dma source(%arg5 : memref<128x16xf32, #tpu.memory_space<vmem>>) target(%dma_start3A_68 : memref<10240x16xf32, #tpu.memory_space<vmem_shared>>) offsets(%dma_start3A_65 : memref<128xi32, #tpu.memory_space<vmem>>) semaphore(%arg7 : memref<!tpu.dma_semaphore, #tpu.memory_space<semaphore_mem>>) {add = true}
      %scan3A_69 = arith.constant 0 : i32
      scf.yield %scan3A_69 : i32
    }
    %scan3A_48 = arith.constant 81 : i32
    %scan3A_49 = arith.constant 0 : i32
    %scan3A_50 = arith.constant 0 : i32
    %scan3A_51 = arith.constant 81 : i32
    %scan3A_52 = arith.addi %scan3A_50, %scan3A_51 : i32
    %scan3A_53 = arith.constant 1 : i32
    %scan3A_54 = scf.for %scan3A_61 = %scan3A_50 to %scan3A_52 step %scan3A_53 iter_args(%scan3A_62 = %scan3A_49) -> (i32)  : i32 {
      %dma_wait3A_63 = arith.constant 0 : i32
      %dma_wait3A_64 = arith.constant 0 : i32
      %dma_wait3A_65 = tpu.memref_slice %arg4[%dma_wait3A_63, %dma_wait3A_64] : memref<100x128xi32, #tpu.memory_space<vmem>> -> memref<1x128xi32, #tpu.memory_space<vmem>>
      %dma_wait3A_66 = tpu.memref_squeeze %dma_wait3A_65 : memref<1x128xi32, #tpu.memory_space<vmem>> -> memref<128xi32, #tpu.memory_space<vmem>>
      %dma_wait3A_67 = arith.constant 0 : i32
      %dma_wait3A_68 = arith.constant 0 : i32
      %dma_wait3A_69 = tpu.memref_slice %arg6[%dma_wait3A_67, %dma_wait3A_68] : memref<10240x16xf32, #tpu.memory_space<vmem_shared>> -> memref<10240x16xf32, #tpu.memory_space<vmem_shared>>
      tpu.wait_indirect_dma semaphore(%arg7 : memref<!tpu.dma_semaphore, #tpu.memory_space<semaphore_mem>>) src(%arg5 : memref<128x16xf32, #tpu.memory_space<vmem>>) dst(%dma_wait3A_69 : memref<10240x16xf32, #tpu.memory_space<vmem_shared>>)
      %scan3A_70 = arith.constant 0 : i32
      scf.yield %scan3A_70 : i32
    }
    %scan3A_55 = arith.constant 81 : i32
    %barrier3A_56 = arith.constant 0 : index
    tpu.barrier barrier_id(%barrier3A_56)
    %mul3A_57 = arith.constant 640 : i32
    %mul3A_58 = arith.muli %arg1, %mul3A_57 : i32
    %mul3A_59 = arith.constant 640 : i32
    %mul3A_60 = arith.muli %arg1, %mul3A_59 : i32
    "tpu.region"() ({
      %run_scoped3A = tpu.sem_alloc : memref<!tpu.dma_semaphore, #tpu.memory_space<semaphore_mem>>
      %dma_start3A_61 = arith.constant 0 : i32
      %dma_start3A_62 = tpu.memref_slice %arg3[%arg0, %mul3A_60, %dma_start3A_61] : memref<2x10240x16xf32, #tpu.memory_space<hbm>> -> memref<1x640x16xf32, #tpu.memory_space<hbm>>
      %dma_start3A_63 = tpu.memref_squeeze %dma_start3A_62 : memref<1x640x16xf32, #tpu.memory_space<hbm>> -> memref<640x16xf32, #tpu.memory_space<hbm>>
      %dma_start3A_64 = arith.constant 0 : i32
      %dma_start3A_65 = tpu.memref_slice %arg6[%mul3A_58, %dma_start3A_64] : memref<10240x16xf32, #tpu.memory_space<vmem_shared>> -> memref<640x16xf32, #tpu.memory_space<vmem_shared>>
      tpu.enqueue_dma source(%dma_start3A_65 : memref<640x16xf32, #tpu.memory_space<vmem_shared>>) target(%dma_start3A_63 : memref<640x16xf32, #tpu.memory_space<hbm>>) target_semaphore(%run_scoped3A : memref<!tpu.dma_semaphore, #tpu.memory_space<semaphore_mem>>)
      %dma_wait3A_66 = arith.constant 0 : i32
      %dma_wait3A_67 = tpu.memref_slice %arg3[%arg0, %mul3A_60, %dma_wait3A_66] : memref<2x10240x16xf32, #tpu.memory_space<hbm>> -> memref<1x640x16xf32, #tpu.memory_space<hbm>>
      %dma_wait3A_68 = tpu.memref_squeeze %dma_wait3A_67 : memref<1x640x16xf32, #tpu.memory_space<hbm>> -> memref<640x16xf32, #tpu.memory_space<hbm>>
      %dma_wait3A_69 = arith.constant 0 : i32
      %dma_wait3A_70 = tpu.memref_slice %arg6[%mul3A_58, %dma_wait3A_69] : memref<10240x16xf32, #tpu.memory_space<vmem_shared>> -> memref<640x16xf32, #tpu.memory_space<vmem_shared>>
      tpu.wait_dma2 semaphore(%run_scoped3A : memref<!tpu.dma_semaphore, #tpu.memory_space<semaphore_mem>>) src(%dma_wait3A_70 : memref<640x16xf32, #tpu.memory_space<vmem_shared>>) dst(%dma_wait3A_68 : memref<640x16xf32, #tpu.memory_space<hbm>>)
      tpu.yield
    }) : () -> ()
    return
  }
}

#map = affine_map<(d0, d1) -> (0, 0)>
#map1 = affine_map<(d0, d1) -> (0, 0, 0)>
module attributes {stable_mosaic.version = 14 : i64} {
  func.func @k(%arg0: i32, %arg1: i32, %arg2: memref<10240x32xf32, #tpu.memory_space<hbm>>, %arg3: memref<2692x128xi32, #tpu.memory_space<hbm>>, %arg4: memref<2692x128xi32, #tpu.memory_space<hbm>>, %arg5: memref<2x10240x32xf32, #tpu.memory_space<hbm>>, %arg6: memref<100x128xi32, #tpu.memory_space<vmem>>, %arg7: memref<100x128xi32, #tpu.memory_space<vmem>>, %arg8: memref<2x128x32xf32, #tpu.memory_space<vmem>>, %arg9: memref<10240x32xf32, #tpu.memory_space<vmem_shared>>, %arg10: memref<10240x32xf32, #tpu.memory_space<vmem_shared>>, %arg11: memref<2x!tpu.dma_semaphore, #tpu.memory_space<semaphore_mem>>, %arg12: memref<2x!tpu.dma_semaphore, #tpu.memory_space<semaphore_mem>>, %arg13: memref<!tpu.dma_semaphore, #tpu.memory_space<semaphore_mem>>) attributes {dimension_semantics = [#tpu.dimension_semantics<core_parallel>, #tpu.dimension_semantics<subcore_parallel>], iteration_bounds = array<i64: 2, 16>, scalar_prefetch = 0 : i64, scratch_operands = 8 : i64, tpu.core_type = #tpu.core_type<sc_vector_subcore>, window_params = [{transform_indices = #map}, {transform_indices = #map}, {transform_indices = #map}, {transform_indices = #map1}]} {
    %mul3A = arith.constant 162 : i32
    %mul3A_0 = arith.muli %arg1, %mul3A : i32
    %mul3A_1 = arith.constant 82 : i32
    %mul3A_2 = arith.muli %arg0, %mul3A_1 : i32
    %add3A = arith.addi %mul3A_0, %mul3A_2 : i32
    %eq3A = arith.constant 0 : i32
    %eq3A_3 = arith.cmpi eq, %arg0, %eq3A : i32
    %jit3A = arith.constant 82 : i32
    %jit3A_4 = arith.constant 80 : i32
    %select_n3A = arith.select %eq3A_3, %jit3A, %jit3A_4 : i32
    %mul3A_5 = arith.constant 640 : i32
    %mul3A_6 = arith.muli %arg1, %mul3A_5 : i32
    %dma_start3A = arith.constant 0 : i32
    %dma_start3A_7 = tpu.memref_slice %arg3[%add3A, %dma_start3A] : memref<2692x128xi32, #tpu.memory_space<hbm>> -> memref<100x128xi32, #tpu.memory_space<hbm>>
    %dma_start3A_8 = arith.constant 0 : i32
    %dma_start3A_9 = tpu.memref_slice %arg3[%add3A, %dma_start3A_8] : memref<2692x128xi32, #tpu.memory_space<hbm>> -> memref<100x128xi32, #tpu.memory_space<hbm>>
    tpu.enqueue_dma source(%dma_start3A_9 : memref<100x128xi32, #tpu.memory_space<hbm>>) target(%arg6 : memref<100x128xi32, #tpu.memory_space<vmem>>) target_semaphore(%arg13 : memref<!tpu.dma_semaphore, #tpu.memory_space<semaphore_mem>>)
    %dma_start3A_10 = arith.constant 0 : i32
    %dma_start3A_11 = tpu.memref_slice %arg4[%add3A, %dma_start3A_10] : memref<2692x128xi32, #tpu.memory_space<hbm>> -> memref<100x128xi32, #tpu.memory_space<hbm>>
    %dma_start3A_12 = arith.constant 0 : i32
    %dma_start3A_13 = tpu.memref_slice %arg4[%add3A, %dma_start3A_12] : memref<2692x128xi32, #tpu.memory_space<hbm>> -> memref<100x128xi32, #tpu.memory_space<hbm>>
    tpu.enqueue_dma source(%dma_start3A_13 : memref<100x128xi32, #tpu.memory_space<hbm>>) target(%arg7 : memref<100x128xi32, #tpu.memory_space<vmem>>) target_semaphore(%arg13 : memref<!tpu.dma_semaphore, #tpu.memory_space<semaphore_mem>>)
    %dma_start3A_14 = arith.constant 0 : i32
    %dma_start3A_15 = tpu.memref_slice %arg10[%mul3A_6, %dma_start3A_14] : memref<10240x32xf32, #tpu.memory_space<vmem_shared>> -> memref<640x32xf32, #tpu.memory_space<vmem_shared>>
    %dma_start3A_16 = arith.constant 0 : i32
    %dma_start3A_17 = tpu.memref_slice %arg2[%mul3A_6, %dma_start3A_16] : memref<10240x32xf32, #tpu.memory_space<hbm>> -> memref<640x32xf32, #tpu.memory_space<hbm>>
    tpu.enqueue_dma source(%dma_start3A_17 : memref<640x32xf32, #tpu.memory_space<hbm>>) target(%dma_start3A_15 : memref<640x32xf32, #tpu.memory_space<vmem_shared>>) target_semaphore(%arg13 : memref<!tpu.dma_semaphore, #tpu.memory_space<semaphore_mem>>)
    %broadcast_in_dim3A = arith.constant 0.000000e+00 : f32
    %broadcast_in_dim3A_18 = vector.broadcast %broadcast_in_dim3A : f32 to vector<16xf32>
    %scan3A = arith.constant 0 : i32
    %scan3A_19 = arith.constant 0 : i32
    %scan3A_20 = arith.constant 128 : i32
    %scan3A_21 = arith.addi %scan3A_19, %scan3A_20 : i32
    %scan3A_22 = arith.constant 1 : i32
    %scan3A_23 = scf.for %scan3A_102 = %scan3A_19 to %scan3A_21 step %scan3A_22 iter_args(%scan3A_103 = %scan3A) -> (i32)  : i32 {
      %swap3A = arith.constant 0 : i32
      %swap3A_104 = arith.index_cast %swap3A : i32 to index
      %swap3A_105 = arith.index_cast %scan3A_102 : i32 to index
      %swap3A_106 = arith.constant 0 : index
      %swap3A_107 = tpu.vector_load %arg8[%swap3A_104, %swap3A_105, %swap3A_106] {strides = array<i32>} : memref<2x128x32xf32, #tpu.memory_space<vmem>>, vector<1x1x16xf32>,
      %swap3A_108 = vector.shape_cast %swap3A_107 : vector<1x1x16xf32> to vector<16xf32>
      %swap3A_109 = vector.shape_cast %broadcast_in_dim3A_18 : vector<16xf32> to vector<1x1x16xf32>
      tpu.vector_store %arg8[%swap3A_104, %swap3A_105, %swap3A_106], %swap3A_109 {strides = array<i32>} : memref<2x128x32xf32, #tpu.memory_space<vmem>>, vector<1x1x16xf32>,
      %swap3A_110 = arith.constant 0 : i32
      %swap3A_111 = arith.index_cast %swap3A_110 : i32 to index
      %swap3A_112 = arith.index_cast %scan3A_102 : i32 to index
      %swap3A_113 = arith.constant 16 : index
      %swap3A_114 = tpu.vector_load %arg8[%swap3A_111, %swap3A_112, %swap3A_113] {strides = array<i32>} : memref<2x128x32xf32, #tpu.memory_space<vmem>>, vector<1x1x16xf32>,
      %swap3A_115 = vector.shape_cast %swap3A_114 : vector<1x1x16xf32> to vector<16xf32>
      %swap3A_116 = vector.shape_cast %broadcast_in_dim3A_18 : vector<16xf32> to vector<1x1x16xf32>
      tpu.vector_store %arg8[%swap3A_111, %swap3A_112, %swap3A_113], %swap3A_116 {strides = array<i32>} : memref<2x128x32xf32, #tpu.memory_space<vmem>>, vector<1x1x16xf32>,
      %scan3A_117 = arith.constant 0 : i32
      scf.yield %scan3A_117 : i32
    }
    %scan3A_24 = arith.constant 128 : i32
    %mul3A_25 = arith.constant 640 : i32
    %mul3A_26 = arith.muli %arg1, %mul3A_25 : i32
    %add3A_27 = arith.constant 0 : i32
    %add3A_28 = arith.addi %mul3A_26, %add3A_27 : i32
    %run_scoped3A = arith.constant 0 : i32
    "tpu.region"() ({
      %run_scoped3A_102 = tpu.sem_alloc : memref<!tpu.dma_semaphore, #tpu.memory_space<semaphore_mem>>
      %dma_start3A_103 = arith.constant 0 : i32
      %dma_start3A_104 = arith.constant 0 : i32
      %dma_start3A_105 = tpu.memref_slice %arg8[%run_scoped3A, %dma_start3A_103, %dma_start3A_104] : memref<2x128x32xf32, #tpu.memory_space<vmem>> -> memref<1x128x32xf32, #tpu.memory_space<vmem>>
      %dma_start3A_106 = tpu.memref_squeeze %dma_start3A_105 : memref<1x128x32xf32, #tpu.memory_space<vmem>> -> memref<128x32xf32, #tpu.memory_space<vmem>>
      %dma_start3A_107 = arith.constant 0 : i32
      %dma_start3A_108 = tpu.memref_slice %arg9[%add3A_28, %dma_start3A_107] : memref<10240x32xf32, #tpu.memory_space<vmem_shared>> -> memref<128x32xf32, #tpu.memory_space<vmem_shared>>
      %dma_start3A_109 = arith.constant 0 : i32
      %dma_start3A_110 = tpu.memref_slice %arg9[%add3A_28, %dma_start3A_109] : memref<10240x32xf32, #tpu.memory_space<vmem_shared>> -> memref<128x32xf32, #tpu.memory_space<vmem_shared>>
      %dma_start3A_111 = arith.constant 0 : i32
      %dma_start3A_112 = arith.constant 0 : i32
      %dma_start3A_113 = tpu.memref_slice %arg8[%run_scoped3A, %dma_start3A_111, %dma_start3A_112] : memref<2x128x32xf32, #tpu.memory_space<vmem>> -> memref<1x128x32xf32, #tpu.memory_space<vmem>>
      %dma_start3A_114 = tpu.memref_squeeze %dma_start3A_113 : memref<1x128x32xf32, #tpu.memory_space<vmem>> -> memref<128x32xf32, #tpu.memory_space<vmem>>
      tpu.enqueue_dma source(%dma_start3A_114 : memref<128x32xf32, #tpu.memory_space<vmem>>) target(%dma_start3A_110 : memref<128x32xf32, #tpu.memory_space<vmem_shared>>) target_semaphore(%run_scoped3A_102 : memref<!tpu.dma_semaphore, #tpu.memory_space<semaphore_mem>>)
      %dma_wait3A_115 = arith.constant 0 : i32
      %dma_wait3A_116 = arith.constant 0 : i32
      %dma_wait3A_117 = tpu.memref_slice %arg8[%run_scoped3A, %dma_wait3A_115, %dma_wait3A_116] : memref<2x128x32xf32, #tpu.memory_space<vmem>> -> memref<1x128x32xf32, #tpu.memory_space<vmem>>
      %dma_wait3A_118 = tpu.memref_squeeze %dma_wait3A_117 : memref<1x128x32xf32, #tpu.memory_space<vmem>> -> memref<128x32xf32, #tpu.memory_space<vmem>>
      %dma_wait3A_119 = arith.constant 0 : i32
      %dma_wait3A_120 = tpu.memref_slice %arg9[%add3A_28, %dma_wait3A_119] : memref<10240x32xf32, #tpu.memory_space<vmem_shared>> -> memref<128x32xf32, #tpu.memory_space<vmem_shared>>
      %dma_wait3A_121 = arith.constant 0 : i32
      %dma_wait3A_122 = tpu.memref_slice %arg9[%add3A_28, %dma_wait3A_121] : memref<10240x32xf32, #tpu.memory_space<vmem_shared>> -> memref<128x32xf32, #tpu.memory_space<vmem_shared>>
      %dma_wait3A_123 = arith.constant 0 : i32
      %dma_wait3A_124 = arith.constant 0 : i32
      %dma_wait3A_125 = tpu.memref_slice %arg8[%run_scoped3A, %dma_wait3A_123, %dma_wait3A_124] : memref<2x128x32xf32, #tpu.memory_space<vmem>> -> memref<1x128x32xf32, #tpu.memory_space<vmem>>
      %dma_wait3A_126 = tpu.memref_squeeze %dma_wait3A_125 : memref<1x128x32xf32, #tpu.memory_space<vmem>> -> memref<128x32xf32, #tpu.memory_space<vmem>>
      tpu.wait_dma2 semaphore(%run_scoped3A_102 : memref<!tpu.dma_semaphore, #tpu.memory_space<semaphore_mem>>) src(%dma_wait3A_126 : memref<128x32xf32, #tpu.memory_space<vmem>>) dst(%dma_wait3A_122 : memref<128x32xf32, #tpu.memory_space<vmem_shared>>)
      tpu.yield
    }) : () -> ()
    %mul3A_29 = arith.constant 640 : i32
    %mul3A_30 = arith.muli %arg1, %mul3A_29 : i32
    %add3A_31 = arith.constant 128 : i32
    %add3A_32 = arith.addi %mul3A_30, %add3A_31 : i32
    %run_scoped3A_33 = arith.constant 0 : i32
    "tpu.region"() ({
      %run_scoped3A_102 = tpu.sem_alloc : memref<!tpu.dma_semaphore, #tpu.memory_space<semaphore_mem>>
      %dma_start3A_103 = arith.constant 0 : i32
      %dma_start3A_104 = arith.constant 0 : i32
      %dma_start3A_105 = tpu.memref_slice %arg8[%run_scoped3A_33, %dma_start3A_103, %dma_start3A_104] : memref<2x128x32xf32, #tpu.memory_space<vmem>> -> memref<1x128x32xf32, #tpu.memory_space<vmem>>
      %dma_start3A_106 = tpu.memref_squeeze %dma_start3A_105 : memref<1x128x32xf32, #tpu.memory_space<vmem>> -> memref<128x32xf32, #tpu.memory_space<vmem>>
      %dma_start3A_107 = arith.constant 0 : i32
      %dma_start3A_108 = tpu.memref_slice %arg9[%add3A_32, %dma_start3A_107] : memref<10240x32xf32, #tpu.memory_space<vmem_shared>> -> memref<128x32xf32, #tpu.memory_space<vmem_shared>>
      %dma_start3A_109 = arith.constant 0 : i32
      %dma_start3A_110 = tpu.memref_slice %arg9[%add3A_32, %dma_start3A_109] : memref<10240x32xf32, #tpu.memory_space<vmem_shared>> -> memref<128x32xf32, #tpu.memory_space<vmem_shared>>
      %dma_start3A_111 = arith.constant 0 : i32
      %dma_start3A_112 = arith.constant 0 : i32
      %dma_start3A_113 = tpu.memref_slice %arg8[%run_scoped3A_33, %dma_start3A_111, %dma_start3A_112] : memref<2x128x32xf32, #tpu.memory_space<vmem>> -> memref<1x128x32xf32, #tpu.memory_space<vmem>>
      %dma_start3A_114 = tpu.memref_squeeze %dma_start3A_113 : memref<1x128x32xf32, #tpu.memory_space<vmem>> -> memref<128x32xf32, #tpu.memory_space<vmem>>
      tpu.enqueue_dma source(%dma_start3A_114 : memref<128x32xf32, #tpu.memory_space<vmem>>) target(%dma_start3A_110 : memref<128x32xf32, #tpu.memory_space<vmem_shared>>) target_semaphore(%run_scoped3A_102 : memref<!tpu.dma_semaphore, #tpu.memory_space<semaphore_mem>>)
      %dma_wait3A_115 = arith.constant 0 : i32
      %dma_wait3A_116 = arith.constant 0 : i32
      %dma_wait3A_117 = tpu.memref_slice %arg8[%run_scoped3A_33, %dma_wait3A_115, %dma_wait3A_116] : memref<2x128x32xf32, #tpu.memory_space<vmem>> -> memref<1x128x32xf32, #tpu.memory_space<vmem>>
      %dma_wait3A_118 = tpu.memref_squeeze %dma_wait3A_117 : memref<1x128x32xf32, #tpu.memory_space<vmem>> -> memref<128x32xf32, #tpu.memory_space<vmem>>
      %dma_wait3A_119 = arith.constant 0 : i32
      %dma_wait3A_120 = tpu.memref_slice %arg9[%add3A_32, %dma_wait3A_119] : memref<10240x32xf32, #tpu.memory_space<vmem_shared>> -> memref<128x32xf32, #tpu.memory_space<vmem_shared>>
      %dma_wait3A_121 = arith.constant 0 : i32
      %dma_wait3A_122 = tpu.memref_slice %arg9[%add3A_32, %dma_wait3A_121] : memref<10240x32xf32, #tpu.memory_space<vmem_shared>> -> memref<128x32xf32, #tpu.memory_space<vmem_shared>>
      %dma_wait3A_123 = arith.constant 0 : i32
      %dma_wait3A_124 = arith.constant 0 : i32
      %dma_wait3A_125 = tpu.memref_slice %arg8[%run_scoped3A_33, %dma_wait3A_123, %dma_wait3A_124] : memref<2x128x32xf32, #tpu.memory_space<vmem>> -> memref<1x128x32xf32, #tpu.memory_space<vmem>>
      %dma_wait3A_126 = tpu.memref_squeeze %dma_wait3A_125 : memref<1x128x32xf32, #tpu.memory_space<vmem>> -> memref<128x32xf32, #tpu.memory_space<vmem>>
      tpu.wait_dma2 semaphore(%run_scoped3A_102 : memref<!tpu.dma_semaphore, #tpu.memory_space<semaphore_mem>>) src(%dma_wait3A_126 : memref<128x32xf32, #tpu.memory_space<vmem>>) dst(%dma_wait3A_122 : memref<128x32xf32, #tpu.memory_space<vmem_shared>>)
      tpu.yield
    }) : () -> ()
    %mul3A_34 = arith.constant 640 : i32
    %mul3A_35 = arith.muli %arg1, %mul3A_34 : i32
    %add3A_36 = arith.constant 256 : i32
    %add3A_37 = arith.addi %mul3A_35, %add3A_36 : i32
    %run_scoped3A_38 = arith.constant 0 : i32
    "tpu.region"() ({
      %run_scoped3A_102 = tpu.sem_alloc : memref<!tpu.dma_semaphore, #tpu.memory_space<semaphore_mem>>
      %dma_start3A_103 = arith.constant 0 : i32
      %dma_start3A_104 = arith.constant 0 : i32
      %dma_start3A_105 = tpu.memref_slice %arg8[%run_scoped3A_38, %dma_start3A_103, %dma_start3A_104] : memref<2x128x32xf32, #tpu.memory_space<vmem>> -> memref<1x128x32xf32, #tpu.memory_space<vmem>>
      %dma_start3A_106 = tpu.memref_squeeze %dma_start3A_105 : memref<1x128x32xf32, #tpu.memory_space<vmem>> -> memref<128x32xf32, #tpu.memory_space<vmem>>
      %dma_start3A_107 = arith.constant 0 : i32
      %dma_start3A_108 = tpu.memref_slice %arg9[%add3A_37, %dma_start3A_107] : memref<10240x32xf32, #tpu.memory_space<vmem_shared>> -> memref<128x32xf32, #tpu.memory_space<vmem_shared>>
      %dma_start3A_109 = arith.constant 0 : i32
      %dma_start3A_110 = tpu.memref_slice %arg9[%add3A_37, %dma_start3A_109] : memref<10240x32xf32, #tpu.memory_space<vmem_shared>> -> memref<128x32xf32, #tpu.memory_space<vmem_shared>>
      %dma_start3A_111 = arith.constant 0 : i32
      %dma_start3A_112 = arith.constant 0 : i32
      %dma_start3A_113 = tpu.memref_slice %arg8[%run_scoped3A_38, %dma_start3A_111, %dma_start3A_112] : memref<2x128x32xf32, #tpu.memory_space<vmem>> -> memref<1x128x32xf32, #tpu.memory_space<vmem>>
      %dma_start3A_114 = tpu.memref_squeeze %dma_start3A_113 : memref<1x128x32xf32, #tpu.memory_space<vmem>> -> memref<128x32xf32, #tpu.memory_space<vmem>>
      tpu.enqueue_dma source(%dma_start3A_114 : memref<128x32xf32, #tpu.memory_space<vmem>>) target(%dma_start3A_110 : memref<128x32xf32, #tpu.memory_space<vmem_shared>>) target_semaphore(%run_scoped3A_102 : memref<!tpu.dma_semaphore, #tpu.memory_space<semaphore_mem>>)
      %dma_wait3A_115 = arith.constant 0 : i32
      %dma_wait3A_116 = arith.constant 0 : i32
      %dma_wait3A_117 = tpu.memref_slice %arg8[%run_scoped3A_38, %dma_wait3A_115, %dma_wait3A_116] : memref<2x128x32xf32, #tpu.memory_space<vmem>> -> memref<1x128x32xf32, #tpu.memory_space<vmem>>
      %dma_wait3A_118 = tpu.memref_squeeze %dma_wait3A_117 : memref<1x128x32xf32, #tpu.memory_space<vmem>> -> memref<128x32xf32, #tpu.memory_space<vmem>>
      %dma_wait3A_119 = arith.constant 0 : i32
      %dma_wait3A_120 = tpu.memref_slice %arg9[%add3A_37, %dma_wait3A_119] : memref<10240x32xf32, #tpu.memory_space<vmem_shared>> -> memref<128x32xf32, #tpu.memory_space<vmem_shared>>
      %dma_wait3A_121 = arith.constant 0 : i32
      %dma_wait3A_122 = tpu.memref_slice %arg9[%add3A_37, %dma_wait3A_121] : memref<10240x32xf32, #tpu.memory_space<vmem_shared>> -> memref<128x32xf32, #tpu.memory_space<vmem_shared>>
      %dma_wait3A_123 = arith.constant 0 : i32
      %dma_wait3A_124 = arith.constant 0 : i32
      %dma_wait3A_125 = tpu.memref_slice %arg8[%run_scoped3A_38, %dma_wait3A_123, %dma_wait3A_124] : memref<2x128x32xf32, #tpu.memory_space<vmem>> -> memref<1x128x32xf32, #tpu.memory_space<vmem>>
      %dma_wait3A_126 = tpu.memref_squeeze %dma_wait3A_125 : memref<1x128x32xf32, #tpu.memory_space<vmem>> -> memref<128x32xf32, #tpu.memory_space<vmem>>
      tpu.wait_dma2 semaphore(%run_scoped3A_102 : memref<!tpu.dma_semaphore, #tpu.memory_space<semaphore_mem>>) src(%dma_wait3A_126 : memref<128x32xf32, #tpu.memory_space<vmem>>) dst(%dma_wait3A_122 : memref<128x32xf32, #tpu.memory_space<vmem_shared>>)
      tpu.yield
    }) : () -> ()
    %mul3A_39 = arith.constant 640 : i32
    %mul3A_40 = arith.muli %arg1, %mul3A_39 : i32
    %add3A_41 = arith.constant 384 : i32
    %add3A_42 = arith.addi %mul3A_40, %add3A_41 : i32
    %run_scoped3A_43 = arith.constant 0 : i32
    "tpu.region"() ({
      %run_scoped3A_102 = tpu.sem_alloc : memref<!tpu.dma_semaphore, #tpu.memory_space<semaphore_mem>>
      %dma_start3A_103 = arith.constant 0 : i32
      %dma_start3A_104 = arith.constant 0 : i32
      %dma_start3A_105 = tpu.memref_slice %arg8[%run_scoped3A_43, %dma_start3A_103, %dma_start3A_104] : memref<2x128x32xf32, #tpu.memory_space<vmem>> -> memref<1x128x32xf32, #tpu.memory_space<vmem>>
      %dma_start3A_106 = tpu.memref_squeeze %dma_start3A_105 : memref<1x128x32xf32, #tpu.memory_space<vmem>> -> memref<128x32xf32, #tpu.memory_space<vmem>>
      %dma_start3A_107 = arith.constant 0 : i32
      %dma_start3A_108 = tpu.memref_slice %arg9[%add3A_42, %dma_start3A_107] : memref<10240x32xf32, #tpu.memory_space<vmem_shared>> -> memref<128x32xf32, #tpu.memory_space<vmem_shared>>
      %dma_start3A_109 = arith.constant 0 : i32
      %dma_start3A_110 = tpu.memref_slice %arg9[%add3A_42, %dma_start3A_109] : memref<10240x32xf32, #tpu.memory_space<vmem_shared>> -> memref<128x32xf32, #tpu.memory_space<vmem_shared>>
      %dma_start3A_111 = arith.constant 0 : i32
      %dma_start3A_112 = arith.constant 0 : i32
      %dma_start3A_113 = tpu.memref_slice %arg8[%run_scoped3A_43, %dma_start3A_111, %dma_start3A_112] : memref<2x128x32xf32, #tpu.memory_space<vmem>> -> memref<1x128x32xf32, #tpu.memory_space<vmem>>
      %dma_start3A_114 = tpu.memref_squeeze %dma_start3A_113 : memref<1x128x32xf32, #tpu.memory_space<vmem>> -> memref<128x32xf32, #tpu.memory_space<vmem>>
      tpu.enqueue_dma source(%dma_start3A_114 : memref<128x32xf32, #tpu.memory_space<vmem>>) target(%dma_start3A_110 : memref<128x32xf32, #tpu.memory_space<vmem_shared>>) target_semaphore(%run_scoped3A_102 : memref<!tpu.dma_semaphore, #tpu.memory_space<semaphore_mem>>)
      %dma_wait3A_115 = arith.constant 0 : i32
      %dma_wait3A_116 = arith.constant 0 : i32
      %dma_wait3A_117 = tpu.memref_slice %arg8[%run_scoped3A_43, %dma_wait3A_115, %dma_wait3A_116] : memref<2x128x32xf32, #tpu.memory_space<vmem>> -> memref<1x128x32xf32, #tpu.memory_space<vmem>>
      %dma_wait3A_118 = tpu.memref_squeeze %dma_wait3A_117 : memref<1x128x32xf32, #tpu.memory_space<vmem>> -> memref<128x32xf32, #tpu.memory_space<vmem>>
      %dma_wait3A_119 = arith.constant 0 : i32
      %dma_wait3A_120 = tpu.memref_slice %arg9[%add3A_42, %dma_wait3A_119] : memref<10240x32xf32, #tpu.memory_space<vmem_shared>> -> memref<128x32xf32, #tpu.memory_space<vmem_shared>>
      %dma_wait3A_121 = arith.constant 0 : i32
      %dma_wait3A_122 = tpu.memref_slice %arg9[%add3A_42, %dma_wait3A_121] : memref<10240x32xf32, #tpu.memory_space<vmem_shared>> -> memref<128x32xf32, #tpu.memory_space<vmem_shared>>
      %dma_wait3A_123 = arith.constant 0 : i32
      %dma_wait3A_124 = arith.constant 0 : i32
      %dma_wait3A_125 = tpu.memref_slice %arg8[%run_scoped3A_43, %dma_wait3A_123, %dma_wait3A_124] : memref<2x128x32xf32, #tpu.memory_space<vmem>> -> memref<1x128x32xf32, #tpu.memory_space<vmem>>
      %dma_wait3A_126 = tpu.memref_squeeze %dma_wait3A_125 : memref<1x128x32xf32, #tpu.memory_space<vmem>> -> memref<128x32xf32, #tpu.memory_space<vmem>>
      tpu.wait_dma2 semaphore(%run_scoped3A_102 : memref<!tpu.dma_semaphore, #tpu.memory_space<semaphore_mem>>) src(%dma_wait3A_126 : memref<128x32xf32, #tpu.memory_space<vmem>>) dst(%dma_wait3A_122 : memref<128x32xf32, #tpu.memory_space<vmem_shared>>)
      tpu.yield
    }) : () -> ()
    %mul3A_44 = arith.constant 640 : i32
    %mul3A_45 = arith.muli %arg1, %mul3A_44 : i32
    %add3A_46 = arith.constant 512 : i32
    %add3A_47 = arith.addi %mul3A_45, %add3A_46 : i32
    %run_scoped3A_48 = arith.constant 0 : i32
    "tpu.region"() ({
      %run_scoped3A_102 = tpu.sem_alloc : memref<!tpu.dma_semaphore, #tpu.memory_space<semaphore_mem>>
      %dma_start3A_103 = arith.constant 0 : i32
      %dma_start3A_104 = arith.constant 0 : i32
      %dma_start3A_105 = tpu.memref_slice %arg8[%run_scoped3A_48, %dma_start3A_103, %dma_start3A_104] : memref<2x128x32xf32, #tpu.memory_space<vmem>> -> memref<1x128x32xf32, #tpu.memory_space<vmem>>
      %dma_start3A_106 = tpu.memref_squeeze %dma_start3A_105 : memref<1x128x32xf32, #tpu.memory_space<vmem>> -> memref<128x32xf32, #tpu.memory_space<vmem>>
      %dma_start3A_107 = arith.constant 0 : i32
      %dma_start3A_108 = tpu.memref_slice %arg9[%add3A_47, %dma_start3A_107] : memref<10240x32xf32, #tpu.memory_space<vmem_shared>> -> memref<128x32xf32, #tpu.memory_space<vmem_shared>>
      %dma_start3A_109 = arith.constant 0 : i32
      %dma_start3A_110 = tpu.memref_slice %arg9[%add3A_47, %dma_start3A_109] : memref<10240x32xf32, #tpu.memory_space<vmem_shared>> -> memref<128x32xf32, #tpu.memory_space<vmem_shared>>
      %dma_start3A_111 = arith.constant 0 : i32
      %dma_start3A_112 = arith.constant 0 : i32
      %dma_start3A_113 = tpu.memref_slice %arg8[%run_scoped3A_48, %dma_start3A_111, %dma_start3A_112] : memref<2x128x32xf32, #tpu.memory_space<vmem>> -> memref<1x128x32xf32, #tpu.memory_space<vmem>>
      %dma_start3A_114 = tpu.memref_squeeze %dma_start3A_113 : memref<1x128x32xf32, #tpu.memory_space<vmem>> -> memref<128x32xf32, #tpu.memory_space<vmem>>
      tpu.enqueue_dma source(%dma_start3A_114 : memref<128x32xf32, #tpu.memory_space<vmem>>) target(%dma_start3A_110 : memref<128x32xf32, #tpu.memory_space<vmem_shared>>) target_semaphore(%run_scoped3A_102 : memref<!tpu.dma_semaphore, #tpu.memory_space<semaphore_mem>>)
      %dma_wait3A_115 = arith.constant 0 : i32
      %dma_wait3A_116 = arith.constant 0 : i32
      %dma_wait3A_117 = tpu.memref_slice %arg8[%run_scoped3A_48, %dma_wait3A_115, %dma_wait3A_116] : memref<2x128x32xf32, #tpu.memory_space<vmem>> -> memref<1x128x32xf32, #tpu.memory_space<vmem>>
      %dma_wait3A_118 = tpu.memref_squeeze %dma_wait3A_117 : memref<1x128x32xf32, #tpu.memory_space<vmem>> -> memref<128x32xf32, #tpu.memory_space<vmem>>
      %dma_wait3A_119 = arith.constant 0 : i32
      %dma_wait3A_120 = tpu.memref_slice %arg9[%add3A_47, %dma_wait3A_119] : memref<10240x32xf32, #tpu.memory_space<vmem_shared>> -> memref<128x32xf32, #tpu.memory_space<vmem_shared>>
      %dma_wait3A_121 = arith.constant 0 : i32
      %dma_wait3A_122 = tpu.memref_slice %arg9[%add3A_47, %dma_wait3A_121] : memref<10240x32xf32, #tpu.memory_space<vmem_shared>> -> memref<128x32xf32, #tpu.memory_space<vmem_shared>>
      %dma_wait3A_123 = arith.constant 0 : i32
      %dma_wait3A_124 = arith.constant 0 : i32
      %dma_wait3A_125 = tpu.memref_slice %arg8[%run_scoped3A_48, %dma_wait3A_123, %dma_wait3A_124] : memref<2x128x32xf32, #tpu.memory_space<vmem>> -> memref<1x128x32xf32, #tpu.memory_space<vmem>>
      %dma_wait3A_126 = tpu.memref_squeeze %dma_wait3A_125 : memref<1x128x32xf32, #tpu.memory_space<vmem>> -> memref<128x32xf32, #tpu.memory_space<vmem>>
      tpu.wait_dma2 semaphore(%run_scoped3A_102 : memref<!tpu.dma_semaphore, #tpu.memory_space<semaphore_mem>>) src(%dma_wait3A_126 : memref<128x32xf32, #tpu.memory_space<vmem>>) dst(%dma_wait3A_122 : memref<128x32xf32, #tpu.memory_space<vmem_shared>>)
      tpu.yield
    }) : () -> ()
    %dma_wait3A = arith.constant 0 : i32
    %dma_wait3A_49 = tpu.memref_slice %arg3[%add3A, %dma_wait3A] : memref<2692x128xi32, #tpu.memory_space<hbm>> -> memref<100x128xi32, #tpu.memory_space<hbm>>
    %dma_wait3A_50 = arith.constant 0 : i32
    %dma_wait3A_51 = tpu.memref_slice %arg3[%add3A, %dma_wait3A_50] : memref<2692x128xi32, #tpu.memory_space<hbm>> -> memref<100x128xi32, #tpu.memory_space<hbm>>
    tpu.wait_dma2 semaphore(%arg13 : memref<!tpu.dma_semaphore, #tpu.memory_space<semaphore_mem>>) src(%dma_wait3A_51 : memref<100x128xi32, #tpu.memory_space<hbm>>) dst(%arg6 : memref<100x128xi32, #tpu.memory_space<vmem>>)
    %dma_wait3A_52 = arith.constant 0 : i32
    %dma_wait3A_53 = tpu.memref_slice %arg4[%add3A, %dma_wait3A_52] : memref<2692x128xi32, #tpu.memory_space<hbm>> -> memref<100x128xi32, #tpu.memory_space<hbm>>
    %dma_wait3A_54 = arith.constant 0 : i32
    %dma_wait3A_55 = tpu.memref_slice %arg4[%add3A, %dma_wait3A_54] : memref<2692x128xi32, #tpu.memory_space<hbm>> -> memref<100x128xi32, #tpu.memory_space<hbm>>
    tpu.wait_dma2 semaphore(%arg13 : memref<!tpu.dma_semaphore, #tpu.memory_space<semaphore_mem>>) src(%dma_wait3A_55 : memref<100x128xi32, #tpu.memory_space<hbm>>) dst(%arg7 : memref<100x128xi32, #tpu.memory_space<vmem>>)
    %dma_wait3A_56 = arith.constant 0 : i32
    %dma_wait3A_57 = tpu.memref_slice %arg10[%mul3A_6, %dma_wait3A_56] : memref<10240x32xf32, #tpu.memory_space<vmem_shared>> -> memref<640x32xf32, #tpu.memory_space<vmem_shared>>
    %dma_wait3A_58 = arith.constant 0 : i32
    %dma_wait3A_59 = tpu.memref_slice %arg2[%mul3A_6, %dma_wait3A_58] : memref<10240x32xf32, #tpu.memory_space<hbm>> -> memref<640x32xf32, #tpu.memory_space<hbm>>
    tpu.wait_dma2 semaphore(%arg13 : memref<!tpu.dma_semaphore, #tpu.memory_space<semaphore_mem>>) src(%dma_wait3A_59 : memref<640x32xf32, #tpu.memory_space<hbm>>) dst(%dma_wait3A_57 : memref<640x32xf32, #tpu.memory_space<vmem_shared>>)
    %barrier3A = arith.constant 0 : index
    tpu.barrier barrier_id(%barrier3A)
    %dma_start3A_60 = arith.constant 0 : i32
    %dma_start3A_61 = arith.constant 0 : i32
    %dma_start3A_62 = arith.constant 0 : i32
    %dma_start3A_63 = arith.constant 0 : i32
    %dma_start3A_64 = arith.constant 0 : i32
    %dma_start3A_65 = tpu.memref_slice %arg8[%dma_start3A_61, %dma_start3A_63, %dma_start3A_64] : memref<2x128x32xf32, #tpu.memory_space<vmem>> -> memref<1x128x32xf32, #tpu.memory_space<vmem>>
    %dma_start3A_66 = tpu.memref_squeeze %dma_start3A_65 : memref<1x128x32xf32, #tpu.memory_space<vmem>> -> memref<128x32xf32, #tpu.memory_space<vmem>>
    %dma_start3A_67 = arith.constant 0 : i32
    %dma_start3A_68 = tpu.memref_slice %arg6[%dma_start3A_60, %dma_start3A_67] : memref<100x128xi32, #tpu.memory_space<vmem>> -> memref<1x128xi32, #tpu.memory_space<vmem>>
    %dma_start3A_69 = tpu.memref_squeeze %dma_start3A_68 : memref<1x128xi32, #tpu.memory_space<vmem>> -> memref<128xi32, #tpu.memory_space<vmem>>
    %dma_start3A_70 = arith.constant 0 : i32
    %dma_start3A_71 = arith.constant 0 : i32
    %dma_start3A_72 = tpu.memref_slice %arg10[%dma_start3A_70, %dma_start3A_71] : memref<10240x32xf32, #tpu.memory_space<vmem_shared>> -> memref<10240x32xf32, #tpu.memory_space<vmem_shared>>
    %dma_start3A_73 = tpu.memref_slice %arg11[%dma_start3A_62] : memref<2x!tpu.dma_semaphore, #tpu.memory_space<semaphore_mem>> -> memref<1x!tpu.dma_semaphore, #tpu.memory_space<semaphore_mem>>
    %dma_start3A_74 = tpu.memref_squeeze %dma_start3A_73 : memref<1x!tpu.dma_semaphore, #tpu.memory_space<semaphore_mem>> -> memref<!tpu.dma_semaphore, #tpu.memory_space<semaphore_mem>>
    tpu.enqueue_indirect_dma source(%dma_start3A_72 : memref<10240x32xf32, #tpu.memory_space<vmem_shared>>) target(%dma_start3A_66 : memref<128x32xf32, #tpu.memory_space<vmem>>) offsets(%dma_start3A_69 : memref<128xi32, #tpu.memory_space<vmem>>) semaphore(%dma_start3A_74 : memref<!tpu.dma_semaphore, #tpu.memory_space<semaphore_mem>>)
    %while3A = arith.constant 0 : i32
    %while3A_75 = arith.constant 0 : i32
    %while3A_76 = arith.subi %select_n3A, %while3A : i32
    %while3A_77 = arith.addi %while3A, %while3A_76 : i32
    %while3A_78 = arith.constant 1 : i32
    %while3A_79 = arith.divsi %while3A_76, %while3A_78 : i32
    %while3A_80 = arith.muli %while3A_79, %while3A_78 : i32
    %while3A_81 = arith.addi %while3A, %while3A_80 : i32
    %while3A_82 = arith.constant 1 : i32
    %while3A_83 = scf.for %while3A_102 = %while3A to %while3A_81 step %while3A_82 iter_args(%while3A_103 = %while3A_75) -> (i32)  : i32 {
      %rem3A_104 = arith.constant 2 : i32
      %rem3A_105 = arith.remsi %while3A_102, %rem3A_104 : i32
      %add3A_106 = arith.constant 1 : i32
      %add3A_107 = arith.addi %while3A_102, %add3A_106 : i32
      %rem3A_108 = arith.constant 2 : i32
      %rem3A_109 = arith.remsi %add3A_107, %rem3A_108 : i32
      %ge3A = arith.constant 1 : i32
      %ge3A_110 = arith.cmpi sge, %while3A_102, %ge3A : i32
      %convert_element_type3A = arith.extui %ge3A_110 : i1 to i32
      %cond3A = arith.constant 0 : i32
      %cond3A_111 = arith.cmpi ne, %convert_element_type3A, %cond3A : i32
      scf.if %cond3A_111 {
        %dma_wait3A_142 = arith.constant 0 : i32
        %dma_wait3A_143 = arith.constant 0 : i32
        %dma_wait3A_144 = arith.constant 0 : i32
        %dma_wait3A_145 = tpu.memref_slice %arg8[%rem3A_109, %dma_wait3A_143, %dma_wait3A_144] : memref<2x128x32xf32, #tpu.memory_space<vmem>> -> memref<1x128x32xf32, #tpu.memory_space<vmem>>
        %dma_wait3A_146 = tpu.memref_squeeze %dma_wait3A_145 : memref<1x128x32xf32, #tpu.memory_space<vmem>> -> memref<128x32xf32, #tpu.memory_space<vmem>>
        %dma_wait3A_147 = arith.constant 0 : i32
        %dma_wait3A_148 = tpu.memref_slice %arg7[%dma_wait3A_142, %dma_wait3A_147] : memref<100x128xi32, #tpu.memory_space<vmem>> -> memref<1x128xi32, #tpu.memory_space<vmem>>
        %dma_wait3A_149 = tpu.memref_squeeze %dma_wait3A_148 : memref<1x128xi32, #tpu.memory_space<vmem>> -> memref<128xi32, #tpu.memory_space<vmem>>
        %dma_wait3A_150 = arith.constant 0 : i32
        %dma_wait3A_151 = arith.constant 0 : i32
        %dma_wait3A_152 = tpu.memref_slice %arg9[%dma_wait3A_150, %dma_wait3A_151] : memref<10240x32xf32, #tpu.memory_space<vmem_shared>> -> memref<10240x32xf32, #tpu.memory_space<vmem_shared>>
        %dma_wait3A_153 = tpu.memref_slice %arg12[%rem3A_109] : memref<2x!tpu.dma_semaphore, #tpu.memory_space<semaphore_mem>> -> memref<1x!tpu.dma_semaphore, #tpu.memory_space<semaphore_mem>>
        %dma_wait3A_154 = tpu.memref_squeeze %dma_wait3A_153 : memref<1x!tpu.dma_semaphore, #tpu.memory_space<semaphore_mem>> -> memref<!tpu.dma_semaphore, #tpu.memory_space<semaphore_mem>>
        tpu.wait_indirect_dma semaphore(%dma_wait3A_154 : memref<!tpu.dma_semaphore, #tpu.memory_space<semaphore_mem>>) src(%dma_wait3A_146 : memref<128x32xf32, #tpu.memory_space<vmem>>) dst(%dma_wait3A_152 : memref<10240x32xf32, #tpu.memory_space<vmem_shared>>)
      } else {
      }
      %sub3A_112 = arith.constant 1 : i32
      %sub3A_113 = arith.subi %select_n3A, %sub3A_112 : i32
      %lt3A = arith.cmpi slt, %while3A_102, %sub3A_113 : i32
      %convert_element_type3A_114 = arith.extui %lt3A : i1 to i32
      %cond3A_115 = arith.constant 0 : i32
      %cond3A_116 = arith.cmpi ne, %convert_element_type3A_114, %cond3A_115 : i32
      scf.if %cond3A_116 {
        %add3A_142 = arith.constant 1 : i32
        %add3A_143 = arith.addi %while3A_102, %add3A_142 : i32
        %dma_start3A_144 = arith.constant 0 : i32
        %dma_start3A_145 = arith.constant 0 : i32
        %dma_start3A_146 = tpu.memref_slice %arg8[%rem3A_109, %dma_start3A_144, %dma_start3A_145] : memref<2x128x32xf32, #tpu.memory_space<vmem>> -> memref<1x128x32xf32, #tpu.memory_space<vmem>>
        %dma_start3A_147 = tpu.memref_squeeze %dma_start3A_146 : memref<1x128x32xf32, #tpu.memory_space<vmem>> -> memref<128x32xf32, #tpu.memory_space<vmem>>
        %dma_start3A_148 = arith.constant 0 : i32
        %dma_start3A_149 = tpu.memref_slice %arg6[%add3A_143, %dma_start3A_148] : memref<100x128xi32, #tpu.memory_space<vmem>> -> memref<1x128xi32, #tpu.memory_space<vmem>>
        %dma_start3A_150 = tpu.memref_squeeze %dma_start3A_149 : memref<1x128xi32, #tpu.memory_space<vmem>> -> memref<128xi32, #tpu.memory_space<vmem>>
        %dma_start3A_151 = arith.constant 0 : i32
        %dma_start3A_152 = arith.constant 0 : i32
        %dma_start3A_153 = tpu.memref_slice %arg10[%dma_start3A_151, %dma_start3A_152] : memref<10240x32xf32, #tpu.memory_space<vmem_shared>> -> memref<10240x32xf32, #tpu.memory_space<vmem_shared>>
        %dma_start3A_154 = tpu.memref_slice %arg11[%rem3A_109] : memref<2x!tpu.dma_semaphore, #tpu.memory_space<semaphore_mem>> -> memref<1x!tpu.dma_semaphore, #tpu.memory_space<semaphore_mem>>
        %dma_start3A_155 = tpu.memref_squeeze %dma_start3A_154 : memref<1x!tpu.dma_semaphore, #tpu.memory_space<semaphore_mem>> -> memref<!tpu.dma_semaphore, #tpu.memory_space<semaphore_mem>>
        tpu.enqueue_indirect_dma source(%dma_start3A_153 : memref<10240x32xf32, #tpu.memory_space<vmem_shared>>) target(%dma_start3A_147 : memref<128x32xf32, #tpu.memory_space<vmem>>) offsets(%dma_start3A_150 : memref<128xi32, #tpu.memory_space<vmem>>) semaphore(%dma_start3A_155 : memref<!tpu.dma_semaphore, #tpu.memory_space<semaphore_mem>>)
      } else {
      }
      %dma_wait3A_117 = arith.constant 0 : i32
      %dma_wait3A_118 = arith.constant 0 : i32
      %dma_wait3A_119 = tpu.memref_slice %arg8[%rem3A_105, %dma_wait3A_117, %dma_wait3A_118] : memref<2x128x32xf32, #tpu.memory_space<vmem>> -> memref<1x128x32xf32, #tpu.memory_space<vmem>>
      %dma_wait3A_120 = tpu.memref_squeeze %dma_wait3A_119 : memref<1x128x32xf32, #tpu.memory_space<vmem>> -> memref<128x32xf32, #tpu.memory_space<vmem>>
      %dma_wait3A_121 = arith.constant 0 : i32
      %dma_wait3A_122 = tpu.memref_slice %arg6[%while3A_102, %dma_wait3A_121] : memref<100x128xi32, #tpu.memory_space<vmem>> -> memref<1x128xi32, #tpu.memory_space<vmem>>
      %dma_wait3A_123 = tpu.memref_squeeze %dma_wait3A_122 : memref<1x128xi32, #tpu.memory_space<vmem>> -> memref<128xi32, #tpu.memory_space<vmem>>
      %dma_wait3A_124 = arith.constant 0 : i32
      %dma_wait3A_125 = arith.constant 0 : i32
      %dma_wait3A_126 = tpu.memref_slice %arg10[%dma_wait3A_124, %dma_wait3A_125] : memref<10240x32xf32, #tpu.memory_space<vmem_shared>> -> memref<10240x32xf32, #tpu.memory_space<vmem_shared>>
      %dma_wait3A_127 = tpu.memref_slice %arg11[%rem3A_105] : memref<2x!tpu.dma_semaphore, #tpu.memory_space<semaphore_mem>> -> memref<1x!tpu.dma_semaphore, #tpu.memory_space<semaphore_mem>>
      %dma_wait3A_128 = tpu.memref_squeeze %dma_wait3A_127 : memref<1x!tpu.dma_semaphore, #tpu.memory_space<semaphore_mem>> -> memref<!tpu.dma_semaphore, #tpu.memory_space<semaphore_mem>>
      tpu.wait_indirect_dma semaphore(%dma_wait3A_128 : memref<!tpu.dma_semaphore, #tpu.memory_space<semaphore_mem>>) src(%dma_wait3A_126 : memref<10240x32xf32, #tpu.memory_space<vmem_shared>>) dst(%dma_wait3A_120 : memref<128x32xf32, #tpu.memory_space<vmem>>)
      %dma_start3A_129 = arith.constant 0 : i32
      %dma_start3A_130 = arith.constant 0 : i32
      %dma_start3A_131 = tpu.memref_slice %arg8[%rem3A_105, %dma_start3A_129, %dma_start3A_130] : memref<2x128x32xf32, #tpu.memory_space<vmem>> -> memref<1x128x32xf32, #tpu.memory_space<vmem>>
      %dma_start3A_132 = tpu.memref_squeeze %dma_start3A_131 : memref<1x128x32xf32, #tpu.memory_space<vmem>> -> memref<128x32xf32, #tpu.memory_space<vmem>>
      %dma_start3A_133 = arith.constant 0 : i32
      %dma_start3A_134 = tpu.memref_slice %arg7[%while3A_102, %dma_start3A_133] : memref<100x128xi32, #tpu.memory_space<vmem>> -> memref<1x128xi32, #tpu.memory_space<vmem>>
      %dma_start3A_135 = tpu.memref_squeeze %dma_start3A_134 : memref<1x128xi32, #tpu.memory_space<vmem>> -> memref<128xi32, #tpu.memory_space<vmem>>
      %dma_start3A_136 = arith.constant 0 : i32
      %dma_start3A_137 = arith.constant 0 : i32
      %dma_start3A_138 = tpu.memref_slice %arg9[%dma_start3A_136, %dma_start3A_137] : memref<10240x32xf32, #tpu.memory_space<vmem_shared>> -> memref<10240x32xf32, #tpu.memory_space<vmem_shared>>
      %dma_start3A_139 = tpu.memref_slice %arg12[%rem3A_105] : memref<2x!tpu.dma_semaphore, #tpu.memory_space<semaphore_mem>> -> memref<1x!tpu.dma_semaphore, #tpu.memory_space<semaphore_mem>>
      %dma_start3A_140 = tpu.memref_squeeze %dma_start3A_139 : memref<1x!tpu.dma_semaphore, #tpu.memory_space<semaphore_mem>> -> memref<!tpu.dma_semaphore, #tpu.memory_space<semaphore_mem>>
      tpu.enqueue_indirect_dma source(%dma_start3A_132 : memref<128x32xf32, #tpu.memory_space<vmem>>) target(%dma_start3A_138 : memref<10240x32xf32, #tpu.memory_space<vmem_shared>>) offsets(%dma_start3A_135 : memref<128xi32, #tpu.memory_space<vmem>>) semaphore(%dma_start3A_140 : memref<!tpu.dma_semaphore, #tpu.memory_space<semaphore_mem>>) {add = true}
      %while3A_141 = arith.constant 0 : i32
      scf.yield %while3A_141 : i32
    }
    %while3A_84 = arith.constant 1 : i32
    %while3A_85 = scf.for %while3A_102 = %while3A_81 to %while3A_77 step %while3A_84 iter_args(%while3A_103 = %while3A_83) -> (i32)  : i32 {
      %rem3A_104 = arith.constant 2 : i32
      %rem3A_105 = arith.remsi %while3A_102, %rem3A_104 : i32
      %add3A_106 = arith.constant 1 : i32
      %add3A_107 = arith.addi %while3A_102, %add3A_106 : i32
      %rem3A_108 = arith.constant 2 : i32
      %rem3A_109 = arith.remsi %add3A_107, %rem3A_108 : i32
      %ge3A = arith.constant 1 : i32
      %ge3A_110 = arith.cmpi sge, %while3A_102, %ge3A : i32
      %convert_element_type3A = arith.extui %ge3A_110 : i1 to i32
      %cond3A = arith.constant 0 : i32
      %cond3A_111 = arith.cmpi ne, %convert_element_type3A, %cond3A : i32
      scf.if %cond3A_111 {
        %dma_wait3A_142 = arith.constant 0 : i32
        %dma_wait3A_143 = arith.constant 0 : i32
        %dma_wait3A_144 = arith.constant 0 : i32
        %dma_wait3A_145 = tpu.memref_slice %arg8[%rem3A_109, %dma_wait3A_143, %dma_wait3A_144] : memref<2x128x32xf32, #tpu.memory_space<vmem>> -> memref<1x128x32xf32, #tpu.memory_space<vmem>>
        %dma_wait3A_146 = tpu.memref_squeeze %dma_wait3A_145 : memref<1x128x32xf32, #tpu.memory_space<vmem>> -> memref<128x32xf32, #tpu.memory_space<vmem>>
        %dma_wait3A_147 = arith.constant 0 : i32
        %dma_wait3A_148 = tpu.memref_slice %arg7[%dma_wait3A_142, %dma_wait3A_147] : memref<100x128xi32, #tpu.memory_space<vmem>> -> memref<1x128xi32, #tpu.memory_space<vmem>>
        %dma_wait3A_149 = tpu.memref_squeeze %dma_wait3A_148 : memref<1x128xi32, #tpu.memory_space<vmem>> -> memref<128xi32, #tpu.memory_space<vmem>>
        %dma_wait3A_150 = arith.constant 0 : i32
        %dma_wait3A_151 = arith.constant 0 : i32
        %dma_wait3A_152 = tpu.memref_slice %arg9[%dma_wait3A_150, %dma_wait3A_151] : memref<10240x32xf32, #tpu.memory_space<vmem_shared>> -> memref<10240x32xf32, #tpu.memory_space<vmem_shared>>
        %dma_wait3A_153 = tpu.memref_slice %arg12[%rem3A_109] : memref<2x!tpu.dma_semaphore, #tpu.memory_space<semaphore_mem>> -> memref<1x!tpu.dma_semaphore, #tpu.memory_space<semaphore_mem>>
        %dma_wait3A_154 = tpu.memref_squeeze %dma_wait3A_153 : memref<1x!tpu.dma_semaphore, #tpu.memory_space<semaphore_mem>> -> memref<!tpu.dma_semaphore, #tpu.memory_space<semaphore_mem>>
        tpu.wait_indirect_dma semaphore(%dma_wait3A_154 : memref<!tpu.dma_semaphore, #tpu.memory_space<semaphore_mem>>) src(%dma_wait3A_146 : memref<128x32xf32, #tpu.memory_space<vmem>>) dst(%dma_wait3A_152 : memref<10240x32xf32, #tpu.memory_space<vmem_shared>>)
      } else {
      }
      %sub3A_112 = arith.constant 1 : i32
      %sub3A_113 = arith.subi %select_n3A, %sub3A_112 : i32
      %lt3A = arith.cmpi slt, %while3A_102, %sub3A_113 : i32
      %convert_element_type3A_114 = arith.extui %lt3A : i1 to i32
      %cond3A_115 = arith.constant 0 : i32
      %cond3A_116 = arith.cmpi ne, %convert_element_type3A_114, %cond3A_115 : i32
      scf.if %cond3A_116 {
        %add3A_142 = arith.constant 1 : i32
        %add3A_143 = arith.addi %while3A_102, %add3A_142 : i32
        %dma_start3A_144 = arith.constant 0 : i32
        %dma_start3A_145 = arith.constant 0 : i32
        %dma_start3A_146 = tpu.memref_slice %arg8[%rem3A_109, %dma_start3A_144, %dma_start3A_145] : memref<2x128x32xf32, #tpu.memory_space<vmem>> -> memref<1x128x32xf32, #tpu.memory_space<vmem>>
        %dma_start3A_147 = tpu.memref_squeeze %dma_start3A_146 : memref<1x128x32xf32, #tpu.memory_space<vmem>> -> memref<128x32xf32, #tpu.memory_space<vmem>>
        %dma_start3A_148 = arith.constant 0 : i32
        %dma_start3A_149 = tpu.memref_slice %arg6[%add3A_143, %dma_start3A_148] : memref<100x128xi32, #tpu.memory_space<vmem>> -> memref<1x128xi32, #tpu.memory_space<vmem>>
        %dma_start3A_150 = tpu.memref_squeeze %dma_start3A_149 : memref<1x128xi32, #tpu.memory_space<vmem>> -> memref<128xi32, #tpu.memory_space<vmem>>
        %dma_start3A_151 = arith.constant 0 : i32
        %dma_start3A_152 = arith.constant 0 : i32
        %dma_start3A_153 = tpu.memref_slice %arg10[%dma_start3A_151, %dma_start3A_152] : memref<10240x32xf32, #tpu.memory_space<vmem_shared>> -> memref<10240x32xf32, #tpu.memory_space<vmem_shared>>
        %dma_start3A_154 = tpu.memref_slice %arg11[%rem3A_109] : memref<2x!tpu.dma_semaphore, #tpu.memory_space<semaphore_mem>> -> memref<1x!tpu.dma_semaphore, #tpu.memory_space<semaphore_mem>>
        %dma_start3A_155 = tpu.memref_squeeze %dma_start3A_154 : memref<1x!tpu.dma_semaphore, #tpu.memory_space<semaphore_mem>> -> memref<!tpu.dma_semaphore, #tpu.memory_space<semaphore_mem>>
        tpu.enqueue_indirect_dma source(%dma_start3A_153 : memref<10240x32xf32, #tpu.memory_space<vmem_shared>>) target(%dma_start3A_147 : memref<128x32xf32, #tpu.memory_space<vmem>>) offsets(%dma_start3A_150 : memref<128xi32, #tpu.memory_space<vmem>>) semaphore(%dma_start3A_155 : memref<!tpu.dma_semaphore, #tpu.memory_space<semaphore_mem>>)
      } else {
      }
      %dma_wait3A_117 = arith.constant 0 : i32
      %dma_wait3A_118 = arith.constant 0 : i32
      %dma_wait3A_119 = tpu.memref_slice %arg8[%rem3A_105, %dma_wait3A_117, %dma_wait3A_118] : memref<2x128x32xf32, #tpu.memory_space<vmem>> -> memref<1x128x32xf32, #tpu.memory_space<vmem>>
      %dma_wait3A_120 = tpu.memref_squeeze %dma_wait3A_119 : memref<1x128x32xf32, #tpu.memory_space<vmem>> -> memref<128x32xf32, #tpu.memory_space<vmem>>
      %dma_wait3A_121 = arith.constant 0 : i32
      %dma_wait3A_122 = tpu.memref_slice %arg6[%while3A_102, %dma_wait3A_121] : memref<100x128xi32, #tpu.memory_space<vmem>> -> memref<1x128xi32, #tpu.memory_space<vmem>>
      %dma_wait3A_123 = tpu.memref_squeeze %dma_wait3A_122 : memref<1x128xi32, #tpu.memory_space<vmem>> -> memref<128xi32, #tpu.memory_space<vmem>>
      %dma_wait3A_124 = arith.constant 0 : i32
      %dma_wait3A_125 = arith.constant 0 : i32
      %dma_wait3A_126 = tpu.memref_slice %arg10[%dma_wait3A_124, %dma_wait3A_125] : memref<10240x32xf32, #tpu.memory_space<vmem_shared>> -> memref<10240x32xf32, #tpu.memory_space<vmem_shared>>
      %dma_wait3A_127 = tpu.memref_slice %arg11[%rem3A_105] : memref<2x!tpu.dma_semaphore, #tpu.memory_space<semaphore_mem>> -> memref<1x!tpu.dma_semaphore, #tpu.memory_space<semaphore_mem>>
      %dma_wait3A_128 = tpu.memref_squeeze %dma_wait3A_127 : memref<1x!tpu.dma_semaphore, #tpu.memory_space<semaphore_mem>> -> memref<!tpu.dma_semaphore, #tpu.memory_space<semaphore_mem>>
      tpu.wait_indirect_dma semaphore(%dma_wait3A_128 : memref<!tpu.dma_semaphore, #tpu.memory_space<semaphore_mem>>) src(%dma_wait3A_126 : memref<10240x32xf32, #tpu.memory_space<vmem_shared>>) dst(%dma_wait3A_120 : memref<128x32xf32, #tpu.memory_space<vmem>>)
      %dma_start3A_129 = arith.constant 0 : i32
      %dma_start3A_130 = arith.constant 0 : i32
      %dma_start3A_131 = tpu.memref_slice %arg8[%rem3A_105, %dma_start3A_129, %dma_start3A_130] : memref<2x128x32xf32, #tpu.memory_space<vmem>> -> memref<1x128x32xf32, #tpu.memory_space<vmem>>
      %dma_start3A_132 = tpu.memref_squeeze %dma_start3A_131 : memref<1x128x32xf32, #tpu.memory_space<vmem>> -> memref<128x32xf32, #tpu.memory_space<vmem>>
      %dma_start3A_133 = arith.constant 0 : i32
      %dma_start3A_134 = tpu.memref_slice %arg7[%while3A_102, %dma_start3A_133] : memref<100x128xi32, #tpu.memory_space<vmem>> -> memref<1x128xi32, #tpu.memory_space<vmem>>
      %dma_start3A_135 = tpu.memref_squeeze %dma_start3A_134 : memref<1x128xi32, #tpu.memory_space<vmem>> -> memref<128xi32, #tpu.memory_space<vmem>>
      %dma_start3A_136 = arith.constant 0 : i32
      %dma_start3A_137 = arith.constant 0 : i32
      %dma_start3A_138 = tpu.memref_slice %arg9[%dma_start3A_136, %dma_start3A_137] : memref<10240x32xf32, #tpu.memory_space<vmem_shared>> -> memref<10240x32xf32, #tpu.memory_space<vmem_shared>>
      %dma_start3A_139 = tpu.memref_slice %arg12[%rem3A_105] : memref<2x!tpu.dma_semaphore, #tpu.memory_space<semaphore_mem>> -> memref<1x!tpu.dma_semaphore, #tpu.memory_space<semaphore_mem>>
      %dma_start3A_140 = tpu.memref_squeeze %dma_start3A_139 : memref<1x!tpu.dma_semaphore, #tpu.memory_space<semaphore_mem>> -> memref<!tpu.dma_semaphore, #tpu.memory_space<semaphore_mem>>
      tpu.enqueue_indirect_dma source(%dma_start3A_132 : memref<128x32xf32, #tpu.memory_space<vmem>>) target(%dma_start3A_138 : memref<10240x32xf32, #tpu.memory_space<vmem_shared>>) offsets(%dma_start3A_135 : memref<128xi32, #tpu.memory_space<vmem>>) semaphore(%dma_start3A_140 : memref<!tpu.dma_semaphore, #tpu.memory_space<semaphore_mem>>) {add = true}
      %while3A_141 = arith.constant 0 : i32
      scf.yield %while3A_141 : i32
    }
    %sub3A = arith.constant 1 : i32
    %sub3A_86 = arith.subi %select_n3A, %sub3A : i32
    %rem3A = arith.constant 2 : i32
    %rem3A_87 = arith.remsi %sub3A_86, %rem3A : i32
    %dma_wait3A_88 = arith.constant 0 : i32
    %dma_wait3A_89 = arith.constant 0 : i32
    %dma_wait3A_90 = arith.constant 0 : i32
    %dma_wait3A_91 = tpu.memref_slice %arg8[%rem3A_87, %dma_wait3A_89, %dma_wait3A_90] : memref<2x128x32xf32, #tpu.memory_space<vmem>> -> memref<1x128x32xf32, #tpu.memory_space<vmem>>
    %dma_wait3A_92 = tpu.memref_squeeze %dma_wait3A_91 : memref<1x128x32xf32, #tpu.memory_space<vmem>> -> memref<128x32xf32, #tpu.memory_space<vmem>>
    %dma_wait3A_93 = arith.constant 0 : i32
    %dma_wait3A_94 = tpu.memref_slice %arg7[%dma_wait3A_88, %dma_wait3A_93] : memref<100x128xi32, #tpu.memory_space<vmem>> -> memref<1x128xi32, #tpu.memory_space<vmem>>
    %dma_wait3A_95 = tpu.memref_squeeze %dma_wait3A_94 : memref<1x128xi32, #tpu.memory_space<vmem>> -> memref<128xi32, #tpu.memory_space<vmem>>
    %dma_wait3A_96 = arith.constant 0 : i32
    %dma_wait3A_97 = arith.constant 0 : i32
    %dma_wait3A_98 = tpu.memref_slice %arg9[%dma_wait3A_96, %dma_wait3A_97] : memref<10240x32xf32, #tpu.memory_space<vmem_shared>> -> memref<10240x32xf32, #tpu.memory_space<vmem_shared>>
    %dma_wait3A_99 = tpu.memref_slice %arg12[%rem3A_87] : memref<2x!tpu.dma_semaphore, #tpu.memory_space<semaphore_mem>> -> memref<1x!tpu.dma_semaphore, #tpu.memory_space<semaphore_mem>>
    %dma_wait3A_100 = tpu.memref_squeeze %dma_wait3A_99 : memref<1x!tpu.dma_semaphore, #tpu.memory_space<semaphore_mem>> -> memref<!tpu.dma_semaphore, #tpu.memory_space<semaphore_mem>>
    tpu.wait_indirect_dma semaphore(%dma_wait3A_100 : memref<!tpu.dma_semaphore, #tpu.memory_space<semaphore_mem>>) src(%dma_wait3A_92 : memref<128x32xf32, #tpu.memory_space<vmem>>) dst(%dma_wait3A_98 : memref<10240x32xf32, #tpu.memory_space<vmem_shared>>)
    %barrier3A_101 = arith.constant 0 : index
    tpu.barrier barrier_id(%barrier3A_101)
    "tpu.region"() ({
      %run_scoped3A_102 = tpu.sem_alloc : memref<!tpu.dma_semaphore, #tpu.memory_space<semaphore_mem>>
      %dma_start3A_103 = arith.constant 0 : i32
      %dma_start3A_104 = tpu.memref_slice %arg5[%arg0, %mul3A_6, %dma_start3A_103] : memref<2x10240x32xf32, #tpu.memory_space<hbm>> -> memref<1x640x32xf32, #tpu.memory_space<hbm>>
      %dma_start3A_105 = tpu.memref_squeeze %dma_start3A_104 : memref<1x640x32xf32, #tpu.memory_space<hbm>> -> memref<640x32xf32, #tpu.memory_space<hbm>>
      %dma_start3A_106 = arith.constant 0 : i32
      %dma_start3A_107 = tpu.memref_slice %arg9[%mul3A_6, %dma_start3A_106] : memref<10240x32xf32, #tpu.memory_space<vmem_shared>> -> memref<640x32xf32, #tpu.memory_space<vmem_shared>>
      tpu.enqueue_dma source(%dma_start3A_107 : memref<640x32xf32, #tpu.memory_space<vmem_shared>>) target(%dma_start3A_105 : memref<640x32xf32, #tpu.memory_space<hbm>>) target_semaphore(%run_scoped3A_102 : memref<!tpu.dma_semaphore, #tpu.memory_space<semaphore_mem>>)
      %dma_wait3A_108 = arith.constant 0 : i32
      %dma_wait3A_109 = tpu.memref_slice %arg5[%arg0, %mul3A_6, %dma_wait3A_108] : memref<2x10240x32xf32, #tpu.memory_space<hbm>> -> memref<1x640x32xf32, #tpu.memory_space<hbm>>
      %dma_wait3A_110 = tpu.memref_squeeze %dma_wait3A_109 : memref<1x640x32xf32, #tpu.memory_space<hbm>> -> memref<640x32xf32, #tpu.memory_space<hbm>>
      %dma_wait3A_111 = arith.constant 0 : i32
      %dma_wait3A_112 = tpu.memref_slice %arg9[%mul3A_6, %dma_wait3A_111] : memref<10240x32xf32, #tpu.memory_space<vmem_shared>> -> memref<640x32xf32, #tpu.memory_space<vmem_shared>>
      tpu.wait_dma2 semaphore(%run_scoped3A_102 : memref<!tpu.dma_semaphore, #tpu.memory_space<semaphore_mem>>) src(%dma_wait3A_112 : memref<640x32xf32, #tpu.memory_space<vmem_shared>>) dst(%dma_wait3A_110 : memref<640x32xf32, #tpu.memory_space<hbm>>)
      tpu.yield
    }) : () -> ()
    return
  }
}

#map = affine_map<(d0, d1) -> (0, 0)>
#map1 = affine_map<(d0, d1) -> (0, 0, 0)>
module attributes {stable_mosaic.version = 14 : i64} {
  func.func @k(%arg0: i32, %arg1: i32, %arg2: memref<10240x128xf32, #tpu.memory_space<hbm>>, %arg3: memref<2692x128xi32, #tpu.memory_space<hbm>>, %arg4: memref<2692x128xi32, #tpu.memory_space<hbm>>, %arg5: memref<2x10240x128xf32, #tpu.memory_space<hbm>>, %arg6: memref<100x128xi32, #tpu.memory_space<vmem>>, %arg7: memref<100x128xi32, #tpu.memory_space<vmem>>, %arg8: memref<2x128x64xf32, #tpu.memory_space<vmem>>, %arg9: memref<10240x64xf32, #tpu.memory_space<vmem_shared>>, %arg10: memref<10240x64xf32, #tpu.memory_space<vmem_shared>>, %arg11: memref<2x!tpu.dma_semaphore, #tpu.memory_space<semaphore_mem>>, %arg12: memref<2x!tpu.dma_semaphore, #tpu.memory_space<semaphore_mem>>, %arg13: memref<!tpu.dma_semaphore, #tpu.memory_space<semaphore_mem>>) attributes {dimension_semantics = [#tpu.dimension_semantics<core_parallel>, #tpu.dimension_semantics<subcore_parallel>], iteration_bounds = array<i64: 2, 16>, scalar_prefetch = 0 : i64, scratch_operands = 8 : i64, tpu.core_type = #tpu.core_type<sc_vector_subcore>, window_params = [{transform_indices = #map}, {transform_indices = #map}, {transform_indices = #map}, {transform_indices = #map1}]} {
    %mul3A = arith.constant 162 : i32
    %mul3A_0 = arith.muli %arg1, %mul3A : i32
    %mul3A_1 = arith.constant 81 : i32
    %mul3A_2 = arith.muli %arg0, %mul3A_1 : i32
    %add3A = arith.addi %mul3A_0, %mul3A_2 : i32
    %eq3A = arith.constant 0 : i32
    %eq3A_3 = arith.cmpi eq, %arg0, %eq3A : i32
    %jit3A = arith.constant 81 : i32
    %jit3A_4 = arith.constant 81 : i32
    %select_n3A = arith.select %eq3A_3, %jit3A, %jit3A_4 : i32
    %mul3A_5 = arith.constant 640 : i32
    %mul3A_6 = arith.muli %arg1, %mul3A_5 : i32
    %dma_start3A = arith.constant 0 : i32
    %dma_start3A_7 = tpu.memref_slice %arg3[%add3A, %dma_start3A] : memref<2692x128xi32, #tpu.memory_space<hbm>> -> memref<100x128xi32, #tpu.memory_space<hbm>>
    %dma_start3A_8 = arith.constant 0 : i32
    %dma_start3A_9 = tpu.memref_slice %arg3[%add3A, %dma_start3A_8] : memref<2692x128xi32, #tpu.memory_space<hbm>> -> memref<100x128xi32, #tpu.memory_space<hbm>>
    tpu.enqueue_dma source(%dma_start3A_9 : memref<100x128xi32, #tpu.memory_space<hbm>>) target(%arg6 : memref<100x128xi32, #tpu.memory_space<vmem>>) target_semaphore(%arg13 : memref<!tpu.dma_semaphore, #tpu.memory_space<semaphore_mem>>)
    %dma_start3A_10 = arith.constant 0 : i32
    %dma_start3A_11 = tpu.memref_slice %arg4[%add3A, %dma_start3A_10] : memref<2692x128xi32, #tpu.memory_space<hbm>> -> memref<100x128xi32, #tpu.memory_space<hbm>>
    %dma_start3A_12 = arith.constant 0 : i32
    %dma_start3A_13 = tpu.memref_slice %arg4[%add3A, %dma_start3A_12] : memref<2692x128xi32, #tpu.memory_space<hbm>> -> memref<100x128xi32, #tpu.memory_space<hbm>>
    tpu.enqueue_dma source(%dma_start3A_13 : memref<100x128xi32, #tpu.memory_space<hbm>>) target(%arg7 : memref<100x128xi32, #tpu.memory_space<vmem>>) target_semaphore(%arg13 : memref<!tpu.dma_semaphore, #tpu.memory_space<semaphore_mem>>)
    %dma_start3A_14 = arith.constant 0 : i32
    %dma_start3A_15 = tpu.memref_slice %arg10[%mul3A_6, %dma_start3A_14] : memref<10240x64xf32, #tpu.memory_space<vmem_shared>> -> memref<640x64xf32, #tpu.memory_space<vmem_shared>>
    %dma_start3A_16 = arith.constant 0 : i32
    %dma_start3A_17 = tpu.memref_slice %arg2[%mul3A_6, %dma_start3A_16] : memref<10240x128xf32, #tpu.memory_space<hbm>> -> memref<640x64xf32, #tpu.memory_space<hbm>>
    tpu.enqueue_dma source(%dma_start3A_17 : memref<640x64xf32, #tpu.memory_space<hbm>>) target(%dma_start3A_15 : memref<640x64xf32, #tpu.memory_space<vmem_shared>>) target_semaphore(%arg13 : memref<!tpu.dma_semaphore, #tpu.memory_space<semaphore_mem>>)
    %broadcast_in_dim3A = arith.constant 0.000000e+00 : f32
    %broadcast_in_dim3A_18 = vector.broadcast %broadcast_in_dim3A : f32 to vector<16xf32>
    %scan3A = arith.constant 0 : i32
    %scan3A_19 = arith.constant 0 : i32
    %scan3A_20 = arith.constant 128 : i32
    %scan3A_21 = arith.addi %scan3A_19, %scan3A_20 : i32
    %scan3A_22 = arith.constant 1 : i32
    %scan3A_23 = scf.for %scan3A_188 = %scan3A_19 to %scan3A_21 step %scan3A_22 iter_args(%scan3A_189 = %scan3A) -> (i32)  : i32 {
      %swap3A = arith.constant 0 : i32
      %swap3A_190 = arith.index_cast %swap3A : i32 to index
      %swap3A_191 = arith.index_cast %scan3A_188 : i32 to index
      %swap3A_192 = arith.constant 0 : index
      %swap3A_193 = tpu.vector_load %arg8[%swap3A_190, %swap3A_191, %swap3A_192] {strides = array<i32>} : memref<2x128x64xf32, #tpu.memory_space<vmem>>, vector<1x1x16xf32>,
      %swap3A_194 = vector.shape_cast %swap3A_193 : vector<1x1x16xf32> to vector<16xf32>
      %swap3A_195 = vector.shape_cast %broadcast_in_dim3A_18 : vector<16xf32> to vector<1x1x16xf32>
      tpu.vector_store %arg8[%swap3A_190, %swap3A_191, %swap3A_192], %swap3A_195 {strides = array<i32>} : memref<2x128x64xf32, #tpu.memory_space<vmem>>, vector<1x1x16xf32>,
      %swap3A_196 = arith.constant 0 : i32
      %swap3A_197 = arith.index_cast %swap3A_196 : i32 to index
      %swap3A_198 = arith.index_cast %scan3A_188 : i32 to index
      %swap3A_199 = arith.constant 16 : index
      %swap3A_200 = tpu.vector_load %arg8[%swap3A_197, %swap3A_198, %swap3A_199] {strides = array<i32>} : memref<2x128x64xf32, #tpu.memory_space<vmem>>, vector<1x1x16xf32>,
      %swap3A_201 = vector.shape_cast %swap3A_200 : vector<1x1x16xf32> to vector<16xf32>
      %swap3A_202 = vector.shape_cast %broadcast_in_dim3A_18 : vector<16xf32> to vector<1x1x16xf32>
      tpu.vector_store %arg8[%swap3A_197, %swap3A_198, %swap3A_199], %swap3A_202 {strides = array<i32>} : memref<2x128x64xf32, #tpu.memory_space<vmem>>, vector<1x1x16xf32>,
      %swap3A_203 = arith.constant 0 : i32
      %swap3A_204 = arith.index_cast %swap3A_203 : i32 to index
      %swap3A_205 = arith.index_cast %scan3A_188 : i32 to index
      %swap3A_206 = arith.constant 32 : index
      %swap3A_207 = tpu.vector_load %arg8[%swap3A_204, %swap3A_205, %swap3A_206] {strides = array<i32>} : memref<2x128x64xf32, #tpu.memory_space<vmem>>, vector<1x1x16xf32>,
      %swap3A_208 = vector.shape_cast %swap3A_207 : vector<1x1x16xf32> to vector<16xf32>
      %swap3A_209 = vector.shape_cast %broadcast_in_dim3A_18 : vector<16xf32> to vector<1x1x16xf32>
      tpu.vector_store %arg8[%swap3A_204, %swap3A_205, %swap3A_206], %swap3A_209 {strides = array<i32>} : memref<2x128x64xf32, #tpu.memory_space<vmem>>, vector<1x1x16xf32>,
      %swap3A_210 = arith.constant 0 : i32
      %swap3A_211 = arith.index_cast %swap3A_210 : i32 to index
      %swap3A_212 = arith.index_cast %scan3A_188 : i32 to index
      %swap3A_213 = arith.constant 48 : index
      %swap3A_214 = tpu.vector_load %arg8[%swap3A_211, %swap3A_212, %swap3A_213] {strides = array<i32>} : memref<2x128x64xf32, #tpu.memory_space<vmem>>, vector<1x1x16xf32>,
      %swap3A_215 = vector.shape_cast %swap3A_214 : vector<1x1x16xf32> to vector<16xf32>
      %swap3A_216 = vector.shape_cast %broadcast_in_dim3A_18 : vector<16xf32> to vector<1x1x16xf32>
      tpu.vector_store %arg8[%swap3A_211, %swap3A_212, %swap3A_213], %swap3A_216 {strides = array<i32>} : memref<2x128x64xf32, #tpu.memory_space<vmem>>, vector<1x1x16xf32>,
      %scan3A_217 = arith.constant 0 : i32
      scf.yield %scan3A_217 : i32
    }
    %scan3A_24 = arith.constant 128 : i32
    %mul3A_25 = arith.constant 640 : i32
    %mul3A_26 = arith.muli %arg1, %mul3A_25 : i32
    %add3A_27 = arith.constant 0 : i32
    %add3A_28 = arith.addi %mul3A_26, %add3A_27 : i32
    %run_scoped3A = arith.constant 0 : i32
    "tpu.region"() ({
      %run_scoped3A_188 = tpu.sem_alloc : memref<!tpu.dma_semaphore, #tpu.memory_space<semaphore_mem>>
      %dma_start3A_189 = arith.constant 0 : i32
      %dma_start3A_190 = arith.constant 0 : i32
      %dma_start3A_191 = tpu.memref_slice %arg8[%run_scoped3A, %dma_start3A_189, %dma_start3A_190] : memref<2x128x64xf32, #tpu.memory_space<vmem>> -> memref<1x128x64xf32, #tpu.memory_space<vmem>>
      %dma_start3A_192 = tpu.memref_squeeze %dma_start3A_191 : memref<1x128x64xf32, #tpu.memory_space<vmem>> -> memref<128x64xf32, #tpu.memory_space<vmem>>
      %dma_start3A_193 = arith.constant 0 : i32
      %dma_start3A_194 = tpu.memref_slice %arg9[%add3A_28, %dma_start3A_193] : memref<10240x64xf32, #tpu.memory_space<vmem_shared>> -> memref<128x64xf32, #tpu.memory_space<vmem_shared>>
      %dma_start3A_195 = arith.constant 0 : i32
      %dma_start3A_196 = tpu.memref_slice %arg9[%add3A_28, %dma_start3A_195] : memref<10240x64xf32, #tpu.memory_space<vmem_shared>> -> memref<128x64xf32, #tpu.memory_space<vmem_shared>>
      %dma_start3A_197 = arith.constant 0 : i32
      %dma_start3A_198 = arith.constant 0 : i32
      %dma_start3A_199 = tpu.memref_slice %arg8[%run_scoped3A, %dma_start3A_197, %dma_start3A_198] : memref<2x128x64xf32, #tpu.memory_space<vmem>> -> memref<1x128x64xf32, #tpu.memory_space<vmem>>
      %dma_start3A_200 = tpu.memref_squeeze %dma_start3A_199 : memref<1x128x64xf32, #tpu.memory_space<vmem>> -> memref<128x64xf32, #tpu.memory_space<vmem>>
      tpu.enqueue_dma source(%dma_start3A_200 : memref<128x64xf32, #tpu.memory_space<vmem>>) target(%dma_start3A_196 : memref<128x64xf32, #tpu.memory_space<vmem_shared>>) target_semaphore(%run_scoped3A_188 : memref<!tpu.dma_semaphore, #tpu.memory_space<semaphore_mem>>)
      %dma_wait3A_201 = arith.constant 0 : i32
      %dma_wait3A_202 = arith.constant 0 : i32
      %dma_wait3A_203 = tpu.memref_slice %arg8[%run_scoped3A, %dma_wait3A_201, %dma_wait3A_202] : memref<2x128x64xf32, #tpu.memory_space<vmem>> -> memref<1x128x64xf32, #tpu.memory_space<vmem>>
      %dma_wait3A_204 = tpu.memref_squeeze %dma_wait3A_203 : memref<1x128x64xf32, #tpu.memory_space<vmem>> -> memref<128x64xf32, #tpu.memory_space<vmem>>
      %dma_wait3A_205 = arith.constant 0 : i32
      %dma_wait3A_206 = tpu.memref_slice %arg9[%add3A_28, %dma_wait3A_205] : memref<10240x64xf32, #tpu.memory_space<vmem_shared>> -> memref<128x64xf32, #tpu.memory_space<vmem_shared>>
      %dma_wait3A_207 = arith.constant 0 : i32
      %dma_wait3A_208 = tpu.memref_slice %arg9[%add3A_28, %dma_wait3A_207] : memref<10240x64xf32, #tpu.memory_space<vmem_shared>> -> memref<128x64xf32, #tpu.memory_space<vmem_shared>>
      %dma_wait3A_209 = arith.constant 0 : i32
      %dma_wait3A_210 = arith.constant 0 : i32
      %dma_wait3A_211 = tpu.memref_slice %arg8[%run_scoped3A, %dma_wait3A_209, %dma_wait3A_210] : memref<2x128x64xf32, #tpu.memory_space<vmem>> -> memref<1x128x64xf32, #tpu.memory_space<vmem>>
      %dma_wait3A_212 = tpu.memref_squeeze %dma_wait3A_211 : memref<1x128x64xf32, #tpu.memory_space<vmem>> -> memref<128x64xf32, #tpu.memory_space<vmem>>
      tpu.wait_dma2 semaphore(%run_scoped3A_188 : memref<!tpu.dma_semaphore, #tpu.memory_space<semaphore_mem>>) src(%dma_wait3A_212 : memref<128x64xf32, #tpu.memory_space<vmem>>) dst(%dma_wait3A_208 : memref<128x64xf32, #tpu.memory_space<vmem_shared>>)
      tpu.yield
    }) : () -> ()
    %mul3A_29 = arith.constant 640 : i32
    %mul3A_30 = arith.muli %arg1, %mul3A_29 : i32
    %add3A_31 = arith.constant 128 : i32
    %add3A_32 = arith.addi %mul3A_30, %add3A_31 : i32
    %run_scoped3A_33 = arith.constant 0 : i32
    "tpu.region"() ({
      %run_scoped3A_188 = tpu.sem_alloc : memref<!tpu.dma_semaphore, #tpu.memory_space<semaphore_mem>>
      %dma_start3A_189 = arith.constant 0 : i32
      %dma_start3A_190 = arith.constant 0 : i32
      %dma_start3A_191 = tpu.memref_slice %arg8[%run_scoped3A_33, %dma_start3A_189, %dma_start3A_190] : memref<2x128x64xf32, #tpu.memory_space<vmem>> -> memref<1x128x64xf32, #tpu.memory_space<vmem>>
      %dma_start3A_192 = tpu.memref_squeeze %dma_start3A_191 : memref<1x128x64xf32, #tpu.memory_space<vmem>> -> memref<128x64xf32, #tpu.memory_space<vmem>>
      %dma_start3A_193 = arith.constant 0 : i32
      %dma_start3A_194 = tpu.memref_slice %arg9[%add3A_32, %dma_start3A_193] : memref<10240x64xf32, #tpu.memory_space<vmem_shared>> -> memref<128x64xf32, #tpu.memory_space<vmem_shared>>
      %dma_start3A_195 = arith.constant 0 : i32
      %dma_start3A_196 = tpu.memref_slice %arg9[%add3A_32, %dma_start3A_195] : memref<10240x64xf32, #tpu.memory_space<vmem_shared>> -> memref<128x64xf32, #tpu.memory_space<vmem_shared>>
      %dma_start3A_197 = arith.constant 0 : i32
      %dma_start3A_198 = arith.constant 0 : i32
      %dma_start3A_199 = tpu.memref_slice %arg8[%run_scoped3A_33, %dma_start3A_197, %dma_start3A_198] : memref<2x128x64xf32, #tpu.memory_space<vmem>> -> memref<1x128x64xf32, #tpu.memory_space<vmem>>
      %dma_start3A_200 = tpu.memref_squeeze %dma_start3A_199 : memref<1x128x64xf32, #tpu.memory_space<vmem>> -> memref<128x64xf32, #tpu.memory_space<vmem>>
      tpu.enqueue_dma source(%dma_start3A_200 : memref<128x64xf32, #tpu.memory_space<vmem>>) target(%dma_start3A_196 : memref<128x64xf32, #tpu.memory_space<vmem_shared>>) target_semaphore(%run_scoped3A_188 : memref<!tpu.dma_semaphore, #tpu.memory_space<semaphore_mem>>)
      %dma_wait3A_201 = arith.constant 0 : i32
      %dma_wait3A_202 = arith.constant 0 : i32
      %dma_wait3A_203 = tpu.memref_slice %arg8[%run_scoped3A_33, %dma_wait3A_201, %dma_wait3A_202] : memref<2x128x64xf32, #tpu.memory_space<vmem>> -> memref<1x128x64xf32, #tpu.memory_space<vmem>>
      %dma_wait3A_204 = tpu.memref_squeeze %dma_wait3A_203 : memref<1x128x64xf32, #tpu.memory_space<vmem>> -> memref<128x64xf32, #tpu.memory_space<vmem>>
      %dma_wait3A_205 = arith.constant 0 : i32
      %dma_wait3A_206 = tpu.memref_slice %arg9[%add3A_32, %dma_wait3A_205] : memref<10240x64xf32, #tpu.memory_space<vmem_shared>> -> memref<128x64xf32, #tpu.memory_space<vmem_shared>>
      %dma_wait3A_207 = arith.constant 0 : i32
      %dma_wait3A_208 = tpu.memref_slice %arg9[%add3A_32, %dma_wait3A_207] : memref<10240x64xf32, #tpu.memory_space<vmem_shared>> -> memref<128x64xf32, #tpu.memory_space<vmem_shared>>
      %dma_wait3A_209 = arith.constant 0 : i32
      %dma_wait3A_210 = arith.constant 0 : i32
      %dma_wait3A_211 = tpu.memref_slice %arg8[%run_scoped3A_33, %dma_wait3A_209, %dma_wait3A_210] : memref<2x128x64xf32, #tpu.memory_space<vmem>> -> memref<1x128x64xf32, #tpu.memory_space<vmem>>
      %dma_wait3A_212 = tpu.memref_squeeze %dma_wait3A_211 : memref<1x128x64xf32, #tpu.memory_space<vmem>> -> memref<128x64xf32, #tpu.memory_space<vmem>>
      tpu.wait_dma2 semaphore(%run_scoped3A_188 : memref<!tpu.dma_semaphore, #tpu.memory_space<semaphore_mem>>) src(%dma_wait3A_212 : memref<128x64xf32, #tpu.memory_space<vmem>>) dst(%dma_wait3A_208 : memref<128x64xf32, #tpu.memory_space<vmem_shared>>)
      tpu.yield
    }) : () -> ()
    %mul3A_34 = arith.constant 640 : i32
    %mul3A_35 = arith.muli %arg1, %mul3A_34 : i32
    %add3A_36 = arith.constant 256 : i32
    %add3A_37 = arith.addi %mul3A_35, %add3A_36 : i32
    %run_scoped3A_38 = arith.constant 0 : i32
    "tpu.region"() ({
      %run_scoped3A_188 = tpu.sem_alloc : memref<!tpu.dma_semaphore, #tpu.memory_space<semaphore_mem>>
      %dma_start3A_189 = arith.constant 0 : i32
      %dma_start3A_190 = arith.constant 0 : i32
      %dma_start3A_191 = tpu.memref_slice %arg8[%run_scoped3A_38, %dma_start3A_189, %dma_start3A_190] : memref<2x128x64xf32, #tpu.memory_space<vmem>> -> memref<1x128x64xf32, #tpu.memory_space<vmem>>
      %dma_start3A_192 = tpu.memref_squeeze %dma_start3A_191 : memref<1x128x64xf32, #tpu.memory_space<vmem>> -> memref<128x64xf32, #tpu.memory_space<vmem>>
      %dma_start3A_193 = arith.constant 0 : i32
      %dma_start3A_194 = tpu.memref_slice %arg9[%add3A_37, %dma_start3A_193] : memref<10240x64xf32, #tpu.memory_space<vmem_shared>> -> memref<128x64xf32, #tpu.memory_space<vmem_shared>>
      %dma_start3A_195 = arith.constant 0 : i32
      %dma_start3A_196 = tpu.memref_slice %arg9[%add3A_37, %dma_start3A_195] : memref<10240x64xf32, #tpu.memory_space<vmem_shared>> -> memref<128x64xf32, #tpu.memory_space<vmem_shared>>
      %dma_start3A_197 = arith.constant 0 : i32
      %dma_start3A_198 = arith.constant 0 : i32
      %dma_start3A_199 = tpu.memref_slice %arg8[%run_scoped3A_38, %dma_start3A_197, %dma_start3A_198] : memref<2x128x64xf32, #tpu.memory_space<vmem>> -> memref<1x128x64xf32, #tpu.memory_space<vmem>>
      %dma_start3A_200 = tpu.memref_squeeze %dma_start3A_199 : memref<1x128x64xf32, #tpu.memory_space<vmem>> -> memref<128x64xf32, #tpu.memory_space<vmem>>
      tpu.enqueue_dma source(%dma_start3A_200 : memref<128x64xf32, #tpu.memory_space<vmem>>) target(%dma_start3A_196 : memref<128x64xf32, #tpu.memory_space<vmem_shared>>) target_semaphore(%run_scoped3A_188 : memref<!tpu.dma_semaphore, #tpu.memory_space<semaphore_mem>>)
      %dma_wait3A_201 = arith.constant 0 : i32
      %dma_wait3A_202 = arith.constant 0 : i32
      %dma_wait3A_203 = tpu.memref_slice %arg8[%run_scoped3A_38, %dma_wait3A_201, %dma_wait3A_202] : memref<2x128x64xf32, #tpu.memory_space<vmem>> -> memref<1x128x64xf32, #tpu.memory_space<vmem>>
      %dma_wait3A_204 = tpu.memref_squeeze %dma_wait3A_203 : memref<1x128x64xf32, #tpu.memory_space<vmem>> -> memref<128x64xf32, #tpu.memory_space<vmem>>
      %dma_wait3A_205 = arith.constant 0 : i32
      %dma_wait3A_206 = tpu.memref_slice %arg9[%add3A_37, %dma_wait3A_205] : memref<10240x64xf32, #tpu.memory_space<vmem_shared>> -> memref<128x64xf32, #tpu.memory_space<vmem_shared>>
      %dma_wait3A_207 = arith.constant 0 : i32
      %dma_wait3A_208 = tpu.memref_slice %arg9[%add3A_37, %dma_wait3A_207] : memref<10240x64xf32, #tpu.memory_space<vmem_shared>> -> memref<128x64xf32, #tpu.memory_space<vmem_shared>>
      %dma_wait3A_209 = arith.constant 0 : i32
      %dma_wait3A_210 = arith.constant 0 : i32
      %dma_wait3A_211 = tpu.memref_slice %arg8[%run_scoped3A_38, %dma_wait3A_209, %dma_wait3A_210] : memref<2x128x64xf32, #tpu.memory_space<vmem>> -> memref<1x128x64xf32, #tpu.memory_space<vmem>>
      %dma_wait3A_212 = tpu.memref_squeeze %dma_wait3A_211 : memref<1x128x64xf32, #tpu.memory_space<vmem>> -> memref<128x64xf32, #tpu.memory_space<vmem>>
      tpu.wait_dma2 semaphore(%run_scoped3A_188 : memref<!tpu.dma_semaphore, #tpu.memory_space<semaphore_mem>>) src(%dma_wait3A_212 : memref<128x64xf32, #tpu.memory_space<vmem>>) dst(%dma_wait3A_208 : memref<128x64xf32, #tpu.memory_space<vmem_shared>>)
      tpu.yield
    }) : () -> ()
    %mul3A_39 = arith.constant 640 : i32
    %mul3A_40 = arith.muli %arg1, %mul3A_39 : i32
    %add3A_41 = arith.constant 384 : i32
    %add3A_42 = arith.addi %mul3A_40, %add3A_41 : i32
    %run_scoped3A_43 = arith.constant 0 : i32
    "tpu.region"() ({
      %run_scoped3A_188 = tpu.sem_alloc : memref<!tpu.dma_semaphore, #tpu.memory_space<semaphore_mem>>
      %dma_start3A_189 = arith.constant 0 : i32
      %dma_start3A_190 = arith.constant 0 : i32
      %dma_start3A_191 = tpu.memref_slice %arg8[%run_scoped3A_43, %dma_start3A_189, %dma_start3A_190] : memref<2x128x64xf32, #tpu.memory_space<vmem>> -> memref<1x128x64xf32, #tpu.memory_space<vmem>>
      %dma_start3A_192 = tpu.memref_squeeze %dma_start3A_191 : memref<1x128x64xf32, #tpu.memory_space<vmem>> -> memref<128x64xf32, #tpu.memory_space<vmem>>
      %dma_start3A_193 = arith.constant 0 : i32
      %dma_start3A_194 = tpu.memref_slice %arg9[%add3A_42, %dma_start3A_193] : memref<10240x64xf32, #tpu.memory_space<vmem_shared>> -> memref<128x64xf32, #tpu.memory_space<vmem_shared>>
      %dma_start3A_195 = arith.constant 0 : i32
      %dma_start3A_196 = tpu.memref_slice %arg9[%add3A_42, %dma_start3A_195] : memref<10240x64xf32, #tpu.memory_space<vmem_shared>> -> memref<128x64xf32, #tpu.memory_space<vmem_shared>>
      %dma_start3A_197 = arith.constant 0 : i32
      %dma_start3A_198 = arith.constant 0 : i32
      %dma_start3A_199 = tpu.memref_slice %arg8[%run_scoped3A_43, %dma_start3A_197, %dma_start3A_198] : memref<2x128x64xf32, #tpu.memory_space<vmem>> -> memref<1x128x64xf32, #tpu.memory_space<vmem>>
      %dma_start3A_200 = tpu.memref_squeeze %dma_start3A_199 : memref<1x128x64xf32, #tpu.memory_space<vmem>> -> memref<128x64xf32, #tpu.memory_space<vmem>>
      tpu.enqueue_dma source(%dma_start3A_200 : memref<128x64xf32, #tpu.memory_space<vmem>>) target(%dma_start3A_196 : memref<128x64xf32, #tpu.memory_space<vmem_shared>>) target_semaphore(%run_scoped3A_188 : memref<!tpu.dma_semaphore, #tpu.memory_space<semaphore_mem>>)
      %dma_wait3A_201 = arith.constant 0 : i32
      %dma_wait3A_202 = arith.constant 0 : i32
      %dma_wait3A_203 = tpu.memref_slice %arg8[%run_scoped3A_43, %dma_wait3A_201, %dma_wait3A_202] : memref<2x128x64xf32, #tpu.memory_space<vmem>> -> memref<1x128x64xf32, #tpu.memory_space<vmem>>
      %dma_wait3A_204 = tpu.memref_squeeze %dma_wait3A_203 : memref<1x128x64xf32, #tpu.memory_space<vmem>> -> memref<128x64xf32, #tpu.memory_space<vmem>>
      %dma_wait3A_205 = arith.constant 0 : i32
      %dma_wait3A_206 = tpu.memref_slice %arg9[%add3A_42, %dma_wait3A_205] : memref<10240x64xf32, #tpu.memory_space<vmem_shared>> -> memref<128x64xf32, #tpu.memory_space<vmem_shared>>
      %dma_wait3A_207 = arith.constant 0 : i32
      %dma_wait3A_208 = tpu.memref_slice %arg9[%add3A_42, %dma_wait3A_207] : memref<10240x64xf32, #tpu.memory_space<vmem_shared>> -> memref<128x64xf32, #tpu.memory_space<vmem_shared>>
      %dma_wait3A_209 = arith.constant 0 : i32
      %dma_wait3A_210 = arith.constant 0 : i32
      %dma_wait3A_211 = tpu.memref_slice %arg8[%run_scoped3A_43, %dma_wait3A_209, %dma_wait3A_210] : memref<2x128x64xf32, #tpu.memory_space<vmem>> -> memref<1x128x64xf32, #tpu.memory_space<vmem>>
      %dma_wait3A_212 = tpu.memref_squeeze %dma_wait3A_211 : memref<1x128x64xf32, #tpu.memory_space<vmem>> -> memref<128x64xf32, #tpu.memory_space<vmem>>
      tpu.wait_dma2 semaphore(%run_scoped3A_188 : memref<!tpu.dma_semaphore, #tpu.memory_space<semaphore_mem>>) src(%dma_wait3A_212 : memref<128x64xf32, #tpu.memory_space<vmem>>) dst(%dma_wait3A_208 : memref<128x64xf32, #tpu.memory_space<vmem_shared>>)
      tpu.yield
    }) : () -> ()
    %mul3A_44 = arith.constant 640 : i32
    %mul3A_45 = arith.muli %arg1, %mul3A_44 : i32
    %add3A_46 = arith.constant 512 : i32
    %add3A_47 = arith.addi %mul3A_45, %add3A_46 : i32
    %run_scoped3A_48 = arith.constant 0 : i32
    "tpu.region"() ({
      %run_scoped3A_188 = tpu.sem_alloc : memref<!tpu.dma_semaphore, #tpu.memory_space<semaphore_mem>>
      %dma_start3A_189 = arith.constant 0 : i32
      %dma_start3A_190 = arith.constant 0 : i32
      %dma_start3A_191 = tpu.memref_slice %arg8[%run_scoped3A_48, %dma_start3A_189, %dma_start3A_190] : memref<2x128x64xf32, #tpu.memory_space<vmem>> -> memref<1x128x64xf32, #tpu.memory_space<vmem>>
      %dma_start3A_192 = tpu.memref_squeeze %dma_start3A_191 : memref<1x128x64xf32, #tpu.memory_space<vmem>> -> memref<128x64xf32, #tpu.memory_space<vmem>>
      %dma_start3A_193 = arith.constant 0 : i32
      %dma_start3A_194 = tpu.memref_slice %arg9[%add3A_47, %dma_start3A_193] : memref<10240x64xf32, #tpu.memory_space<vmem_shared>> -> memref<128x64xf32, #tpu.memory_space<vmem_shared>>
      %dma_start3A_195 = arith.constant 0 : i32
      %dma_start3A_196 = tpu.memref_slice %arg9[%add3A_47, %dma_start3A_195] : memref<10240x64xf32, #tpu.memory_space<vmem_shared>> -> memref<128x64xf32, #tpu.memory_space<vmem_shared>>
      %dma_start3A_197 = arith.constant 0 : i32
      %dma_start3A_198 = arith.constant 0 : i32
      %dma_start3A_199 = tpu.memref_slice %arg8[%run_scoped3A_48, %dma_start3A_197, %dma_start3A_198] : memref<2x128x64xf32, #tpu.memory_space<vmem>> -> memref<1x128x64xf32, #tpu.memory_space<vmem>>
      %dma_start3A_200 = tpu.memref_squeeze %dma_start3A_199 : memref<1x128x64xf32, #tpu.memory_space<vmem>> -> memref<128x64xf32, #tpu.memory_space<vmem>>
      tpu.enqueue_dma source(%dma_start3A_200 : memref<128x64xf32, #tpu.memory_space<vmem>>) target(%dma_start3A_196 : memref<128x64xf32, #tpu.memory_space<vmem_shared>>) target_semaphore(%run_scoped3A_188 : memref<!tpu.dma_semaphore, #tpu.memory_space<semaphore_mem>>)
      %dma_wait3A_201 = arith.constant 0 : i32
      %dma_wait3A_202 = arith.constant 0 : i32
      %dma_wait3A_203 = tpu.memref_slice %arg8[%run_scoped3A_48, %dma_wait3A_201, %dma_wait3A_202] : memref<2x128x64xf32, #tpu.memory_space<vmem>> -> memref<1x128x64xf32, #tpu.memory_space<vmem>>
      %dma_wait3A_204 = tpu.memref_squeeze %dma_wait3A_203 : memref<1x128x64xf32, #tpu.memory_space<vmem>> -> memref<128x64xf32, #tpu.memory_space<vmem>>
      %dma_wait3A_205 = arith.constant 0 : i32
      %dma_wait3A_206 = tpu.memref_slice %arg9[%add3A_47, %dma_wait3A_205] : memref<10240x64xf32, #tpu.memory_space<vmem_shared>> -> memref<128x64xf32, #tpu.memory_space<vmem_shared>>
      %dma_wait3A_207 = arith.constant 0 : i32
      %dma_wait3A_208 = tpu.memref_slice %arg9[%add3A_47, %dma_wait3A_207] : memref<10240x64xf32, #tpu.memory_space<vmem_shared>> -> memref<128x64xf32, #tpu.memory_space<vmem_shared>>
      %dma_wait3A_209 = arith.constant 0 : i32
      %dma_wait3A_210 = arith.constant 0 : i32
      %dma_wait3A_211 = tpu.memref_slice %arg8[%run_scoped3A_48, %dma_wait3A_209, %dma_wait3A_210] : memref<2x128x64xf32, #tpu.memory_space<vmem>> -> memref<1x128x64xf32, #tpu.memory_space<vmem>>
      %dma_wait3A_212 = tpu.memref_squeeze %dma_wait3A_211 : memref<1x128x64xf32, #tpu.memory_space<vmem>> -> memref<128x64xf32, #tpu.memory_space<vmem>>
      tpu.wait_dma2 semaphore(%run_scoped3A_188 : memref<!tpu.dma_semaphore, #tpu.memory_space<semaphore_mem>>) src(%dma_wait3A_212 : memref<128x64xf32, #tpu.memory_space<vmem>>) dst(%dma_wait3A_208 : memref<128x64xf32, #tpu.memory_space<vmem_shared>>)
      tpu.yield
    }) : () -> ()
    %dma_wait3A = arith.constant 0 : i32
    %dma_wait3A_49 = tpu.memref_slice %arg3[%add3A, %dma_wait3A] : memref<2692x128xi32, #tpu.memory_space<hbm>> -> memref<100x128xi32, #tpu.memory_space<hbm>>
    %dma_wait3A_50 = arith.constant 0 : i32
    %dma_wait3A_51 = tpu.memref_slice %arg3[%add3A, %dma_wait3A_50] : memref<2692x128xi32, #tpu.memory_space<hbm>> -> memref<100x128xi32, #tpu.memory_space<hbm>>
    tpu.wait_dma2 semaphore(%arg13 : memref<!tpu.dma_semaphore, #tpu.memory_space<semaphore_mem>>) src(%dma_wait3A_51 : memref<100x128xi32, #tpu.memory_space<hbm>>) dst(%arg6 : memref<100x128xi32, #tpu.memory_space<vmem>>)
    %dma_wait3A_52 = arith.constant 0 : i32
    %dma_wait3A_53 = tpu.memref_slice %arg4[%add3A, %dma_wait3A_52] : memref<2692x128xi32, #tpu.memory_space<hbm>> -> memref<100x128xi32, #tpu.memory_space<hbm>>
    %dma_wait3A_54 = arith.constant 0 : i32
    %dma_wait3A_55 = tpu.memref_slice %arg4[%add3A, %dma_wait3A_54] : memref<2692x128xi32, #tpu.memory_space<hbm>> -> memref<100x128xi32, #tpu.memory_space<hbm>>
    tpu.wait_dma2 semaphore(%arg13 : memref<!tpu.dma_semaphore, #tpu.memory_space<semaphore_mem>>) src(%dma_wait3A_55 : memref<100x128xi32, #tpu.memory_space<hbm>>) dst(%arg7 : memref<100x128xi32, #tpu.memory_space<vmem>>)
    %dma_wait3A_56 = arith.constant 0 : i32
    %dma_wait3A_57 = tpu.memref_slice %arg10[%mul3A_6, %dma_wait3A_56] : memref<10240x64xf32, #tpu.memory_space<vmem_shared>> -> memref<640x64xf32, #tpu.memory_space<vmem_shared>>
    %dma_wait3A_58 = arith.constant 0 : i32
    %dma_wait3A_59 = tpu.memref_slice %arg2[%mul3A_6, %dma_wait3A_58] : memref<10240x128xf32, #tpu.memory_space<hbm>> -> memref<640x64xf32, #tpu.memory_space<hbm>>
    tpu.wait_dma2 semaphore(%arg13 : memref<!tpu.dma_semaphore, #tpu.memory_space<semaphore_mem>>) src(%dma_wait3A_59 : memref<640x64xf32, #tpu.memory_space<hbm>>) dst(%dma_wait3A_57 : memref<640x64xf32, #tpu.memory_space<vmem_shared>>)
    %barrier3A = arith.constant 0 : index
    tpu.barrier barrier_id(%barrier3A)
    %dma_start3A_60 = arith.constant 0 : i32
    %dma_start3A_61 = arith.constant 0 : i32
    %dma_start3A_62 = arith.constant 0 : i32
    %dma_start3A_63 = arith.constant 0 : i32
    %dma_start3A_64 = arith.constant 0 : i32
    %dma_start3A_65 = tpu.memref_slice %arg8[%dma_start3A_61, %dma_start3A_63, %dma_start3A_64] : memref<2x128x64xf32, #tpu.memory_space<vmem>> -> memref<1x128x64xf32, #tpu.memory_space<vmem>>
    %dma_start3A_66 = tpu.memref_squeeze %dma_start3A_65 : memref<1x128x64xf32, #tpu.memory_space<vmem>> -> memref<128x64xf32, #tpu.memory_space<vmem>>
    %dma_start3A_67 = arith.constant 0 : i32
    %dma_start3A_68 = tpu.memref_slice %arg6[%dma_start3A_60, %dma_start3A_67] : memref<100x128xi32, #tpu.memory_space<vmem>> -> memref<1x128xi32, #tpu.memory_space<vmem>>
    %dma_start3A_69 = tpu.memref_squeeze %dma_start3A_68 : memref<1x128xi32, #tpu.memory_space<vmem>> -> memref<128xi32, #tpu.memory_space<vmem>>
    %dma_start3A_70 = arith.constant 0 : i32
    %dma_start3A_71 = arith.constant 0 : i32
    %dma_start3A_72 = tpu.memref_slice %arg10[%dma_start3A_70, %dma_start3A_71] : memref<10240x64xf32, #tpu.memory_space<vmem_shared>> -> memref<10240x64xf32, #tpu.memory_space<vmem_shared>>
    %dma_start3A_73 = tpu.memref_slice %arg11[%dma_start3A_62] : memref<2x!tpu.dma_semaphore, #tpu.memory_space<semaphore_mem>> -> memref<1x!tpu.dma_semaphore, #tpu.memory_space<semaphore_mem>>
    %dma_start3A_74 = tpu.memref_squeeze %dma_start3A_73 : memref<1x!tpu.dma_semaphore, #tpu.memory_space<semaphore_mem>> -> memref<!tpu.dma_semaphore, #tpu.memory_space<semaphore_mem>>
    tpu.enqueue_indirect_dma source(%dma_start3A_72 : memref<10240x64xf32, #tpu.memory_space<vmem_shared>>) target(%dma_start3A_66 : memref<128x64xf32, #tpu.memory_space<vmem>>) offsets(%dma_start3A_69 : memref<128xi32, #tpu.memory_space<vmem>>) semaphore(%dma_start3A_74 : memref<!tpu.dma_semaphore, #tpu.memory_space<semaphore_mem>>)
    %while3A = arith.constant 0 : i32
    %while3A_75 = arith.constant 0 : i32
    %while3A_76 = arith.subi %select_n3A, %while3A : i32
    %while3A_77 = arith.addi %while3A, %while3A_76 : i32
    %while3A_78 = arith.constant 1 : i32
    %while3A_79 = arith.divsi %while3A_76, %while3A_78 : i32
    %while3A_80 = arith.muli %while3A_79, %while3A_78 : i32
    %while3A_81 = arith.addi %while3A, %while3A_80 : i32
    %while3A_82 = arith.constant 1 : i32
    %while3A_83 = scf.for %while3A_188 = %while3A to %while3A_81 step %while3A_82 iter_args(%while3A_189 = %while3A_75) -> (i32)  : i32 {
      %rem3A_190 = arith.constant 2 : i32
      %rem3A_191 = arith.remsi %while3A_188, %rem3A_190 : i32
      %add3A_192 = arith.constant 1 : i32
      %add3A_193 = arith.addi %while3A_188, %add3A_192 : i32
      %rem3A_194 = arith.constant 2 : i32
      %rem3A_195 = arith.remsi %add3A_193, %rem3A_194 : i32
      %ge3A = arith.constant 1 : i32
      %ge3A_196 = arith.cmpi sge, %while3A_188, %ge3A : i32
      %convert_element_type3A = arith.extui %ge3A_196 : i1 to i32
      %cond3A = arith.constant 0 : i32
      %cond3A_197 = arith.cmpi ne, %convert_element_type3A, %cond3A : i32
      scf.if %cond3A_197 {
        %dma_wait3A_228 = arith.constant 0 : i32
        %dma_wait3A_229 = arith.constant 0 : i32
        %dma_wait3A_230 = arith.constant 0 : i32
        %dma_wait3A_231 = tpu.memref_slice %arg8[%rem3A_195, %dma_wait3A_229, %dma_wait3A_230] : memref<2x128x64xf32, #tpu.memory_space<vmem>> -> memref<1x128x64xf32, #tpu.memory_space<vmem>>
        %dma_wait3A_232 = tpu.memref_squeeze %dma_wait3A_231 : memref<1x128x64xf32, #tpu.memory_space<vmem>> -> memref<128x64xf32, #tpu.memory_space<vmem>>
        %dma_wait3A_233 = arith.constant 0 : i32
        %dma_wait3A_234 = tpu.memref_slice %arg7[%dma_wait3A_228, %dma_wait3A_233] : memref<100x128xi32, #tpu.memory_space<vmem>> -> memref<1x128xi32, #tpu.memory_space<vmem>>
        %dma_wait3A_235 = tpu.memref_squeeze %dma_wait3A_234 : memref<1x128xi32, #tpu.memory_space<vmem>> -> memref<128xi32, #tpu.memory_space<vmem>>
        %dma_wait3A_236 = arith.constant 0 : i32
        %dma_wait3A_237 = arith.constant 0 : i32
        %dma_wait3A_238 = tpu.memref_slice %arg9[%dma_wait3A_236, %dma_wait3A_237] : memref<10240x64xf32, #tpu.memory_space<vmem_shared>> -> memref<10240x64xf32, #tpu.memory_space<vmem_shared>>
        %dma_wait3A_239 = tpu.memref_slice %arg12[%rem3A_195] : memref<2x!tpu.dma_semaphore, #tpu.memory_space<semaphore_mem>> -> memref<1x!tpu.dma_semaphore, #tpu.memory_space<semaphore_mem>>
        %dma_wait3A_240 = tpu.memref_squeeze %dma_wait3A_239 : memref<1x!tpu.dma_semaphore, #tpu.memory_space<semaphore_mem>> -> memref<!tpu.dma_semaphore, #tpu.memory_space<semaphore_mem>>
        tpu.wait_indirect_dma semaphore(%dma_wait3A_240 : memref<!tpu.dma_semaphore, #tpu.memory_space<semaphore_mem>>) src(%dma_wait3A_232 : memref<128x64xf32, #tpu.memory_space<vmem>>) dst(%dma_wait3A_238 : memref<10240x64xf32, #tpu.memory_space<vmem_shared>>)
      } else {
      }
      %sub3A_198 = arith.constant 1 : i32
      %sub3A_199 = arith.subi %select_n3A, %sub3A_198 : i32
      %lt3A = arith.cmpi slt, %while3A_188, %sub3A_199 : i32
      %convert_element_type3A_200 = arith.extui %lt3A : i1 to i32
      %cond3A_201 = arith.constant 0 : i32
      %cond3A_202 = arith.cmpi ne, %convert_element_type3A_200, %cond3A_201 : i32
      scf.if %cond3A_202 {
        %add3A_228 = arith.constant 1 : i32
        %add3A_229 = arith.addi %while3A_188, %add3A_228 : i32
        %dma_start3A_230 = arith.constant 0 : i32
        %dma_start3A_231 = arith.constant 0 : i32
        %dma_start3A_232 = tpu.memref_slice %arg8[%rem3A_195, %dma_start3A_230, %dma_start3A_231] : memref<2x128x64xf32, #tpu.memory_space<vmem>> -> memref<1x128x64xf32, #tpu.memory_space<vmem>>
        %dma_start3A_233 = tpu.memref_squeeze %dma_start3A_232 : memref<1x128x64xf32, #tpu.memory_space<vmem>> -> memref<128x64xf32, #tpu.memory_space<vmem>>
        %dma_start3A_234 = arith.constant 0 : i32
        %dma_start3A_235 = tpu.memref_slice %arg6[%add3A_229, %dma_start3A_234] : memref<100x128xi32, #tpu.memory_space<vmem>> -> memref<1x128xi32, #tpu.memory_space<vmem>>
        %dma_start3A_236 = tpu.memref_squeeze %dma_start3A_235 : memref<1x128xi32, #tpu.memory_space<vmem>> -> memref<128xi32, #tpu.memory_space<vmem>>
        %dma_start3A_237 = arith.constant 0 : i32
        %dma_start3A_238 = arith.constant 0 : i32
        %dma_start3A_239 = tpu.memref_slice %arg10[%dma_start3A_237, %dma_start3A_238] : memref<10240x64xf32, #tpu.memory_space<vmem_shared>> -> memref<10240x64xf32, #tpu.memory_space<vmem_shared>>
        %dma_start3A_240 = tpu.memref_slice %arg11[%rem3A_195] : memref<2x!tpu.dma_semaphore, #tpu.memory_space<semaphore_mem>> -> memref<1x!tpu.dma_semaphore, #tpu.memory_space<semaphore_mem>>
        %dma_start3A_241 = tpu.memref_squeeze %dma_start3A_240 : memref<1x!tpu.dma_semaphore, #tpu.memory_space<semaphore_mem>> -> memref<!tpu.dma_semaphore, #tpu.memory_space<semaphore_mem>>
        tpu.enqueue_indirect_dma source(%dma_start3A_239 : memref<10240x64xf32, #tpu.memory_space<vmem_shared>>) target(%dma_start3A_233 : memref<128x64xf32, #tpu.memory_space<vmem>>) offsets(%dma_start3A_236 : memref<128xi32, #tpu.memory_space<vmem>>) semaphore(%dma_start3A_241 : memref<!tpu.dma_semaphore, #tpu.memory_space<semaphore_mem>>)
      } else {
      }
      %dma_wait3A_203 = arith.constant 0 : i32
      %dma_wait3A_204 = arith.constant 0 : i32
      %dma_wait3A_205 = tpu.memref_slice %arg8[%rem3A_191, %dma_wait3A_203, %dma_wait3A_204] : memref<2x128x64xf32, #tpu.memory_space<vmem>> -> memref<1x128x64xf32, #tpu.memory_space<vmem>>
      %dma_wait3A_206 = tpu.memref_squeeze %dma_wait3A_205 : memref<1x128x64xf32, #tpu.memory_space<vmem>> -> memref<128x64xf32, #tpu.memory_space<vmem>>
      %dma_wait3A_207 = arith.constant 0 : i32
      %dma_wait3A_208 = tpu.memref_slice %arg6[%while3A_188, %dma_wait3A_207] : memref<100x128xi32, #tpu.memory_space<vmem>> -> memref<1x128xi32, #tpu.memory_space<vmem>>
      %dma_wait3A_209 = tpu.memref_squeeze %dma_wait3A_208 : memref<1x128xi32, #tpu.memory_space<vmem>> -> memref<128xi32, #tpu.memory_space<vmem>>
      %dma_wait3A_210 = arith.constant 0 : i32
      %dma_wait3A_211 = arith.constant 0 : i32
      %dma_wait3A_212 = tpu.memref_slice %arg10[%dma_wait3A_210, %dma_wait3A_211] : memref<10240x64xf32, #tpu.memory_space<vmem_shared>> -> memref<10240x64xf32, #tpu.memory_space<vmem_shared>>
      %dma_wait3A_213 = tpu.memref_slice %arg11[%rem3A_191] : memref<2x!tpu.dma_semaphore, #tpu.memory_space<semaphore_mem>> -> memref<1x!tpu.dma_semaphore, #tpu.memory_space<semaphore_mem>>
      %dma_wait3A_214 = tpu.memref_squeeze %dma_wait3A_213 : memref<1x!tpu.dma_semaphore, #tpu.memory_space<semaphore_mem>> -> memref<!tpu.dma_semaphore, #tpu.memory_space<semaphore_mem>>
      tpu.wait_indirect_dma semaphore(%dma_wait3A_214 : memref<!tpu.dma_semaphore, #tpu.memory_space<semaphore_mem>>) src(%dma_wait3A_212 : memref<10240x64xf32, #tpu.memory_space<vmem_shared>>) dst(%dma_wait3A_206 : memref<128x64xf32, #tpu.memory_space<vmem>>)
      %dma_start3A_215 = arith.constant 0 : i32
      %dma_start3A_216 = arith.constant 0 : i32
      %dma_start3A_217 = tpu.memref_slice %arg8[%rem3A_191, %dma_start3A_215, %dma_start3A_216] : memref<2x128x64xf32, #tpu.memory_space<vmem>> -> memref<1x128x64xf32, #tpu.memory_space<vmem>>
      %dma_start3A_218 = tpu.memref_squeeze %dma_start3A_217 : memref<1x128x64xf32, #tpu.memory_space<vmem>> -> memref<128x64xf32, #tpu.memory_space<vmem>>
      %dma_start3A_219 = arith.constant 0 : i32
      %dma_start3A_220 = tpu.memref_slice %arg7[%while3A_188, %dma_start3A_219] : memref<100x128xi32, #tpu.memory_space<vmem>> -> memref<1x128xi32, #tpu.memory_space<vmem>>
      %dma_start3A_221 = tpu.memref_squeeze %dma_start3A_220 : memref<1x128xi32, #tpu.memory_space<vmem>> -> memref<128xi32, #tpu.memory_space<vmem>>
      %dma_start3A_222 = arith.constant 0 : i32
      %dma_start3A_223 = arith.constant 0 : i32
      %dma_start3A_224 = tpu.memref_slice %arg9[%dma_start3A_222, %dma_start3A_223] : memref<10240x64xf32, #tpu.memory_space<vmem_shared>> -> memref<10240x64xf32, #tpu.memory_space<vmem_shared>>
      %dma_start3A_225 = tpu.memref_slice %arg12[%rem3A_191] : memref<2x!tpu.dma_semaphore, #tpu.memory_space<semaphore_mem>> -> memref<1x!tpu.dma_semaphore, #tpu.memory_space<semaphore_mem>>
      %dma_start3A_226 = tpu.memref_squeeze %dma_start3A_225 : memref<1x!tpu.dma_semaphore, #tpu.memory_space<semaphore_mem>> -> memref<!tpu.dma_semaphore, #tpu.memory_space<semaphore_mem>>
      tpu.enqueue_indirect_dma source(%dma_start3A_218 : memref<128x64xf32, #tpu.memory_space<vmem>>) target(%dma_start3A_224 : memref<10240x64xf32, #tpu.memory_space<vmem_shared>>) offsets(%dma_start3A_221 : memref<128xi32, #tpu.memory_space<vmem>>) semaphore(%dma_start3A_226 : memref<!tpu.dma_semaphore, #tpu.memory_space<semaphore_mem>>) {add = true}
      %while3A_227 = arith.constant 0 : i32
      scf.yield %while3A_227 : i32
    }
    %while3A_84 = arith.constant 1 : i32
    %while3A_85 = scf.for %while3A_188 = %while3A_81 to %while3A_77 step %while3A_84 iter_args(%while3A_189 = %while3A_83) -> (i32)  : i32 {
      %rem3A_190 = arith.constant 2 : i32
      %rem3A_191 = arith.remsi %while3A_188, %rem3A_190 : i32
      %add3A_192 = arith.constant 1 : i32
      %add3A_193 = arith.addi %while3A_188, %add3A_192 : i32
      %rem3A_194 = arith.constant 2 : i32
      %rem3A_195 = arith.remsi %add3A_193, %rem3A_194 : i32
      %ge3A = arith.constant 1 : i32
      %ge3A_196 = arith.cmpi sge, %while3A_188, %ge3A : i32
      %convert_element_type3A = arith.extui %ge3A_196 : i1 to i32
      %cond3A = arith.constant 0 : i32
      %cond3A_197 = arith.cmpi ne, %convert_element_type3A, %cond3A : i32
      scf.if %cond3A_197 {
        %dma_wait3A_228 = arith.constant 0 : i32
        %dma_wait3A_229 = arith.constant 0 : i32
        %dma_wait3A_230 = arith.constant 0 : i32
        %dma_wait3A_231 = tpu.memref_slice %arg8[%rem3A_195, %dma_wait3A_229, %dma_wait3A_230] : memref<2x128x64xf32, #tpu.memory_space<vmem>> -> memref<1x128x64xf32, #tpu.memory_space<vmem>>
        %dma_wait3A_232 = tpu.memref_squeeze %dma_wait3A_231 : memref<1x128x64xf32, #tpu.memory_space<vmem>> -> memref<128x64xf32, #tpu.memory_space<vmem>>
        %dma_wait3A_233 = arith.constant 0 : i32
        %dma_wait3A_234 = tpu.memref_slice %arg7[%dma_wait3A_228, %dma_wait3A_233] : memref<100x128xi32, #tpu.memory_space<vmem>> -> memref<1x128xi32, #tpu.memory_space<vmem>>
        %dma_wait3A_235 = tpu.memref_squeeze %dma_wait3A_234 : memref<1x128xi32, #tpu.memory_space<vmem>> -> memref<128xi32, #tpu.memory_space<vmem>>
        %dma_wait3A_236 = arith.constant 0 : i32
        %dma_wait3A_237 = arith.constant 0 : i32
        %dma_wait3A_238 = tpu.memref_slice %arg9[%dma_wait3A_236, %dma_wait3A_237] : memref<10240x64xf32, #tpu.memory_space<vmem_shared>> -> memref<10240x64xf32, #tpu.memory_space<vmem_shared>>
        %dma_wait3A_239 = tpu.memref_slice %arg12[%rem3A_195] : memref<2x!tpu.dma_semaphore, #tpu.memory_space<semaphore_mem>> -> memref<1x!tpu.dma_semaphore, #tpu.memory_space<semaphore_mem>>
        %dma_wait3A_240 = tpu.memref_squeeze %dma_wait3A_239 : memref<1x!tpu.dma_semaphore, #tpu.memory_space<semaphore_mem>> -> memref<!tpu.dma_semaphore, #tpu.memory_space<semaphore_mem>>
        tpu.wait_indirect_dma semaphore(%dma_wait3A_240 : memref<!tpu.dma_semaphore, #tpu.memory_space<semaphore_mem>>) src(%dma_wait3A_232 : memref<128x64xf32, #tpu.memory_space<vmem>>) dst(%dma_wait3A_238 : memref<10240x64xf32, #tpu.memory_space<vmem_shared>>)
      } else {
      }
      %sub3A_198 = arith.constant 1 : i32
      %sub3A_199 = arith.subi %select_n3A, %sub3A_198 : i32
      %lt3A = arith.cmpi slt, %while3A_188, %sub3A_199 : i32
      %convert_element_type3A_200 = arith.extui %lt3A : i1 to i32
      %cond3A_201 = arith.constant 0 : i32
      %cond3A_202 = arith.cmpi ne, %convert_element_type3A_200, %cond3A_201 : i32
      scf.if %cond3A_202 {
        %add3A_228 = arith.constant 1 : i32
        %add3A_229 = arith.addi %while3A_188, %add3A_228 : i32
        %dma_start3A_230 = arith.constant 0 : i32
        %dma_start3A_231 = arith.constant 0 : i32
        %dma_start3A_232 = tpu.memref_slice %arg8[%rem3A_195, %dma_start3A_230, %dma_start3A_231] : memref<2x128x64xf32, #tpu.memory_space<vmem>> -> memref<1x128x64xf32, #tpu.memory_space<vmem>>
        %dma_start3A_233 = tpu.memref_squeeze %dma_start3A_232 : memref<1x128x64xf32, #tpu.memory_space<vmem>> -> memref<128x64xf32, #tpu.memory_space<vmem>>
        %dma_start3A_234 = arith.constant 0 : i32
        %dma_start3A_235 = tpu.memref_slice %arg6[%add3A_229, %dma_start3A_234] : memref<100x128xi32, #tpu.memory_space<vmem>> -> memref<1x128xi32, #tpu.memory_space<vmem>>
        %dma_start3A_236 = tpu.memref_squeeze %dma_start3A_235 : memref<1x128xi32, #tpu.memory_space<vmem>> -> memref<128xi32, #tpu.memory_space<vmem>>
        %dma_start3A_237 = arith.constant 0 : i32
        %dma_start3A_238 = arith.constant 0 : i32
        %dma_start3A_239 = tpu.memref_slice %arg10[%dma_start3A_237, %dma_start3A_238] : memref<10240x64xf32, #tpu.memory_space<vmem_shared>> -> memref<10240x64xf32, #tpu.memory_space<vmem_shared>>
        %dma_start3A_240 = tpu.memref_slice %arg11[%rem3A_195] : memref<2x!tpu.dma_semaphore, #tpu.memory_space<semaphore_mem>> -> memref<1x!tpu.dma_semaphore, #tpu.memory_space<semaphore_mem>>
        %dma_start3A_241 = tpu.memref_squeeze %dma_start3A_240 : memref<1x!tpu.dma_semaphore, #tpu.memory_space<semaphore_mem>> -> memref<!tpu.dma_semaphore, #tpu.memory_space<semaphore_mem>>
        tpu.enqueue_indirect_dma source(%dma_start3A_239 : memref<10240x64xf32, #tpu.memory_space<vmem_shared>>) target(%dma_start3A_233 : memref<128x64xf32, #tpu.memory_space<vmem>>) offsets(%dma_start3A_236 : memref<128xi32, #tpu.memory_space<vmem>>) semaphore(%dma_start3A_241 : memref<!tpu.dma_semaphore, #tpu.memory_space<semaphore_mem>>)
      } else {
      }
      %dma_wait3A_203 = arith.constant 0 : i32
      %dma_wait3A_204 = arith.constant 0 : i32
      %dma_wait3A_205 = tpu.memref_slice %arg8[%rem3A_191, %dma_wait3A_203, %dma_wait3A_204] : memref<2x128x64xf32, #tpu.memory_space<vmem>> -> memref<1x128x64xf32, #tpu.memory_space<vmem>>
      %dma_wait3A_206 = tpu.memref_squeeze %dma_wait3A_205 : memref<1x128x64xf32, #tpu.memory_space<vmem>> -> memref<128x64xf32, #tpu.memory_space<vmem>>
      %dma_wait3A_207 = arith.constant 0 : i32
      %dma_wait3A_208 = tpu.memref_slice %arg6[%while3A_188, %dma_wait3A_207] : memref<100x128xi32, #tpu.memory_space<vmem>> -> memref<1x128xi32, #tpu.memory_space<vmem>>
      %dma_wait3A_209 = tpu.memref_squeeze %dma_wait3A_208 : memref<1x128xi32, #tpu.memory_space<vmem>> -> memref<128xi32, #tpu.memory_space<vmem>>
      %dma_wait3A_210 = arith.constant 0 : i32
      %dma_wait3A_211 = arith.constant 0 : i32
      %dma_wait3A_212 = tpu.memref_slice %arg10[%dma_wait3A_210, %dma_wait3A_211] : memref<10240x64xf32, #tpu.memory_space<vmem_shared>> -> memref<10240x64xf32, #tpu.memory_space<vmem_shared>>
      %dma_wait3A_213 = tpu.memref_slice %arg11[%rem3A_191] : memref<2x!tpu.dma_semaphore, #tpu.memory_space<semaphore_mem>> -> memref<1x!tpu.dma_semaphore, #tpu.memory_space<semaphore_mem>>
      %dma_wait3A_214 = tpu.memref_squeeze %dma_wait3A_213 : memref<1x!tpu.dma_semaphore, #tpu.memory_space<semaphore_mem>> -> memref<!tpu.dma_semaphore, #tpu.memory_space<semaphore_mem>>
      tpu.wait_indirect_dma semaphore(%dma_wait3A_214 : memref<!tpu.dma_semaphore, #tpu.memory_space<semaphore_mem>>) src(%dma_wait3A_212 : memref<10240x64xf32, #tpu.memory_space<vmem_shared>>) dst(%dma_wait3A_206 : memref<128x64xf32, #tpu.memory_space<vmem>>)
      %dma_start3A_215 = arith.constant 0 : i32
      %dma_start3A_216 = arith.constant 0 : i32
      %dma_start3A_217 = tpu.memref_slice %arg8[%rem3A_191, %dma_start3A_215, %dma_start3A_216] : memref<2x128x64xf32, #tpu.memory_space<vmem>> -> memref<1x128x64xf32, #tpu.memory_space<vmem>>
      %dma_start3A_218 = tpu.memref_squeeze %dma_start3A_217 : memref<1x128x64xf32, #tpu.memory_space<vmem>> -> memref<128x64xf32, #tpu.memory_space<vmem>>
      %dma_start3A_219 = arith.constant 0 : i32
      %dma_start3A_220 = tpu.memref_slice %arg7[%while3A_188, %dma_start3A_219] : memref<100x128xi32, #tpu.memory_space<vmem>> -> memref<1x128xi32, #tpu.memory_space<vmem>>
      %dma_start3A_221 = tpu.memref_squeeze %dma_start3A_220 : memref<1x128xi32, #tpu.memory_space<vmem>> -> memref<128xi32, #tpu.memory_space<vmem>>
      %dma_start3A_222 = arith.constant 0 : i32
      %dma_start3A_223 = arith.constant 0 : i32
      %dma_start3A_224 = tpu.memref_slice %arg9[%dma_start3A_222, %dma_start3A_223] : memref<10240x64xf32, #tpu.memory_space<vmem_shared>> -> memref<10240x64xf32, #tpu.memory_space<vmem_shared>>
      %dma_start3A_225 = tpu.memref_slice %arg12[%rem3A_191] : memref<2x!tpu.dma_semaphore, #tpu.memory_space<semaphore_mem>> -> memref<1x!tpu.dma_semaphore, #tpu.memory_space<semaphore_mem>>
      %dma_start3A_226 = tpu.memref_squeeze %dma_start3A_225 : memref<1x!tpu.dma_semaphore, #tpu.memory_space<semaphore_mem>> -> memref<!tpu.dma_semaphore, #tpu.memory_space<semaphore_mem>>
      tpu.enqueue_indirect_dma source(%dma_start3A_218 : memref<128x64xf32, #tpu.memory_space<vmem>>) target(%dma_start3A_224 : memref<10240x64xf32, #tpu.memory_space<vmem_shared>>) offsets(%dma_start3A_221 : memref<128xi32, #tpu.memory_space<vmem>>) semaphore(%dma_start3A_226 : memref<!tpu.dma_semaphore, #tpu.memory_space<semaphore_mem>>) {add = true}
      %while3A_227 = arith.constant 0 : i32
      scf.yield %while3A_227 : i32
    }
    %sub3A = arith.constant 1 : i32
    %sub3A_86 = arith.subi %select_n3A, %sub3A : i32
    %rem3A = arith.constant 2 : i32
    %rem3A_87 = arith.remsi %sub3A_86, %rem3A : i32
    %dma_wait3A_88 = arith.constant 0 : i32
    %dma_wait3A_89 = arith.constant 0 : i32
    %dma_wait3A_90 = arith.constant 0 : i32
    %dma_wait3A_91 = tpu.memref_slice %arg8[%rem3A_87, %dma_wait3A_89, %dma_wait3A_90] : memref<2x128x64xf32, #tpu.memory_space<vmem>> -> memref<1x128x64xf32, #tpu.memory_space<vmem>>
    %dma_wait3A_92 = tpu.memref_squeeze %dma_wait3A_91 : memref<1x128x64xf32, #tpu.memory_space<vmem>> -> memref<128x64xf32, #tpu.memory_space<vmem>>
    %dma_wait3A_93 = arith.constant 0 : i32
    %dma_wait3A_94 = tpu.memref_slice %arg7[%dma_wait3A_88, %dma_wait3A_93] : memref<100x128xi32, #tpu.memory_space<vmem>> -> memref<1x128xi32, #tpu.memory_space<vmem>>
    %dma_wait3A_95 = tpu.memref_squeeze %dma_wait3A_94 : memref<1x128xi32, #tpu.memory_space<vmem>> -> memref<128xi32, #tpu.memory_space<vmem>>
    %dma_wait3A_96 = arith.constant 0 : i32
    %dma_wait3A_97 = arith.constant 0 : i32
    %dma_wait3A_98 = tpu.memref_slice %arg9[%dma_wait3A_96, %dma_wait3A_97] : memref<10240x64xf32, #tpu.memory_space<vmem_shared>> -> memref<10240x64xf32, #tpu.memory_space<vmem_shared>>
    %dma_wait3A_99 = tpu.memref_slice %arg12[%rem3A_87] : memref<2x!tpu.dma_semaphore, #tpu.memory_space<semaphore_mem>> -> memref<1x!tpu.dma_semaphore, #tpu.memory_space<semaphore_mem>>
    %dma_wait3A_100 = tpu.memref_squeeze %dma_wait3A_99 : memref<1x!tpu.dma_semaphore, #tpu.memory_space<semaphore_mem>> -> memref<!tpu.dma_semaphore, #tpu.memory_space<semaphore_mem>>
    tpu.wait_indirect_dma semaphore(%dma_wait3A_100 : memref<!tpu.dma_semaphore, #tpu.memory_space<semaphore_mem>>) src(%dma_wait3A_92 : memref<128x64xf32, #tpu.memory_space<vmem>>) dst(%dma_wait3A_98 : memref<10240x64xf32, #tpu.memory_space<vmem_shared>>)
    %barrier3A_101 = arith.constant 0 : index
    tpu.barrier barrier_id(%barrier3A_101)
    "tpu.region"() ({
      %run_scoped3A_188 = tpu.sem_alloc : memref<!tpu.dma_semaphore, #tpu.memory_space<semaphore_mem>>
      %dma_start3A_189 = arith.constant 0 : i32
      %dma_start3A_190 = tpu.memref_slice %arg5[%arg0, %mul3A_6, %dma_start3A_189] : memref<2x10240x128xf32, #tpu.memory_space<hbm>> -> memref<1x640x64xf32, #tpu.memory_space<hbm>>
      %dma_start3A_191 = tpu.memref_squeeze %dma_start3A_190 : memref<1x640x64xf32, #tpu.memory_space<hbm>> -> memref<640x64xf32, #tpu.memory_space<hbm>>
      %dma_start3A_192 = arith.constant 0 : i32
      %dma_start3A_193 = tpu.memref_slice %arg9[%mul3A_6, %dma_start3A_192] : memref<10240x64xf32, #tpu.memory_space<vmem_shared>> -> memref<640x64xf32, #tpu.memory_space<vmem_shared>>
      tpu.enqueue_dma source(%dma_start3A_193 : memref<640x64xf32, #tpu.memory_space<vmem_shared>>) target(%dma_start3A_191 : memref<640x64xf32, #tpu.memory_space<hbm>>) target_semaphore(%run_scoped3A_188 : memref<!tpu.dma_semaphore, #tpu.memory_space<semaphore_mem>>)
      %dma_wait3A_194 = arith.constant 0 : i32
      %dma_wait3A_195 = tpu.memref_slice %arg5[%arg0, %mul3A_6, %dma_wait3A_194] : memref<2x10240x128xf32, #tpu.memory_space<hbm>> -> memref<1x640x64xf32, #tpu.memory_space<hbm>>
      %dma_wait3A_196 = tpu.memref_squeeze %dma_wait3A_195 : memref<1x640x64xf32, #tpu.memory_space<hbm>> -> memref<640x64xf32, #tpu.memory_space<hbm>>
      %dma_wait3A_197 = arith.constant 0 : i32
      %dma_wait3A_198 = tpu.memref_slice %arg9[%mul3A_6, %dma_wait3A_197] : memref<10240x64xf32, #tpu.memory_space<vmem_shared>> -> memref<640x64xf32, #tpu.memory_space<vmem_shared>>
      tpu.wait_dma2 semaphore(%run_scoped3A_188 : memref<!tpu.dma_semaphore, #tpu.memory_space<semaphore_mem>>) src(%dma_wait3A_198 : memref<640x64xf32, #tpu.memory_space<vmem_shared>>) dst(%dma_wait3A_196 : memref<640x64xf32, #tpu.memory_space<hbm>>)
      tpu.yield
    }) : () -> ()
    %dma_start3A_102 = arith.constant 0 : i32
    %dma_start3A_103 = tpu.memref_slice %arg10[%mul3A_6, %dma_start3A_102] : memref<10240x64xf32, #tpu.memory_space<vmem_shared>> -> memref<640x64xf32, #tpu.memory_space<vmem_shared>>
    %dma_start3A_104 = arith.constant 64 : i32
    %dma_start3A_105 = tpu.memref_slice %arg2[%mul3A_6, %dma_start3A_104] : memref<10240x128xf32, #tpu.memory_space<hbm>> -> memref<640x64xf32, #tpu.memory_space<hbm>>
    tpu.enqueue_dma source(%dma_start3A_105 : memref<640x64xf32, #tpu.memory_space<hbm>>) target(%dma_start3A_103 : memref<640x64xf32, #tpu.memory_space<vmem_shared>>) target_semaphore(%arg13 : memref<!tpu.dma_semaphore, #tpu.memory_space<semaphore_mem>>)
    %scan3A_106 = arith.constant 0 : i32
    %scan3A_107 = arith.constant 0 : i32
    %scan3A_108 = arith.constant 128 : i32
    %scan3A_109 = arith.addi %scan3A_107, %scan3A_108 : i32
    %scan3A_110 = arith.constant 1 : i32
    %scan3A_111 = scf.for %scan3A_188 = %scan3A_107 to %scan3A_109 step %scan3A_110 iter_args(%scan3A_189 = %scan3A_106) -> (i32)  : i32 {
      %swap3A = arith.constant 0 : i32
      %swap3A_190 = arith.index_cast %swap3A : i32 to index
      %swap3A_191 = arith.index_cast %scan3A_188 : i32 to index
      %swap3A_192 = arith.constant 0 : index
      %swap3A_193 = tpu.vector_load %arg8[%swap3A_190, %swap3A_191, %swap3A_192] {strides = array<i32>} : memref<2x128x64xf32, #tpu.memory_space<vmem>>, vector<1x1x16xf32>,
      %swap3A_194 = vector.shape_cast %swap3A_193 : vector<1x1x16xf32> to vector<16xf32>
      %swap3A_195 = vector.shape_cast %broadcast_in_dim3A_18 : vector<16xf32> to vector<1x1x16xf32>
      tpu.vector_store %arg8[%swap3A_190, %swap3A_191, %swap3A_192], %swap3A_195 {strides = array<i32>} : memref<2x128x64xf32, #tpu.memory_space<vmem>>, vector<1x1x16xf32>,
      %swap3A_196 = arith.constant 0 : i32
      %swap3A_197 = arith.index_cast %swap3A_196 : i32 to index
      %swap3A_198 = arith.index_cast %scan3A_188 : i32 to index
      %swap3A_199 = arith.constant 16 : index
      %swap3A_200 = tpu.vector_load %arg8[%swap3A_197, %swap3A_198, %swap3A_199] {strides = array<i32>} : memref<2x128x64xf32, #tpu.memory_space<vmem>>, vector<1x1x16xf32>,
      %swap3A_201 = vector.shape_cast %swap3A_200 : vector<1x1x16xf32> to vector<16xf32>
      %swap3A_202 = vector.shape_cast %broadcast_in_dim3A_18 : vector<16xf32> to vector<1x1x16xf32>
      tpu.vector_store %arg8[%swap3A_197, %swap3A_198, %swap3A_199], %swap3A_202 {strides = array<i32>} : memref<2x128x64xf32, #tpu.memory_space<vmem>>, vector<1x1x16xf32>,
      %swap3A_203 = arith.constant 0 : i32
      %swap3A_204 = arith.index_cast %swap3A_203 : i32 to index
      %swap3A_205 = arith.index_cast %scan3A_188 : i32 to index
      %swap3A_206 = arith.constant 32 : index
      %swap3A_207 = tpu.vector_load %arg8[%swap3A_204, %swap3A_205, %swap3A_206] {strides = array<i32>} : memref<2x128x64xf32, #tpu.memory_space<vmem>>, vector<1x1x16xf32>,
      %swap3A_208 = vector.shape_cast %swap3A_207 : vector<1x1x16xf32> to vector<16xf32>
      %swap3A_209 = vector.shape_cast %broadcast_in_dim3A_18 : vector<16xf32> to vector<1x1x16xf32>
      tpu.vector_store %arg8[%swap3A_204, %swap3A_205, %swap3A_206], %swap3A_209 {strides = array<i32>} : memref<2x128x64xf32, #tpu.memory_space<vmem>>, vector<1x1x16xf32>,
      %swap3A_210 = arith.constant 0 : i32
      %swap3A_211 = arith.index_cast %swap3A_210 : i32 to index
      %swap3A_212 = arith.index_cast %scan3A_188 : i32 to index
      %swap3A_213 = arith.constant 48 : index
      %swap3A_214 = tpu.vector_load %arg8[%swap3A_211, %swap3A_212, %swap3A_213] {strides = array<i32>} : memref<2x128x64xf32, #tpu.memory_space<vmem>>, vector<1x1x16xf32>,
      %swap3A_215 = vector.shape_cast %swap3A_214 : vector<1x1x16xf32> to vector<16xf32>
      %swap3A_216 = vector.shape_cast %broadcast_in_dim3A_18 : vector<16xf32> to vector<1x1x16xf32>
      tpu.vector_store %arg8[%swap3A_211, %swap3A_212, %swap3A_213], %swap3A_216 {strides = array<i32>} : memref<2x128x64xf32, #tpu.memory_space<vmem>>, vector<1x1x16xf32>,
      %scan3A_217 = arith.constant 0 : i32
      scf.yield %scan3A_217 : i32
    }
    %scan3A_112 = arith.constant 128 : i32
    %mul3A_113 = arith.constant 640 : i32
    %mul3A_114 = arith.muli %arg1, %mul3A_113 : i32
    %add3A_115 = arith.constant 0 : i32
    %add3A_116 = arith.addi %mul3A_114, %add3A_115 : i32
    %run_scoped3A_117 = arith.constant 0 : i32
    "tpu.region"() ({
      %run_scoped3A_188 = tpu.sem_alloc : memref<!tpu.dma_semaphore, #tpu.memory_space<semaphore_mem>>
      %dma_start3A_189 = arith.constant 0 : i32
      %dma_start3A_190 = arith.constant 0 : i32
      %dma_start3A_191 = tpu.memref_slice %arg8[%run_scoped3A_117, %dma_start3A_189, %dma_start3A_190] : memref<2x128x64xf32, #tpu.memory_space<vmem>> -> memref<1x128x64xf32, #tpu.memory_space<vmem>>
      %dma_start3A_192 = tpu.memref_squeeze %dma_start3A_191 : memref<1x128x64xf32, #tpu.memory_space<vmem>> -> memref<128x64xf32, #tpu.memory_space<vmem>>
      %dma_start3A_193 = arith.constant 0 : i32
      %dma_start3A_194 = tpu.memref_slice %arg9[%add3A_116, %dma_start3A_193] : memref<10240x64xf32, #tpu.memory_space<vmem_shared>> -> memref<128x64xf32, #tpu.memory_space<vmem_shared>>
      %dma_start3A_195 = arith.constant 0 : i32
      %dma_start3A_196 = tpu.memref_slice %arg9[%add3A_116, %dma_start3A_195] : memref<10240x64xf32, #tpu.memory_space<vmem_shared>> -> memref<128x64xf32, #tpu.memory_space<vmem_shared>>
      %dma_start3A_197 = arith.constant 0 : i32
      %dma_start3A_198 = arith.constant 0 : i32
      %dma_start3A_199 = tpu.memref_slice %arg8[%run_scoped3A_117, %dma_start3A_197, %dma_start3A_198] : memref<2x128x64xf32, #tpu.memory_space<vmem>> -> memref<1x128x64xf32, #tpu.memory_space<vmem>>
      %dma_start3A_200 = tpu.memref_squeeze %dma_start3A_199 : memref<1x128x64xf32, #tpu.memory_space<vmem>> -> memref<128x64xf32, #tpu.memory_space<vmem>>
      tpu.enqueue_dma source(%dma_start3A_200 : memref<128x64xf32, #tpu.memory_space<vmem>>) target(%dma_start3A_196 : memref<128x64xf32, #tpu.memory_space<vmem_shared>>) target_semaphore(%run_scoped3A_188 : memref<!tpu.dma_semaphore, #tpu.memory_space<semaphore_mem>>)
      %dma_wait3A_201 = arith.constant 0 : i32
      %dma_wait3A_202 = arith.constant 0 : i32
      %dma_wait3A_203 = tpu.memref_slice %arg8[%run_scoped3A_117, %dma_wait3A_201, %dma_wait3A_202] : memref<2x128x64xf32, #tpu.memory_space<vmem>> -> memref<1x128x64xf32, #tpu.memory_space<vmem>>
      %dma_wait3A_204 = tpu.memref_squeeze %dma_wait3A_203 : memref<1x128x64xf32, #tpu.memory_space<vmem>> -> memref<128x64xf32, #tpu.memory_space<vmem>>
      %dma_wait3A_205 = arith.constant 0 : i32
      %dma_wait3A_206 = tpu.memref_slice %arg9[%add3A_116, %dma_wait3A_205] : memref<10240x64xf32, #tpu.memory_space<vmem_shared>> -> memref<128x64xf32, #tpu.memory_space<vmem_shared>>
      %dma_wait3A_207 = arith.constant 0 : i32
      %dma_wait3A_208 = tpu.memref_slice %arg9[%add3A_116, %dma_wait3A_207] : memref<10240x64xf32, #tpu.memory_space<vmem_shared>> -> memref<128x64xf32, #tpu.memory_space<vmem_shared>>
      %dma_wait3A_209 = arith.constant 0 : i32
      %dma_wait3A_210 = arith.constant 0 : i32
      %dma_wait3A_211 = tpu.memref_slice %arg8[%run_scoped3A_117, %dma_wait3A_209, %dma_wait3A_210] : memref<2x128x64xf32, #tpu.memory_space<vmem>> -> memref<1x128x64xf32, #tpu.memory_space<vmem>>
      %dma_wait3A_212 = tpu.memref_squeeze %dma_wait3A_211 : memref<1x128x64xf32, #tpu.memory_space<vmem>> -> memref<128x64xf32, #tpu.memory_space<vmem>>
      tpu.wait_dma2 semaphore(%run_scoped3A_188 : memref<!tpu.dma_semaphore, #tpu.memory_space<semaphore_mem>>) src(%dma_wait3A_212 : memref<128x64xf32, #tpu.memory_space<vmem>>) dst(%dma_wait3A_208 : memref<128x64xf32, #tpu.memory_space<vmem_shared>>)
      tpu.yield
    }) : () -> ()
    %mul3A_118 = arith.constant 640 : i32
    %mul3A_119 = arith.muli %arg1, %mul3A_118 : i32
    %add3A_120 = arith.constant 128 : i32
    %add3A_121 = arith.addi %mul3A_119, %add3A_120 : i32
    %run_scoped3A_122 = arith.constant 0 : i32
    "tpu.region"() ({
      %run_scoped3A_188 = tpu.sem_alloc : memref<!tpu.dma_semaphore, #tpu.memory_space<semaphore_mem>>
      %dma_start3A_189 = arith.constant 0 : i32
      %dma_start3A_190 = arith.constant 0 : i32
      %dma_start3A_191 = tpu.memref_slice %arg8[%run_scoped3A_122, %dma_start3A_189, %dma_start3A_190] : memref<2x128x64xf32, #tpu.memory_space<vmem>> -> memref<1x128x64xf32, #tpu.memory_space<vmem>>
      %dma_start3A_192 = tpu.memref_squeeze %dma_start3A_191 : memref<1x128x64xf32, #tpu.memory_space<vmem>> -> memref<128x64xf32, #tpu.memory_space<vmem>>
      %dma_start3A_193 = arith.constant 0 : i32
      %dma_start3A_194 = tpu.memref_slice %arg9[%add3A_121, %dma_start3A_193] : memref<10240x64xf32, #tpu.memory_space<vmem_shared>> -> memref<128x64xf32, #tpu.memory_space<vmem_shared>>
      %dma_start3A_195 = arith.constant 0 : i32
      %dma_start3A_196 = tpu.memref_slice %arg9[%add3A_121, %dma_start3A_195] : memref<10240x64xf32, #tpu.memory_space<vmem_shared>> -> memref<128x64xf32, #tpu.memory_space<vmem_shared>>
      %dma_start3A_197 = arith.constant 0 : i32
      %dma_start3A_198 = arith.constant 0 : i32
      %dma_start3A_199 = tpu.memref_slice %arg8[%run_scoped3A_122, %dma_start3A_197, %dma_start3A_198] : memref<2x128x64xf32, #tpu.memory_space<vmem>> -> memref<1x128x64xf32, #tpu.memory_space<vmem>>
      %dma_start3A_200 = tpu.memref_squeeze %dma_start3A_199 : memref<1x128x64xf32, #tpu.memory_space<vmem>> -> memref<128x64xf32, #tpu.memory_space<vmem>>
      tpu.enqueue_dma source(%dma_start3A_200 : memref<128x64xf32, #tpu.memory_space<vmem>>) target(%dma_start3A_196 : memref<128x64xf32, #tpu.memory_space<vmem_shared>>) target_semaphore(%run_scoped3A_188 : memref<!tpu.dma_semaphore, #tpu.memory_space<semaphore_mem>>)
      %dma_wait3A_201 = arith.constant 0 : i32
      %dma_wait3A_202 = arith.constant 0 : i32
      %dma_wait3A_203 = tpu.memref_slice %arg8[%run_scoped3A_122, %dma_wait3A_201, %dma_wait3A_202] : memref<2x128x64xf32, #tpu.memory_space<vmem>> -> memref<1x128x64xf32, #tpu.memory_space<vmem>>
      %dma_wait3A_204 = tpu.memref_squeeze %dma_wait3A_203 : memref<1x128x64xf32, #tpu.memory_space<vmem>> -> memref<128x64xf32, #tpu.memory_space<vmem>>
      %dma_wait3A_205 = arith.constant 0 : i32
      %dma_wait3A_206 = tpu.memref_slice %arg9[%add3A_121, %dma_wait3A_205] : memref<10240x64xf32, #tpu.memory_space<vmem_shared>> -> memref<128x64xf32, #tpu.memory_space<vmem_shared>>
      %dma_wait3A_207 = arith.constant 0 : i32
      %dma_wait3A_208 = tpu.memref_slice %arg9[%add3A_121, %dma_wait3A_207] : memref<10240x64xf32, #tpu.memory_space<vmem_shared>> -> memref<128x64xf32, #tpu.memory_space<vmem_shared>>
      %dma_wait3A_209 = arith.constant 0 : i32
      %dma_wait3A_210 = arith.constant 0 : i32
      %dma_wait3A_211 = tpu.memref_slice %arg8[%run_scoped3A_122, %dma_wait3A_209, %dma_wait3A_210] : memref<2x128x64xf32, #tpu.memory_space<vmem>> -> memref<1x128x64xf32, #tpu.memory_space<vmem>>
      %dma_wait3A_212 = tpu.memref_squeeze %dma_wait3A_211 : memref<1x128x64xf32, #tpu.memory_space<vmem>> -> memref<128x64xf32, #tpu.memory_space<vmem>>
      tpu.wait_dma2 semaphore(%run_scoped3A_188 : memref<!tpu.dma_semaphore, #tpu.memory_space<semaphore_mem>>) src(%dma_wait3A_212 : memref<128x64xf32, #tpu.memory_space<vmem>>) dst(%dma_wait3A_208 : memref<128x64xf32, #tpu.memory_space<vmem_shared>>)
      tpu.yield
    }) : () -> ()
    %mul3A_123 = arith.constant 640 : i32
    %mul3A_124 = arith.muli %arg1, %mul3A_123 : i32
    %add3A_125 = arith.constant 256 : i32
    %add3A_126 = arith.addi %mul3A_124, %add3A_125 : i32
    %run_scoped3A_127 = arith.constant 0 : i32
    "tpu.region"() ({
      %run_scoped3A_188 = tpu.sem_alloc : memref<!tpu.dma_semaphore, #tpu.memory_space<semaphore_mem>>
      %dma_start3A_189 = arith.constant 0 : i32
      %dma_start3A_190 = arith.constant 0 : i32
      %dma_start3A_191 = tpu.memref_slice %arg8[%run_scoped3A_127, %dma_start3A_189, %dma_start3A_190] : memref<2x128x64xf32, #tpu.memory_space<vmem>> -> memref<1x128x64xf32, #tpu.memory_space<vmem>>
      %dma_start3A_192 = tpu.memref_squeeze %dma_start3A_191 : memref<1x128x64xf32, #tpu.memory_space<vmem>> -> memref<128x64xf32, #tpu.memory_space<vmem>>
      %dma_start3A_193 = arith.constant 0 : i32
      %dma_start3A_194 = tpu.memref_slice %arg9[%add3A_126, %dma_start3A_193] : memref<10240x64xf32, #tpu.memory_space<vmem_shared>> -> memref<128x64xf32, #tpu.memory_space<vmem_shared>>
      %dma_start3A_195 = arith.constant 0 : i32
      %dma_start3A_196 = tpu.memref_slice %arg9[%add3A_126, %dma_start3A_195] : memref<10240x64xf32, #tpu.memory_space<vmem_shared>> -> memref<128x64xf32, #tpu.memory_space<vmem_shared>>
      %dma_start3A_197 = arith.constant 0 : i32
      %dma_start3A_198 = arith.constant 0 : i32
      %dma_start3A_199 = tpu.memref_slice %arg8[%run_scoped3A_127, %dma_start3A_197, %dma_start3A_198] : memref<2x128x64xf32, #tpu.memory_space<vmem>> -> memref<1x128x64xf32, #tpu.memory_space<vmem>>
      %dma_start3A_200 = tpu.memref_squeeze %dma_start3A_199 : memref<1x128x64xf32, #tpu.memory_space<vmem>> -> memref<128x64xf32, #tpu.memory_space<vmem>>
      tpu.enqueue_dma source(%dma_start3A_200 : memref<128x64xf32, #tpu.memory_space<vmem>>) target(%dma_start3A_196 : memref<128x64xf32, #tpu.memory_space<vmem_shared>>) target_semaphore(%run_scoped3A_188 : memref<!tpu.dma_semaphore, #tpu.memory_space<semaphore_mem>>)
      %dma_wait3A_201 = arith.constant 0 : i32
      %dma_wait3A_202 = arith.constant 0 : i32
      %dma_wait3A_203 = tpu.memref_slice %arg8[%run_scoped3A_127, %dma_wait3A_201, %dma_wait3A_202] : memref<2x128x64xf32, #tpu.memory_space<vmem>> -> memref<1x128x64xf32, #tpu.memory_space<vmem>>
      %dma_wait3A_204 = tpu.memref_squeeze %dma_wait3A_203 : memref<1x128x64xf32, #tpu.memory_space<vmem>> -> memref<128x64xf32, #tpu.memory_space<vmem>>
      %dma_wait3A_205 = arith.constant 0 : i32
      %dma_wait3A_206 = tpu.memref_slice %arg9[%add3A_126, %dma_wait3A_205] : memref<10240x64xf32, #tpu.memory_space<vmem_shared>> -> memref<128x64xf32, #tpu.memory_space<vmem_shared>>
      %dma_wait3A_207 = arith.constant 0 : i32
      %dma_wait3A_208 = tpu.memref_slice %arg9[%add3A_126, %dma_wait3A_207] : memref<10240x64xf32, #tpu.memory_space<vmem_shared>> -> memref<128x64xf32, #tpu.memory_space<vmem_shared>>
      %dma_wait3A_209 = arith.constant 0 : i32
      %dma_wait3A_210 = arith.constant 0 : i32
      %dma_wait3A_211 = tpu.memref_slice %arg8[%run_scoped3A_127, %dma_wait3A_209, %dma_wait3A_210] : memref<2x128x64xf32, #tpu.memory_space<vmem>> -> memref<1x128x64xf32, #tpu.memory_space<vmem>>
      %dma_wait3A_212 = tpu.memref_squeeze %dma_wait3A_211 : memref<1x128x64xf32, #tpu.memory_space<vmem>> -> memref<128x64xf32, #tpu.memory_space<vmem>>
      tpu.wait_dma2 semaphore(%run_scoped3A_188 : memref<!tpu.dma_semaphore, #tpu.memory_space<semaphore_mem>>) src(%dma_wait3A_212 : memref<128x64xf32, #tpu.memory_space<vmem>>) dst(%dma_wait3A_208 : memref<128x64xf32, #tpu.memory_space<vmem_shared>>)
      tpu.yield
    }) : () -> ()
    %mul3A_128 = arith.constant 640 : i32
    %mul3A_129 = arith.muli %arg1, %mul3A_128 : i32
    %add3A_130 = arith.constant 384 : i32
    %add3A_131 = arith.addi %mul3A_129, %add3A_130 : i32
    %run_scoped3A_132 = arith.constant 0 : i32
    "tpu.region"() ({
      %run_scoped3A_188 = tpu.sem_alloc : memref<!tpu.dma_semaphore, #tpu.memory_space<semaphore_mem>>
      %dma_start3A_189 = arith.constant 0 : i32
      %dma_start3A_190 = arith.constant 0 : i32
      %dma_start3A_191 = tpu.memref_slice %arg8[%run_scoped3A_132, %dma_start3A_189, %dma_start3A_190] : memref<2x128x64xf32, #tpu.memory_space<vmem>> -> memref<1x128x64xf32, #tpu.memory_space<vmem>>
      %dma_start3A_192 = tpu.memref_squeeze %dma_start3A_191 : memref<1x128x64xf32, #tpu.memory_space<vmem>> -> memref<128x64xf32, #tpu.memory_space<vmem>>
      %dma_start3A_193 = arith.constant 0 : i32
      %dma_start3A_194 = tpu.memref_slice %arg9[%add3A_131, %dma_start3A_193] : memref<10240x64xf32, #tpu.memory_space<vmem_shared>> -> memref<128x64xf32, #tpu.memory_space<vmem_shared>>
      %dma_start3A_195 = arith.constant 0 : i32
      %dma_start3A_196 = tpu.memref_slice %arg9[%add3A_131, %dma_start3A_195] : memref<10240x64xf32, #tpu.memory_space<vmem_shared>> -> memref<128x64xf32, #tpu.memory_space<vmem_shared>>
      %dma_start3A_197 = arith.constant 0 : i32
      %dma_start3A_198 = arith.constant 0 : i32
      %dma_start3A_199 = tpu.memref_slice %arg8[%run_scoped3A_132, %dma_start3A_197, %dma_start3A_198] : memref<2x128x64xf32, #tpu.memory_space<vmem>> -> memref<1x128x64xf32, #tpu.memory_space<vmem>>
      %dma_start3A_200 = tpu.memref_squeeze %dma_start3A_199 : memref<1x128x64xf32, #tpu.memory_space<vmem>> -> memref<128x64xf32, #tpu.memory_space<vmem>>
      tpu.enqueue_dma source(%dma_start3A_200 : memref<128x64xf32, #tpu.memory_space<vmem>>) target(%dma_start3A_196 : memref<128x64xf32, #tpu.memory_space<vmem_shared>>) target_semaphore(%run_scoped3A_188 : memref<!tpu.dma_semaphore, #tpu.memory_space<semaphore_mem>>)
      %dma_wait3A_201 = arith.constant 0 : i32
      %dma_wait3A_202 = arith.constant 0 : i32
      %dma_wait3A_203 = tpu.memref_slice %arg8[%run_scoped3A_132, %dma_wait3A_201, %dma_wait3A_202] : memref<2x128x64xf32, #tpu.memory_space<vmem>> -> memref<1x128x64xf32, #tpu.memory_space<vmem>>
      %dma_wait3A_204 = tpu.memref_squeeze %dma_wait3A_203 : memref<1x128x64xf32, #tpu.memory_space<vmem>> -> memref<128x64xf32, #tpu.memory_space<vmem>>
      %dma_wait3A_205 = arith.constant 0 : i32
      %dma_wait3A_206 = tpu.memref_slice %arg9[%add3A_131, %dma_wait3A_205] : memref<10240x64xf32, #tpu.memory_space<vmem_shared>> -> memref<128x64xf32, #tpu.memory_space<vmem_shared>>
      %dma_wait3A_207 = arith.constant 0 : i32
      %dma_wait3A_208 = tpu.memref_slice %arg9[%add3A_131, %dma_wait3A_207] : memref<10240x64xf32, #tpu.memory_space<vmem_shared>> -> memref<128x64xf32, #tpu.memory_space<vmem_shared>>
      %dma_wait3A_209 = arith.constant 0 : i32
      %dma_wait3A_210 = arith.constant 0 : i32
      %dma_wait3A_211 = tpu.memref_slice %arg8[%run_scoped3A_132, %dma_wait3A_209, %dma_wait3A_210] : memref<2x128x64xf32, #tpu.memory_space<vmem>> -> memref<1x128x64xf32, #tpu.memory_space<vmem>>
      %dma_wait3A_212 = tpu.memref_squeeze %dma_wait3A_211 : memref<1x128x64xf32, #tpu.memory_space<vmem>> -> memref<128x64xf32, #tpu.memory_space<vmem>>
      tpu.wait_dma2 semaphore(%run_scoped3A_188 : memref<!tpu.dma_semaphore, #tpu.memory_space<semaphore_mem>>) src(%dma_wait3A_212 : memref<128x64xf32, #tpu.memory_space<vmem>>) dst(%dma_wait3A_208 : memref<128x64xf32, #tpu.memory_space<vmem_shared>>)
      tpu.yield
    }) : () -> ()
    %mul3A_133 = arith.constant 640 : i32
    %mul3A_134 = arith.muli %arg1, %mul3A_133 : i32
    %add3A_135 = arith.constant 512 : i32
    %add3A_136 = arith.addi %mul3A_134, %add3A_135 : i32
    %run_scoped3A_137 = arith.constant 0 : i32
    "tpu.region"() ({
      %run_scoped3A_188 = tpu.sem_alloc : memref<!tpu.dma_semaphore, #tpu.memory_space<semaphore_mem>>
      %dma_start3A_189 = arith.constant 0 : i32
      %dma_start3A_190 = arith.constant 0 : i32
      %dma_start3A_191 = tpu.memref_slice %arg8[%run_scoped3A_137, %dma_start3A_189, %dma_start3A_190] : memref<2x128x64xf32, #tpu.memory_space<vmem>> -> memref<1x128x64xf32, #tpu.memory_space<vmem>>
      %dma_start3A_192 = tpu.memref_squeeze %dma_start3A_191 : memref<1x128x64xf32, #tpu.memory_space<vmem>> -> memref<128x64xf32, #tpu.memory_space<vmem>>
      %dma_start3A_193 = arith.constant 0 : i32
      %dma_start3A_194 = tpu.memref_slice %arg9[%add3A_136, %dma_start3A_193] : memref<10240x64xf32, #tpu.memory_space<vmem_shared>> -> memref<128x64xf32, #tpu.memory_space<vmem_shared>>
      %dma_start3A_195 = arith.constant 0 : i32
      %dma_start3A_196 = tpu.memref_slice %arg9[%add3A_136, %dma_start3A_195] : memref<10240x64xf32, #tpu.memory_space<vmem_shared>> -> memref<128x64xf32, #tpu.memory_space<vmem_shared>>
      %dma_start3A_197 = arith.constant 0 : i32
      %dma_start3A_198 = arith.constant 0 : i32
      %dma_start3A_199 = tpu.memref_slice %arg8[%run_scoped3A_137, %dma_start3A_197, %dma_start3A_198] : memref<2x128x64xf32, #tpu.memory_space<vmem>> -> memref<1x128x64xf32, #tpu.memory_space<vmem>>
      %dma_start3A_200 = tpu.memref_squeeze %dma_start3A_199 : memref<1x128x64xf32, #tpu.memory_space<vmem>> -> memref<128x64xf32, #tpu.memory_space<vmem>>
      tpu.enqueue_dma source(%dma_start3A_200 : memref<128x64xf32, #tpu.memory_space<vmem>>) target(%dma_start3A_196 : memref<128x64xf32, #tpu.memory_space<vmem_shared>>) target_semaphore(%run_scoped3A_188 : memref<!tpu.dma_semaphore, #tpu.memory_space<semaphore_mem>>)
      %dma_wait3A_201 = arith.constant 0 : i32
      %dma_wait3A_202 = arith.constant 0 : i32
      %dma_wait3A_203 = tpu.memref_slice %arg8[%run_scoped3A_137, %dma_wait3A_201, %dma_wait3A_202] : memref<2x128x64xf32, #tpu.memory_space<vmem>> -> memref<1x128x64xf32, #tpu.memory_space<vmem>>
      %dma_wait3A_204 = tpu.memref_squeeze %dma_wait3A_203 : memref<1x128x64xf32, #tpu.memory_space<vmem>> -> memref<128x64xf32, #tpu.memory_space<vmem>>
      %dma_wait3A_205 = arith.constant 0 : i32
      %dma_wait3A_206 = tpu.memref_slice %arg9[%add3A_136, %dma_wait3A_205] : memref<10240x64xf32, #tpu.memory_space<vmem_shared>> -> memref<128x64xf32, #tpu.memory_space<vmem_shared>>
      %dma_wait3A_207 = arith.constant 0 : i32
      %dma_wait3A_208 = tpu.memref_slice %arg9[%add3A_136, %dma_wait3A_207] : memref<10240x64xf32, #tpu.memory_space<vmem_shared>> -> memref<128x64xf32, #tpu.memory_space<vmem_shared>>
      %dma_wait3A_209 = arith.constant 0 : i32
      %dma_wait3A_210 = arith.constant 0 : i32
      %dma_wait3A_211 = tpu.memref_slice %arg8[%run_scoped3A_137, %dma_wait3A_209, %dma_wait3A_210] : memref<2x128x64xf32, #tpu.memory_space<vmem>> -> memref<1x128x64xf32, #tpu.memory_space<vmem>>
      %dma_wait3A_212 = tpu.memref_squeeze %dma_wait3A_211 : memref<1x128x64xf32, #tpu.memory_space<vmem>> -> memref<128x64xf32, #tpu.memory_space<vmem>>
      tpu.wait_dma2 semaphore(%run_scoped3A_188 : memref<!tpu.dma_semaphore, #tpu.memory_space<semaphore_mem>>) src(%dma_wait3A_212 : memref<128x64xf32, #tpu.memory_space<vmem>>) dst(%dma_wait3A_208 : memref<128x64xf32, #tpu.memory_space<vmem_shared>>)
      tpu.yield
    }) : () -> ()
    %dma_wait3A_138 = arith.constant 0 : i32
    %dma_wait3A_139 = tpu.memref_slice %arg10[%mul3A_6, %dma_wait3A_138] : memref<10240x64xf32, #tpu.memory_space<vmem_shared>> -> memref<640x64xf32, #tpu.memory_space<vmem_shared>>
    %dma_wait3A_140 = arith.constant 64 : i32
    %dma_wait3A_141 = tpu.memref_slice %arg2[%mul3A_6, %dma_wait3A_140] : memref<10240x128xf32, #tpu.memory_space<hbm>> -> memref<640x64xf32, #tpu.memory_space<hbm>>
    tpu.wait_dma2 semaphore(%arg13 : memref<!tpu.dma_semaphore, #tpu.memory_space<semaphore_mem>>) src(%dma_wait3A_141 : memref<640x64xf32, #tpu.memory_space<hbm>>) dst(%dma_wait3A_139 : memref<640x64xf32, #tpu.memory_space<vmem_shared>>)
    %barrier3A_142 = arith.constant 0 : index
    tpu.barrier barrier_id(%barrier3A_142)
    %dma_start3A_143 = arith.constant 0 : i32
    %dma_start3A_144 = arith.constant 0 : i32
    %dma_start3A_145 = arith.constant 0 : i32
    %dma_start3A_146 = arith.constant 0 : i32
    %dma_start3A_147 = arith.constant 0 : i32
    %dma_start3A_148 = tpu.memref_slice %arg8[%dma_start3A_144, %dma_start3A_146, %dma_start3A_147] : memref<2x128x64xf32, #tpu.memory_space<vmem>> -> memref<1x128x64xf32, #tpu.memory_space<vmem>>
    %dma_start3A_149 = tpu.memref_squeeze %dma_start3A_148 : memref<1x128x64xf32, #tpu.memory_space<vmem>> -> memref<128x64xf32, #tpu.memory_space<vmem>>
    %dma_start3A_150 = arith.constant 0 : i32
    %dma_start3A_151 = tpu.memref_slice %arg6[%dma_start3A_143, %dma_start3A_150] : memref<100x128xi32, #tpu.memory_space<vmem>> -> memref<1x128xi32, #tpu.memory_space<vmem>>
    %dma_start3A_152 = tpu.memref_squeeze %dma_start3A_151 : memref<1x128xi32, #tpu.memory_space<vmem>> -> memref<128xi32, #tpu.memory_space<vmem>>
    %dma_start3A_153 = arith.constant 0 : i32
    %dma_start3A_154 = arith.constant 0 : i32
    %dma_start3A_155 = tpu.memref_slice %arg10[%dma_start3A_153, %dma_start3A_154] : memref<10240x64xf32, #tpu.memory_space<vmem_shared>> -> memref<10240x64xf32, #tpu.memory_space<vmem_shared>>
    %dma_start3A_156 = tpu.memref_slice %arg11[%dma_start3A_145] : memref<2x!tpu.dma_semaphore, #tpu.memory_space<semaphore_mem>> -> memref<1x!tpu.dma_semaphore, #tpu.memory_space<semaphore_mem>>
    %dma_start3A_157 = tpu.memref_squeeze %dma_start3A_156 : memref<1x!tpu.dma_semaphore, #tpu.memory_space<semaphore_mem>> -> memref<!tpu.dma_semaphore, #tpu.memory_space<semaphore_mem>>
    tpu.enqueue_indirect_dma source(%dma_start3A_155 : memref<10240x64xf32, #tpu.memory_space<vmem_shared>>) target(%dma_start3A_149 : memref<128x64xf32, #tpu.memory_space<vmem>>) offsets(%dma_start3A_152 : memref<128xi32, #tpu.memory_space<vmem>>) semaphore(%dma_start3A_157 : memref<!tpu.dma_semaphore, #tpu.memory_space<semaphore_mem>>)
    %while3A_158 = arith.constant 0 : i32
    %while3A_159 = arith.constant 0 : i32
    %while3A_160 = arith.subi %select_n3A, %while3A_158 : i32
    %while3A_161 = arith.addi %while3A_158, %while3A_160 : i32
    %while3A_162 = arith.constant 1 : i32
    %while3A_163 = arith.divsi %while3A_160, %while3A_162 : i32
    %while3A_164 = arith.muli %while3A_163, %while3A_162 : i32
    %while3A_165 = arith.addi %while3A_158, %while3A_164 : i32
    %while3A_166 = arith.constant 1 : i32
    %while3A_167 = scf.for %while3A_188 = %while3A_158 to %while3A_165 step %while3A_166 iter_args(%while3A_189 = %while3A_159) -> (i32)  : i32 {
      %rem3A_190 = arith.constant 2 : i32
      %rem3A_191 = arith.remsi %while3A_188, %rem3A_190 : i32
      %add3A_192 = arith.constant 1 : i32
      %add3A_193 = arith.addi %while3A_188, %add3A_192 : i32
      %rem3A_194 = arith.constant 2 : i32
      %rem3A_195 = arith.remsi %add3A_193, %rem3A_194 : i32
      %ge3A = arith.constant 1 : i32
      %ge3A_196 = arith.cmpi sge, %while3A_188, %ge3A : i32
      %convert_element_type3A = arith.extui %ge3A_196 : i1 to i32
      %cond3A = arith.constant 0 : i32
      %cond3A_197 = arith.cmpi ne, %convert_element_type3A, %cond3A : i32
      scf.if %cond3A_197 {
        %dma_wait3A_228 = arith.constant 0 : i32
        %dma_wait3A_229 = arith.constant 0 : i32
        %dma_wait3A_230 = arith.constant 0 : i32
        %dma_wait3A_231 = tpu.memref_slice %arg8[%rem3A_195, %dma_wait3A_229, %dma_wait3A_230] : memref<2x128x64xf32, #tpu.memory_space<vmem>> -> memref<1x128x64xf32, #tpu.memory_space<vmem>>
        %dma_wait3A_232 = tpu.memref_squeeze %dma_wait3A_231 : memref<1x128x64xf32, #tpu.memory_space<vmem>> -> memref<128x64xf32, #tpu.memory_space<vmem>>
        %dma_wait3A_233 = arith.constant 0 : i32
        %dma_wait3A_234 = tpu.memref_slice %arg7[%dma_wait3A_228, %dma_wait3A_233] : memref<100x128xi32, #tpu.memory_space<vmem>> -> memref<1x128xi32, #tpu.memory_space<vmem>>
        %dma_wait3A_235 = tpu.memref_squeeze %dma_wait3A_234 : memref<1x128xi32, #tpu.memory_space<vmem>> -> memref<128xi32, #tpu.memory_space<vmem>>
        %dma_wait3A_236 = arith.constant 0 : i32
        %dma_wait3A_237 = arith.constant 0 : i32
        %dma_wait3A_238 = tpu.memref_slice %arg9[%dma_wait3A_236, %dma_wait3A_237] : memref<10240x64xf32, #tpu.memory_space<vmem_shared>> -> memref<10240x64xf32, #tpu.memory_space<vmem_shared>>
        %dma_wait3A_239 = tpu.memref_slice %arg12[%rem3A_195] : memref<2x!tpu.dma_semaphore, #tpu.memory_space<semaphore_mem>> -> memref<1x!tpu.dma_semaphore, #tpu.memory_space<semaphore_mem>>
        %dma_wait3A_240 = tpu.memref_squeeze %dma_wait3A_239 : memref<1x!tpu.dma_semaphore, #tpu.memory_space<semaphore_mem>> -> memref<!tpu.dma_semaphore, #tpu.memory_space<semaphore_mem>>
        tpu.wait_indirect_dma semaphore(%dma_wait3A_240 : memref<!tpu.dma_semaphore, #tpu.memory_space<semaphore_mem>>) src(%dma_wait3A_232 : memref<128x64xf32, #tpu.memory_space<vmem>>) dst(%dma_wait3A_238 : memref<10240x64xf32, #tpu.memory_space<vmem_shared>>)
      } else {
      }
      %sub3A_198 = arith.constant 1 : i32
      %sub3A_199 = arith.subi %select_n3A, %sub3A_198 : i32
      %lt3A = arith.cmpi slt, %while3A_188, %sub3A_199 : i32
      %convert_element_type3A_200 = arith.extui %lt3A : i1 to i32
      %cond3A_201 = arith.constant 0 : i32
      %cond3A_202 = arith.cmpi ne, %convert_element_type3A_200, %cond3A_201 : i32
      scf.if %cond3A_202 {
        %add3A_228 = arith.constant 1 : i32
        %add3A_229 = arith.addi %while3A_188, %add3A_228 : i32
        %dma_start3A_230 = arith.constant 0 : i32
        %dma_start3A_231 = arith.constant 0 : i32
        %dma_start3A_232 = tpu.memref_slice %arg8[%rem3A_195, %dma_start3A_230, %dma_start3A_231] : memref<2x128x64xf32, #tpu.memory_space<vmem>> -> memref<1x128x64xf32, #tpu.memory_space<vmem>>
        %dma_start3A_233 = tpu.memref_squeeze %dma_start3A_232 : memref<1x128x64xf32, #tpu.memory_space<vmem>> -> memref<128x64xf32, #tpu.memory_space<vmem>>
        %dma_start3A_234 = arith.constant 0 : i32
        %dma_start3A_235 = tpu.memref_slice %arg6[%add3A_229, %dma_start3A_234] : memref<100x128xi32, #tpu.memory_space<vmem>> -> memref<1x128xi32, #tpu.memory_space<vmem>>
        %dma_start3A_236 = tpu.memref_squeeze %dma_start3A_235 : memref<1x128xi32, #tpu.memory_space<vmem>> -> memref<128xi32, #tpu.memory_space<vmem>>
        %dma_start3A_237 = arith.constant 0 : i32
        %dma_start3A_238 = arith.constant 0 : i32
        %dma_start3A_239 = tpu.memref_slice %arg10[%dma_start3A_237, %dma_start3A_238] : memref<10240x64xf32, #tpu.memory_space<vmem_shared>> -> memref<10240x64xf32, #tpu.memory_space<vmem_shared>>
        %dma_start3A_240 = tpu.memref_slice %arg11[%rem3A_195] : memref<2x!tpu.dma_semaphore, #tpu.memory_space<semaphore_mem>> -> memref<1x!tpu.dma_semaphore, #tpu.memory_space<semaphore_mem>>
        %dma_start3A_241 = tpu.memref_squeeze %dma_start3A_240 : memref<1x!tpu.dma_semaphore, #tpu.memory_space<semaphore_mem>> -> memref<!tpu.dma_semaphore, #tpu.memory_space<semaphore_mem>>
        tpu.enqueue_indirect_dma source(%dma_start3A_239 : memref<10240x64xf32, #tpu.memory_space<vmem_shared>>) target(%dma_start3A_233 : memref<128x64xf32, #tpu.memory_space<vmem>>) offsets(%dma_start3A_236 : memref<128xi32, #tpu.memory_space<vmem>>) semaphore(%dma_start3A_241 : memref<!tpu.dma_semaphore, #tpu.memory_space<semaphore_mem>>)
      } else {
      }
      %dma_wait3A_203 = arith.constant 0 : i32
      %dma_wait3A_204 = arith.constant 0 : i32
      %dma_wait3A_205 = tpu.memref_slice %arg8[%rem3A_191, %dma_wait3A_203, %dma_wait3A_204] : memref<2x128x64xf32, #tpu.memory_space<vmem>> -> memref<1x128x64xf32, #tpu.memory_space<vmem>>
      %dma_wait3A_206 = tpu.memref_squeeze %dma_wait3A_205 : memref<1x128x64xf32, #tpu.memory_space<vmem>> -> memref<128x64xf32, #tpu.memory_space<vmem>>
      %dma_wait3A_207 = arith.constant 0 : i32
      %dma_wait3A_208 = tpu.memref_slice %arg6[%while3A_188, %dma_wait3A_207] : memref<100x128xi32, #tpu.memory_space<vmem>> -> memref<1x128xi32, #tpu.memory_space<vmem>>
      %dma_wait3A_209 = tpu.memref_squeeze %dma_wait3A_208 : memref<1x128xi32, #tpu.memory_space<vmem>> -> memref<128xi32, #tpu.memory_space<vmem>>
      %dma_wait3A_210 = arith.constant 0 : i32
      %dma_wait3A_211 = arith.constant 0 : i32
      %dma_wait3A_212 = tpu.memref_slice %arg10[%dma_wait3A_210, %dma_wait3A_211] : memref<10240x64xf32, #tpu.memory_space<vmem_shared>> -> memref<10240x64xf32, #tpu.memory_space<vmem_shared>>
      %dma_wait3A_213 = tpu.memref_slice %arg11[%rem3A_191] : memref<2x!tpu.dma_semaphore, #tpu.memory_space<semaphore_mem>> -> memref<1x!tpu.dma_semaphore, #tpu.memory_space<semaphore_mem>>
      %dma_wait3A_214 = tpu.memref_squeeze %dma_wait3A_213 : memref<1x!tpu.dma_semaphore, #tpu.memory_space<semaphore_mem>> -> memref<!tpu.dma_semaphore, #tpu.memory_space<semaphore_mem>>
      tpu.wait_indirect_dma semaphore(%dma_wait3A_214 : memref<!tpu.dma_semaphore, #tpu.memory_space<semaphore_mem>>) src(%dma_wait3A_212 : memref<10240x64xf32, #tpu.memory_space<vmem_shared>>) dst(%dma_wait3A_206 : memref<128x64xf32, #tpu.memory_space<vmem>>)
      %dma_start3A_215 = arith.constant 0 : i32
      %dma_start3A_216 = arith.constant 0 : i32
      %dma_start3A_217 = tpu.memref_slice %arg8[%rem3A_191, %dma_start3A_215, %dma_start3A_216] : memref<2x128x64xf32, #tpu.memory_space<vmem>> -> memref<1x128x64xf32, #tpu.memory_space<vmem>>
      %dma_start3A_218 = tpu.memref_squeeze %dma_start3A_217 : memref<1x128x64xf32, #tpu.memory_space<vmem>> -> memref<128x64xf32, #tpu.memory_space<vmem>>
      %dma_start3A_219 = arith.constant 0 : i32
      %dma_start3A_220 = tpu.memref_slice %arg7[%while3A_188, %dma_start3A_219] : memref<100x128xi32, #tpu.memory_space<vmem>> -> memref<1x128xi32, #tpu.memory_space<vmem>>
      %dma_start3A_221 = tpu.memref_squeeze %dma_start3A_220 : memref<1x128xi32, #tpu.memory_space<vmem>> -> memref<128xi32, #tpu.memory_space<vmem>>
      %dma_start3A_222 = arith.constant 0 : i32
      %dma_start3A_223 = arith.constant 0 : i32
      %dma_start3A_224 = tpu.memref_slice %arg9[%dma_start3A_222, %dma_start3A_223] : memref<10240x64xf32, #tpu.memory_space<vmem_shared>> -> memref<10240x64xf32, #tpu.memory_space<vmem_shared>>
      %dma_start3A_225 = tpu.memref_slice %arg12[%rem3A_191] : memref<2x!tpu.dma_semaphore, #tpu.memory_space<semaphore_mem>> -> memref<1x!tpu.dma_semaphore, #tpu.memory_space<semaphore_mem>>
      %dma_start3A_226 = tpu.memref_squeeze %dma_start3A_225 : memref<1x!tpu.dma_semaphore, #tpu.memory_space<semaphore_mem>> -> memref<!tpu.dma_semaphore, #tpu.memory_space<semaphore_mem>>
      tpu.enqueue_indirect_dma source(%dma_start3A_218 : memref<128x64xf32, #tpu.memory_space<vmem>>) target(%dma_start3A_224 : memref<10240x64xf32, #tpu.memory_space<vmem_shared>>) offsets(%dma_start3A_221 : memref<128xi32, #tpu.memory_space<vmem>>) semaphore(%dma_start3A_226 : memref<!tpu.dma_semaphore, #tpu.memory_space<semaphore_mem>>) {add = true}
      %while3A_227 = arith.constant 0 : i32
      scf.yield %while3A_227 : i32
    }
    %while3A_168 = arith.constant 1 : i32
    %while3A_169 = scf.for %while3A_188 = %while3A_165 to %while3A_161 step %while3A_168 iter_args(%while3A_189 = %while3A_167) -> (i32)  : i32 {
      %rem3A_190 = arith.constant 2 : i32
      %rem3A_191 = arith.remsi %while3A_188, %rem3A_190 : i32
      %add3A_192 = arith.constant 1 : i32
      %add3A_193 = arith.addi %while3A_188, %add3A_192 : i32
      %rem3A_194 = arith.constant 2 : i32
      %rem3A_195 = arith.remsi %add3A_193, %rem3A_194 : i32
      %ge3A = arith.constant 1 : i32
      %ge3A_196 = arith.cmpi sge, %while3A_188, %ge3A : i32
      %convert_element_type3A = arith.extui %ge3A_196 : i1 to i32
      %cond3A = arith.constant 0 : i32
      %cond3A_197 = arith.cmpi ne, %convert_element_type3A, %cond3A : i32
      scf.if %cond3A_197 {
        %dma_wait3A_228 = arith.constant 0 : i32
        %dma_wait3A_229 = arith.constant 0 : i32
        %dma_wait3A_230 = arith.constant 0 : i32
        %dma_wait3A_231 = tpu.memref_slice %arg8[%rem3A_195, %dma_wait3A_229, %dma_wait3A_230] : memref<2x128x64xf32, #tpu.memory_space<vmem>> -> memref<1x128x64xf32, #tpu.memory_space<vmem>>
        %dma_wait3A_232 = tpu.memref_squeeze %dma_wait3A_231 : memref<1x128x64xf32, #tpu.memory_space<vmem>> -> memref<128x64xf32, #tpu.memory_space<vmem>>
        %dma_wait3A_233 = arith.constant 0 : i32
        %dma_wait3A_234 = tpu.memref_slice %arg7[%dma_wait3A_228, %dma_wait3A_233] : memref<100x128xi32, #tpu.memory_space<vmem>> -> memref<1x128xi32, #tpu.memory_space<vmem>>
        %dma_wait3A_235 = tpu.memref_squeeze %dma_wait3A_234 : memref<1x128xi32, #tpu.memory_space<vmem>> -> memref<128xi32, #tpu.memory_space<vmem>>
        %dma_wait3A_236 = arith.constant 0 : i32
        %dma_wait3A_237 = arith.constant 0 : i32
        %dma_wait3A_238 = tpu.memref_slice %arg9[%dma_wait3A_236, %dma_wait3A_237] : memref<10240x64xf32, #tpu.memory_space<vmem_shared>> -> memref<10240x64xf32, #tpu.memory_space<vmem_shared>>
        %dma_wait3A_239 = tpu.memref_slice %arg12[%rem3A_195] : memref<2x!tpu.dma_semaphore, #tpu.memory_space<semaphore_mem>> -> memref<1x!tpu.dma_semaphore, #tpu.memory_space<semaphore_mem>>
        %dma_wait3A_240 = tpu.memref_squeeze %dma_wait3A_239 : memref<1x!tpu.dma_semaphore, #tpu.memory_space<semaphore_mem>> -> memref<!tpu.dma_semaphore, #tpu.memory_space<semaphore_mem>>
        tpu.wait_indirect_dma semaphore(%dma_wait3A_240 : memref<!tpu.dma_semaphore, #tpu.memory_space<semaphore_mem>>) src(%dma_wait3A_232 : memref<128x64xf32, #tpu.memory_space<vmem>>) dst(%dma_wait3A_238 : memref<10240x64xf32, #tpu.memory_space<vmem_shared>>)
      } else {
      }
      %sub3A_198 = arith.constant 1 : i32
      %sub3A_199 = arith.subi %select_n3A, %sub3A_198 : i32
      %lt3A = arith.cmpi slt, %while3A_188, %sub3A_199 : i32
      %convert_element_type3A_200 = arith.extui %lt3A : i1 to i32
      %cond3A_201 = arith.constant 0 : i32
      %cond3A_202 = arith.cmpi ne, %convert_element_type3A_200, %cond3A_201 : i32
      scf.if %cond3A_202 {
        %add3A_228 = arith.constant 1 : i32
        %add3A_229 = arith.addi %while3A_188, %add3A_228 : i32
        %dma_start3A_230 = arith.constant 0 : i32
        %dma_start3A_231 = arith.constant 0 : i32
        %dma_start3A_232 = tpu.memref_slice %arg8[%rem3A_195, %dma_start3A_230, %dma_start3A_231] : memref<2x128x64xf32, #tpu.memory_space<vmem>> -> memref<1x128x64xf32, #tpu.memory_space<vmem>>
        %dma_start3A_233 = tpu.memref_squeeze %dma_start3A_232 : memref<1x128x64xf32, #tpu.memory_space<vmem>> -> memref<128x64xf32, #tpu.memory_space<vmem>>
        %dma_start3A_234 = arith.constant 0 : i32
        %dma_start3A_235 = tpu.memref_slice %arg6[%add3A_229, %dma_start3A_234] : memref<100x128xi32, #tpu.memory_space<vmem>> -> memref<1x128xi32, #tpu.memory_space<vmem>>
        %dma_start3A_236 = tpu.memref_squeeze %dma_start3A_235 : memref<1x128xi32, #tpu.memory_space<vmem>> -> memref<128xi32, #tpu.memory_space<vmem>>
        %dma_start3A_237 = arith.constant 0 : i32
        %dma_start3A_238 = arith.constant 0 : i32
        %dma_start3A_239 = tpu.memref_slice %arg10[%dma_start3A_237, %dma_start3A_238] : memref<10240x64xf32, #tpu.memory_space<vmem_shared>> -> memref<10240x64xf32, #tpu.memory_space<vmem_shared>>
        %dma_start3A_240 = tpu.memref_slice %arg11[%rem3A_195] : memref<2x!tpu.dma_semaphore, #tpu.memory_space<semaphore_mem>> -> memref<1x!tpu.dma_semaphore, #tpu.memory_space<semaphore_mem>>
        %dma_start3A_241 = tpu.memref_squeeze %dma_start3A_240 : memref<1x!tpu.dma_semaphore, #tpu.memory_space<semaphore_mem>> -> memref<!tpu.dma_semaphore, #tpu.memory_space<semaphore_mem>>
        tpu.enqueue_indirect_dma source(%dma_start3A_239 : memref<10240x64xf32, #tpu.memory_space<vmem_shared>>) target(%dma_start3A_233 : memref<128x64xf32, #tpu.memory_space<vmem>>) offsets(%dma_start3A_236 : memref<128xi32, #tpu.memory_space<vmem>>) semaphore(%dma_start3A_241 : memref<!tpu.dma_semaphore, #tpu.memory_space<semaphore_mem>>)
      } else {
      }
      %dma_wait3A_203 = arith.constant 0 : i32
      %dma_wait3A_204 = arith.constant 0 : i32
      %dma_wait3A_205 = tpu.memref_slice %arg8[%rem3A_191, %dma_wait3A_203, %dma_wait3A_204] : memref<2x128x64xf32, #tpu.memory_space<vmem>> -> memref<1x128x64xf32, #tpu.memory_space<vmem>>
      %dma_wait3A_206 = tpu.memref_squeeze %dma_wait3A_205 : memref<1x128x64xf32, #tpu.memory_space<vmem>> -> memref<128x64xf32, #tpu.memory_space<vmem>>
      %dma_wait3A_207 = arith.constant 0 : i32
      %dma_wait3A_208 = tpu.memref_slice %arg6[%while3A_188, %dma_wait3A_207] : memref<100x128xi32, #tpu.memory_space<vmem>> -> memref<1x128xi32, #tpu.memory_space<vmem>>
      %dma_wait3A_209 = tpu.memref_squeeze %dma_wait3A_208 : memref<1x128xi32, #tpu.memory_space<vmem>> -> memref<128xi32, #tpu.memory_space<vmem>>
      %dma_wait3A_210 = arith.constant 0 : i32
      %dma_wait3A_211 = arith.constant 0 : i32
      %dma_wait3A_212 = tpu.memref_slice %arg10[%dma_wait3A_210, %dma_wait3A_211] : memref<10240x64xf32, #tpu.memory_space<vmem_shared>> -> memref<10240x64xf32, #tpu.memory_space<vmem_shared>>
      %dma_wait3A_213 = tpu.memref_slice %arg11[%rem3A_191] : memref<2x!tpu.dma_semaphore, #tpu.memory_space<semaphore_mem>> -> memref<1x!tpu.dma_semaphore, #tpu.memory_space<semaphore_mem>>
      %dma_wait3A_214 = tpu.memref_squeeze %dma_wait3A_213 : memref<1x!tpu.dma_semaphore, #tpu.memory_space<semaphore_mem>> -> memref<!tpu.dma_semaphore, #tpu.memory_space<semaphore_mem>>
      tpu.wait_indirect_dma semaphore(%dma_wait3A_214 : memref<!tpu.dma_semaphore, #tpu.memory_space<semaphore_mem>>) src(%dma_wait3A_212 : memref<10240x64xf32, #tpu.memory_space<vmem_shared>>) dst(%dma_wait3A_206 : memref<128x64xf32, #tpu.memory_space<vmem>>)
      %dma_start3A_215 = arith.constant 0 : i32
      %dma_start3A_216 = arith.constant 0 : i32
      %dma_start3A_217 = tpu.memref_slice %arg8[%rem3A_191, %dma_start3A_215, %dma_start3A_216] : memref<2x128x64xf32, #tpu.memory_space<vmem>> -> memref<1x128x64xf32, #tpu.memory_space<vmem>>
      %dma_start3A_218 = tpu.memref_squeeze %dma_start3A_217 : memref<1x128x64xf32, #tpu.memory_space<vmem>> -> memref<128x64xf32, #tpu.memory_space<vmem>>
      %dma_start3A_219 = arith.constant 0 : i32
      %dma_start3A_220 = tpu.memref_slice %arg7[%while3A_188, %dma_start3A_219] : memref<100x128xi32, #tpu.memory_space<vmem>> -> memref<1x128xi32, #tpu.memory_space<vmem>>
      %dma_start3A_221 = tpu.memref_squeeze %dma_start3A_220 : memref<1x128xi32, #tpu.memory_space<vmem>> -> memref<128xi32, #tpu.memory_space<vmem>>
      %dma_start3A_222 = arith.constant 0 : i32
      %dma_start3A_223 = arith.constant 0 : i32
      %dma_start3A_224 = tpu.memref_slice %arg9[%dma_start3A_222, %dma_start3A_223] : memref<10240x64xf32, #tpu.memory_space<vmem_shared>> -> memref<10240x64xf32, #tpu.memory_space<vmem_shared>>
      %dma_start3A_225 = tpu.memref_slice %arg12[%rem3A_191] : memref<2x!tpu.dma_semaphore, #tpu.memory_space<semaphore_mem>> -> memref<1x!tpu.dma_semaphore, #tpu.memory_space<semaphore_mem>>
      %dma_start3A_226 = tpu.memref_squeeze %dma_start3A_225 : memref<1x!tpu.dma_semaphore, #tpu.memory_space<semaphore_mem>> -> memref<!tpu.dma_semaphore, #tpu.memory_space<semaphore_mem>>
      tpu.enqueue_indirect_dma source(%dma_start3A_218 : memref<128x64xf32, #tpu.memory_space<vmem>>) target(%dma_start3A_224 : memref<10240x64xf32, #tpu.memory_space<vmem_shared>>) offsets(%dma_start3A_221 : memref<128xi32, #tpu.memory_space<vmem>>) semaphore(%dma_start3A_226 : memref<!tpu.dma_semaphore, #tpu.memory_space<semaphore_mem>>) {add = true}
      %while3A_227 = arith.constant 0 : i32
      scf.yield %while3A_227 : i32
    }
    %sub3A_170 = arith.constant 1 : i32
    %sub3A_171 = arith.subi %select_n3A, %sub3A_170 : i32
    %rem3A_172 = arith.constant 2 : i32
    %rem3A_173 = arith.remsi %sub3A_171, %rem3A_172 : i32
    %dma_wait3A_174 = arith.constant 0 : i32
    %dma_wait3A_175 = arith.constant 0 : i32
    %dma_wait3A_176 = arith.constant 0 : i32
    %dma_wait3A_177 = tpu.memref_slice %arg8[%rem3A_173, %dma_wait3A_175, %dma_wait3A_176] : memref<2x128x64xf32, #tpu.memory_space<vmem>> -> memref<1x128x64xf32, #tpu.memory_space<vmem>>
    %dma_wait3A_178 = tpu.memref_squeeze %dma_wait3A_177 : memref<1x128x64xf32, #tpu.memory_space<vmem>> -> memref<128x64xf32, #tpu.memory_space<vmem>>
    %dma_wait3A_179 = arith.constant 0 : i32
    %dma_wait3A_180 = tpu.memref_slice %arg7[%dma_wait3A_174, %dma_wait3A_179] : memref<100x128xi32, #tpu.memory_space<vmem>> -> memref<1x128xi32, #tpu.memory_space<vmem>>
    %dma_wait3A_181 = tpu.memref_squeeze %dma_wait3A_180 : memref<1x128xi32, #tpu.memory_space<vmem>> -> memref<128xi32, #tpu.memory_space<vmem>>
    %dma_wait3A_182 = arith.constant 0 : i32
    %dma_wait3A_183 = arith.constant 0 : i32
    %dma_wait3A_184 = tpu.memref_slice %arg9[%dma_wait3A_182, %dma_wait3A_183] : memref<10240x64xf32, #tpu.memory_space<vmem_shared>> -> memref<10240x64xf32, #tpu.memory_space<vmem_shared>>
    %dma_wait3A_185 = tpu.memref_slice %arg12[%rem3A_173] : memref<2x!tpu.dma_semaphore, #tpu.memory_space<semaphore_mem>> -> memref<1x!tpu.dma_semaphore, #tpu.memory_space<semaphore_mem>>
    %dma_wait3A_186 = tpu.memref_squeeze %dma_wait3A_185 : memref<1x!tpu.dma_semaphore, #tpu.memory_space<semaphore_mem>> -> memref<!tpu.dma_semaphore, #tpu.memory_space<semaphore_mem>>
    tpu.wait_indirect_dma semaphore(%dma_wait3A_186 : memref<!tpu.dma_semaphore, #tpu.memory_space<semaphore_mem>>) src(%dma_wait3A_178 : memref<128x64xf32, #tpu.memory_space<vmem>>) dst(%dma_wait3A_184 : memref<10240x64xf32, #tpu.memory_space<vmem_shared>>)
    %barrier3A_187 = arith.constant 0 : index
    tpu.barrier barrier_id(%barrier3A_187)
    "tpu.region"() ({
      %run_scoped3A_188 = tpu.sem_alloc : memref<!tpu.dma_semaphore, #tpu.memory_space<semaphore_mem>>
      %dma_start3A_189 = arith.constant 64 : i32
      %dma_start3A_190 = tpu.memref_slice %arg5[%arg0, %mul3A_6, %dma_start3A_189] : memref<2x10240x128xf32, #tpu.memory_space<hbm>> -> memref<1x640x64xf32, #tpu.memory_space<hbm>>
      %dma_start3A_191 = tpu.memref_squeeze %dma_start3A_190 : memref<1x640x64xf32, #tpu.memory_space<hbm>> -> memref<640x64xf32, #tpu.memory_space<hbm>>
      %dma_start3A_192 = arith.constant 0 : i32
      %dma_start3A_193 = tpu.memref_slice %arg9[%mul3A_6, %dma_start3A_192] : memref<10240x64xf32, #tpu.memory_space<vmem_shared>> -> memref<640x64xf32, #tpu.memory_space<vmem_shared>>
      tpu.enqueue_dma source(%dma_start3A_193 : memref<640x64xf32, #tpu.memory_space<vmem_shared>>) target(%dma_start3A_191 : memref<640x64xf32, #tpu.memory_space<hbm>>) target_semaphore(%run_scoped3A_188 : memref<!tpu.dma_semaphore, #tpu.memory_space<semaphore_mem>>)
      %dma_wait3A_194 = arith.constant 64 : i32
      %dma_wait3A_195 = tpu.memref_slice %arg5[%arg0, %mul3A_6, %dma_wait3A_194] : memref<2x10240x128xf32, #tpu.memory_space<hbm>> -> memref<1x640x64xf32, #tpu.memory_space<hbm>>
      %dma_wait3A_196 = tpu.memref_squeeze %dma_wait3A_195 : memref<1x640x64xf32, #tpu.memory_space<hbm>> -> memref<640x64xf32, #tpu.memory_space<hbm>>
      %dma_wait3A_197 = arith.constant 0 : i32
      %dma_wait3A_198 = tpu.memref_slice %arg9[%mul3A_6, %dma_wait3A_197] : memref<10240x64xf32, #tpu.memory_space<vmem_shared>> -> memref<640x64xf32, #tpu.memory_space<vmem_shared>>
      tpu.wait_dma2 semaphore(%run_scoped3A_188 : memref<!tpu.dma_semaphore, #tpu.memory_space<semaphore_mem>>) src(%dma_wait3A_198 : memref<640x64xf32, #tpu.memory_space<vmem_shared>>) dst(%dma_wait3A_196 : memref<640x64xf32, #tpu.memory_space<hbm>>)
      tpu.yield
    }) : () -> ()
    return
  }
}

#map = affine_map<(d0, d1) -> (0, 0)>
#map1 = affine_map<(d0, d1) -> (0, 0, 0)>
module attributes {stable_mosaic.version = 14 : i64} {
  func.func @k(%arg0: i32, %arg1: i32, %arg2: memref<10240x64xf32, #tpu.memory_space<hbm>>, %arg3: memref<2692x128xi32, #tpu.memory_space<hbm>>, %arg4: memref<2692x128xi32, #tpu.memory_space<hbm>>, %arg5: memref<2x10240x64xf32, #tpu.memory_space<hbm>>, %arg6: memref<100x128xi32, #tpu.memory_space<vmem>>, %arg7: memref<100x128xi32, #tpu.memory_space<vmem>>, %arg8: memref<2x128x64xf32, #tpu.memory_space<vmem>>, %arg9: memref<10240x64xf32, #tpu.memory_space<vmem_shared>>, %arg10: memref<10240x64xf32, #tpu.memory_space<vmem_shared>>, %arg11: memref<2x!tpu.dma_semaphore, #tpu.memory_space<semaphore_mem>>, %arg12: memref<2x!tpu.dma_semaphore, #tpu.memory_space<semaphore_mem>>, %arg13: memref<!tpu.dma_semaphore, #tpu.memory_space<semaphore_mem>>) attributes {dimension_semantics = [#tpu.dimension_semantics<core_parallel>, #tpu.dimension_semantics<subcore_parallel>], iteration_bounds = array<i64: 2, 16>, scalar_prefetch = 0 : i64, scratch_operands = 8 : i64, tpu.core_type = #tpu.core_type<sc_vector_subcore>, window_params = [{transform_indices = #map}, {transform_indices = #map}, {transform_indices = #map}, {transform_indices = #map1}]} {
    %mul3A = arith.constant 162 : i32
    %mul3A_0 = arith.muli %arg1, %mul3A : i32
    %mul3A_1 = arith.constant 81 : i32
    %mul3A_2 = arith.muli %arg0, %mul3A_1 : i32
    %add3A = arith.addi %mul3A_0, %mul3A_2 : i32
    %eq3A = arith.constant 0 : i32
    %eq3A_3 = arith.cmpi eq, %arg0, %eq3A : i32
    %jit3A = arith.constant 81 : i32
    %jit3A_4 = arith.constant 81 : i32
    %select_n3A = arith.select %eq3A_3, %jit3A, %jit3A_4 : i32
    %mul3A_5 = arith.constant 640 : i32
    %mul3A_6 = arith.muli %arg1, %mul3A_5 : i32
    %dma_start3A = arith.constant 0 : i32
    %dma_start3A_7 = tpu.memref_slice %arg3[%add3A, %dma_start3A] : memref<2692x128xi32, #tpu.memory_space<hbm>> -> memref<100x128xi32, #tpu.memory_space<hbm>>
    %dma_start3A_8 = arith.constant 0 : i32
    %dma_start3A_9 = tpu.memref_slice %arg3[%add3A, %dma_start3A_8] : memref<2692x128xi32, #tpu.memory_space<hbm>> -> memref<100x128xi32, #tpu.memory_space<hbm>>
    tpu.enqueue_dma source(%dma_start3A_9 : memref<100x128xi32, #tpu.memory_space<hbm>>) target(%arg6 : memref<100x128xi32, #tpu.memory_space<vmem>>) target_semaphore(%arg13 : memref<!tpu.dma_semaphore, #tpu.memory_space<semaphore_mem>>)
    %dma_start3A_10 = arith.constant 0 : i32
    %dma_start3A_11 = tpu.memref_slice %arg4[%add3A, %dma_start3A_10] : memref<2692x128xi32, #tpu.memory_space<hbm>> -> memref<100x128xi32, #tpu.memory_space<hbm>>
    %dma_start3A_12 = arith.constant 0 : i32
    %dma_start3A_13 = tpu.memref_slice %arg4[%add3A, %dma_start3A_12] : memref<2692x128xi32, #tpu.memory_space<hbm>> -> memref<100x128xi32, #tpu.memory_space<hbm>>
    tpu.enqueue_dma source(%dma_start3A_13 : memref<100x128xi32, #tpu.memory_space<hbm>>) target(%arg7 : memref<100x128xi32, #tpu.memory_space<vmem>>) target_semaphore(%arg13 : memref<!tpu.dma_semaphore, #tpu.memory_space<semaphore_mem>>)
    %dma_start3A_14 = arith.constant 0 : i32
    %dma_start3A_15 = tpu.memref_slice %arg10[%mul3A_6, %dma_start3A_14] : memref<10240x64xf32, #tpu.memory_space<vmem_shared>> -> memref<640x64xf32, #tpu.memory_space<vmem_shared>>
    %dma_start3A_16 = arith.constant 0 : i32
    %dma_start3A_17 = tpu.memref_slice %arg2[%mul3A_6, %dma_start3A_16] : memref<10240x64xf32, #tpu.memory_space<hbm>> -> memref<640x64xf32, #tpu.memory_space<hbm>>
    tpu.enqueue_dma source(%dma_start3A_17 : memref<640x64xf32, #tpu.memory_space<hbm>>) target(%dma_start3A_15 : memref<640x64xf32, #tpu.memory_space<vmem_shared>>) target_semaphore(%arg13 : memref<!tpu.dma_semaphore, #tpu.memory_space<semaphore_mem>>)
    %broadcast_in_dim3A = arith.constant 0.000000e+00 : f32
    %broadcast_in_dim3A_18 = vector.broadcast %broadcast_in_dim3A : f32 to vector<16xf32>
    %scan3A = arith.constant 0 : i32
    %scan3A_19 = arith.constant 0 : i32
    %scan3A_20 = arith.constant 128 : i32
    %scan3A_21 = arith.addi %scan3A_19, %scan3A_20 : i32
    %scan3A_22 = arith.constant 1 : i32
    %scan3A_23 = scf.for %scan3A_102 = %scan3A_19 to %scan3A_21 step %scan3A_22 iter_args(%scan3A_103 = %scan3A) -> (i32)  : i32 {
      %swap3A = arith.constant 0 : i32
      %swap3A_104 = arith.index_cast %swap3A : i32 to index
      %swap3A_105 = arith.index_cast %scan3A_102 : i32 to index
      %swap3A_106 = arith.constant 0 : index
      %swap3A_107 = tpu.vector_load %arg8[%swap3A_104, %swap3A_105, %swap3A_106] {strides = array<i32>} : memref<2x128x64xf32, #tpu.memory_space<vmem>>, vector<1x1x16xf32>,
      %swap3A_108 = vector.shape_cast %swap3A_107 : vector<1x1x16xf32> to vector<16xf32>
      %swap3A_109 = vector.shape_cast %broadcast_in_dim3A_18 : vector<16xf32> to vector<1x1x16xf32>
      tpu.vector_store %arg8[%swap3A_104, %swap3A_105, %swap3A_106], %swap3A_109 {strides = array<i32>} : memref<2x128x64xf32, #tpu.memory_space<vmem>>, vector<1x1x16xf32>,
      %swap3A_110 = arith.constant 0 : i32
      %swap3A_111 = arith.index_cast %swap3A_110 : i32 to index
      %swap3A_112 = arith.index_cast %scan3A_102 : i32 to index
      %swap3A_113 = arith.constant 16 : index
      %swap3A_114 = tpu.vector_load %arg8[%swap3A_111, %swap3A_112, %swap3A_113] {strides = array<i32>} : memref<2x128x64xf32, #tpu.memory_space<vmem>>, vector<1x1x16xf32>,
      %swap3A_115 = vector.shape_cast %swap3A_114 : vector<1x1x16xf32> to vector<16xf32>
      %swap3A_116 = vector.shape_cast %broadcast_in_dim3A_18 : vector<16xf32> to vector<1x1x16xf32>
      tpu.vector_store %arg8[%swap3A_111, %swap3A_112, %swap3A_113], %swap3A_116 {strides = array<i32>} : memref<2x128x64xf32, #tpu.memory_space<vmem>>, vector<1x1x16xf32>,
      %swap3A_117 = arith.constant 0 : i32
      %swap3A_118 = arith.index_cast %swap3A_117 : i32 to index
      %swap3A_119 = arith.index_cast %scan3A_102 : i32 to index
      %swap3A_120 = arith.constant 32 : index
      %swap3A_121 = tpu.vector_load %arg8[%swap3A_118, %swap3A_119, %swap3A_120] {strides = array<i32>} : memref<2x128x64xf32, #tpu.memory_space<vmem>>, vector<1x1x16xf32>,
      %swap3A_122 = vector.shape_cast %swap3A_121 : vector<1x1x16xf32> to vector<16xf32>
      %swap3A_123 = vector.shape_cast %broadcast_in_dim3A_18 : vector<16xf32> to vector<1x1x16xf32>
      tpu.vector_store %arg8[%swap3A_118, %swap3A_119, %swap3A_120], %swap3A_123 {strides = array<i32>} : memref<2x128x64xf32, #tpu.memory_space<vmem>>, vector<1x1x16xf32>,
      %swap3A_124 = arith.constant 0 : i32
      %swap3A_125 = arith.index_cast %swap3A_124 : i32 to index
      %swap3A_126 = arith.index_cast %scan3A_102 : i32 to index
      %swap3A_127 = arith.constant 48 : index
      %swap3A_128 = tpu.vector_load %arg8[%swap3A_125, %swap3A_126, %swap3A_127] {strides = array<i32>} : memref<2x128x64xf32, #tpu.memory_space<vmem>>, vector<1x1x16xf32>,
      %swap3A_129 = vector.shape_cast %swap3A_128 : vector<1x1x16xf32> to vector<16xf32>
      %swap3A_130 = vector.shape_cast %broadcast_in_dim3A_18 : vector<16xf32> to vector<1x1x16xf32>
      tpu.vector_store %arg8[%swap3A_125, %swap3A_126, %swap3A_127], %swap3A_130 {strides = array<i32>} : memref<2x128x64xf32, #tpu.memory_space<vmem>>, vector<1x1x16xf32>,
      %scan3A_131 = arith.constant 0 : i32
      scf.yield %scan3A_131 : i32
    }
    %scan3A_24 = arith.constant 128 : i32
    %mul3A_25 = arith.constant 640 : i32
    %mul3A_26 = arith.muli %arg1, %mul3A_25 : i32
    %add3A_27 = arith.constant 0 : i32
    %add3A_28 = arith.addi %mul3A_26, %add3A_27 : i32
    %run_scoped3A = arith.constant 0 : i32
    "tpu.region"() ({
      %run_scoped3A_102 = tpu.sem_alloc : memref<!tpu.dma_semaphore, #tpu.memory_space<semaphore_mem>>
      %dma_start3A_103 = arith.constant 0 : i32
      %dma_start3A_104 = arith.constant 0 : i32
      %dma_start3A_105 = tpu.memref_slice %arg8[%run_scoped3A, %dma_start3A_103, %dma_start3A_104] : memref<2x128x64xf32, #tpu.memory_space<vmem>> -> memref<1x128x64xf32, #tpu.memory_space<vmem>>
      %dma_start3A_106 = tpu.memref_squeeze %dma_start3A_105 : memref<1x128x64xf32, #tpu.memory_space<vmem>> -> memref<128x64xf32, #tpu.memory_space<vmem>>
      %dma_start3A_107 = arith.constant 0 : i32
      %dma_start3A_108 = tpu.memref_slice %arg9[%add3A_28, %dma_start3A_107] : memref<10240x64xf32, #tpu.memory_space<vmem_shared>> -> memref<128x64xf32, #tpu.memory_space<vmem_shared>>
      %dma_start3A_109 = arith.constant 0 : i32
      %dma_start3A_110 = tpu.memref_slice %arg9[%add3A_28, %dma_start3A_109] : memref<10240x64xf32, #tpu.memory_space<vmem_shared>> -> memref<128x64xf32, #tpu.memory_space<vmem_shared>>
      %dma_start3A_111 = arith.constant 0 : i32
      %dma_start3A_112 = arith.constant 0 : i32
      %dma_start3A_113 = tpu.memref_slice %arg8[%run_scoped3A, %dma_start3A_111, %dma_start3A_112] : memref<2x128x64xf32, #tpu.memory_space<vmem>> -> memref<1x128x64xf32, #tpu.memory_space<vmem>>
      %dma_start3A_114 = tpu.memref_squeeze %dma_start3A_113 : memref<1x128x64xf32, #tpu.memory_space<vmem>> -> memref<128x64xf32, #tpu.memory_space<vmem>>
      tpu.enqueue_dma source(%dma_start3A_114 : memref<128x64xf32, #tpu.memory_space<vmem>>) target(%dma_start3A_110 : memref<128x64xf32, #tpu.memory_space<vmem_shared>>) target_semaphore(%run_scoped3A_102 : memref<!tpu.dma_semaphore, #tpu.memory_space<semaphore_mem>>)
      %dma_wait3A_115 = arith.constant 0 : i32
      %dma_wait3A_116 = arith.constant 0 : i32
      %dma_wait3A_117 = tpu.memref_slice %arg8[%run_scoped3A, %dma_wait3A_115, %dma_wait3A_116] : memref<2x128x64xf32, #tpu.memory_space<vmem>> -> memref<1x128x64xf32, #tpu.memory_space<vmem>>
      %dma_wait3A_118 = tpu.memref_squeeze %dma_wait3A_117 : memref<1x128x64xf32, #tpu.memory_space<vmem>> -> memref<128x64xf32, #tpu.memory_space<vmem>>
      %dma_wait3A_119 = arith.constant 0 : i32
      %dma_wait3A_120 = tpu.memref_slice %arg9[%add3A_28, %dma_wait3A_119] : memref<10240x64xf32, #tpu.memory_space<vmem_shared>> -> memref<128x64xf32, #tpu.memory_space<vmem_shared>>
      %dma_wait3A_121 = arith.constant 0 : i32
      %dma_wait3A_122 = tpu.memref_slice %arg9[%add3A_28, %dma_wait3A_121] : memref<10240x64xf32, #tpu.memory_space<vmem_shared>> -> memref<128x64xf32, #tpu.memory_space<vmem_shared>>
      %dma_wait3A_123 = arith.constant 0 : i32
      %dma_wait3A_124 = arith.constant 0 : i32
      %dma_wait3A_125 = tpu.memref_slice %arg8[%run_scoped3A, %dma_wait3A_123, %dma_wait3A_124] : memref<2x128x64xf32, #tpu.memory_space<vmem>> -> memref<1x128x64xf32, #tpu.memory_space<vmem>>
      %dma_wait3A_126 = tpu.memref_squeeze %dma_wait3A_125 : memref<1x128x64xf32, #tpu.memory_space<vmem>> -> memref<128x64xf32, #tpu.memory_space<vmem>>
      tpu.wait_dma2 semaphore(%run_scoped3A_102 : memref<!tpu.dma_semaphore, #tpu.memory_space<semaphore_mem>>) src(%dma_wait3A_126 : memref<128x64xf32, #tpu.memory_space<vmem>>) dst(%dma_wait3A_122 : memref<128x64xf32, #tpu.memory_space<vmem_shared>>)
      tpu.yield
    }) : () -> ()
    %mul3A_29 = arith.constant 640 : i32
    %mul3A_30 = arith.muli %arg1, %mul3A_29 : i32
    %add3A_31 = arith.constant 128 : i32
    %add3A_32 = arith.addi %mul3A_30, %add3A_31 : i32
    %run_scoped3A_33 = arith.constant 0 : i32
    "tpu.region"() ({
      %run_scoped3A_102 = tpu.sem_alloc : memref<!tpu.dma_semaphore, #tpu.memory_space<semaphore_mem>>
      %dma_start3A_103 = arith.constant 0 : i32
      %dma_start3A_104 = arith.constant 0 : i32
      %dma_start3A_105 = tpu.memref_slice %arg8[%run_scoped3A_33, %dma_start3A_103, %dma_start3A_104] : memref<2x128x64xf32, #tpu.memory_space<vmem>> -> memref<1x128x64xf32, #tpu.memory_space<vmem>>
      %dma_start3A_106 = tpu.memref_squeeze %dma_start3A_105 : memref<1x128x64xf32, #tpu.memory_space<vmem>> -> memref<128x64xf32, #tpu.memory_space<vmem>>
      %dma_start3A_107 = arith.constant 0 : i32
      %dma_start3A_108 = tpu.memref_slice %arg9[%add3A_32, %dma_start3A_107] : memref<10240x64xf32, #tpu.memory_space<vmem_shared>> -> memref<128x64xf32, #tpu.memory_space<vmem_shared>>
      %dma_start3A_109 = arith.constant 0 : i32
      %dma_start3A_110 = tpu.memref_slice %arg9[%add3A_32, %dma_start3A_109] : memref<10240x64xf32, #tpu.memory_space<vmem_shared>> -> memref<128x64xf32, #tpu.memory_space<vmem_shared>>
      %dma_start3A_111 = arith.constant 0 : i32
      %dma_start3A_112 = arith.constant 0 : i32
      %dma_start3A_113 = tpu.memref_slice %arg8[%run_scoped3A_33, %dma_start3A_111, %dma_start3A_112] : memref<2x128x64xf32, #tpu.memory_space<vmem>> -> memref<1x128x64xf32, #tpu.memory_space<vmem>>
      %dma_start3A_114 = tpu.memref_squeeze %dma_start3A_113 : memref<1x128x64xf32, #tpu.memory_space<vmem>> -> memref<128x64xf32, #tpu.memory_space<vmem>>
      tpu.enqueue_dma source(%dma_start3A_114 : memref<128x64xf32, #tpu.memory_space<vmem>>) target(%dma_start3A_110 : memref<128x64xf32, #tpu.memory_space<vmem_shared>>) target_semaphore(%run_scoped3A_102 : memref<!tpu.dma_semaphore, #tpu.memory_space<semaphore_mem>>)
      %dma_wait3A_115 = arith.constant 0 : i32
      %dma_wait3A_116 = arith.constant 0 : i32
      %dma_wait3A_117 = tpu.memref_slice %arg8[%run_scoped3A_33, %dma_wait3A_115, %dma_wait3A_116] : memref<2x128x64xf32, #tpu.memory_space<vmem>> -> memref<1x128x64xf32, #tpu.memory_space<vmem>>
      %dma_wait3A_118 = tpu.memref_squeeze %dma_wait3A_117 : memref<1x128x64xf32, #tpu.memory_space<vmem>> -> memref<128x64xf32, #tpu.memory_space<vmem>>
      %dma_wait3A_119 = arith.constant 0 : i32
      %dma_wait3A_120 = tpu.memref_slice %arg9[%add3A_32, %dma_wait3A_119] : memref<10240x64xf32, #tpu.memory_space<vmem_shared>> -> memref<128x64xf32, #tpu.memory_space<vmem_shared>>
      %dma_wait3A_121 = arith.constant 0 : i32
      %dma_wait3A_122 = tpu.memref_slice %arg9[%add3A_32, %dma_wait3A_121] : memref<10240x64xf32, #tpu.memory_space<vmem_shared>> -> memref<128x64xf32, #tpu.memory_space<vmem_shared>>
      %dma_wait3A_123 = arith.constant 0 : i32
      %dma_wait3A_124 = arith.constant 0 : i32
      %dma_wait3A_125 = tpu.memref_slice %arg8[%run_scoped3A_33, %dma_wait3A_123, %dma_wait3A_124] : memref<2x128x64xf32, #tpu.memory_space<vmem>> -> memref<1x128x64xf32, #tpu.memory_space<vmem>>
      %dma_wait3A_126 = tpu.memref_squeeze %dma_wait3A_125 : memref<1x128x64xf32, #tpu.memory_space<vmem>> -> memref<128x64xf32, #tpu.memory_space<vmem>>
      tpu.wait_dma2 semaphore(%run_scoped3A_102 : memref<!tpu.dma_semaphore, #tpu.memory_space<semaphore_mem>>) src(%dma_wait3A_126 : memref<128x64xf32, #tpu.memory_space<vmem>>) dst(%dma_wait3A_122 : memref<128x64xf32, #tpu.memory_space<vmem_shared>>)
      tpu.yield
    }) : () -> ()
    %mul3A_34 = arith.constant 640 : i32
    %mul3A_35 = arith.muli %arg1, %mul3A_34 : i32
    %add3A_36 = arith.constant 256 : i32
    %add3A_37 = arith.addi %mul3A_35, %add3A_36 : i32
    %run_scoped3A_38 = arith.constant 0 : i32
    "tpu.region"() ({
      %run_scoped3A_102 = tpu.sem_alloc : memref<!tpu.dma_semaphore, #tpu.memory_space<semaphore_mem>>
      %dma_start3A_103 = arith.constant 0 : i32
      %dma_start3A_104 = arith.constant 0 : i32
      %dma_start3A_105 = tpu.memref_slice %arg8[%run_scoped3A_38, %dma_start3A_103, %dma_start3A_104] : memref<2x128x64xf32, #tpu.memory_space<vmem>> -> memref<1x128x64xf32, #tpu.memory_space<vmem>>
      %dma_start3A_106 = tpu.memref_squeeze %dma_start3A_105 : memref<1x128x64xf32, #tpu.memory_space<vmem>> -> memref<128x64xf32, #tpu.memory_space<vmem>>
      %dma_start3A_107 = arith.constant 0 : i32
      %dma_start3A_108 = tpu.memref_slice %arg9[%add3A_37, %dma_start3A_107] : memref<10240x64xf32, #tpu.memory_space<vmem_shared>> -> memref<128x64xf32, #tpu.memory_space<vmem_shared>>
      %dma_start3A_109 = arith.constant 0 : i32
      %dma_start3A_110 = tpu.memref_slice %arg9[%add3A_37, %dma_start3A_109] : memref<10240x64xf32, #tpu.memory_space<vmem_shared>> -> memref<128x64xf32, #tpu.memory_space<vmem_shared>>
      %dma_start3A_111 = arith.constant 0 : i32
      %dma_start3A_112 = arith.constant 0 : i32
      %dma_start3A_113 = tpu.memref_slice %arg8[%run_scoped3A_38, %dma_start3A_111, %dma_start3A_112] : memref<2x128x64xf32, #tpu.memory_space<vmem>> -> memref<1x128x64xf32, #tpu.memory_space<vmem>>
      %dma_start3A_114 = tpu.memref_squeeze %dma_start3A_113 : memref<1x128x64xf32, #tpu.memory_space<vmem>> -> memref<128x64xf32, #tpu.memory_space<vmem>>
      tpu.enqueue_dma source(%dma_start3A_114 : memref<128x64xf32, #tpu.memory_space<vmem>>) target(%dma_start3A_110 : memref<128x64xf32, #tpu.memory_space<vmem_shared>>) target_semaphore(%run_scoped3A_102 : memref<!tpu.dma_semaphore, #tpu.memory_space<semaphore_mem>>)
      %dma_wait3A_115 = arith.constant 0 : i32
      %dma_wait3A_116 = arith.constant 0 : i32
      %dma_wait3A_117 = tpu.memref_slice %arg8[%run_scoped3A_38, %dma_wait3A_115, %dma_wait3A_116] : memref<2x128x64xf32, #tpu.memory_space<vmem>> -> memref<1x128x64xf32, #tpu.memory_space<vmem>>
      %dma_wait3A_118 = tpu.memref_squeeze %dma_wait3A_117 : memref<1x128x64xf32, #tpu.memory_space<vmem>> -> memref<128x64xf32, #tpu.memory_space<vmem>>
      %dma_wait3A_119 = arith.constant 0 : i32
      %dma_wait3A_120 = tpu.memref_slice %arg9[%add3A_37, %dma_wait3A_119] : memref<10240x64xf32, #tpu.memory_space<vmem_shared>> -> memref<128x64xf32, #tpu.memory_space<vmem_shared>>
      %dma_wait3A_121 = arith.constant 0 : i32
      %dma_wait3A_122 = tpu.memref_slice %arg9[%add3A_37, %dma_wait3A_121] : memref<10240x64xf32, #tpu.memory_space<vmem_shared>> -> memref<128x64xf32, #tpu.memory_space<vmem_shared>>
      %dma_wait3A_123 = arith.constant 0 : i32
      %dma_wait3A_124 = arith.constant 0 : i32
      %dma_wait3A_125 = tpu.memref_slice %arg8[%run_scoped3A_38, %dma_wait3A_123, %dma_wait3A_124] : memref<2x128x64xf32, #tpu.memory_space<vmem>> -> memref<1x128x64xf32, #tpu.memory_space<vmem>>
      %dma_wait3A_126 = tpu.memref_squeeze %dma_wait3A_125 : memref<1x128x64xf32, #tpu.memory_space<vmem>> -> memref<128x64xf32, #tpu.memory_space<vmem>>
      tpu.wait_dma2 semaphore(%run_scoped3A_102 : memref<!tpu.dma_semaphore, #tpu.memory_space<semaphore_mem>>) src(%dma_wait3A_126 : memref<128x64xf32, #tpu.memory_space<vmem>>) dst(%dma_wait3A_122 : memref<128x64xf32, #tpu.memory_space<vmem_shared>>)
      tpu.yield
    }) : () -> ()
    %mul3A_39 = arith.constant 640 : i32
    %mul3A_40 = arith.muli %arg1, %mul3A_39 : i32
    %add3A_41 = arith.constant 384 : i32
    %add3A_42 = arith.addi %mul3A_40, %add3A_41 : i32
    %run_scoped3A_43 = arith.constant 0 : i32
    "tpu.region"() ({
      %run_scoped3A_102 = tpu.sem_alloc : memref<!tpu.dma_semaphore, #tpu.memory_space<semaphore_mem>>
      %dma_start3A_103 = arith.constant 0 : i32
      %dma_start3A_104 = arith.constant 0 : i32
      %dma_start3A_105 = tpu.memref_slice %arg8[%run_scoped3A_43, %dma_start3A_103, %dma_start3A_104] : memref<2x128x64xf32, #tpu.memory_space<vmem>> -> memref<1x128x64xf32, #tpu.memory_space<vmem>>
      %dma_start3A_106 = tpu.memref_squeeze %dma_start3A_105 : memref<1x128x64xf32, #tpu.memory_space<vmem>> -> memref<128x64xf32, #tpu.memory_space<vmem>>
      %dma_start3A_107 = arith.constant 0 : i32
      %dma_start3A_108 = tpu.memref_slice %arg9[%add3A_42, %dma_start3A_107] : memref<10240x64xf32, #tpu.memory_space<vmem_shared>> -> memref<128x64xf32, #tpu.memory_space<vmem_shared>>
      %dma_start3A_109 = arith.constant 0 : i32
      %dma_start3A_110 = tpu.memref_slice %arg9[%add3A_42, %dma_start3A_109] : memref<10240x64xf32, #tpu.memory_space<vmem_shared>> -> memref<128x64xf32, #tpu.memory_space<vmem_shared>>
      %dma_start3A_111 = arith.constant 0 : i32
      %dma_start3A_112 = arith.constant 0 : i32
      %dma_start3A_113 = tpu.memref_slice %arg8[%run_scoped3A_43, %dma_start3A_111, %dma_start3A_112] : memref<2x128x64xf32, #tpu.memory_space<vmem>> -> memref<1x128x64xf32, #tpu.memory_space<vmem>>
      %dma_start3A_114 = tpu.memref_squeeze %dma_start3A_113 : memref<1x128x64xf32, #tpu.memory_space<vmem>> -> memref<128x64xf32, #tpu.memory_space<vmem>>
      tpu.enqueue_dma source(%dma_start3A_114 : memref<128x64xf32, #tpu.memory_space<vmem>>) target(%dma_start3A_110 : memref<128x64xf32, #tpu.memory_space<vmem_shared>>) target_semaphore(%run_scoped3A_102 : memref<!tpu.dma_semaphore, #tpu.memory_space<semaphore_mem>>)
      %dma_wait3A_115 = arith.constant 0 : i32
      %dma_wait3A_116 = arith.constant 0 : i32
      %dma_wait3A_117 = tpu.memref_slice %arg8[%run_scoped3A_43, %dma_wait3A_115, %dma_wait3A_116] : memref<2x128x64xf32, #tpu.memory_space<vmem>> -> memref<1x128x64xf32, #tpu.memory_space<vmem>>
      %dma_wait3A_118 = tpu.memref_squeeze %dma_wait3A_117 : memref<1x128x64xf32, #tpu.memory_space<vmem>> -> memref<128x64xf32, #tpu.memory_space<vmem>>
      %dma_wait3A_119 = arith.constant 0 : i32
      %dma_wait3A_120 = tpu.memref_slice %arg9[%add3A_42, %dma_wait3A_119] : memref<10240x64xf32, #tpu.memory_space<vmem_shared>> -> memref<128x64xf32, #tpu.memory_space<vmem_shared>>
      %dma_wait3A_121 = arith.constant 0 : i32
      %dma_wait3A_122 = tpu.memref_slice %arg9[%add3A_42, %dma_wait3A_121] : memref<10240x64xf32, #tpu.memory_space<vmem_shared>> -> memref<128x64xf32, #tpu.memory_space<vmem_shared>>
      %dma_wait3A_123 = arith.constant 0 : i32
      %dma_wait3A_124 = arith.constant 0 : i32
      %dma_wait3A_125 = tpu.memref_slice %arg8[%run_scoped3A_43, %dma_wait3A_123, %dma_wait3A_124] : memref<2x128x64xf32, #tpu.memory_space<vmem>> -> memref<1x128x64xf32, #tpu.memory_space<vmem>>
      %dma_wait3A_126 = tpu.memref_squeeze %dma_wait3A_125 : memref<1x128x64xf32, #tpu.memory_space<vmem>> -> memref<128x64xf32, #tpu.memory_space<vmem>>
      tpu.wait_dma2 semaphore(%run_scoped3A_102 : memref<!tpu.dma_semaphore, #tpu.memory_space<semaphore_mem>>) src(%dma_wait3A_126 : memref<128x64xf32, #tpu.memory_space<vmem>>) dst(%dma_wait3A_122 : memref<128x64xf32, #tpu.memory_space<vmem_shared>>)
      tpu.yield
    }) : () -> ()
    %mul3A_44 = arith.constant 640 : i32
    %mul3A_45 = arith.muli %arg1, %mul3A_44 : i32
    %add3A_46 = arith.constant 512 : i32
    %add3A_47 = arith.addi %mul3A_45, %add3A_46 : i32
    %run_scoped3A_48 = arith.constant 0 : i32
    "tpu.region"() ({
      %run_scoped3A_102 = tpu.sem_alloc : memref<!tpu.dma_semaphore, #tpu.memory_space<semaphore_mem>>
      %dma_start3A_103 = arith.constant 0 : i32
      %dma_start3A_104 = arith.constant 0 : i32
      %dma_start3A_105 = tpu.memref_slice %arg8[%run_scoped3A_48, %dma_start3A_103, %dma_start3A_104] : memref<2x128x64xf32, #tpu.memory_space<vmem>> -> memref<1x128x64xf32, #tpu.memory_space<vmem>>
      %dma_start3A_106 = tpu.memref_squeeze %dma_start3A_105 : memref<1x128x64xf32, #tpu.memory_space<vmem>> -> memref<128x64xf32, #tpu.memory_space<vmem>>
      %dma_start3A_107 = arith.constant 0 : i32
      %dma_start3A_108 = tpu.memref_slice %arg9[%add3A_47, %dma_start3A_107] : memref<10240x64xf32, #tpu.memory_space<vmem_shared>> -> memref<128x64xf32, #tpu.memory_space<vmem_shared>>
      %dma_start3A_109 = arith.constant 0 : i32
      %dma_start3A_110 = tpu.memref_slice %arg9[%add3A_47, %dma_start3A_109] : memref<10240x64xf32, #tpu.memory_space<vmem_shared>> -> memref<128x64xf32, #tpu.memory_space<vmem_shared>>
      %dma_start3A_111 = arith.constant 0 : i32
      %dma_start3A_112 = arith.constant 0 : i32
      %dma_start3A_113 = tpu.memref_slice %arg8[%run_scoped3A_48, %dma_start3A_111, %dma_start3A_112] : memref<2x128x64xf32, #tpu.memory_space<vmem>> -> memref<1x128x64xf32, #tpu.memory_space<vmem>>
      %dma_start3A_114 = tpu.memref_squeeze %dma_start3A_113 : memref<1x128x64xf32, #tpu.memory_space<vmem>> -> memref<128x64xf32, #tpu.memory_space<vmem>>
      tpu.enqueue_dma source(%dma_start3A_114 : memref<128x64xf32, #tpu.memory_space<vmem>>) target(%dma_start3A_110 : memref<128x64xf32, #tpu.memory_space<vmem_shared>>) target_semaphore(%run_scoped3A_102 : memref<!tpu.dma_semaphore, #tpu.memory_space<semaphore_mem>>)
      %dma_wait3A_115 = arith.constant 0 : i32
      %dma_wait3A_116 = arith.constant 0 : i32
      %dma_wait3A_117 = tpu.memref_slice %arg8[%run_scoped3A_48, %dma_wait3A_115, %dma_wait3A_116] : memref<2x128x64xf32, #tpu.memory_space<vmem>> -> memref<1x128x64xf32, #tpu.memory_space<vmem>>
      %dma_wait3A_118 = tpu.memref_squeeze %dma_wait3A_117 : memref<1x128x64xf32, #tpu.memory_space<vmem>> -> memref<128x64xf32, #tpu.memory_space<vmem>>
      %dma_wait3A_119 = arith.constant 0 : i32
      %dma_wait3A_120 = tpu.memref_slice %arg9[%add3A_47, %dma_wait3A_119] : memref<10240x64xf32, #tpu.memory_space<vmem_shared>> -> memref<128x64xf32, #tpu.memory_space<vmem_shared>>
      %dma_wait3A_121 = arith.constant 0 : i32
      %dma_wait3A_122 = tpu.memref_slice %arg9[%add3A_47, %dma_wait3A_121] : memref<10240x64xf32, #tpu.memory_space<vmem_shared>> -> memref<128x64xf32, #tpu.memory_space<vmem_shared>>
      %dma_wait3A_123 = arith.constant 0 : i32
      %dma_wait3A_124 = arith.constant 0 : i32
      %dma_wait3A_125 = tpu.memref_slice %arg8[%run_scoped3A_48, %dma_wait3A_123, %dma_wait3A_124] : memref<2x128x64xf32, #tpu.memory_space<vmem>> -> memref<1x128x64xf32, #tpu.memory_space<vmem>>
      %dma_wait3A_126 = tpu.memref_squeeze %dma_wait3A_125 : memref<1x128x64xf32, #tpu.memory_space<vmem>> -> memref<128x64xf32, #tpu.memory_space<vmem>>
      tpu.wait_dma2 semaphore(%run_scoped3A_102 : memref<!tpu.dma_semaphore, #tpu.memory_space<semaphore_mem>>) src(%dma_wait3A_126 : memref<128x64xf32, #tpu.memory_space<vmem>>) dst(%dma_wait3A_122 : memref<128x64xf32, #tpu.memory_space<vmem_shared>>)
      tpu.yield
    }) : () -> ()
    %dma_wait3A = arith.constant 0 : i32
    %dma_wait3A_49 = tpu.memref_slice %arg3[%add3A, %dma_wait3A] : memref<2692x128xi32, #tpu.memory_space<hbm>> -> memref<100x128xi32, #tpu.memory_space<hbm>>
    %dma_wait3A_50 = arith.constant 0 : i32
    %dma_wait3A_51 = tpu.memref_slice %arg3[%add3A, %dma_wait3A_50] : memref<2692x128xi32, #tpu.memory_space<hbm>> -> memref<100x128xi32, #tpu.memory_space<hbm>>
    tpu.wait_dma2 semaphore(%arg13 : memref<!tpu.dma_semaphore, #tpu.memory_space<semaphore_mem>>) src(%dma_wait3A_51 : memref<100x128xi32, #tpu.memory_space<hbm>>) dst(%arg6 : memref<100x128xi32, #tpu.memory_space<vmem>>)
    %dma_wait3A_52 = arith.constant 0 : i32
    %dma_wait3A_53 = tpu.memref_slice %arg4[%add3A, %dma_wait3A_52] : memref<2692x128xi32, #tpu.memory_space<hbm>> -> memref<100x128xi32, #tpu.memory_space<hbm>>
    %dma_wait3A_54 = arith.constant 0 : i32
    %dma_wait3A_55 = tpu.memref_slice %arg4[%add3A, %dma_wait3A_54] : memref<2692x128xi32, #tpu.memory_space<hbm>> -> memref<100x128xi32, #tpu.memory_space<hbm>>
    tpu.wait_dma2 semaphore(%arg13 : memref<!tpu.dma_semaphore, #tpu.memory_space<semaphore_mem>>) src(%dma_wait3A_55 : memref<100x128xi32, #tpu.memory_space<hbm>>) dst(%arg7 : memref<100x128xi32, #tpu.memory_space<vmem>>)
    %dma_wait3A_56 = arith.constant 0 : i32
    %dma_wait3A_57 = tpu.memref_slice %arg10[%mul3A_6, %dma_wait3A_56] : memref<10240x64xf32, #tpu.memory_space<vmem_shared>> -> memref<640x64xf32, #tpu.memory_space<vmem_shared>>
    %dma_wait3A_58 = arith.constant 0 : i32
    %dma_wait3A_59 = tpu.memref_slice %arg2[%mul3A_6, %dma_wait3A_58] : memref<10240x64xf32, #tpu.memory_space<hbm>> -> memref<640x64xf32, #tpu.memory_space<hbm>>
    tpu.wait_dma2 semaphore(%arg13 : memref<!tpu.dma_semaphore, #tpu.memory_space<semaphore_mem>>) src(%dma_wait3A_59 : memref<640x64xf32, #tpu.memory_space<hbm>>) dst(%dma_wait3A_57 : memref<640x64xf32, #tpu.memory_space<vmem_shared>>)
    %barrier3A = arith.constant 0 : index
    tpu.barrier barrier_id(%barrier3A)
    %dma_start3A_60 = arith.constant 0 : i32
    %dma_start3A_61 = arith.constant 0 : i32
    %dma_start3A_62 = arith.constant 0 : i32
    %dma_start3A_63 = arith.constant 0 : i32
    %dma_start3A_64 = arith.constant 0 : i32
    %dma_start3A_65 = tpu.memref_slice %arg8[%dma_start3A_61, %dma_start3A_63, %dma_start3A_64] : memref<2x128x64xf32, #tpu.memory_space<vmem>> -> memref<1x128x64xf32, #tpu.memory_space<vmem>>
    %dma_start3A_66 = tpu.memref_squeeze %dma_start3A_65 : memref<1x128x64xf32, #tpu.memory_space<vmem>> -> memref<128x64xf32, #tpu.memory_space<vmem>>
    %dma_start3A_67 = arith.constant 0 : i32
    %dma_start3A_68 = tpu.memref_slice %arg6[%dma_start3A_60, %dma_start3A_67] : memref<100x128xi32, #tpu.memory_space<vmem>> -> memref<1x128xi32, #tpu.memory_space<vmem>>
    %dma_start3A_69 = tpu.memref_squeeze %dma_start3A_68 : memref<1x128xi32, #tpu.memory_space<vmem>> -> memref<128xi32, #tpu.memory_space<vmem>>
    %dma_start3A_70 = arith.constant 0 : i32
    %dma_start3A_71 = arith.constant 0 : i32
    %dma_start3A_72 = tpu.memref_slice %arg10[%dma_start3A_70, %dma_start3A_71] : memref<10240x64xf32, #tpu.memory_space<vmem_shared>> -> memref<10240x64xf32, #tpu.memory_space<vmem_shared>>
    %dma_start3A_73 = tpu.memref_slice %arg11[%dma_start3A_62] : memref<2x!tpu.dma_semaphore, #tpu.memory_space<semaphore_mem>> -> memref<1x!tpu.dma_semaphore, #tpu.memory_space<semaphore_mem>>
    %dma_start3A_74 = tpu.memref_squeeze %dma_start3A_73 : memref<1x!tpu.dma_semaphore, #tpu.memory_space<semaphore_mem>> -> memref<!tpu.dma_semaphore, #tpu.memory_space<semaphore_mem>>
    tpu.enqueue_indirect_dma source(%dma_start3A_72 : memref<10240x64xf32, #tpu.memory_space<vmem_shared>>) target(%dma_start3A_66 : memref<128x64xf32, #tpu.memory_space<vmem>>) offsets(%dma_start3A_69 : memref<128xi32, #tpu.memory_space<vmem>>) semaphore(%dma_start3A_74 : memref<!tpu.dma_semaphore, #tpu.memory_space<semaphore_mem>>)
    %while3A = arith.constant 0 : i32
    %while3A_75 = arith.constant 0 : i32
    %while3A_76 = arith.subi %select_n3A, %while3A : i32
    %while3A_77 = arith.addi %while3A, %while3A_76 : i32
    %while3A_78 = arith.constant 1 : i32
    %while3A_79 = arith.divsi %while3A_76, %while3A_78 : i32
    %while3A_80 = arith.muli %while3A_79, %while3A_78 : i32
    %while3A_81 = arith.addi %while3A, %while3A_80 : i32
    %while3A_82 = arith.constant 1 : i32
    %while3A_83 = scf.for %while3A_102 = %while3A to %while3A_81 step %while3A_82 iter_args(%while3A_103 = %while3A_75) -> (i32)  : i32 {
      %rem3A_104 = arith.constant 2 : i32
      %rem3A_105 = arith.remsi %while3A_102, %rem3A_104 : i32
      %add3A_106 = arith.constant 1 : i32
      %add3A_107 = arith.addi %while3A_102, %add3A_106 : i32
      %rem3A_108 = arith.constant 2 : i32
      %rem3A_109 = arith.remsi %add3A_107, %rem3A_108 : i32
      %ge3A = arith.constant 1 : i32
      %ge3A_110 = arith.cmpi sge, %while3A_102, %ge3A : i32
      %convert_element_type3A = arith.extui %ge3A_110 : i1 to i32
      %cond3A = arith.constant 0 : i32
      %cond3A_111 = arith.cmpi ne, %convert_element_type3A, %cond3A : i32
      scf.if %cond3A_111 {
        %dma_wait3A_142 = arith.constant 0 : i32
        %dma_wait3A_143 = arith.constant 0 : i32
        %dma_wait3A_144 = arith.constant 0 : i32
        %dma_wait3A_145 = tpu.memref_slice %arg8[%rem3A_109, %dma_wait3A_143, %dma_wait3A_144] : memref<2x128x64xf32, #tpu.memory_space<vmem>> -> memref<1x128x64xf32, #tpu.memory_space<vmem>>
        %dma_wait3A_146 = tpu.memref_squeeze %dma_wait3A_145 : memref<1x128x64xf32, #tpu.memory_space<vmem>> -> memref<128x64xf32, #tpu.memory_space<vmem>>
        %dma_wait3A_147 = arith.constant 0 : i32
        %dma_wait3A_148 = tpu.memref_slice %arg7[%dma_wait3A_142, %dma_wait3A_147] : memref<100x128xi32, #tpu.memory_space<vmem>> -> memref<1x128xi32, #tpu.memory_space<vmem>>
        %dma_wait3A_149 = tpu.memref_squeeze %dma_wait3A_148 : memref<1x128xi32, #tpu.memory_space<vmem>> -> memref<128xi32, #tpu.memory_space<vmem>>
        %dma_wait3A_150 = arith.constant 0 : i32
        %dma_wait3A_151 = arith.constant 0 : i32
        %dma_wait3A_152 = tpu.memref_slice %arg9[%dma_wait3A_150, %dma_wait3A_151] : memref<10240x64xf32, #tpu.memory_space<vmem_shared>> -> memref<10240x64xf32, #tpu.memory_space<vmem_shared>>
        %dma_wait3A_153 = tpu.memref_slice %arg12[%rem3A_109] : memref<2x!tpu.dma_semaphore, #tpu.memory_space<semaphore_mem>> -> memref<1x!tpu.dma_semaphore, #tpu.memory_space<semaphore_mem>>
        %dma_wait3A_154 = tpu.memref_squeeze %dma_wait3A_153 : memref<1x!tpu.dma_semaphore, #tpu.memory_space<semaphore_mem>> -> memref<!tpu.dma_semaphore, #tpu.memory_space<semaphore_mem>>
        tpu.wait_indirect_dma semaphore(%dma_wait3A_154 : memref<!tpu.dma_semaphore, #tpu.memory_space<semaphore_mem>>) src(%dma_wait3A_146 : memref<128x64xf32, #tpu.memory_space<vmem>>) dst(%dma_wait3A_152 : memref<10240x64xf32, #tpu.memory_space<vmem_shared>>)
      } else {
      }
      %sub3A_112 = arith.constant 1 : i32
      %sub3A_113 = arith.subi %select_n3A, %sub3A_112 : i32
      %lt3A = arith.cmpi slt, %while3A_102, %sub3A_113 : i32
      %convert_element_type3A_114 = arith.extui %lt3A : i1 to i32
      %cond3A_115 = arith.constant 0 : i32
      %cond3A_116 = arith.cmpi ne, %convert_element_type3A_114, %cond3A_115 : i32
      scf.if %cond3A_116 {
        %add3A_142 = arith.constant 1 : i32
        %add3A_143 = arith.addi %while3A_102, %add3A_142 : i32
        %dma_start3A_144 = arith.constant 0 : i32
        %dma_start3A_145 = arith.constant 0 : i32
        %dma_start3A_146 = tpu.memref_slice %arg8[%rem3A_109, %dma_start3A_144, %dma_start3A_145] : memref<2x128x64xf32, #tpu.memory_space<vmem>> -> memref<1x128x64xf32, #tpu.memory_space<vmem>>
        %dma_start3A_147 = tpu.memref_squeeze %dma_start3A_146 : memref<1x128x64xf32, #tpu.memory_space<vmem>> -> memref<128x64xf32, #tpu.memory_space<vmem>>
        %dma_start3A_148 = arith.constant 0 : i32
        %dma_start3A_149 = tpu.memref_slice %arg6[%add3A_143, %dma_start3A_148] : memref<100x128xi32, #tpu.memory_space<vmem>> -> memref<1x128xi32, #tpu.memory_space<vmem>>
        %dma_start3A_150 = tpu.memref_squeeze %dma_start3A_149 : memref<1x128xi32, #tpu.memory_space<vmem>> -> memref<128xi32, #tpu.memory_space<vmem>>
        %dma_start3A_151 = arith.constant 0 : i32
        %dma_start3A_152 = arith.constant 0 : i32
        %dma_start3A_153 = tpu.memref_slice %arg10[%dma_start3A_151, %dma_start3A_152] : memref<10240x64xf32, #tpu.memory_space<vmem_shared>> -> memref<10240x64xf32, #tpu.memory_space<vmem_shared>>
        %dma_start3A_154 = tpu.memref_slice %arg11[%rem3A_109] : memref<2x!tpu.dma_semaphore, #tpu.memory_space<semaphore_mem>> -> memref<1x!tpu.dma_semaphore, #tpu.memory_space<semaphore_mem>>
        %dma_start3A_155 = tpu.memref_squeeze %dma_start3A_154 : memref<1x!tpu.dma_semaphore, #tpu.memory_space<semaphore_mem>> -> memref<!tpu.dma_semaphore, #tpu.memory_space<semaphore_mem>>
        tpu.enqueue_indirect_dma source(%dma_start3A_153 : memref<10240x64xf32, #tpu.memory_space<vmem_shared>>) target(%dma_start3A_147 : memref<128x64xf32, #tpu.memory_space<vmem>>) offsets(%dma_start3A_150 : memref<128xi32, #tpu.memory_space<vmem>>) semaphore(%dma_start3A_155 : memref<!tpu.dma_semaphore, #tpu.memory_space<semaphore_mem>>)
      } else {
      }
      %dma_wait3A_117 = arith.constant 0 : i32
      %dma_wait3A_118 = arith.constant 0 : i32
      %dma_wait3A_119 = tpu.memref_slice %arg8[%rem3A_105, %dma_wait3A_117, %dma_wait3A_118] : memref<2x128x64xf32, #tpu.memory_space<vmem>> -> memref<1x128x64xf32, #tpu.memory_space<vmem>>
      %dma_wait3A_120 = tpu.memref_squeeze %dma_wait3A_119 : memref<1x128x64xf32, #tpu.memory_space<vmem>> -> memref<128x64xf32, #tpu.memory_space<vmem>>
      %dma_wait3A_121 = arith.constant 0 : i32
      %dma_wait3A_122 = tpu.memref_slice %arg6[%while3A_102, %dma_wait3A_121] : memref<100x128xi32, #tpu.memory_space<vmem>> -> memref<1x128xi32, #tpu.memory_space<vmem>>
      %dma_wait3A_123 = tpu.memref_squeeze %dma_wait3A_122 : memref<1x128xi32, #tpu.memory_space<vmem>> -> memref<128xi32, #tpu.memory_space<vmem>>
      %dma_wait3A_124 = arith.constant 0 : i32
      %dma_wait3A_125 = arith.constant 0 : i32
      %dma_wait3A_126 = tpu.memref_slice %arg10[%dma_wait3A_124, %dma_wait3A_125] : memref<10240x64xf32, #tpu.memory_space<vmem_shared>> -> memref<10240x64xf32, #tpu.memory_space<vmem_shared>>
      %dma_wait3A_127 = tpu.memref_slice %arg11[%rem3A_105] : memref<2x!tpu.dma_semaphore, #tpu.memory_space<semaphore_mem>> -> memref<1x!tpu.dma_semaphore, #tpu.memory_space<semaphore_mem>>
      %dma_wait3A_128 = tpu.memref_squeeze %dma_wait3A_127 : memref<1x!tpu.dma_semaphore, #tpu.memory_space<semaphore_mem>> -> memref<!tpu.dma_semaphore, #tpu.memory_space<semaphore_mem>>
      tpu.wait_indirect_dma semaphore(%dma_wait3A_128 : memref<!tpu.dma_semaphore, #tpu.memory_space<semaphore_mem>>) src(%dma_wait3A_126 : memref<10240x64xf32, #tpu.memory_space<vmem_shared>>) dst(%dma_wait3A_120 : memref<128x64xf32, #tpu.memory_space<vmem>>)
      %dma_start3A_129 = arith.constant 0 : i32
      %dma_start3A_130 = arith.constant 0 : i32
      %dma_start3A_131 = tpu.memref_slice %arg8[%rem3A_105, %dma_start3A_129, %dma_start3A_130] : memref<2x128x64xf32, #tpu.memory_space<vmem>> -> memref<1x128x64xf32, #tpu.memory_space<vmem>>
      %dma_start3A_132 = tpu.memref_squeeze %dma_start3A_131 : memref<1x128x64xf32, #tpu.memory_space<vmem>> -> memref<128x64xf32, #tpu.memory_space<vmem>>
      %dma_start3A_133 = arith.constant 0 : i32
      %dma_start3A_134 = tpu.memref_slice %arg7[%while3A_102, %dma_start3A_133] : memref<100x128xi32, #tpu.memory_space<vmem>> -> memref<1x128xi32, #tpu.memory_space<vmem>>
      %dma_start3A_135 = tpu.memref_squeeze %dma_start3A_134 : memref<1x128xi32, #tpu.memory_space<vmem>> -> memref<128xi32, #tpu.memory_space<vmem>>
      %dma_start3A_136 = arith.constant 0 : i32
      %dma_start3A_137 = arith.constant 0 : i32
      %dma_start3A_138 = tpu.memref_slice %arg9[%dma_start3A_136, %dma_start3A_137] : memref<10240x64xf32, #tpu.memory_space<vmem_shared>> -> memref<10240x64xf32, #tpu.memory_space<vmem_shared>>
      %dma_start3A_139 = tpu.memref_slice %arg12[%rem3A_105] : memref<2x!tpu.dma_semaphore, #tpu.memory_space<semaphore_mem>> -> memref<1x!tpu.dma_semaphore, #tpu.memory_space<semaphore_mem>>
      %dma_start3A_140 = tpu.memref_squeeze %dma_start3A_139 : memref<1x!tpu.dma_semaphore, #tpu.memory_space<semaphore_mem>> -> memref<!tpu.dma_semaphore, #tpu.memory_space<semaphore_mem>>
      tpu.enqueue_indirect_dma source(%dma_start3A_132 : memref<128x64xf32, #tpu.memory_space<vmem>>) target(%dma_start3A_138 : memref<10240x64xf32, #tpu.memory_space<vmem_shared>>) offsets(%dma_start3A_135 : memref<128xi32, #tpu.memory_space<vmem>>) semaphore(%dma_start3A_140 : memref<!tpu.dma_semaphore, #tpu.memory_space<semaphore_mem>>) {add = true}
      %while3A_141 = arith.constant 0 : i32
      scf.yield %while3A_141 : i32
    }
    %while3A_84 = arith.constant 1 : i32
    %while3A_85 = scf.for %while3A_102 = %while3A_81 to %while3A_77 step %while3A_84 iter_args(%while3A_103 = %while3A_83) -> (i32)  : i32 {
      %rem3A_104 = arith.constant 2 : i32
      %rem3A_105 = arith.remsi %while3A_102, %rem3A_104 : i32
      %add3A_106 = arith.constant 1 : i32
      %add3A_107 = arith.addi %while3A_102, %add3A_106 : i32
      %rem3A_108 = arith.constant 2 : i32
      %rem3A_109 = arith.remsi %add3A_107, %rem3A_108 : i32
      %ge3A = arith.constant 1 : i32
      %ge3A_110 = arith.cmpi sge, %while3A_102, %ge3A : i32
      %convert_element_type3A = arith.extui %ge3A_110 : i1 to i32
      %cond3A = arith.constant 0 : i32
      %cond3A_111 = arith.cmpi ne, %convert_element_type3A, %cond3A : i32
      scf.if %cond3A_111 {
        %dma_wait3A_142 = arith.constant 0 : i32
        %dma_wait3A_143 = arith.constant 0 : i32
        %dma_wait3A_144 = arith.constant 0 : i32
        %dma_wait3A_145 = tpu.memref_slice %arg8[%rem3A_109, %dma_wait3A_143, %dma_wait3A_144] : memref<2x128x64xf32, #tpu.memory_space<vmem>> -> memref<1x128x64xf32, #tpu.memory_space<vmem>>
        %dma_wait3A_146 = tpu.memref_squeeze %dma_wait3A_145 : memref<1x128x64xf32, #tpu.memory_space<vmem>> -> memref<128x64xf32, #tpu.memory_space<vmem>>
        %dma_wait3A_147 = arith.constant 0 : i32
        %dma_wait3A_148 = tpu.memref_slice %arg7[%dma_wait3A_142, %dma_wait3A_147] : memref<100x128xi32, #tpu.memory_space<vmem>> -> memref<1x128xi32, #tpu.memory_space<vmem>>
        %dma_wait3A_149 = tpu.memref_squeeze %dma_wait3A_148 : memref<1x128xi32, #tpu.memory_space<vmem>> -> memref<128xi32, #tpu.memory_space<vmem>>
        %dma_wait3A_150 = arith.constant 0 : i32
        %dma_wait3A_151 = arith.constant 0 : i32
        %dma_wait3A_152 = tpu.memref_slice %arg9[%dma_wait3A_150, %dma_wait3A_151] : memref<10240x64xf32, #tpu.memory_space<vmem_shared>> -> memref<10240x64xf32, #tpu.memory_space<vmem_shared>>
        %dma_wait3A_153 = tpu.memref_slice %arg12[%rem3A_109] : memref<2x!tpu.dma_semaphore, #tpu.memory_space<semaphore_mem>> -> memref<1x!tpu.dma_semaphore, #tpu.memory_space<semaphore_mem>>
        %dma_wait3A_154 = tpu.memref_squeeze %dma_wait3A_153 : memref<1x!tpu.dma_semaphore, #tpu.memory_space<semaphore_mem>> -> memref<!tpu.dma_semaphore, #tpu.memory_space<semaphore_mem>>
        tpu.wait_indirect_dma semaphore(%dma_wait3A_154 : memref<!tpu.dma_semaphore, #tpu.memory_space<semaphore_mem>>) src(%dma_wait3A_146 : memref<128x64xf32, #tpu.memory_space<vmem>>) dst(%dma_wait3A_152 : memref<10240x64xf32, #tpu.memory_space<vmem_shared>>)
      } else {
      }
      %sub3A_112 = arith.constant 1 : i32
      %sub3A_113 = arith.subi %select_n3A, %sub3A_112 : i32
      %lt3A = arith.cmpi slt, %while3A_102, %sub3A_113 : i32
      %convert_element_type3A_114 = arith.extui %lt3A : i1 to i32
      %cond3A_115 = arith.constant 0 : i32
      %cond3A_116 = arith.cmpi ne, %convert_element_type3A_114, %cond3A_115 : i32
      scf.if %cond3A_116 {
        %add3A_142 = arith.constant 1 : i32
        %add3A_143 = arith.addi %while3A_102, %add3A_142 : i32
        %dma_start3A_144 = arith.constant 0 : i32
        %dma_start3A_145 = arith.constant 0 : i32
        %dma_start3A_146 = tpu.memref_slice %arg8[%rem3A_109, %dma_start3A_144, %dma_start3A_145] : memref<2x128x64xf32, #tpu.memory_space<vmem>> -> memref<1x128x64xf32, #tpu.memory_space<vmem>>
        %dma_start3A_147 = tpu.memref_squeeze %dma_start3A_146 : memref<1x128x64xf32, #tpu.memory_space<vmem>> -> memref<128x64xf32, #tpu.memory_space<vmem>>
        %dma_start3A_148 = arith.constant 0 : i32
        %dma_start3A_149 = tpu.memref_slice %arg6[%add3A_143, %dma_start3A_148] : memref<100x128xi32, #tpu.memory_space<vmem>> -> memref<1x128xi32, #tpu.memory_space<vmem>>
        %dma_start3A_150 = tpu.memref_squeeze %dma_start3A_149 : memref<1x128xi32, #tpu.memory_space<vmem>> -> memref<128xi32, #tpu.memory_space<vmem>>
        %dma_start3A_151 = arith.constant 0 : i32
        %dma_start3A_152 = arith.constant 0 : i32
        %dma_start3A_153 = tpu.memref_slice %arg10[%dma_start3A_151, %dma_start3A_152] : memref<10240x64xf32, #tpu.memory_space<vmem_shared>> -> memref<10240x64xf32, #tpu.memory_space<vmem_shared>>
        %dma_start3A_154 = tpu.memref_slice %arg11[%rem3A_109] : memref<2x!tpu.dma_semaphore, #tpu.memory_space<semaphore_mem>> -> memref<1x!tpu.dma_semaphore, #tpu.memory_space<semaphore_mem>>
        %dma_start3A_155 = tpu.memref_squeeze %dma_start3A_154 : memref<1x!tpu.dma_semaphore, #tpu.memory_space<semaphore_mem>> -> memref<!tpu.dma_semaphore, #tpu.memory_space<semaphore_mem>>
        tpu.enqueue_indirect_dma source(%dma_start3A_153 : memref<10240x64xf32, #tpu.memory_space<vmem_shared>>) target(%dma_start3A_147 : memref<128x64xf32, #tpu.memory_space<vmem>>) offsets(%dma_start3A_150 : memref<128xi32, #tpu.memory_space<vmem>>) semaphore(%dma_start3A_155 : memref<!tpu.dma_semaphore, #tpu.memory_space<semaphore_mem>>)
      } else {
      }
      %dma_wait3A_117 = arith.constant 0 : i32
      %dma_wait3A_118 = arith.constant 0 : i32
      %dma_wait3A_119 = tpu.memref_slice %arg8[%rem3A_105, %dma_wait3A_117, %dma_wait3A_118] : memref<2x128x64xf32, #tpu.memory_space<vmem>> -> memref<1x128x64xf32, #tpu.memory_space<vmem>>
      %dma_wait3A_120 = tpu.memref_squeeze %dma_wait3A_119 : memref<1x128x64xf32, #tpu.memory_space<vmem>> -> memref<128x64xf32, #tpu.memory_space<vmem>>
      %dma_wait3A_121 = arith.constant 0 : i32
      %dma_wait3A_122 = tpu.memref_slice %arg6[%while3A_102, %dma_wait3A_121] : memref<100x128xi32, #tpu.memory_space<vmem>> -> memref<1x128xi32, #tpu.memory_space<vmem>>
      %dma_wait3A_123 = tpu.memref_squeeze %dma_wait3A_122 : memref<1x128xi32, #tpu.memory_space<vmem>> -> memref<128xi32, #tpu.memory_space<vmem>>
      %dma_wait3A_124 = arith.constant 0 : i32
      %dma_wait3A_125 = arith.constant 0 : i32
      %dma_wait3A_126 = tpu.memref_slice %arg10[%dma_wait3A_124, %dma_wait3A_125] : memref<10240x64xf32, #tpu.memory_space<vmem_shared>> -> memref<10240x64xf32, #tpu.memory_space<vmem_shared>>
      %dma_wait3A_127 = tpu.memref_slice %arg11[%rem3A_105] : memref<2x!tpu.dma_semaphore, #tpu.memory_space<semaphore_mem>> -> memref<1x!tpu.dma_semaphore, #tpu.memory_space<semaphore_mem>>
      %dma_wait3A_128 = tpu.memref_squeeze %dma_wait3A_127 : memref<1x!tpu.dma_semaphore, #tpu.memory_space<semaphore_mem>> -> memref<!tpu.dma_semaphore, #tpu.memory_space<semaphore_mem>>
      tpu.wait_indirect_dma semaphore(%dma_wait3A_128 : memref<!tpu.dma_semaphore, #tpu.memory_space<semaphore_mem>>) src(%dma_wait3A_126 : memref<10240x64xf32, #tpu.memory_space<vmem_shared>>) dst(%dma_wait3A_120 : memref<128x64xf32, #tpu.memory_space<vmem>>)
      %dma_start3A_129 = arith.constant 0 : i32
      %dma_start3A_130 = arith.constant 0 : i32
      %dma_start3A_131 = tpu.memref_slice %arg8[%rem3A_105, %dma_start3A_129, %dma_start3A_130] : memref<2x128x64xf32, #tpu.memory_space<vmem>> -> memref<1x128x64xf32, #tpu.memory_space<vmem>>
      %dma_start3A_132 = tpu.memref_squeeze %dma_start3A_131 : memref<1x128x64xf32, #tpu.memory_space<vmem>> -> memref<128x64xf32, #tpu.memory_space<vmem>>
      %dma_start3A_133 = arith.constant 0 : i32
      %dma_start3A_134 = tpu.memref_slice %arg7[%while3A_102, %dma_start3A_133] : memref<100x128xi32, #tpu.memory_space<vmem>> -> memref<1x128xi32, #tpu.memory_space<vmem>>
      %dma_start3A_135 = tpu.memref_squeeze %dma_start3A_134 : memref<1x128xi32, #tpu.memory_space<vmem>> -> memref<128xi32, #tpu.memory_space<vmem>>
      %dma_start3A_136 = arith.constant 0 : i32
      %dma_start3A_137 = arith.constant 0 : i32
      %dma_start3A_138 = tpu.memref_slice %arg9[%dma_start3A_136, %dma_start3A_137] : memref<10240x64xf32, #tpu.memory_space<vmem_shared>> -> memref<10240x64xf32, #tpu.memory_space<vmem_shared>>
      %dma_start3A_139 = tpu.memref_slice %arg12[%rem3A_105] : memref<2x!tpu.dma_semaphore, #tpu.memory_space<semaphore_mem>> -> memref<1x!tpu.dma_semaphore, #tpu.memory_space<semaphore_mem>>
      %dma_start3A_140 = tpu.memref_squeeze %dma_start3A_139 : memref<1x!tpu.dma_semaphore, #tpu.memory_space<semaphore_mem>> -> memref<!tpu.dma_semaphore, #tpu.memory_space<semaphore_mem>>
      tpu.enqueue_indirect_dma source(%dma_start3A_132 : memref<128x64xf32, #tpu.memory_space<vmem>>) target(%dma_start3A_138 : memref<10240x64xf32, #tpu.memory_space<vmem_shared>>) offsets(%dma_start3A_135 : memref<128xi32, #tpu.memory_space<vmem>>) semaphore(%dma_start3A_140 : memref<!tpu.dma_semaphore, #tpu.memory_space<semaphore_mem>>) {add = true}
      %while3A_141 = arith.constant 0 : i32
      scf.yield %while3A_141 : i32
    }
    %sub3A = arith.constant 1 : i32
    %sub3A_86 = arith.subi %select_n3A, %sub3A : i32
    %rem3A = arith.constant 2 : i32
    %rem3A_87 = arith.remsi %sub3A_86, %rem3A : i32
    %dma_wait3A_88 = arith.constant 0 : i32
    %dma_wait3A_89 = arith.constant 0 : i32
    %dma_wait3A_90 = arith.constant 0 : i32
    %dma_wait3A_91 = tpu.memref_slice %arg8[%rem3A_87, %dma_wait3A_89, %dma_wait3A_90] : memref<2x128x64xf32, #tpu.memory_space<vmem>> -> memref<1x128x64xf32, #tpu.memory_space<vmem>>
    %dma_wait3A_92 = tpu.memref_squeeze %dma_wait3A_91 : memref<1x128x64xf32, #tpu.memory_space<vmem>> -> memref<128x64xf32, #tpu.memory_space<vmem>>
    %dma_wait3A_93 = arith.constant 0 : i32
    %dma_wait3A_94 = tpu.memref_slice %arg7[%dma_wait3A_88, %dma_wait3A_93] : memref<100x128xi32, #tpu.memory_space<vmem>> -> memref<1x128xi32, #tpu.memory_space<vmem>>
    %dma_wait3A_95 = tpu.memref_squeeze %dma_wait3A_94 : memref<1x128xi32, #tpu.memory_space<vmem>> -> memref<128xi32, #tpu.memory_space<vmem>>
    %dma_wait3A_96 = arith.constant 0 : i32
    %dma_wait3A_97 = arith.constant 0 : i32
    %dma_wait3A_98 = tpu.memref_slice %arg9[%dma_wait3A_96, %dma_wait3A_97] : memref<10240x64xf32, #tpu.memory_space<vmem_shared>> -> memref<10240x64xf32, #tpu.memory_space<vmem_shared>>
    %dma_wait3A_99 = tpu.memref_slice %arg12[%rem3A_87] : memref<2x!tpu.dma_semaphore, #tpu.memory_space<semaphore_mem>> -> memref<1x!tpu.dma_semaphore, #tpu.memory_space<semaphore_mem>>
    %dma_wait3A_100 = tpu.memref_squeeze %dma_wait3A_99 : memref<1x!tpu.dma_semaphore, #tpu.memory_space<semaphore_mem>> -> memref<!tpu.dma_semaphore, #tpu.memory_space<semaphore_mem>>
    tpu.wait_indirect_dma semaphore(%dma_wait3A_100 : memref<!tpu.dma_semaphore, #tpu.memory_space<semaphore_mem>>) src(%dma_wait3A_92 : memref<128x64xf32, #tpu.memory_space<vmem>>) dst(%dma_wait3A_98 : memref<10240x64xf32, #tpu.memory_space<vmem_shared>>)
    %barrier3A_101 = arith.constant 0 : index
    tpu.barrier barrier_id(%barrier3A_101)
    "tpu.region"() ({
      %run_scoped3A_102 = tpu.sem_alloc : memref<!tpu.dma_semaphore, #tpu.memory_space<semaphore_mem>>
      %dma_start3A_103 = arith.constant 0 : i32
      %dma_start3A_104 = tpu.memref_slice %arg5[%arg0, %mul3A_6, %dma_start3A_103] : memref<2x10240x64xf32, #tpu.memory_space<hbm>> -> memref<1x640x64xf32, #tpu.memory_space<hbm>>
      %dma_start3A_105 = tpu.memref_squeeze %dma_start3A_104 : memref<1x640x64xf32, #tpu.memory_space<hbm>> -> memref<640x64xf32, #tpu.memory_space<hbm>>
      %dma_start3A_106 = arith.constant 0 : i32
      %dma_start3A_107 = tpu.memref_slice %arg9[%mul3A_6, %dma_start3A_106] : memref<10240x64xf32, #tpu.memory_space<vmem_shared>> -> memref<640x64xf32, #tpu.memory_space<vmem_shared>>
      tpu.enqueue_dma source(%dma_start3A_107 : memref<640x64xf32, #tpu.memory_space<vmem_shared>>) target(%dma_start3A_105 : memref<640x64xf32, #tpu.memory_space<hbm>>) target_semaphore(%run_scoped3A_102 : memref<!tpu.dma_semaphore, #tpu.memory_space<semaphore_mem>>)
      %dma_wait3A_108 = arith.constant 0 : i32
      %dma_wait3A_109 = tpu.memref_slice %arg5[%arg0, %mul3A_6, %dma_wait3A_108] : memref<2x10240x64xf32, #tpu.memory_space<hbm>> -> memref<1x640x64xf32, #tpu.memory_space<hbm>>
      %dma_wait3A_110 = tpu.memref_squeeze %dma_wait3A_109 : memref<1x640x64xf32, #tpu.memory_space<hbm>> -> memref<640x64xf32, #tpu.memory_space<hbm>>
      %dma_wait3A_111 = arith.constant 0 : i32
      %dma_wait3A_112 = tpu.memref_slice %arg9[%mul3A_6, %dma_wait3A_111] : memref<10240x64xf32, #tpu.memory_space<vmem_shared>> -> memref<640x64xf32, #tpu.memory_space<vmem_shared>>
      tpu.wait_dma2 semaphore(%run_scoped3A_102 : memref<!tpu.dma_semaphore, #tpu.memory_space<semaphore_mem>>) src(%dma_wait3A_112 : memref<640x64xf32, #tpu.memory_space<vmem_shared>>) dst(%dma_wait3A_110 : memref<640x64xf32, #tpu.memory_space<hbm>>)
      tpu.yield
    }) : () -> ()
    return
  }
}

#map = affine_map<(d0, d1) -> (0, 0)>
#map1 = affine_map<(d0, d1) -> (0, 0, 0)>
module attributes {stable_mosaic.version = 14 : i64} {
  func.func @k(%arg0: i32, %arg1: i32, %arg2: memref<10240x16xf32, #tpu.memory_space<hbm>>, %arg3: memref<2692x128xi32, #tpu.memory_space<hbm>>, %arg4: memref<2692x128xi32, #tpu.memory_space<hbm>>, %arg5: memref<2x10240x16xf32, #tpu.memory_space<hbm>>, %arg6: memref<100x128xi32, #tpu.memory_space<vmem>>, %arg7: memref<100x128xi32, #tpu.memory_space<vmem>>, %arg8: memref<2x128x16xf32, #tpu.memory_space<vmem>>, %arg9: memref<10240x16xf32, #tpu.memory_space<vmem_shared>>, %arg10: memref<10240x16xf32, #tpu.memory_space<vmem_shared>>, %arg11: memref<2x!tpu.dma_semaphore, #tpu.memory_space<semaphore_mem>>, %arg12: memref<2x!tpu.dma_semaphore, #tpu.memory_space<semaphore_mem>>, %arg13: memref<!tpu.dma_semaphore, #tpu.memory_space<semaphore_mem>>) attributes {dimension_semantics = [#tpu.dimension_semantics<core_parallel>, #tpu.dimension_semantics<subcore_parallel>], iteration_bounds = array<i64: 2, 16>, scalar_prefetch = 0 : i64, scratch_operands = 8 : i64, tpu.core_type = #tpu.core_type<sc_vector_subcore>, window_params = [{transform_indices = #map}, {transform_indices = #map}, {transform_indices = #map}, {transform_indices = #map1}]} {
    %mul3A = arith.constant 162 : i32
    %mul3A_0 = arith.muli %arg1, %mul3A : i32
    %mul3A_1 = arith.constant 81 : i32
    %mul3A_2 = arith.muli %arg0, %mul3A_1 : i32
    %add3A = arith.addi %mul3A_0, %mul3A_2 : i32
    %eq3A = arith.constant 0 : i32
    %eq3A_3 = arith.cmpi eq, %arg0, %eq3A : i32
    %jit3A = arith.constant 81 : i32
    %jit3A_4 = arith.constant 81 : i32
    %select_n3A = arith.select %eq3A_3, %jit3A, %jit3A_4 : i32
    %mul3A_5 = arith.constant 640 : i32
    %mul3A_6 = arith.muli %arg1, %mul3A_5 : i32
    %dma_start3A = arith.constant 0 : i32
    %dma_start3A_7 = tpu.memref_slice %arg3[%add3A, %dma_start3A] : memref<2692x128xi32, #tpu.memory_space<hbm>> -> memref<100x128xi32, #tpu.memory_space<hbm>>
    %dma_start3A_8 = arith.constant 0 : i32
    %dma_start3A_9 = tpu.memref_slice %arg3[%add3A, %dma_start3A_8] : memref<2692x128xi32, #tpu.memory_space<hbm>> -> memref<100x128xi32, #tpu.memory_space<hbm>>
    tpu.enqueue_dma source(%dma_start3A_9 : memref<100x128xi32, #tpu.memory_space<hbm>>) target(%arg6 : memref<100x128xi32, #tpu.memory_space<vmem>>) target_semaphore(%arg13 : memref<!tpu.dma_semaphore, #tpu.memory_space<semaphore_mem>>)
    %dma_start3A_10 = arith.constant 0 : i32
    %dma_start3A_11 = tpu.memref_slice %arg4[%add3A, %dma_start3A_10] : memref<2692x128xi32, #tpu.memory_space<hbm>> -> memref<100x128xi32, #tpu.memory_space<hbm>>
    %dma_start3A_12 = arith.constant 0 : i32
    %dma_start3A_13 = tpu.memref_slice %arg4[%add3A, %dma_start3A_12] : memref<2692x128xi32, #tpu.memory_space<hbm>> -> memref<100x128xi32, #tpu.memory_space<hbm>>
    tpu.enqueue_dma source(%dma_start3A_13 : memref<100x128xi32, #tpu.memory_space<hbm>>) target(%arg7 : memref<100x128xi32, #tpu.memory_space<vmem>>) target_semaphore(%arg13 : memref<!tpu.dma_semaphore, #tpu.memory_space<semaphore_mem>>)
    %dma_start3A_14 = arith.constant 0 : i32
    %dma_start3A_15 = tpu.memref_slice %arg10[%mul3A_6, %dma_start3A_14] : memref<10240x16xf32, #tpu.memory_space<vmem_shared>> -> memref<640x16xf32, #tpu.memory_space<vmem_shared>>
    %dma_start3A_16 = arith.constant 0 : i32
    %dma_start3A_17 = tpu.memref_slice %arg2[%mul3A_6, %dma_start3A_16] : memref<10240x16xf32, #tpu.memory_space<hbm>> -> memref<640x16xf32, #tpu.memory_space<hbm>>
    tpu.enqueue_dma source(%dma_start3A_17 : memref<640x16xf32, #tpu.memory_space<hbm>>) target(%dma_start3A_15 : memref<640x16xf32, #tpu.memory_space<vmem_shared>>) target_semaphore(%arg13 : memref<!tpu.dma_semaphore, #tpu.memory_space<semaphore_mem>>)
    %broadcast_in_dim3A = arith.constant 0.000000e+00 : f32
    %broadcast_in_dim3A_18 = vector.broadcast %broadcast_in_dim3A : f32 to vector<16xf32>
    %scan3A = arith.constant 0 : i32
    %scan3A_19 = arith.constant 0 : i32
    %scan3A_20 = arith.constant 128 : i32
    %scan3A_21 = arith.addi %scan3A_19, %scan3A_20 : i32
    %scan3A_22 = arith.constant 1 : i32
    %scan3A_23 = scf.for %scan3A_102 = %scan3A_19 to %scan3A_21 step %scan3A_22 iter_args(%scan3A_103 = %scan3A) -> (i32)  : i32 {
      %swap3A = arith.constant 0 : i32
      %swap3A_104 = arith.index_cast %swap3A : i32 to index
      %swap3A_105 = arith.index_cast %scan3A_102 : i32 to index
      %swap3A_106 = arith.constant 0 : index
      %swap3A_107 = tpu.vector_load %arg8[%swap3A_104, %swap3A_105, %swap3A_106] {strides = array<i32>} : memref<2x128x16xf32, #tpu.memory_space<vmem>>, vector<1x1x16xf32>,
      %swap3A_108 = vector.shape_cast %swap3A_107 : vector<1x1x16xf32> to vector<16xf32>
      %swap3A_109 = vector.shape_cast %broadcast_in_dim3A_18 : vector<16xf32> to vector<1x1x16xf32>
      tpu.vector_store %arg8[%swap3A_104, %swap3A_105, %swap3A_106], %swap3A_109 {strides = array<i32>} : memref<2x128x16xf32, #tpu.memory_space<vmem>>, vector<1x1x16xf32>,
      %scan3A_110 = arith.constant 0 : i32
      scf.yield %scan3A_110 : i32
    }
    %scan3A_24 = arith.constant 128 : i32
    %mul3A_25 = arith.constant 640 : i32
    %mul3A_26 = arith.muli %arg1, %mul3A_25 : i32
    %add3A_27 = arith.constant 0 : i32
    %add3A_28 = arith.addi %mul3A_26, %add3A_27 : i32
    %run_scoped3A = arith.constant 0 : i32
    "tpu.region"() ({
      %run_scoped3A_102 = tpu.sem_alloc : memref<!tpu.dma_semaphore, #tpu.memory_space<semaphore_mem>>
      %dma_start3A_103 = arith.constant 0 : i32
      %dma_start3A_104 = arith.constant 0 : i32
      %dma_start3A_105 = tpu.memref_slice %arg8[%run_scoped3A, %dma_start3A_103, %dma_start3A_104] : memref<2x128x16xf32, #tpu.memory_space<vmem>> -> memref<1x128x16xf32, #tpu.memory_space<vmem>>
      %dma_start3A_106 = tpu.memref_squeeze %dma_start3A_105 : memref<1x128x16xf32, #tpu.memory_space<vmem>> -> memref<128x16xf32, #tpu.memory_space<vmem>>
      %dma_start3A_107 = arith.constant 0 : i32
      %dma_start3A_108 = tpu.memref_slice %arg9[%add3A_28, %dma_start3A_107] : memref<10240x16xf32, #tpu.memory_space<vmem_shared>> -> memref<128x16xf32, #tpu.memory_space<vmem_shared>>
      %dma_start3A_109 = arith.constant 0 : i32
      %dma_start3A_110 = tpu.memref_slice %arg9[%add3A_28, %dma_start3A_109] : memref<10240x16xf32, #tpu.memory_space<vmem_shared>> -> memref<128x16xf32, #tpu.memory_space<vmem_shared>>
      %dma_start3A_111 = arith.constant 0 : i32
      %dma_start3A_112 = arith.constant 0 : i32
      %dma_start3A_113 = tpu.memref_slice %arg8[%run_scoped3A, %dma_start3A_111, %dma_start3A_112] : memref<2x128x16xf32, #tpu.memory_space<vmem>> -> memref<1x128x16xf32, #tpu.memory_space<vmem>>
      %dma_start3A_114 = tpu.memref_squeeze %dma_start3A_113 : memref<1x128x16xf32, #tpu.memory_space<vmem>> -> memref<128x16xf32, #tpu.memory_space<vmem>>
      tpu.enqueue_dma source(%dma_start3A_114 : memref<128x16xf32, #tpu.memory_space<vmem>>) target(%dma_start3A_110 : memref<128x16xf32, #tpu.memory_space<vmem_shared>>) target_semaphore(%run_scoped3A_102 : memref<!tpu.dma_semaphore, #tpu.memory_space<semaphore_mem>>)
      %dma_wait3A_115 = arith.constant 0 : i32
      %dma_wait3A_116 = arith.constant 0 : i32
      %dma_wait3A_117 = tpu.memref_slice %arg8[%run_scoped3A, %dma_wait3A_115, %dma_wait3A_116] : memref<2x128x16xf32, #tpu.memory_space<vmem>> -> memref<1x128x16xf32, #tpu.memory_space<vmem>>
      %dma_wait3A_118 = tpu.memref_squeeze %dma_wait3A_117 : memref<1x128x16xf32, #tpu.memory_space<vmem>> -> memref<128x16xf32, #tpu.memory_space<vmem>>
      %dma_wait3A_119 = arith.constant 0 : i32
      %dma_wait3A_120 = tpu.memref_slice %arg9[%add3A_28, %dma_wait3A_119] : memref<10240x16xf32, #tpu.memory_space<vmem_shared>> -> memref<128x16xf32, #tpu.memory_space<vmem_shared>>
      %dma_wait3A_121 = arith.constant 0 : i32
      %dma_wait3A_122 = tpu.memref_slice %arg9[%add3A_28, %dma_wait3A_121] : memref<10240x16xf32, #tpu.memory_space<vmem_shared>> -> memref<128x16xf32, #tpu.memory_space<vmem_shared>>
      %dma_wait3A_123 = arith.constant 0 : i32
      %dma_wait3A_124 = arith.constant 0 : i32
      %dma_wait3A_125 = tpu.memref_slice %arg8[%run_scoped3A, %dma_wait3A_123, %dma_wait3A_124] : memref<2x128x16xf32, #tpu.memory_space<vmem>> -> memref<1x128x16xf32, #tpu.memory_space<vmem>>
      %dma_wait3A_126 = tpu.memref_squeeze %dma_wait3A_125 : memref<1x128x16xf32, #tpu.memory_space<vmem>> -> memref<128x16xf32, #tpu.memory_space<vmem>>
      tpu.wait_dma2 semaphore(%run_scoped3A_102 : memref<!tpu.dma_semaphore, #tpu.memory_space<semaphore_mem>>) src(%dma_wait3A_126 : memref<128x16xf32, #tpu.memory_space<vmem>>) dst(%dma_wait3A_122 : memref<128x16xf32, #tpu.memory_space<vmem_shared>>)
      tpu.yield
    }) : () -> ()
    %mul3A_29 = arith.constant 640 : i32
    %mul3A_30 = arith.muli %arg1, %mul3A_29 : i32
    %add3A_31 = arith.constant 128 : i32
    %add3A_32 = arith.addi %mul3A_30, %add3A_31 : i32
    %run_scoped3A_33 = arith.constant 0 : i32
    "tpu.region"() ({
      %run_scoped3A_102 = tpu.sem_alloc : memref<!tpu.dma_semaphore, #tpu.memory_space<semaphore_mem>>
      %dma_start3A_103 = arith.constant 0 : i32
      %dma_start3A_104 = arith.constant 0 : i32
      %dma_start3A_105 = tpu.memref_slice %arg8[%run_scoped3A_33, %dma_start3A_103, %dma_start3A_104] : memref<2x128x16xf32, #tpu.memory_space<vmem>> -> memref<1x128x16xf32, #tpu.memory_space<vmem>>
      %dma_start3A_106 = tpu.memref_squeeze %dma_start3A_105 : memref<1x128x16xf32, #tpu.memory_space<vmem>> -> memref<128x16xf32, #tpu.memory_space<vmem>>
      %dma_start3A_107 = arith.constant 0 : i32
      %dma_start3A_108 = tpu.memref_slice %arg9[%add3A_32, %dma_start3A_107] : memref<10240x16xf32, #tpu.memory_space<vmem_shared>> -> memref<128x16xf32, #tpu.memory_space<vmem_shared>>
      %dma_start3A_109 = arith.constant 0 : i32
      %dma_start3A_110 = tpu.memref_slice %arg9[%add3A_32, %dma_start3A_109] : memref<10240x16xf32, #tpu.memory_space<vmem_shared>> -> memref<128x16xf32, #tpu.memory_space<vmem_shared>>
      %dma_start3A_111 = arith.constant 0 : i32
      %dma_start3A_112 = arith.constant 0 : i32
      %dma_start3A_113 = tpu.memref_slice %arg8[%run_scoped3A_33, %dma_start3A_111, %dma_start3A_112] : memref<2x128x16xf32, #tpu.memory_space<vmem>> -> memref<1x128x16xf32, #tpu.memory_space<vmem>>
      %dma_start3A_114 = tpu.memref_squeeze %dma_start3A_113 : memref<1x128x16xf32, #tpu.memory_space<vmem>> -> memref<128x16xf32, #tpu.memory_space<vmem>>
      tpu.enqueue_dma source(%dma_start3A_114 : memref<128x16xf32, #tpu.memory_space<vmem>>) target(%dma_start3A_110 : memref<128x16xf32, #tpu.memory_space<vmem_shared>>) target_semaphore(%run_scoped3A_102 : memref<!tpu.dma_semaphore, #tpu.memory_space<semaphore_mem>>)
      %dma_wait3A_115 = arith.constant 0 : i32
      %dma_wait3A_116 = arith.constant 0 : i32
      %dma_wait3A_117 = tpu.memref_slice %arg8[%run_scoped3A_33, %dma_wait3A_115, %dma_wait3A_116] : memref<2x128x16xf32, #tpu.memory_space<vmem>> -> memref<1x128x16xf32, #tpu.memory_space<vmem>>
      %dma_wait3A_118 = tpu.memref_squeeze %dma_wait3A_117 : memref<1x128x16xf32, #tpu.memory_space<vmem>> -> memref<128x16xf32, #tpu.memory_space<vmem>>
      %dma_wait3A_119 = arith.constant 0 : i32
      %dma_wait3A_120 = tpu.memref_slice %arg9[%add3A_32, %dma_wait3A_119] : memref<10240x16xf32, #tpu.memory_space<vmem_shared>> -> memref<128x16xf32, #tpu.memory_space<vmem_shared>>
      %dma_wait3A_121 = arith.constant 0 : i32
      %dma_wait3A_122 = tpu.memref_slice %arg9[%add3A_32, %dma_wait3A_121] : memref<10240x16xf32, #tpu.memory_space<vmem_shared>> -> memref<128x16xf32, #tpu.memory_space<vmem_shared>>
      %dma_wait3A_123 = arith.constant 0 : i32
      %dma_wait3A_124 = arith.constant 0 : i32
      %dma_wait3A_125 = tpu.memref_slice %arg8[%run_scoped3A_33, %dma_wait3A_123, %dma_wait3A_124] : memref<2x128x16xf32, #tpu.memory_space<vmem>> -> memref<1x128x16xf32, #tpu.memory_space<vmem>>
      %dma_wait3A_126 = tpu.memref_squeeze %dma_wait3A_125 : memref<1x128x16xf32, #tpu.memory_space<vmem>> -> memref<128x16xf32, #tpu.memory_space<vmem>>
      tpu.wait_dma2 semaphore(%run_scoped3A_102 : memref<!tpu.dma_semaphore, #tpu.memory_space<semaphore_mem>>) src(%dma_wait3A_126 : memref<128x16xf32, #tpu.memory_space<vmem>>) dst(%dma_wait3A_122 : memref<128x16xf32, #tpu.memory_space<vmem_shared>>)
      tpu.yield
    }) : () -> ()
    %mul3A_34 = arith.constant 640 : i32
    %mul3A_35 = arith.muli %arg1, %mul3A_34 : i32
    %add3A_36 = arith.constant 256 : i32
    %add3A_37 = arith.addi %mul3A_35, %add3A_36 : i32
    %run_scoped3A_38 = arith.constant 0 : i32
    "tpu.region"() ({
      %run_scoped3A_102 = tpu.sem_alloc : memref<!tpu.dma_semaphore, #tpu.memory_space<semaphore_mem>>
      %dma_start3A_103 = arith.constant 0 : i32
      %dma_start3A_104 = arith.constant 0 : i32
      %dma_start3A_105 = tpu.memref_slice %arg8[%run_scoped3A_38, %dma_start3A_103, %dma_start3A_104] : memref<2x128x16xf32, #tpu.memory_space<vmem>> -> memref<1x128x16xf32, #tpu.memory_space<vmem>>
      %dma_start3A_106 = tpu.memref_squeeze %dma_start3A_105 : memref<1x128x16xf32, #tpu.memory_space<vmem>> -> memref<128x16xf32, #tpu.memory_space<vmem>>
      %dma_start3A_107 = arith.constant 0 : i32
      %dma_start3A_108 = tpu.memref_slice %arg9[%add3A_37, %dma_start3A_107] : memref<10240x16xf32, #tpu.memory_space<vmem_shared>> -> memref<128x16xf32, #tpu.memory_space<vmem_shared>>
      %dma_start3A_109 = arith.constant 0 : i32
      %dma_start3A_110 = tpu.memref_slice %arg9[%add3A_37, %dma_start3A_109] : memref<10240x16xf32, #tpu.memory_space<vmem_shared>> -> memref<128x16xf32, #tpu.memory_space<vmem_shared>>
      %dma_start3A_111 = arith.constant 0 : i32
      %dma_start3A_112 = arith.constant 0 : i32
      %dma_start3A_113 = tpu.memref_slice %arg8[%run_scoped3A_38, %dma_start3A_111, %dma_start3A_112] : memref<2x128x16xf32, #tpu.memory_space<vmem>> -> memref<1x128x16xf32, #tpu.memory_space<vmem>>
      %dma_start3A_114 = tpu.memref_squeeze %dma_start3A_113 : memref<1x128x16xf32, #tpu.memory_space<vmem>> -> memref<128x16xf32, #tpu.memory_space<vmem>>
      tpu.enqueue_dma source(%dma_start3A_114 : memref<128x16xf32, #tpu.memory_space<vmem>>) target(%dma_start3A_110 : memref<128x16xf32, #tpu.memory_space<vmem_shared>>) target_semaphore(%run_scoped3A_102 : memref<!tpu.dma_semaphore, #tpu.memory_space<semaphore_mem>>)
      %dma_wait3A_115 = arith.constant 0 : i32
      %dma_wait3A_116 = arith.constant 0 : i32
      %dma_wait3A_117 = tpu.memref_slice %arg8[%run_scoped3A_38, %dma_wait3A_115, %dma_wait3A_116] : memref<2x128x16xf32, #tpu.memory_space<vmem>> -> memref<1x128x16xf32, #tpu.memory_space<vmem>>
      %dma_wait3A_118 = tpu.memref_squeeze %dma_wait3A_117 : memref<1x128x16xf32, #tpu.memory_space<vmem>> -> memref<128x16xf32, #tpu.memory_space<vmem>>
      %dma_wait3A_119 = arith.constant 0 : i32
      %dma_wait3A_120 = tpu.memref_slice %arg9[%add3A_37, %dma_wait3A_119] : memref<10240x16xf32, #tpu.memory_space<vmem_shared>> -> memref<128x16xf32, #tpu.memory_space<vmem_shared>>
      %dma_wait3A_121 = arith.constant 0 : i32
      %dma_wait3A_122 = tpu.memref_slice %arg9[%add3A_37, %dma_wait3A_121] : memref<10240x16xf32, #tpu.memory_space<vmem_shared>> -> memref<128x16xf32, #tpu.memory_space<vmem_shared>>
      %dma_wait3A_123 = arith.constant 0 : i32
      %dma_wait3A_124 = arith.constant 0 : i32
      %dma_wait3A_125 = tpu.memref_slice %arg8[%run_scoped3A_38, %dma_wait3A_123, %dma_wait3A_124] : memref<2x128x16xf32, #tpu.memory_space<vmem>> -> memref<1x128x16xf32, #tpu.memory_space<vmem>>
      %dma_wait3A_126 = tpu.memref_squeeze %dma_wait3A_125 : memref<1x128x16xf32, #tpu.memory_space<vmem>> -> memref<128x16xf32, #tpu.memory_space<vmem>>
      tpu.wait_dma2 semaphore(%run_scoped3A_102 : memref<!tpu.dma_semaphore, #tpu.memory_space<semaphore_mem>>) src(%dma_wait3A_126 : memref<128x16xf32, #tpu.memory_space<vmem>>) dst(%dma_wait3A_122 : memref<128x16xf32, #tpu.memory_space<vmem_shared>>)
      tpu.yield
    }) : () -> ()
    %mul3A_39 = arith.constant 640 : i32
    %mul3A_40 = arith.muli %arg1, %mul3A_39 : i32
    %add3A_41 = arith.constant 384 : i32
    %add3A_42 = arith.addi %mul3A_40, %add3A_41 : i32
    %run_scoped3A_43 = arith.constant 0 : i32
    "tpu.region"() ({
      %run_scoped3A_102 = tpu.sem_alloc : memref<!tpu.dma_semaphore, #tpu.memory_space<semaphore_mem>>
      %dma_start3A_103 = arith.constant 0 : i32
      %dma_start3A_104 = arith.constant 0 : i32
      %dma_start3A_105 = tpu.memref_slice %arg8[%run_scoped3A_43, %dma_start3A_103, %dma_start3A_104] : memref<2x128x16xf32, #tpu.memory_space<vmem>> -> memref<1x128x16xf32, #tpu.memory_space<vmem>>
      %dma_start3A_106 = tpu.memref_squeeze %dma_start3A_105 : memref<1x128x16xf32, #tpu.memory_space<vmem>> -> memref<128x16xf32, #tpu.memory_space<vmem>>
      %dma_start3A_107 = arith.constant 0 : i32
      %dma_start3A_108 = tpu.memref_slice %arg9[%add3A_42, %dma_start3A_107] : memref<10240x16xf32, #tpu.memory_space<vmem_shared>> -> memref<128x16xf32, #tpu.memory_space<vmem_shared>>
      %dma_start3A_109 = arith.constant 0 : i32
      %dma_start3A_110 = tpu.memref_slice %arg9[%add3A_42, %dma_start3A_109] : memref<10240x16xf32, #tpu.memory_space<vmem_shared>> -> memref<128x16xf32, #tpu.memory_space<vmem_shared>>
      %dma_start3A_111 = arith.constant 0 : i32
      %dma_start3A_112 = arith.constant 0 : i32
      %dma_start3A_113 = tpu.memref_slice %arg8[%run_scoped3A_43, %dma_start3A_111, %dma_start3A_112] : memref<2x128x16xf32, #tpu.memory_space<vmem>> -> memref<1x128x16xf32, #tpu.memory_space<vmem>>
      %dma_start3A_114 = tpu.memref_squeeze %dma_start3A_113 : memref<1x128x16xf32, #tpu.memory_space<vmem>> -> memref<128x16xf32, #tpu.memory_space<vmem>>
      tpu.enqueue_dma source(%dma_start3A_114 : memref<128x16xf32, #tpu.memory_space<vmem>>) target(%dma_start3A_110 : memref<128x16xf32, #tpu.memory_space<vmem_shared>>) target_semaphore(%run_scoped3A_102 : memref<!tpu.dma_semaphore, #tpu.memory_space<semaphore_mem>>)
      %dma_wait3A_115 = arith.constant 0 : i32
      %dma_wait3A_116 = arith.constant 0 : i32
      %dma_wait3A_117 = tpu.memref_slice %arg8[%run_scoped3A_43, %dma_wait3A_115, %dma_wait3A_116] : memref<2x128x16xf32, #tpu.memory_space<vmem>> -> memref<1x128x16xf32, #tpu.memory_space<vmem>>
      %dma_wait3A_118 = tpu.memref_squeeze %dma_wait3A_117 : memref<1x128x16xf32, #tpu.memory_space<vmem>> -> memref<128x16xf32, #tpu.memory_space<vmem>>
      %dma_wait3A_119 = arith.constant 0 : i32
      %dma_wait3A_120 = tpu.memref_slice %arg9[%add3A_42, %dma_wait3A_119] : memref<10240x16xf32, #tpu.memory_space<vmem_shared>> -> memref<128x16xf32, #tpu.memory_space<vmem_shared>>
      %dma_wait3A_121 = arith.constant 0 : i32
      %dma_wait3A_122 = tpu.memref_slice %arg9[%add3A_42, %dma_wait3A_121] : memref<10240x16xf32, #tpu.memory_space<vmem_shared>> -> memref<128x16xf32, #tpu.memory_space<vmem_shared>>
      %dma_wait3A_123 = arith.constant 0 : i32
      %dma_wait3A_124 = arith.constant 0 : i32
      %dma_wait3A_125 = tpu.memref_slice %arg8[%run_scoped3A_43, %dma_wait3A_123, %dma_wait3A_124] : memref<2x128x16xf32, #tpu.memory_space<vmem>> -> memref<1x128x16xf32, #tpu.memory_space<vmem>>
      %dma_wait3A_126 = tpu.memref_squeeze %dma_wait3A_125 : memref<1x128x16xf32, #tpu.memory_space<vmem>> -> memref<128x16xf32, #tpu.memory_space<vmem>>
      tpu.wait_dma2 semaphore(%run_scoped3A_102 : memref<!tpu.dma_semaphore, #tpu.memory_space<semaphore_mem>>) src(%dma_wait3A_126 : memref<128x16xf32, #tpu.memory_space<vmem>>) dst(%dma_wait3A_122 : memref<128x16xf32, #tpu.memory_space<vmem_shared>>)
      tpu.yield
    }) : () -> ()
    %mul3A_44 = arith.constant 640 : i32
    %mul3A_45 = arith.muli %arg1, %mul3A_44 : i32
    %add3A_46 = arith.constant 512 : i32
    %add3A_47 = arith.addi %mul3A_45, %add3A_46 : i32
    %run_scoped3A_48 = arith.constant 0 : i32
    "tpu.region"() ({
      %run_scoped3A_102 = tpu.sem_alloc : memref<!tpu.dma_semaphore, #tpu.memory_space<semaphore_mem>>
      %dma_start3A_103 = arith.constant 0 : i32
      %dma_start3A_104 = arith.constant 0 : i32
      %dma_start3A_105 = tpu.memref_slice %arg8[%run_scoped3A_48, %dma_start3A_103, %dma_start3A_104] : memref<2x128x16xf32, #tpu.memory_space<vmem>> -> memref<1x128x16xf32, #tpu.memory_space<vmem>>
      %dma_start3A_106 = tpu.memref_squeeze %dma_start3A_105 : memref<1x128x16xf32, #tpu.memory_space<vmem>> -> memref<128x16xf32, #tpu.memory_space<vmem>>
      %dma_start3A_107 = arith.constant 0 : i32
      %dma_start3A_108 = tpu.memref_slice %arg9[%add3A_47, %dma_start3A_107] : memref<10240x16xf32, #tpu.memory_space<vmem_shared>> -> memref<128x16xf32, #tpu.memory_space<vmem_shared>>
      %dma_start3A_109 = arith.constant 0 : i32
      %dma_start3A_110 = tpu.memref_slice %arg9[%add3A_47, %dma_start3A_109] : memref<10240x16xf32, #tpu.memory_space<vmem_shared>> -> memref<128x16xf32, #tpu.memory_space<vmem_shared>>
      %dma_start3A_111 = arith.constant 0 : i32
      %dma_start3A_112 = arith.constant 0 : i32
      %dma_start3A_113 = tpu.memref_slice %arg8[%run_scoped3A_48, %dma_start3A_111, %dma_start3A_112] : memref<2x128x16xf32, #tpu.memory_space<vmem>> -> memref<1x128x16xf32, #tpu.memory_space<vmem>>
      %dma_start3A_114 = tpu.memref_squeeze %dma_start3A_113 : memref<1x128x16xf32, #tpu.memory_space<vmem>> -> memref<128x16xf32, #tpu.memory_space<vmem>>
      tpu.enqueue_dma source(%dma_start3A_114 : memref<128x16xf32, #tpu.memory_space<vmem>>) target(%dma_start3A_110 : memref<128x16xf32, #tpu.memory_space<vmem_shared>>) target_semaphore(%run_scoped3A_102 : memref<!tpu.dma_semaphore, #tpu.memory_space<semaphore_mem>>)
      %dma_wait3A_115 = arith.constant 0 : i32
      %dma_wait3A_116 = arith.constant 0 : i32
      %dma_wait3A_117 = tpu.memref_slice %arg8[%run_scoped3A_48, %dma_wait3A_115, %dma_wait3A_116] : memref<2x128x16xf32, #tpu.memory_space<vmem>> -> memref<1x128x16xf32, #tpu.memory_space<vmem>>
      %dma_wait3A_118 = tpu.memref_squeeze %dma_wait3A_117 : memref<1x128x16xf32, #tpu.memory_space<vmem>> -> memref<128x16xf32, #tpu.memory_space<vmem>>
      %dma_wait3A_119 = arith.constant 0 : i32
      %dma_wait3A_120 = tpu.memref_slice %arg9[%add3A_47, %dma_wait3A_119] : memref<10240x16xf32, #tpu.memory_space<vmem_shared>> -> memref<128x16xf32, #tpu.memory_space<vmem_shared>>
      %dma_wait3A_121 = arith.constant 0 : i32
      %dma_wait3A_122 = tpu.memref_slice %arg9[%add3A_47, %dma_wait3A_121] : memref<10240x16xf32, #tpu.memory_space<vmem_shared>> -> memref<128x16xf32, #tpu.memory_space<vmem_shared>>
      %dma_wait3A_123 = arith.constant 0 : i32
      %dma_wait3A_124 = arith.constant 0 : i32
      %dma_wait3A_125 = tpu.memref_slice %arg8[%run_scoped3A_48, %dma_wait3A_123, %dma_wait3A_124] : memref<2x128x16xf32, #tpu.memory_space<vmem>> -> memref<1x128x16xf32, #tpu.memory_space<vmem>>
      %dma_wait3A_126 = tpu.memref_squeeze %dma_wait3A_125 : memref<1x128x16xf32, #tpu.memory_space<vmem>> -> memref<128x16xf32, #tpu.memory_space<vmem>>
      tpu.wait_dma2 semaphore(%run_scoped3A_102 : memref<!tpu.dma_semaphore, #tpu.memory_space<semaphore_mem>>) src(%dma_wait3A_126 : memref<128x16xf32, #tpu.memory_space<vmem>>) dst(%dma_wait3A_122 : memref<128x16xf32, #tpu.memory_space<vmem_shared>>)
      tpu.yield
    }) : () -> ()
    %dma_wait3A = arith.constant 0 : i32
    %dma_wait3A_49 = tpu.memref_slice %arg3[%add3A, %dma_wait3A] : memref<2692x128xi32, #tpu.memory_space<hbm>> -> memref<100x128xi32, #tpu.memory_space<hbm>>
    %dma_wait3A_50 = arith.constant 0 : i32
    %dma_wait3A_51 = tpu.memref_slice %arg3[%add3A, %dma_wait3A_50] : memref<2692x128xi32, #tpu.memory_space<hbm>> -> memref<100x128xi32, #tpu.memory_space<hbm>>
    tpu.wait_dma2 semaphore(%arg13 : memref<!tpu.dma_semaphore, #tpu.memory_space<semaphore_mem>>) src(%dma_wait3A_51 : memref<100x128xi32, #tpu.memory_space<hbm>>) dst(%arg6 : memref<100x128xi32, #tpu.memory_space<vmem>>)
    %dma_wait3A_52 = arith.constant 0 : i32
    %dma_wait3A_53 = tpu.memref_slice %arg4[%add3A, %dma_wait3A_52] : memref<2692x128xi32, #tpu.memory_space<hbm>> -> memref<100x128xi32, #tpu.memory_space<hbm>>
    %dma_wait3A_54 = arith.constant 0 : i32
    %dma_wait3A_55 = tpu.memref_slice %arg4[%add3A, %dma_wait3A_54] : memref<2692x128xi32, #tpu.memory_space<hbm>> -> memref<100x128xi32, #tpu.memory_space<hbm>>
    tpu.wait_dma2 semaphore(%arg13 : memref<!tpu.dma_semaphore, #tpu.memory_space<semaphore_mem>>) src(%dma_wait3A_55 : memref<100x128xi32, #tpu.memory_space<hbm>>) dst(%arg7 : memref<100x128xi32, #tpu.memory_space<vmem>>)
    %dma_wait3A_56 = arith.constant 0 : i32
    %dma_wait3A_57 = tpu.memref_slice %arg10[%mul3A_6, %dma_wait3A_56] : memref<10240x16xf32, #tpu.memory_space<vmem_shared>> -> memref<640x16xf32, #tpu.memory_space<vmem_shared>>
    %dma_wait3A_58 = arith.constant 0 : i32
    %dma_wait3A_59 = tpu.memref_slice %arg2[%mul3A_6, %dma_wait3A_58] : memref<10240x16xf32, #tpu.memory_space<hbm>> -> memref<640x16xf32, #tpu.memory_space<hbm>>
    tpu.wait_dma2 semaphore(%arg13 : memref<!tpu.dma_semaphore, #tpu.memory_space<semaphore_mem>>) src(%dma_wait3A_59 : memref<640x16xf32, #tpu.memory_space<hbm>>) dst(%dma_wait3A_57 : memref<640x16xf32, #tpu.memory_space<vmem_shared>>)
    %barrier3A = arith.constant 0 : index
    tpu.barrier barrier_id(%barrier3A)
    %dma_start3A_60 = arith.constant 0 : i32
    %dma_start3A_61 = arith.constant 0 : i32
    %dma_start3A_62 = arith.constant 0 : i32
    %dma_start3A_63 = arith.constant 0 : i32
    %dma_start3A_64 = arith.constant 0 : i32
    %dma_start3A_65 = tpu.memref_slice %arg8[%dma_start3A_61, %dma_start3A_63, %dma_start3A_64] : memref<2x128x16xf32, #tpu.memory_space<vmem>> -> memref<1x128x16xf32, #tpu.memory_space<vmem>>
    %dma_start3A_66 = tpu.memref_squeeze %dma_start3A_65 : memref<1x128x16xf32, #tpu.memory_space<vmem>> -> memref<128x16xf32, #tpu.memory_space<vmem>>
    %dma_start3A_67 = arith.constant 0 : i32
    %dma_start3A_68 = tpu.memref_slice %arg6[%dma_start3A_60, %dma_start3A_67] : memref<100x128xi32, #tpu.memory_space<vmem>> -> memref<1x128xi32, #tpu.memory_space<vmem>>
    %dma_start3A_69 = tpu.memref_squeeze %dma_start3A_68 : memref<1x128xi32, #tpu.memory_space<vmem>> -> memref<128xi32, #tpu.memory_space<vmem>>
    %dma_start3A_70 = arith.constant 0 : i32
    %dma_start3A_71 = arith.constant 0 : i32
    %dma_start3A_72 = tpu.memref_slice %arg10[%dma_start3A_70, %dma_start3A_71] : memref<10240x16xf32, #tpu.memory_space<vmem_shared>> -> memref<10240x16xf32, #tpu.memory_space<vmem_shared>>
    %dma_start3A_73 = tpu.memref_slice %arg11[%dma_start3A_62] : memref<2x!tpu.dma_semaphore, #tpu.memory_space<semaphore_mem>> -> memref<1x!tpu.dma_semaphore, #tpu.memory_space<semaphore_mem>>
    %dma_start3A_74 = tpu.memref_squeeze %dma_start3A_73 : memref<1x!tpu.dma_semaphore, #tpu.memory_space<semaphore_mem>> -> memref<!tpu.dma_semaphore, #tpu.memory_space<semaphore_mem>>
    tpu.enqueue_indirect_dma source(%dma_start3A_72 : memref<10240x16xf32, #tpu.memory_space<vmem_shared>>) target(%dma_start3A_66 : memref<128x16xf32, #tpu.memory_space<vmem>>) offsets(%dma_start3A_69 : memref<128xi32, #tpu.memory_space<vmem>>) semaphore(%dma_start3A_74 : memref<!tpu.dma_semaphore, #tpu.memory_space<semaphore_mem>>)
    %while3A = arith.constant 0 : i32
    %while3A_75 = arith.constant 0 : i32
    %while3A_76 = arith.subi %select_n3A, %while3A : i32
    %while3A_77 = arith.addi %while3A, %while3A_76 : i32
    %while3A_78 = arith.constant 1 : i32
    %while3A_79 = arith.divsi %while3A_76, %while3A_78 : i32
    %while3A_80 = arith.muli %while3A_79, %while3A_78 : i32
    %while3A_81 = arith.addi %while3A, %while3A_80 : i32
    %while3A_82 = arith.constant 1 : i32
    %while3A_83 = scf.for %while3A_102 = %while3A to %while3A_81 step %while3A_82 iter_args(%while3A_103 = %while3A_75) -> (i32)  : i32 {
      %rem3A_104 = arith.constant 2 : i32
      %rem3A_105 = arith.remsi %while3A_102, %rem3A_104 : i32
      %add3A_106 = arith.constant 1 : i32
      %add3A_107 = arith.addi %while3A_102, %add3A_106 : i32
      %rem3A_108 = arith.constant 2 : i32
      %rem3A_109 = arith.remsi %add3A_107, %rem3A_108 : i32
      %ge3A = arith.constant 1 : i32
      %ge3A_110 = arith.cmpi sge, %while3A_102, %ge3A : i32
      %convert_element_type3A = arith.extui %ge3A_110 : i1 to i32
      %cond3A = arith.constant 0 : i32
      %cond3A_111 = arith.cmpi ne, %convert_element_type3A, %cond3A : i32
      scf.if %cond3A_111 {
        %dma_wait3A_142 = arith.constant 0 : i32
        %dma_wait3A_143 = arith.constant 0 : i32
        %dma_wait3A_144 = arith.constant 0 : i32
        %dma_wait3A_145 = tpu.memref_slice %arg8[%rem3A_109, %dma_wait3A_143, %dma_wait3A_144] : memref<2x128x16xf32, #tpu.memory_space<vmem>> -> memref<1x128x16xf32, #tpu.memory_space<vmem>>
        %dma_wait3A_146 = tpu.memref_squeeze %dma_wait3A_145 : memref<1x128x16xf32, #tpu.memory_space<vmem>> -> memref<128x16xf32, #tpu.memory_space<vmem>>
        %dma_wait3A_147 = arith.constant 0 : i32
        %dma_wait3A_148 = tpu.memref_slice %arg7[%dma_wait3A_142, %dma_wait3A_147] : memref<100x128xi32, #tpu.memory_space<vmem>> -> memref<1x128xi32, #tpu.memory_space<vmem>>
        %dma_wait3A_149 = tpu.memref_squeeze %dma_wait3A_148 : memref<1x128xi32, #tpu.memory_space<vmem>> -> memref<128xi32, #tpu.memory_space<vmem>>
        %dma_wait3A_150 = arith.constant 0 : i32
        %dma_wait3A_151 = arith.constant 0 : i32
        %dma_wait3A_152 = tpu.memref_slice %arg9[%dma_wait3A_150, %dma_wait3A_151] : memref<10240x16xf32, #tpu.memory_space<vmem_shared>> -> memref<10240x16xf32, #tpu.memory_space<vmem_shared>>
        %dma_wait3A_153 = tpu.memref_slice %arg12[%rem3A_109] : memref<2x!tpu.dma_semaphore, #tpu.memory_space<semaphore_mem>> -> memref<1x!tpu.dma_semaphore, #tpu.memory_space<semaphore_mem>>
        %dma_wait3A_154 = tpu.memref_squeeze %dma_wait3A_153 : memref<1x!tpu.dma_semaphore, #tpu.memory_space<semaphore_mem>> -> memref<!tpu.dma_semaphore, #tpu.memory_space<semaphore_mem>>
        tpu.wait_indirect_dma semaphore(%dma_wait3A_154 : memref<!tpu.dma_semaphore, #tpu.memory_space<semaphore_mem>>) src(%dma_wait3A_146 : memref<128x16xf32, #tpu.memory_space<vmem>>) dst(%dma_wait3A_152 : memref<10240x16xf32, #tpu.memory_space<vmem_shared>>)
      } else {
      }
      %sub3A_112 = arith.constant 1 : i32
      %sub3A_113 = arith.subi %select_n3A, %sub3A_112 : i32
      %lt3A = arith.cmpi slt, %while3A_102, %sub3A_113 : i32
      %convert_element_type3A_114 = arith.extui %lt3A : i1 to i32
      %cond3A_115 = arith.constant 0 : i32
      %cond3A_116 = arith.cmpi ne, %convert_element_type3A_114, %cond3A_115 : i32
      scf.if %cond3A_116 {
        %add3A_142 = arith.constant 1 : i32
        %add3A_143 = arith.addi %while3A_102, %add3A_142 : i32
        %dma_start3A_144 = arith.constant 0 : i32
        %dma_start3A_145 = arith.constant 0 : i32
        %dma_start3A_146 = tpu.memref_slice %arg8[%rem3A_109, %dma_start3A_144, %dma_start3A_145] : memref<2x128x16xf32, #tpu.memory_space<vmem>> -> memref<1x128x16xf32, #tpu.memory_space<vmem>>
        %dma_start3A_147 = tpu.memref_squeeze %dma_start3A_146 : memref<1x128x16xf32, #tpu.memory_space<vmem>> -> memref<128x16xf32, #tpu.memory_space<vmem>>
        %dma_start3A_148 = arith.constant 0 : i32
        %dma_start3A_149 = tpu.memref_slice %arg6[%add3A_143, %dma_start3A_148] : memref<100x128xi32, #tpu.memory_space<vmem>> -> memref<1x128xi32, #tpu.memory_space<vmem>>
        %dma_start3A_150 = tpu.memref_squeeze %dma_start3A_149 : memref<1x128xi32, #tpu.memory_space<vmem>> -> memref<128xi32, #tpu.memory_space<vmem>>
        %dma_start3A_151 = arith.constant 0 : i32
        %dma_start3A_152 = arith.constant 0 : i32
        %dma_start3A_153 = tpu.memref_slice %arg10[%dma_start3A_151, %dma_start3A_152] : memref<10240x16xf32, #tpu.memory_space<vmem_shared>> -> memref<10240x16xf32, #tpu.memory_space<vmem_shared>>
        %dma_start3A_154 = tpu.memref_slice %arg11[%rem3A_109] : memref<2x!tpu.dma_semaphore, #tpu.memory_space<semaphore_mem>> -> memref<1x!tpu.dma_semaphore, #tpu.memory_space<semaphore_mem>>
        %dma_start3A_155 = tpu.memref_squeeze %dma_start3A_154 : memref<1x!tpu.dma_semaphore, #tpu.memory_space<semaphore_mem>> -> memref<!tpu.dma_semaphore, #tpu.memory_space<semaphore_mem>>
        tpu.enqueue_indirect_dma source(%dma_start3A_153 : memref<10240x16xf32, #tpu.memory_space<vmem_shared>>) target(%dma_start3A_147 : memref<128x16xf32, #tpu.memory_space<vmem>>) offsets(%dma_start3A_150 : memref<128xi32, #tpu.memory_space<vmem>>) semaphore(%dma_start3A_155 : memref<!tpu.dma_semaphore, #tpu.memory_space<semaphore_mem>>)
      } else {
      }
      %dma_wait3A_117 = arith.constant 0 : i32
      %dma_wait3A_118 = arith.constant 0 : i32
      %dma_wait3A_119 = tpu.memref_slice %arg8[%rem3A_105, %dma_wait3A_117, %dma_wait3A_118] : memref<2x128x16xf32, #tpu.memory_space<vmem>> -> memref<1x128x16xf32, #tpu.memory_space<vmem>>
      %dma_wait3A_120 = tpu.memref_squeeze %dma_wait3A_119 : memref<1x128x16xf32, #tpu.memory_space<vmem>> -> memref<128x16xf32, #tpu.memory_space<vmem>>
      %dma_wait3A_121 = arith.constant 0 : i32
      %dma_wait3A_122 = tpu.memref_slice %arg6[%while3A_102, %dma_wait3A_121] : memref<100x128xi32, #tpu.memory_space<vmem>> -> memref<1x128xi32, #tpu.memory_space<vmem>>
      %dma_wait3A_123 = tpu.memref_squeeze %dma_wait3A_122 : memref<1x128xi32, #tpu.memory_space<vmem>> -> memref<128xi32, #tpu.memory_space<vmem>>
      %dma_wait3A_124 = arith.constant 0 : i32
      %dma_wait3A_125 = arith.constant 0 : i32
      %dma_wait3A_126 = tpu.memref_slice %arg10[%dma_wait3A_124, %dma_wait3A_125] : memref<10240x16xf32, #tpu.memory_space<vmem_shared>> -> memref<10240x16xf32, #tpu.memory_space<vmem_shared>>
      %dma_wait3A_127 = tpu.memref_slice %arg11[%rem3A_105] : memref<2x!tpu.dma_semaphore, #tpu.memory_space<semaphore_mem>> -> memref<1x!tpu.dma_semaphore, #tpu.memory_space<semaphore_mem>>
      %dma_wait3A_128 = tpu.memref_squeeze %dma_wait3A_127 : memref<1x!tpu.dma_semaphore, #tpu.memory_space<semaphore_mem>> -> memref<!tpu.dma_semaphore, #tpu.memory_space<semaphore_mem>>
      tpu.wait_indirect_dma semaphore(%dma_wait3A_128 : memref<!tpu.dma_semaphore, #tpu.memory_space<semaphore_mem>>) src(%dma_wait3A_126 : memref<10240x16xf32, #tpu.memory_space<vmem_shared>>) dst(%dma_wait3A_120 : memref<128x16xf32, #tpu.memory_space<vmem>>)
      %dma_start3A_129 = arith.constant 0 : i32
      %dma_start3A_130 = arith.constant 0 : i32
      %dma_start3A_131 = tpu.memref_slice %arg8[%rem3A_105, %dma_start3A_129, %dma_start3A_130] : memref<2x128x16xf32, #tpu.memory_space<vmem>> -> memref<1x128x16xf32, #tpu.memory_space<vmem>>
      %dma_start3A_132 = tpu.memref_squeeze %dma_start3A_131 : memref<1x128x16xf32, #tpu.memory_space<vmem>> -> memref<128x16xf32, #tpu.memory_space<vmem>>
      %dma_start3A_133 = arith.constant 0 : i32
      %dma_start3A_134 = tpu.memref_slice %arg7[%while3A_102, %dma_start3A_133] : memref<100x128xi32, #tpu.memory_space<vmem>> -> memref<1x128xi32, #tpu.memory_space<vmem>>
      %dma_start3A_135 = tpu.memref_squeeze %dma_start3A_134 : memref<1x128xi32, #tpu.memory_space<vmem>> -> memref<128xi32, #tpu.memory_space<vmem>>
      %dma_start3A_136 = arith.constant 0 : i32
      %dma_start3A_137 = arith.constant 0 : i32
      %dma_start3A_138 = tpu.memref_slice %arg9[%dma_start3A_136, %dma_start3A_137] : memref<10240x16xf32, #tpu.memory_space<vmem_shared>> -> memref<10240x16xf32, #tpu.memory_space<vmem_shared>>
      %dma_start3A_139 = tpu.memref_slice %arg12[%rem3A_105] : memref<2x!tpu.dma_semaphore, #tpu.memory_space<semaphore_mem>> -> memref<1x!tpu.dma_semaphore, #tpu.memory_space<semaphore_mem>>
      %dma_start3A_140 = tpu.memref_squeeze %dma_start3A_139 : memref<1x!tpu.dma_semaphore, #tpu.memory_space<semaphore_mem>> -> memref<!tpu.dma_semaphore, #tpu.memory_space<semaphore_mem>>
      tpu.enqueue_indirect_dma source(%dma_start3A_132 : memref<128x16xf32, #tpu.memory_space<vmem>>) target(%dma_start3A_138 : memref<10240x16xf32, #tpu.memory_space<vmem_shared>>) offsets(%dma_start3A_135 : memref<128xi32, #tpu.memory_space<vmem>>) semaphore(%dma_start3A_140 : memref<!tpu.dma_semaphore, #tpu.memory_space<semaphore_mem>>) {add = true}
      %while3A_141 = arith.constant 0 : i32
      scf.yield %while3A_141 : i32
    }
    %while3A_84 = arith.constant 1 : i32
    %while3A_85 = scf.for %while3A_102 = %while3A_81 to %while3A_77 step %while3A_84 iter_args(%while3A_103 = %while3A_83) -> (i32)  : i32 {
      %rem3A_104 = arith.constant 2 : i32
      %rem3A_105 = arith.remsi %while3A_102, %rem3A_104 : i32
      %add3A_106 = arith.constant 1 : i32
      %add3A_107 = arith.addi %while3A_102, %add3A_106 : i32
      %rem3A_108 = arith.constant 2 : i32
      %rem3A_109 = arith.remsi %add3A_107, %rem3A_108 : i32
      %ge3A = arith.constant 1 : i32
      %ge3A_110 = arith.cmpi sge, %while3A_102, %ge3A : i32
      %convert_element_type3A = arith.extui %ge3A_110 : i1 to i32
      %cond3A = arith.constant 0 : i32
      %cond3A_111 = arith.cmpi ne, %convert_element_type3A, %cond3A : i32
      scf.if %cond3A_111 {
        %dma_wait3A_142 = arith.constant 0 : i32
        %dma_wait3A_143 = arith.constant 0 : i32
        %dma_wait3A_144 = arith.constant 0 : i32
        %dma_wait3A_145 = tpu.memref_slice %arg8[%rem3A_109, %dma_wait3A_143, %dma_wait3A_144] : memref<2x128x16xf32, #tpu.memory_space<vmem>> -> memref<1x128x16xf32, #tpu.memory_space<vmem>>
        %dma_wait3A_146 = tpu.memref_squeeze %dma_wait3A_145 : memref<1x128x16xf32, #tpu.memory_space<vmem>> -> memref<128x16xf32, #tpu.memory_space<vmem>>
        %dma_wait3A_147 = arith.constant 0 : i32
        %dma_wait3A_148 = tpu.memref_slice %arg7[%dma_wait3A_142, %dma_wait3A_147] : memref<100x128xi32, #tpu.memory_space<vmem>> -> memref<1x128xi32, #tpu.memory_space<vmem>>
        %dma_wait3A_149 = tpu.memref_squeeze %dma_wait3A_148 : memref<1x128xi32, #tpu.memory_space<vmem>> -> memref<128xi32, #tpu.memory_space<vmem>>
        %dma_wait3A_150 = arith.constant 0 : i32
        %dma_wait3A_151 = arith.constant 0 : i32
        %dma_wait3A_152 = tpu.memref_slice %arg9[%dma_wait3A_150, %dma_wait3A_151] : memref<10240x16xf32, #tpu.memory_space<vmem_shared>> -> memref<10240x16xf32, #tpu.memory_space<vmem_shared>>
        %dma_wait3A_153 = tpu.memref_slice %arg12[%rem3A_109] : memref<2x!tpu.dma_semaphore, #tpu.memory_space<semaphore_mem>> -> memref<1x!tpu.dma_semaphore, #tpu.memory_space<semaphore_mem>>
        %dma_wait3A_154 = tpu.memref_squeeze %dma_wait3A_153 : memref<1x!tpu.dma_semaphore, #tpu.memory_space<semaphore_mem>> -> memref<!tpu.dma_semaphore, #tpu.memory_space<semaphore_mem>>
        tpu.wait_indirect_dma semaphore(%dma_wait3A_154 : memref<!tpu.dma_semaphore, #tpu.memory_space<semaphore_mem>>) src(%dma_wait3A_146 : memref<128x16xf32, #tpu.memory_space<vmem>>) dst(%dma_wait3A_152 : memref<10240x16xf32, #tpu.memory_space<vmem_shared>>)
      } else {
      }
      %sub3A_112 = arith.constant 1 : i32
      %sub3A_113 = arith.subi %select_n3A, %sub3A_112 : i32
      %lt3A = arith.cmpi slt, %while3A_102, %sub3A_113 : i32
      %convert_element_type3A_114 = arith.extui %lt3A : i1 to i32
      %cond3A_115 = arith.constant 0 : i32
      %cond3A_116 = arith.cmpi ne, %convert_element_type3A_114, %cond3A_115 : i32
      scf.if %cond3A_116 {
        %add3A_142 = arith.constant 1 : i32
        %add3A_143 = arith.addi %while3A_102, %add3A_142 : i32
        %dma_start3A_144 = arith.constant 0 : i32
        %dma_start3A_145 = arith.constant 0 : i32
        %dma_start3A_146 = tpu.memref_slice %arg8[%rem3A_109, %dma_start3A_144, %dma_start3A_145] : memref<2x128x16xf32, #tpu.memory_space<vmem>> -> memref<1x128x16xf32, #tpu.memory_space<vmem>>
        %dma_start3A_147 = tpu.memref_squeeze %dma_start3A_146 : memref<1x128x16xf32, #tpu.memory_space<vmem>> -> memref<128x16xf32, #tpu.memory_space<vmem>>
        %dma_start3A_148 = arith.constant 0 : i32
        %dma_start3A_149 = tpu.memref_slice %arg6[%add3A_143, %dma_start3A_148] : memref<100x128xi32, #tpu.memory_space<vmem>> -> memref<1x128xi32, #tpu.memory_space<vmem>>
        %dma_start3A_150 = tpu.memref_squeeze %dma_start3A_149 : memref<1x128xi32, #tpu.memory_space<vmem>> -> memref<128xi32, #tpu.memory_space<vmem>>
        %dma_start3A_151 = arith.constant 0 : i32
        %dma_start3A_152 = arith.constant 0 : i32
        %dma_start3A_153 = tpu.memref_slice %arg10[%dma_start3A_151, %dma_start3A_152] : memref<10240x16xf32, #tpu.memory_space<vmem_shared>> -> memref<10240x16xf32, #tpu.memory_space<vmem_shared>>
        %dma_start3A_154 = tpu.memref_slice %arg11[%rem3A_109] : memref<2x!tpu.dma_semaphore, #tpu.memory_space<semaphore_mem>> -> memref<1x!tpu.dma_semaphore, #tpu.memory_space<semaphore_mem>>
        %dma_start3A_155 = tpu.memref_squeeze %dma_start3A_154 : memref<1x!tpu.dma_semaphore, #tpu.memory_space<semaphore_mem>> -> memref<!tpu.dma_semaphore, #tpu.memory_space<semaphore_mem>>
        tpu.enqueue_indirect_dma source(%dma_start3A_153 : memref<10240x16xf32, #tpu.memory_space<vmem_shared>>) target(%dma_start3A_147 : memref<128x16xf32, #tpu.memory_space<vmem>>) offsets(%dma_start3A_150 : memref<128xi32, #tpu.memory_space<vmem>>) semaphore(%dma_start3A_155 : memref<!tpu.dma_semaphore, #tpu.memory_space<semaphore_mem>>)
      } else {
      }
      %dma_wait3A_117 = arith.constant 0 : i32
      %dma_wait3A_118 = arith.constant 0 : i32
      %dma_wait3A_119 = tpu.memref_slice %arg8[%rem3A_105, %dma_wait3A_117, %dma_wait3A_118] : memref<2x128x16xf32, #tpu.memory_space<vmem>> -> memref<1x128x16xf32, #tpu.memory_space<vmem>>
      %dma_wait3A_120 = tpu.memref_squeeze %dma_wait3A_119 : memref<1x128x16xf32, #tpu.memory_space<vmem>> -> memref<128x16xf32, #tpu.memory_space<vmem>>
      %dma_wait3A_121 = arith.constant 0 : i32
      %dma_wait3A_122 = tpu.memref_slice %arg6[%while3A_102, %dma_wait3A_121] : memref<100x128xi32, #tpu.memory_space<vmem>> -> memref<1x128xi32, #tpu.memory_space<vmem>>
      %dma_wait3A_123 = tpu.memref_squeeze %dma_wait3A_122 : memref<1x128xi32, #tpu.memory_space<vmem>> -> memref<128xi32, #tpu.memory_space<vmem>>
      %dma_wait3A_124 = arith.constant 0 : i32
      %dma_wait3A_125 = arith.constant 0 : i32
      %dma_wait3A_126 = tpu.memref_slice %arg10[%dma_wait3A_124, %dma_wait3A_125] : memref<10240x16xf32, #tpu.memory_space<vmem_shared>> -> memref<10240x16xf32, #tpu.memory_space<vmem_shared>>
      %dma_wait3A_127 = tpu.memref_slice %arg11[%rem3A_105] : memref<2x!tpu.dma_semaphore, #tpu.memory_space<semaphore_mem>> -> memref<1x!tpu.dma_semaphore, #tpu.memory_space<semaphore_mem>>
      %dma_wait3A_128 = tpu.memref_squeeze %dma_wait3A_127 : memref<1x!tpu.dma_semaphore, #tpu.memory_space<semaphore_mem>> -> memref<!tpu.dma_semaphore, #tpu.memory_space<semaphore_mem>>
      tpu.wait_indirect_dma semaphore(%dma_wait3A_128 : memref<!tpu.dma_semaphore, #tpu.memory_space<semaphore_mem>>) src(%dma_wait3A_126 : memref<10240x16xf32, #tpu.memory_space<vmem_shared>>) dst(%dma_wait3A_120 : memref<128x16xf32, #tpu.memory_space<vmem>>)
      %dma_start3A_129 = arith.constant 0 : i32
      %dma_start3A_130 = arith.constant 0 : i32
      %dma_start3A_131 = tpu.memref_slice %arg8[%rem3A_105, %dma_start3A_129, %dma_start3A_130] : memref<2x128x16xf32, #tpu.memory_space<vmem>> -> memref<1x128x16xf32, #tpu.memory_space<vmem>>
      %dma_start3A_132 = tpu.memref_squeeze %dma_start3A_131 : memref<1x128x16xf32, #tpu.memory_space<vmem>> -> memref<128x16xf32, #tpu.memory_space<vmem>>
      %dma_start3A_133 = arith.constant 0 : i32
      %dma_start3A_134 = tpu.memref_slice %arg7[%while3A_102, %dma_start3A_133] : memref<100x128xi32, #tpu.memory_space<vmem>> -> memref<1x128xi32, #tpu.memory_space<vmem>>
      %dma_start3A_135 = tpu.memref_squeeze %dma_start3A_134 : memref<1x128xi32, #tpu.memory_space<vmem>> -> memref<128xi32, #tpu.memory_space<vmem>>
      %dma_start3A_136 = arith.constant 0 : i32
      %dma_start3A_137 = arith.constant 0 : i32
      %dma_start3A_138 = tpu.memref_slice %arg9[%dma_start3A_136, %dma_start3A_137] : memref<10240x16xf32, #tpu.memory_space<vmem_shared>> -> memref<10240x16xf32, #tpu.memory_space<vmem_shared>>
      %dma_start3A_139 = tpu.memref_slice %arg12[%rem3A_105] : memref<2x!tpu.dma_semaphore, #tpu.memory_space<semaphore_mem>> -> memref<1x!tpu.dma_semaphore, #tpu.memory_space<semaphore_mem>>
      %dma_start3A_140 = tpu.memref_squeeze %dma_start3A_139 : memref<1x!tpu.dma_semaphore, #tpu.memory_space<semaphore_mem>> -> memref<!tpu.dma_semaphore, #tpu.memory_space<semaphore_mem>>
      tpu.enqueue_indirect_dma source(%dma_start3A_132 : memref<128x16xf32, #tpu.memory_space<vmem>>) target(%dma_start3A_138 : memref<10240x16xf32, #tpu.memory_space<vmem_shared>>) offsets(%dma_start3A_135 : memref<128xi32, #tpu.memory_space<vmem>>) semaphore(%dma_start3A_140 : memref<!tpu.dma_semaphore, #tpu.memory_space<semaphore_mem>>) {add = true}
      %while3A_141 = arith.constant 0 : i32
      scf.yield %while3A_141 : i32
    }
    %sub3A = arith.constant 1 : i32
    %sub3A_86 = arith.subi %select_n3A, %sub3A : i32
    %rem3A = arith.constant 2 : i32
    %rem3A_87 = arith.remsi %sub3A_86, %rem3A : i32
    %dma_wait3A_88 = arith.constant 0 : i32
    %dma_wait3A_89 = arith.constant 0 : i32
    %dma_wait3A_90 = arith.constant 0 : i32
    %dma_wait3A_91 = tpu.memref_slice %arg8[%rem3A_87, %dma_wait3A_89, %dma_wait3A_90] : memref<2x128x16xf32, #tpu.memory_space<vmem>> -> memref<1x128x16xf32, #tpu.memory_space<vmem>>
    %dma_wait3A_92 = tpu.memref_squeeze %dma_wait3A_91 : memref<1x128x16xf32, #tpu.memory_space<vmem>> -> memref<128x16xf32, #tpu.memory_space<vmem>>
    %dma_wait3A_93 = arith.constant 0 : i32
    %dma_wait3A_94 = tpu.memref_slice %arg7[%dma_wait3A_88, %dma_wait3A_93] : memref<100x128xi32, #tpu.memory_space<vmem>> -> memref<1x128xi32, #tpu.memory_space<vmem>>
    %dma_wait3A_95 = tpu.memref_squeeze %dma_wait3A_94 : memref<1x128xi32, #tpu.memory_space<vmem>> -> memref<128xi32, #tpu.memory_space<vmem>>
    %dma_wait3A_96 = arith.constant 0 : i32
    %dma_wait3A_97 = arith.constant 0 : i32
    %dma_wait3A_98 = tpu.memref_slice %arg9[%dma_wait3A_96, %dma_wait3A_97] : memref<10240x16xf32, #tpu.memory_space<vmem_shared>> -> memref<10240x16xf32, #tpu.memory_space<vmem_shared>>
    %dma_wait3A_99 = tpu.memref_slice %arg12[%rem3A_87] : memref<2x!tpu.dma_semaphore, #tpu.memory_space<semaphore_mem>> -> memref<1x!tpu.dma_semaphore, #tpu.memory_space<semaphore_mem>>
    %dma_wait3A_100 = tpu.memref_squeeze %dma_wait3A_99 : memref<1x!tpu.dma_semaphore, #tpu.memory_space<semaphore_mem>> -> memref<!tpu.dma_semaphore, #tpu.memory_space<semaphore_mem>>
    tpu.wait_indirect_dma semaphore(%dma_wait3A_100 : memref<!tpu.dma_semaphore, #tpu.memory_space<semaphore_mem>>) src(%dma_wait3A_92 : memref<128x16xf32, #tpu.memory_space<vmem>>) dst(%dma_wait3A_98 : memref<10240x16xf32, #tpu.memory_space<vmem_shared>>)
    %barrier3A_101 = arith.constant 0 : index
    tpu.barrier barrier_id(%barrier3A_101)
    "tpu.region"() ({
      %run_scoped3A_102 = tpu.sem_alloc : memref<!tpu.dma_semaphore, #tpu.memory_space<semaphore_mem>>
      %dma_start3A_103 = arith.constant 0 : i32
      %dma_start3A_104 = tpu.memref_slice %arg5[%arg0, %mul3A_6, %dma_start3A_103] : memref<2x10240x16xf32, #tpu.memory_space<hbm>> -> memref<1x640x16xf32, #tpu.memory_space<hbm>>
      %dma_start3A_105 = tpu.memref_squeeze %dma_start3A_104 : memref<1x640x16xf32, #tpu.memory_space<hbm>> -> memref<640x16xf32, #tpu.memory_space<hbm>>
      %dma_start3A_106 = arith.constant 0 : i32
      %dma_start3A_107 = tpu.memref_slice %arg9[%mul3A_6, %dma_start3A_106] : memref<10240x16xf32, #tpu.memory_space<vmem_shared>> -> memref<640x16xf32, #tpu.memory_space<vmem_shared>>
      tpu.enqueue_dma source(%dma_start3A_107 : memref<640x16xf32, #tpu.memory_space<vmem_shared>>) target(%dma_start3A_105 : memref<640x16xf32, #tpu.memory_space<hbm>>) target_semaphore(%run_scoped3A_102 : memref<!tpu.dma_semaphore, #tpu.memory_space<semaphore_mem>>)
      %dma_wait3A_108 = arith.constant 0 : i32
      %dma_wait3A_109 = tpu.memref_slice %arg5[%arg0, %mul3A_6, %dma_wait3A_108] : memref<2x10240x16xf32, #tpu.memory_space<hbm>> -> memref<1x640x16xf32, #tpu.memory_space<hbm>>
      %dma_wait3A_110 = tpu.memref_squeeze %dma_wait3A_109 : memref<1x640x16xf32, #tpu.memory_space<hbm>> -> memref<640x16xf32, #tpu.memory_space<hbm>>
      %dma_wait3A_111 = arith.constant 0 : i32
      %dma_wait3A_112 = tpu.memref_slice %arg9[%mul3A_6, %dma_wait3A_111] : memref<10240x16xf32, #tpu.memory_space<vmem_shared>> -> memref<640x16xf32, #tpu.memory_space<vmem_shared>>
      tpu.wait_dma2 semaphore(%run_scoped3A_102 : memref<!tpu.dma_semaphore, #tpu.memory_space<semaphore_mem>>) src(%dma_wait3A_112 : memref<640x16xf32, #tpu.memory_space<vmem_shared>>) dst(%dma_wait3A_110 : memref<640x16xf32, #tpu.memory_space<hbm>>)
      tpu.yield
    }) : () -> ()
    return
  }
}

#map = affine_map<(d0, d1) -> (0, 0)>
#map1 = affine_map<(d0, d1) -> (0, 0, 0)>
module attributes {stable_mosaic.version = 14 : i64} {
  func.func @k(%arg0: i32, %arg1: i32, %arg2: memref<10240x16xf32, #tpu.memory_space<hbm>>, %arg3: memref<2692x128xi32, #tpu.memory_space<hbm>>, %arg4: memref<2692x128xi32, #tpu.memory_space<hbm>>, %arg5: memref<2x10240x16xf32, #tpu.memory_space<hbm>>, %arg6: memref<100x128xi32, #tpu.memory_space<vmem>>, %arg7: memref<100x128xi32, #tpu.memory_space<vmem>>, %arg8: memref<2x128x16xf32, #tpu.memory_space<vmem>>, %arg9: memref<10240x16xf32, #tpu.memory_space<vmem_shared>>, %arg10: memref<10240x16xf32, #tpu.memory_space<vmem_shared>>, %arg11: memref<2x!tpu.dma_semaphore, #tpu.memory_space<semaphore_mem>>, %arg12: memref<2x!tpu.dma_semaphore, #tpu.memory_space<semaphore_mem>>, %arg13: memref<!tpu.dma_semaphore, #tpu.memory_space<semaphore_mem>>) attributes {dimension_semantics = [#tpu.dimension_semantics<core_parallel>, #tpu.dimension_semantics<subcore_parallel>], iteration_bounds = array<i64: 2, 16>, scalar_prefetch = 0 : i64, scratch_operands = 8 : i64, tpu.core_type = #tpu.core_type<sc_vector_subcore>, window_params = [{transform_indices = #map}, {transform_indices = #map}, {transform_indices = #map}, {transform_indices = #map1}]} {
    %mul3A = arith.constant 162 : i32
    %mul3A_0 = arith.muli %arg1, %mul3A : i32
    %mul3A_1 = arith.constant 81 : i32
    %mul3A_2 = arith.muli %arg0, %mul3A_1 : i32
    %add3A = arith.addi %mul3A_0, %mul3A_2 : i32
    %eq3A = arith.constant 0 : i32
    %eq3A_3 = arith.cmpi eq, %arg0, %eq3A : i32
    %jit3A = arith.constant 81 : i32
    %jit3A_4 = arith.constant 81 : i32
    %select_n3A = arith.select %eq3A_3, %jit3A, %jit3A_4 : i32
    %mul3A_5 = arith.constant 640 : i32
    %mul3A_6 = arith.muli %arg1, %mul3A_5 : i32
    %dma_start3A = arith.constant 0 : i32
    %dma_start3A_7 = tpu.memref_slice %arg3[%add3A, %dma_start3A] : memref<2692x128xi32, #tpu.memory_space<hbm>> -> memref<100x128xi32, #tpu.memory_space<hbm>>
    %dma_start3A_8 = arith.constant 0 : i32
    %dma_start3A_9 = tpu.memref_slice %arg3[%add3A, %dma_start3A_8] : memref<2692x128xi32, #tpu.memory_space<hbm>> -> memref<100x128xi32, #tpu.memory_space<hbm>>
    tpu.enqueue_dma source(%dma_start3A_9 : memref<100x128xi32, #tpu.memory_space<hbm>>) target(%arg6 : memref<100x128xi32, #tpu.memory_space<vmem>>) target_semaphore(%arg13 : memref<!tpu.dma_semaphore, #tpu.memory_space<semaphore_mem>>)
    %dma_start3A_10 = arith.constant 0 : i32
    %dma_start3A_11 = tpu.memref_slice %arg4[%add3A, %dma_start3A_10] : memref<2692x128xi32, #tpu.memory_space<hbm>> -> memref<100x128xi32, #tpu.memory_space<hbm>>
    %dma_start3A_12 = arith.constant 0 : i32
    %dma_start3A_13 = tpu.memref_slice %arg4[%add3A, %dma_start3A_12] : memref<2692x128xi32, #tpu.memory_space<hbm>> -> memref<100x128xi32, #tpu.memory_space<hbm>>
    tpu.enqueue_dma source(%dma_start3A_13 : memref<100x128xi32, #tpu.memory_space<hbm>>) target(%arg7 : memref<100x128xi32, #tpu.memory_space<vmem>>) target_semaphore(%arg13 : memref<!tpu.dma_semaphore, #tpu.memory_space<semaphore_mem>>)
    %dma_start3A_14 = arith.constant 0 : i32
    %dma_start3A_15 = tpu.memref_slice %arg10[%mul3A_6, %dma_start3A_14] : memref<10240x16xf32, #tpu.memory_space<vmem_shared>> -> memref<640x16xf32, #tpu.memory_space<vmem_shared>>
    %dma_start3A_16 = arith.constant 0 : i32
    %dma_start3A_17 = tpu.memref_slice %arg2[%mul3A_6, %dma_start3A_16] : memref<10240x16xf32, #tpu.memory_space<hbm>> -> memref<640x16xf32, #tpu.memory_space<hbm>>
    tpu.enqueue_dma source(%dma_start3A_17 : memref<640x16xf32, #tpu.memory_space<hbm>>) target(%dma_start3A_15 : memref<640x16xf32, #tpu.memory_space<vmem_shared>>) target_semaphore(%arg13 : memref<!tpu.dma_semaphore, #tpu.memory_space<semaphore_mem>>)
    %broadcast_in_dim3A = arith.constant 0.000000e+00 : f32
    %broadcast_in_dim3A_18 = vector.broadcast %broadcast_in_dim3A : f32 to vector<16xf32>
    %scan3A = arith.constant 0 : i32
    %scan3A_19 = arith.constant 0 : i32
    %scan3A_20 = arith.constant 128 : i32
    %scan3A_21 = arith.addi %scan3A_19, %scan3A_20 : i32
    %scan3A_22 = arith.constant 1 : i32
    %scan3A_23 = scf.for %scan3A_102 = %scan3A_19 to %scan3A_21 step %scan3A_22 iter_args(%scan3A_103 = %scan3A) -> (i32)  : i32 {
      %swap3A = arith.constant 0 : i32
      %swap3A_104 = arith.index_cast %swap3A : i32 to index
      %swap3A_105 = arith.index_cast %scan3A_102 : i32 to index
      %swap3A_106 = arith.constant 0 : index
      %swap3A_107 = tpu.vector_load %arg8[%swap3A_104, %swap3A_105, %swap3A_106] {strides = array<i32>} : memref<2x128x16xf32, #tpu.memory_space<vmem>>, vector<1x1x16xf32>,
      %swap3A_108 = vector.shape_cast %swap3A_107 : vector<1x1x16xf32> to vector<16xf32>
      %swap3A_109 = vector.shape_cast %broadcast_in_dim3A_18 : vector<16xf32> to vector<1x1x16xf32>
      tpu.vector_store %arg8[%swap3A_104, %swap3A_105, %swap3A_106], %swap3A_109 {strides = array<i32>} : memref<2x128x16xf32, #tpu.memory_space<vmem>>, vector<1x1x16xf32>,
      %scan3A_110 = arith.constant 0 : i32
      scf.yield %scan3A_110 : i32
    }
    %scan3A_24 = arith.constant 128 : i32
    %mul3A_25 = arith.constant 640 : i32
    %mul3A_26 = arith.muli %arg1, %mul3A_25 : i32
    %add3A_27 = arith.constant 0 : i32
    %add3A_28 = arith.addi %mul3A_26, %add3A_27 : i32
    %run_scoped3A = arith.constant 0 : i32
    "tpu.region"() ({
      %run_scoped3A_102 = tpu.sem_alloc : memref<!tpu.dma_semaphore, #tpu.memory_space<semaphore_mem>>
      %dma_start3A_103 = arith.constant 0 : i32
      %dma_start3A_104 = arith.constant 0 : i32
      %dma_start3A_105 = tpu.memref_slice %arg8[%run_scoped3A, %dma_start3A_103, %dma_start3A_104] : memref<2x128x16xf32, #tpu.memory_space<vmem>> -> memref<1x128x16xf32, #tpu.memory_space<vmem>>
      %dma_start3A_106 = tpu.memref_squeeze %dma_start3A_105 : memref<1x128x16xf32, #tpu.memory_space<vmem>> -> memref<128x16xf32, #tpu.memory_space<vmem>>
      %dma_start3A_107 = arith.constant 0 : i32
      %dma_start3A_108 = tpu.memref_slice %arg9[%add3A_28, %dma_start3A_107] : memref<10240x16xf32, #tpu.memory_space<vmem_shared>> -> memref<128x16xf32, #tpu.memory_space<vmem_shared>>
      %dma_start3A_109 = arith.constant 0 : i32
      %dma_start3A_110 = tpu.memref_slice %arg9[%add3A_28, %dma_start3A_109] : memref<10240x16xf32, #tpu.memory_space<vmem_shared>> -> memref<128x16xf32, #tpu.memory_space<vmem_shared>>
      %dma_start3A_111 = arith.constant 0 : i32
      %dma_start3A_112 = arith.constant 0 : i32
      %dma_start3A_113 = tpu.memref_slice %arg8[%run_scoped3A, %dma_start3A_111, %dma_start3A_112] : memref<2x128x16xf32, #tpu.memory_space<vmem>> -> memref<1x128x16xf32, #tpu.memory_space<vmem>>
      %dma_start3A_114 = tpu.memref_squeeze %dma_start3A_113 : memref<1x128x16xf32, #tpu.memory_space<vmem>> -> memref<128x16xf32, #tpu.memory_space<vmem>>
      tpu.enqueue_dma source(%dma_start3A_114 : memref<128x16xf32, #tpu.memory_space<vmem>>) target(%dma_start3A_110 : memref<128x16xf32, #tpu.memory_space<vmem_shared>>) target_semaphore(%run_scoped3A_102 : memref<!tpu.dma_semaphore, #tpu.memory_space<semaphore_mem>>)
      %dma_wait3A_115 = arith.constant 0 : i32
      %dma_wait3A_116 = arith.constant 0 : i32
      %dma_wait3A_117 = tpu.memref_slice %arg8[%run_scoped3A, %dma_wait3A_115, %dma_wait3A_116] : memref<2x128x16xf32, #tpu.memory_space<vmem>> -> memref<1x128x16xf32, #tpu.memory_space<vmem>>
      %dma_wait3A_118 = tpu.memref_squeeze %dma_wait3A_117 : memref<1x128x16xf32, #tpu.memory_space<vmem>> -> memref<128x16xf32, #tpu.memory_space<vmem>>
      %dma_wait3A_119 = arith.constant 0 : i32
      %dma_wait3A_120 = tpu.memref_slice %arg9[%add3A_28, %dma_wait3A_119] : memref<10240x16xf32, #tpu.memory_space<vmem_shared>> -> memref<128x16xf32, #tpu.memory_space<vmem_shared>>
      %dma_wait3A_121 = arith.constant 0 : i32
      %dma_wait3A_122 = tpu.memref_slice %arg9[%add3A_28, %dma_wait3A_121] : memref<10240x16xf32, #tpu.memory_space<vmem_shared>> -> memref<128x16xf32, #tpu.memory_space<vmem_shared>>
      %dma_wait3A_123 = arith.constant 0 : i32
      %dma_wait3A_124 = arith.constant 0 : i32
      %dma_wait3A_125 = tpu.memref_slice %arg8[%run_scoped3A, %dma_wait3A_123, %dma_wait3A_124] : memref<2x128x16xf32, #tpu.memory_space<vmem>> -> memref<1x128x16xf32, #tpu.memory_space<vmem>>
      %dma_wait3A_126 = tpu.memref_squeeze %dma_wait3A_125 : memref<1x128x16xf32, #tpu.memory_space<vmem>> -> memref<128x16xf32, #tpu.memory_space<vmem>>
      tpu.wait_dma2 semaphore(%run_scoped3A_102 : memref<!tpu.dma_semaphore, #tpu.memory_space<semaphore_mem>>) src(%dma_wait3A_126 : memref<128x16xf32, #tpu.memory_space<vmem>>) dst(%dma_wait3A_122 : memref<128x16xf32, #tpu.memory_space<vmem_shared>>)
      tpu.yield
    }) : () -> ()
    %mul3A_29 = arith.constant 640 : i32
    %mul3A_30 = arith.muli %arg1, %mul3A_29 : i32
    %add3A_31 = arith.constant 128 : i32
    %add3A_32 = arith.addi %mul3A_30, %add3A_31 : i32
    %run_scoped3A_33 = arith.constant 0 : i32
    "tpu.region"() ({
      %run_scoped3A_102 = tpu.sem_alloc : memref<!tpu.dma_semaphore, #tpu.memory_space<semaphore_mem>>
      %dma_start3A_103 = arith.constant 0 : i32
      %dma_start3A_104 = arith.constant 0 : i32
      %dma_start3A_105 = tpu.memref_slice %arg8[%run_scoped3A_33, %dma_start3A_103, %dma_start3A_104] : memref<2x128x16xf32, #tpu.memory_space<vmem>> -> memref<1x128x16xf32, #tpu.memory_space<vmem>>
      %dma_start3A_106 = tpu.memref_squeeze %dma_start3A_105 : memref<1x128x16xf32, #tpu.memory_space<vmem>> -> memref<128x16xf32, #tpu.memory_space<vmem>>
      %dma_start3A_107 = arith.constant 0 : i32
      %dma_start3A_108 = tpu.memref_slice %arg9[%add3A_32, %dma_start3A_107] : memref<10240x16xf32, #tpu.memory_space<vmem_shared>> -> memref<128x16xf32, #tpu.memory_space<vmem_shared>>
      %dma_start3A_109 = arith.constant 0 : i32
      %dma_start3A_110 = tpu.memref_slice %arg9[%add3A_32, %dma_start3A_109] : memref<10240x16xf32, #tpu.memory_space<vmem_shared>> -> memref<128x16xf32, #tpu.memory_space<vmem_shared>>
      %dma_start3A_111 = arith.constant 0 : i32
      %dma_start3A_112 = arith.constant 0 : i32
      %dma_start3A_113 = tpu.memref_slice %arg8[%run_scoped3A_33, %dma_start3A_111, %dma_start3A_112] : memref<2x128x16xf32, #tpu.memory_space<vmem>> -> memref<1x128x16xf32, #tpu.memory_space<vmem>>
      %dma_start3A_114 = tpu.memref_squeeze %dma_start3A_113 : memref<1x128x16xf32, #tpu.memory_space<vmem>> -> memref<128x16xf32, #tpu.memory_space<vmem>>
      tpu.enqueue_dma source(%dma_start3A_114 : memref<128x16xf32, #tpu.memory_space<vmem>>) target(%dma_start3A_110 : memref<128x16xf32, #tpu.memory_space<vmem_shared>>) target_semaphore(%run_scoped3A_102 : memref<!tpu.dma_semaphore, #tpu.memory_space<semaphore_mem>>)
      %dma_wait3A_115 = arith.constant 0 : i32
      %dma_wait3A_116 = arith.constant 0 : i32
      %dma_wait3A_117 = tpu.memref_slice %arg8[%run_scoped3A_33, %dma_wait3A_115, %dma_wait3A_116] : memref<2x128x16xf32, #tpu.memory_space<vmem>> -> memref<1x128x16xf32, #tpu.memory_space<vmem>>
      %dma_wait3A_118 = tpu.memref_squeeze %dma_wait3A_117 : memref<1x128x16xf32, #tpu.memory_space<vmem>> -> memref<128x16xf32, #tpu.memory_space<vmem>>
      %dma_wait3A_119 = arith.constant 0 : i32
      %dma_wait3A_120 = tpu.memref_slice %arg9[%add3A_32, %dma_wait3A_119] : memref<10240x16xf32, #tpu.memory_space<vmem_shared>> -> memref<128x16xf32, #tpu.memory_space<vmem_shared>>
      %dma_wait3A_121 = arith.constant 0 : i32
      %dma_wait3A_122 = tpu.memref_slice %arg9[%add3A_32, %dma_wait3A_121] : memref<10240x16xf32, #tpu.memory_space<vmem_shared>> -> memref<128x16xf32, #tpu.memory_space<vmem_shared>>
      %dma_wait3A_123 = arith.constant 0 : i32
      %dma_wait3A_124 = arith.constant 0 : i32
      %dma_wait3A_125 = tpu.memref_slice %arg8[%run_scoped3A_33, %dma_wait3A_123, %dma_wait3A_124] : memref<2x128x16xf32, #tpu.memory_space<vmem>> -> memref<1x128x16xf32, #tpu.memory_space<vmem>>
      %dma_wait3A_126 = tpu.memref_squeeze %dma_wait3A_125 : memref<1x128x16xf32, #tpu.memory_space<vmem>> -> memref<128x16xf32, #tpu.memory_space<vmem>>
      tpu.wait_dma2 semaphore(%run_scoped3A_102 : memref<!tpu.dma_semaphore, #tpu.memory_space<semaphore_mem>>) src(%dma_wait3A_126 : memref<128x16xf32, #tpu.memory_space<vmem>>) dst(%dma_wait3A_122 : memref<128x16xf32, #tpu.memory_space<vmem_shared>>)
      tpu.yield
    }) : () -> ()
    %mul3A_34 = arith.constant 640 : i32
    %mul3A_35 = arith.muli %arg1, %mul3A_34 : i32
    %add3A_36 = arith.constant 256 : i32
    %add3A_37 = arith.addi %mul3A_35, %add3A_36 : i32
    %run_scoped3A_38 = arith.constant 0 : i32
    "tpu.region"() ({
      %run_scoped3A_102 = tpu.sem_alloc : memref<!tpu.dma_semaphore, #tpu.memory_space<semaphore_mem>>
      %dma_start3A_103 = arith.constant 0 : i32
      %dma_start3A_104 = arith.constant 0 : i32
      %dma_start3A_105 = tpu.memref_slice %arg8[%run_scoped3A_38, %dma_start3A_103, %dma_start3A_104] : memref<2x128x16xf32, #tpu.memory_space<vmem>> -> memref<1x128x16xf32, #tpu.memory_space<vmem>>
      %dma_start3A_106 = tpu.memref_squeeze %dma_start3A_105 : memref<1x128x16xf32, #tpu.memory_space<vmem>> -> memref<128x16xf32, #tpu.memory_space<vmem>>
      %dma_start3A_107 = arith.constant 0 : i32
      %dma_start3A_108 = tpu.memref_slice %arg9[%add3A_37, %dma_start3A_107] : memref<10240x16xf32, #tpu.memory_space<vmem_shared>> -> memref<128x16xf32, #tpu.memory_space<vmem_shared>>
      %dma_start3A_109 = arith.constant 0 : i32
      %dma_start3A_110 = tpu.memref_slice %arg9[%add3A_37, %dma_start3A_109] : memref<10240x16xf32, #tpu.memory_space<vmem_shared>> -> memref<128x16xf32, #tpu.memory_space<vmem_shared>>
      %dma_start3A_111 = arith.constant 0 : i32
      %dma_start3A_112 = arith.constant 0 : i32
      %dma_start3A_113 = tpu.memref_slice %arg8[%run_scoped3A_38, %dma_start3A_111, %dma_start3A_112] : memref<2x128x16xf32, #tpu.memory_space<vmem>> -> memref<1x128x16xf32, #tpu.memory_space<vmem>>
      %dma_start3A_114 = tpu.memref_squeeze %dma_start3A_113 : memref<1x128x16xf32, #tpu.memory_space<vmem>> -> memref<128x16xf32, #tpu.memory_space<vmem>>
      tpu.enqueue_dma source(%dma_start3A_114 : memref<128x16xf32, #tpu.memory_space<vmem>>) target(%dma_start3A_110 : memref<128x16xf32, #tpu.memory_space<vmem_shared>>) target_semaphore(%run_scoped3A_102 : memref<!tpu.dma_semaphore, #tpu.memory_space<semaphore_mem>>)
      %dma_wait3A_115 = arith.constant 0 : i32
      %dma_wait3A_116 = arith.constant 0 : i32
      %dma_wait3A_117 = tpu.memref_slice %arg8[%run_scoped3A_38, %dma_wait3A_115, %dma_wait3A_116] : memref<2x128x16xf32, #tpu.memory_space<vmem>> -> memref<1x128x16xf32, #tpu.memory_space<vmem>>
      %dma_wait3A_118 = tpu.memref_squeeze %dma_wait3A_117 : memref<1x128x16xf32, #tpu.memory_space<vmem>> -> memref<128x16xf32, #tpu.memory_space<vmem>>
      %dma_wait3A_119 = arith.constant 0 : i32
      %dma_wait3A_120 = tpu.memref_slice %arg9[%add3A_37, %dma_wait3A_119] : memref<10240x16xf32, #tpu.memory_space<vmem_shared>> -> memref<128x16xf32, #tpu.memory_space<vmem_shared>>
      %dma_wait3A_121 = arith.constant 0 : i32
      %dma_wait3A_122 = tpu.memref_slice %arg9[%add3A_37, %dma_wait3A_121] : memref<10240x16xf32, #tpu.memory_space<vmem_shared>> -> memref<128x16xf32, #tpu.memory_space<vmem_shared>>
      %dma_wait3A_123 = arith.constant 0 : i32
      %dma_wait3A_124 = arith.constant 0 : i32
      %dma_wait3A_125 = tpu.memref_slice %arg8[%run_scoped3A_38, %dma_wait3A_123, %dma_wait3A_124] : memref<2x128x16xf32, #tpu.memory_space<vmem>> -> memref<1x128x16xf32, #tpu.memory_space<vmem>>
      %dma_wait3A_126 = tpu.memref_squeeze %dma_wait3A_125 : memref<1x128x16xf32, #tpu.memory_space<vmem>> -> memref<128x16xf32, #tpu.memory_space<vmem>>
      tpu.wait_dma2 semaphore(%run_scoped3A_102 : memref<!tpu.dma_semaphore, #tpu.memory_space<semaphore_mem>>) src(%dma_wait3A_126 : memref<128x16xf32, #tpu.memory_space<vmem>>) dst(%dma_wait3A_122 : memref<128x16xf32, #tpu.memory_space<vmem_shared>>)
      tpu.yield
    }) : () -> ()
    %mul3A_39 = arith.constant 640 : i32
    %mul3A_40 = arith.muli %arg1, %mul3A_39 : i32
    %add3A_41 = arith.constant 384 : i32
    %add3A_42 = arith.addi %mul3A_40, %add3A_41 : i32
    %run_scoped3A_43 = arith.constant 0 : i32
    "tpu.region"() ({
      %run_scoped3A_102 = tpu.sem_alloc : memref<!tpu.dma_semaphore, #tpu.memory_space<semaphore_mem>>
      %dma_start3A_103 = arith.constant 0 : i32
      %dma_start3A_104 = arith.constant 0 : i32
      %dma_start3A_105 = tpu.memref_slice %arg8[%run_scoped3A_43, %dma_start3A_103, %dma_start3A_104] : memref<2x128x16xf32, #tpu.memory_space<vmem>> -> memref<1x128x16xf32, #tpu.memory_space<vmem>>
      %dma_start3A_106 = tpu.memref_squeeze %dma_start3A_105 : memref<1x128x16xf32, #tpu.memory_space<vmem>> -> memref<128x16xf32, #tpu.memory_space<vmem>>
      %dma_start3A_107 = arith.constant 0 : i32
      %dma_start3A_108 = tpu.memref_slice %arg9[%add3A_42, %dma_start3A_107] : memref<10240x16xf32, #tpu.memory_space<vmem_shared>> -> memref<128x16xf32, #tpu.memory_space<vmem_shared>>
      %dma_start3A_109 = arith.constant 0 : i32
      %dma_start3A_110 = tpu.memref_slice %arg9[%add3A_42, %dma_start3A_109] : memref<10240x16xf32, #tpu.memory_space<vmem_shared>> -> memref<128x16xf32, #tpu.memory_space<vmem_shared>>
      %dma_start3A_111 = arith.constant 0 : i32
      %dma_start3A_112 = arith.constant 0 : i32
      %dma_start3A_113 = tpu.memref_slice %arg8[%run_scoped3A_43, %dma_start3A_111, %dma_start3A_112] : memref<2x128x16xf32, #tpu.memory_space<vmem>> -> memref<1x128x16xf32, #tpu.memory_space<vmem>>
      %dma_start3A_114 = tpu.memref_squeeze %dma_start3A_113 : memref<1x128x16xf32, #tpu.memory_space<vmem>> -> memref<128x16xf32, #tpu.memory_space<vmem>>
      tpu.enqueue_dma source(%dma_start3A_114 : memref<128x16xf32, #tpu.memory_space<vmem>>) target(%dma_start3A_110 : memref<128x16xf32, #tpu.memory_space<vmem_shared>>) target_semaphore(%run_scoped3A_102 : memref<!tpu.dma_semaphore, #tpu.memory_space<semaphore_mem>>)
      %dma_wait3A_115 = arith.constant 0 : i32
      %dma_wait3A_116 = arith.constant 0 : i32
      %dma_wait3A_117 = tpu.memref_slice %arg8[%run_scoped3A_43, %dma_wait3A_115, %dma_wait3A_116] : memref<2x128x16xf32, #tpu.memory_space<vmem>> -> memref<1x128x16xf32, #tpu.memory_space<vmem>>
      %dma_wait3A_118 = tpu.memref_squeeze %dma_wait3A_117 : memref<1x128x16xf32, #tpu.memory_space<vmem>> -> memref<128x16xf32, #tpu.memory_space<vmem>>
      %dma_wait3A_119 = arith.constant 0 : i32
      %dma_wait3A_120 = tpu.memref_slice %arg9[%add3A_42, %dma_wait3A_119] : memref<10240x16xf32, #tpu.memory_space<vmem_shared>> -> memref<128x16xf32, #tpu.memory_space<vmem_shared>>
      %dma_wait3A_121 = arith.constant 0 : i32
      %dma_wait3A_122 = tpu.memref_slice %arg9[%add3A_42, %dma_wait3A_121] : memref<10240x16xf32, #tpu.memory_space<vmem_shared>> -> memref<128x16xf32, #tpu.memory_space<vmem_shared>>
      %dma_wait3A_123 = arith.constant 0 : i32
      %dma_wait3A_124 = arith.constant 0 : i32
      %dma_wait3A_125 = tpu.memref_slice %arg8[%run_scoped3A_43, %dma_wait3A_123, %dma_wait3A_124] : memref<2x128x16xf32, #tpu.memory_space<vmem>> -> memref<1x128x16xf32, #tpu.memory_space<vmem>>
      %dma_wait3A_126 = tpu.memref_squeeze %dma_wait3A_125 : memref<1x128x16xf32, #tpu.memory_space<vmem>> -> memref<128x16xf32, #tpu.memory_space<vmem>>
      tpu.wait_dma2 semaphore(%run_scoped3A_102 : memref<!tpu.dma_semaphore, #tpu.memory_space<semaphore_mem>>) src(%dma_wait3A_126 : memref<128x16xf32, #tpu.memory_space<vmem>>) dst(%dma_wait3A_122 : memref<128x16xf32, #tpu.memory_space<vmem_shared>>)
      tpu.yield
    }) : () -> ()
    %mul3A_44 = arith.constant 640 : i32
    %mul3A_45 = arith.muli %arg1, %mul3A_44 : i32
    %add3A_46 = arith.constant 512 : i32
    %add3A_47 = arith.addi %mul3A_45, %add3A_46 : i32
    %run_scoped3A_48 = arith.constant 0 : i32
    "tpu.region"() ({
      %run_scoped3A_102 = tpu.sem_alloc : memref<!tpu.dma_semaphore, #tpu.memory_space<semaphore_mem>>
      %dma_start3A_103 = arith.constant 0 : i32
      %dma_start3A_104 = arith.constant 0 : i32
      %dma_start3A_105 = tpu.memref_slice %arg8[%run_scoped3A_48, %dma_start3A_103, %dma_start3A_104] : memref<2x128x16xf32, #tpu.memory_space<vmem>> -> memref<1x128x16xf32, #tpu.memory_space<vmem>>
      %dma_start3A_106 = tpu.memref_squeeze %dma_start3A_105 : memref<1x128x16xf32, #tpu.memory_space<vmem>> -> memref<128x16xf32, #tpu.memory_space<vmem>>
      %dma_start3A_107 = arith.constant 0 : i32
      %dma_start3A_108 = tpu.memref_slice %arg9[%add3A_47, %dma_start3A_107] : memref<10240x16xf32, #tpu.memory_space<vmem_shared>> -> memref<128x16xf32, #tpu.memory_space<vmem_shared>>
      %dma_start3A_109 = arith.constant 0 : i32
      %dma_start3A_110 = tpu.memref_slice %arg9[%add3A_47, %dma_start3A_109] : memref<10240x16xf32, #tpu.memory_space<vmem_shared>> -> memref<128x16xf32, #tpu.memory_space<vmem_shared>>
      %dma_start3A_111 = arith.constant 0 : i32
      %dma_start3A_112 = arith.constant 0 : i32
      %dma_start3A_113 = tpu.memref_slice %arg8[%run_scoped3A_48, %dma_start3A_111, %dma_start3A_112] : memref<2x128x16xf32, #tpu.memory_space<vmem>> -> memref<1x128x16xf32, #tpu.memory_space<vmem>>
      %dma_start3A_114 = tpu.memref_squeeze %dma_start3A_113 : memref<1x128x16xf32, #tpu.memory_space<vmem>> -> memref<128x16xf32, #tpu.memory_space<vmem>>
      tpu.enqueue_dma source(%dma_start3A_114 : memref<128x16xf32, #tpu.memory_space<vmem>>) target(%dma_start3A_110 : memref<128x16xf32, #tpu.memory_space<vmem_shared>>) target_semaphore(%run_scoped3A_102 : memref<!tpu.dma_semaphore, #tpu.memory_space<semaphore_mem>>)
      %dma_wait3A_115 = arith.constant 0 : i32
      %dma_wait3A_116 = arith.constant 0 : i32
      %dma_wait3A_117 = tpu.memref_slice %arg8[%run_scoped3A_48, %dma_wait3A_115, %dma_wait3A_116] : memref<2x128x16xf32, #tpu.memory_space<vmem>> -> memref<1x128x16xf32, #tpu.memory_space<vmem>>
      %dma_wait3A_118 = tpu.memref_squeeze %dma_wait3A_117 : memref<1x128x16xf32, #tpu.memory_space<vmem>> -> memref<128x16xf32, #tpu.memory_space<vmem>>
      %dma_wait3A_119 = arith.constant 0 : i32
      %dma_wait3A_120 = tpu.memref_slice %arg9[%add3A_47, %dma_wait3A_119] : memref<10240x16xf32, #tpu.memory_space<vmem_shared>> -> memref<128x16xf32, #tpu.memory_space<vmem_shared>>
      %dma_wait3A_121 = arith.constant 0 : i32
      %dma_wait3A_122 = tpu.memref_slice %arg9[%add3A_47, %dma_wait3A_121] : memref<10240x16xf32, #tpu.memory_space<vmem_shared>> -> memref<128x16xf32, #tpu.memory_space<vmem_shared>>
      %dma_wait3A_123 = arith.constant 0 : i32
      %dma_wait3A_124 = arith.constant 0 : i32
      %dma_wait3A_125 = tpu.memref_slice %arg8[%run_scoped3A_48, %dma_wait3A_123, %dma_wait3A_124] : memref<2x128x16xf32, #tpu.memory_space<vmem>> -> memref<1x128x16xf32, #tpu.memory_space<vmem>>
      %dma_wait3A_126 = tpu.memref_squeeze %dma_wait3A_125 : memref<1x128x16xf32, #tpu.memory_space<vmem>> -> memref<128x16xf32, #tpu.memory_space<vmem>>
      tpu.wait_dma2 semaphore(%run_scoped3A_102 : memref<!tpu.dma_semaphore, #tpu.memory_space<semaphore_mem>>) src(%dma_wait3A_126 : memref<128x16xf32, #tpu.memory_space<vmem>>) dst(%dma_wait3A_122 : memref<128x16xf32, #tpu.memory_space<vmem_shared>>)
      tpu.yield
    }) : () -> ()
    %dma_wait3A = arith.constant 0 : i32
    %dma_wait3A_49 = tpu.memref_slice %arg3[%add3A, %dma_wait3A] : memref<2692x128xi32, #tpu.memory_space<hbm>> -> memref<100x128xi32, #tpu.memory_space<hbm>>
    %dma_wait3A_50 = arith.constant 0 : i32
    %dma_wait3A_51 = tpu.memref_slice %arg3[%add3A, %dma_wait3A_50] : memref<2692x128xi32, #tpu.memory_space<hbm>> -> memref<100x128xi32, #tpu.memory_space<hbm>>
    tpu.wait_dma2 semaphore(%arg13 : memref<!tpu.dma_semaphore, #tpu.memory_space<semaphore_mem>>) src(%dma_wait3A_51 : memref<100x128xi32, #tpu.memory_space<hbm>>) dst(%arg6 : memref<100x128xi32, #tpu.memory_space<vmem>>)
    %dma_wait3A_52 = arith.constant 0 : i32
    %dma_wait3A_53 = tpu.memref_slice %arg4[%add3A, %dma_wait3A_52] : memref<2692x128xi32, #tpu.memory_space<hbm>> -> memref<100x128xi32, #tpu.memory_space<hbm>>
    %dma_wait3A_54 = arith.constant 0 : i32
    %dma_wait3A_55 = tpu.memref_slice %arg4[%add3A, %dma_wait3A_54] : memref<2692x128xi32, #tpu.memory_space<hbm>> -> memref<100x128xi32, #tpu.memory_space<hbm>>
    tpu.wait_dma2 semaphore(%arg13 : memref<!tpu.dma_semaphore, #tpu.memory_space<semaphore_mem>>) src(%dma_wait3A_55 : memref<100x128xi32, #tpu.memory_space<hbm>>) dst(%arg7 : memref<100x128xi32, #tpu.memory_space<vmem>>)
    %dma_wait3A_56 = arith.constant 0 : i32
    %dma_wait3A_57 = tpu.memref_slice %arg10[%mul3A_6, %dma_wait3A_56] : memref<10240x16xf32, #tpu.memory_space<vmem_shared>> -> memref<640x16xf32, #tpu.memory_space<vmem_shared>>
    %dma_wait3A_58 = arith.constant 0 : i32
    %dma_wait3A_59 = tpu.memref_slice %arg2[%mul3A_6, %dma_wait3A_58] : memref<10240x16xf32, #tpu.memory_space<hbm>> -> memref<640x16xf32, #tpu.memory_space<hbm>>
    tpu.wait_dma2 semaphore(%arg13 : memref<!tpu.dma_semaphore, #tpu.memory_space<semaphore_mem>>) src(%dma_wait3A_59 : memref<640x16xf32, #tpu.memory_space<hbm>>) dst(%dma_wait3A_57 : memref<640x16xf32, #tpu.memory_space<vmem_shared>>)
    %barrier3A = arith.constant 0 : index
    tpu.barrier barrier_id(%barrier3A)
    %dma_start3A_60 = arith.constant 0 : i32
    %dma_start3A_61 = arith.constant 0 : i32
    %dma_start3A_62 = arith.constant 0 : i32
    %dma_start3A_63 = arith.constant 0 : i32
    %dma_start3A_64 = arith.constant 0 : i32
    %dma_start3A_65 = tpu.memref_slice %arg8[%dma_start3A_61, %dma_start3A_63, %dma_start3A_64] : memref<2x128x16xf32, #tpu.memory_space<vmem>> -> memref<1x128x16xf32, #tpu.memory_space<vmem>>
    %dma_start3A_66 = tpu.memref_squeeze %dma_start3A_65 : memref<1x128x16xf32, #tpu.memory_space<vmem>> -> memref<128x16xf32, #tpu.memory_space<vmem>>
    %dma_start3A_67 = arith.constant 0 : i32
    %dma_start3A_68 = tpu.memref_slice %arg6[%dma_start3A_60, %dma_start3A_67] : memref<100x128xi32, #tpu.memory_space<vmem>> -> memref<1x128xi32, #tpu.memory_space<vmem>>
    %dma_start3A_69 = tpu.memref_squeeze %dma_start3A_68 : memref<1x128xi32, #tpu.memory_space<vmem>> -> memref<128xi32, #tpu.memory_space<vmem>>
    %dma_start3A_70 = arith.constant 0 : i32
    %dma_start3A_71 = arith.constant 0 : i32
    %dma_start3A_72 = tpu.memref_slice %arg10[%dma_start3A_70, %dma_start3A_71] : memref<10240x16xf32, #tpu.memory_space<vmem_shared>> -> memref<10240x16xf32, #tpu.memory_space<vmem_shared>>
    %dma_start3A_73 = tpu.memref_slice %arg11[%dma_start3A_62] : memref<2x!tpu.dma_semaphore, #tpu.memory_space<semaphore_mem>> -> memref<1x!tpu.dma_semaphore, #tpu.memory_space<semaphore_mem>>
    %dma_start3A_74 = tpu.memref_squeeze %dma_start3A_73 : memref<1x!tpu.dma_semaphore, #tpu.memory_space<semaphore_mem>> -> memref<!tpu.dma_semaphore, #tpu.memory_space<semaphore_mem>>
    tpu.enqueue_indirect_dma source(%dma_start3A_72 : memref<10240x16xf32, #tpu.memory_space<vmem_shared>>) target(%dma_start3A_66 : memref<128x16xf32, #tpu.memory_space<vmem>>) offsets(%dma_start3A_69 : memref<128xi32, #tpu.memory_space<vmem>>) semaphore(%dma_start3A_74 : memref<!tpu.dma_semaphore, #tpu.memory_space<semaphore_mem>>)
    %while3A = arith.constant 0 : i32
    %while3A_75 = arith.constant 0 : i32
    %while3A_76 = arith.subi %select_n3A, %while3A : i32
    %while3A_77 = arith.addi %while3A, %while3A_76 : i32
    %while3A_78 = arith.constant 1 : i32
    %while3A_79 = arith.divsi %while3A_76, %while3A_78 : i32
    %while3A_80 = arith.muli %while3A_79, %while3A_78 : i32
    %while3A_81 = arith.addi %while3A, %while3A_80 : i32
    %while3A_82 = arith.constant 1 : i32
    %while3A_83 = scf.for %while3A_102 = %while3A to %while3A_81 step %while3A_82 iter_args(%while3A_103 = %while3A_75) -> (i32)  : i32 {
      %rem3A_104 = arith.constant 2 : i32
      %rem3A_105 = arith.remsi %while3A_102, %rem3A_104 : i32
      %add3A_106 = arith.constant 1 : i32
      %add3A_107 = arith.addi %while3A_102, %add3A_106 : i32
      %rem3A_108 = arith.constant 2 : i32
      %rem3A_109 = arith.remsi %add3A_107, %rem3A_108 : i32
      %ge3A = arith.constant 1 : i32
      %ge3A_110 = arith.cmpi sge, %while3A_102, %ge3A : i32
      %convert_element_type3A = arith.extui %ge3A_110 : i1 to i32
      %cond3A = arith.constant 0 : i32
      %cond3A_111 = arith.cmpi ne, %convert_element_type3A, %cond3A : i32
      scf.if %cond3A_111 {
        %dma_wait3A_142 = arith.constant 0 : i32
        %dma_wait3A_143 = arith.constant 0 : i32
        %dma_wait3A_144 = arith.constant 0 : i32
        %dma_wait3A_145 = tpu.memref_slice %arg8[%rem3A_109, %dma_wait3A_143, %dma_wait3A_144] : memref<2x128x16xf32, #tpu.memory_space<vmem>> -> memref<1x128x16xf32, #tpu.memory_space<vmem>>
        %dma_wait3A_146 = tpu.memref_squeeze %dma_wait3A_145 : memref<1x128x16xf32, #tpu.memory_space<vmem>> -> memref<128x16xf32, #tpu.memory_space<vmem>>
        %dma_wait3A_147 = arith.constant 0 : i32
        %dma_wait3A_148 = tpu.memref_slice %arg7[%dma_wait3A_142, %dma_wait3A_147] : memref<100x128xi32, #tpu.memory_space<vmem>> -> memref<1x128xi32, #tpu.memory_space<vmem>>
        %dma_wait3A_149 = tpu.memref_squeeze %dma_wait3A_148 : memref<1x128xi32, #tpu.memory_space<vmem>> -> memref<128xi32, #tpu.memory_space<vmem>>
        %dma_wait3A_150 = arith.constant 0 : i32
        %dma_wait3A_151 = arith.constant 0 : i32
        %dma_wait3A_152 = tpu.memref_slice %arg9[%dma_wait3A_150, %dma_wait3A_151] : memref<10240x16xf32, #tpu.memory_space<vmem_shared>> -> memref<10240x16xf32, #tpu.memory_space<vmem_shared>>
        %dma_wait3A_153 = tpu.memref_slice %arg12[%rem3A_109] : memref<2x!tpu.dma_semaphore, #tpu.memory_space<semaphore_mem>> -> memref<1x!tpu.dma_semaphore, #tpu.memory_space<semaphore_mem>>
        %dma_wait3A_154 = tpu.memref_squeeze %dma_wait3A_153 : memref<1x!tpu.dma_semaphore, #tpu.memory_space<semaphore_mem>> -> memref<!tpu.dma_semaphore, #tpu.memory_space<semaphore_mem>>
        tpu.wait_indirect_dma semaphore(%dma_wait3A_154 : memref<!tpu.dma_semaphore, #tpu.memory_space<semaphore_mem>>) src(%dma_wait3A_146 : memref<128x16xf32, #tpu.memory_space<vmem>>) dst(%dma_wait3A_152 : memref<10240x16xf32, #tpu.memory_space<vmem_shared>>)
      } else {
      }
      %sub3A_112 = arith.constant 1 : i32
      %sub3A_113 = arith.subi %select_n3A, %sub3A_112 : i32
      %lt3A = arith.cmpi slt, %while3A_102, %sub3A_113 : i32
      %convert_element_type3A_114 = arith.extui %lt3A : i1 to i32
      %cond3A_115 = arith.constant 0 : i32
      %cond3A_116 = arith.cmpi ne, %convert_element_type3A_114, %cond3A_115 : i32
      scf.if %cond3A_116 {
        %add3A_142 = arith.constant 1 : i32
        %add3A_143 = arith.addi %while3A_102, %add3A_142 : i32
        %dma_start3A_144 = arith.constant 0 : i32
        %dma_start3A_145 = arith.constant 0 : i32
        %dma_start3A_146 = tpu.memref_slice %arg8[%rem3A_109, %dma_start3A_144, %dma_start3A_145] : memref<2x128x16xf32, #tpu.memory_space<vmem>> -> memref<1x128x16xf32, #tpu.memory_space<vmem>>
        %dma_start3A_147 = tpu.memref_squeeze %dma_start3A_146 : memref<1x128x16xf32, #tpu.memory_space<vmem>> -> memref<128x16xf32, #tpu.memory_space<vmem>>
        %dma_start3A_148 = arith.constant 0 : i32
        %dma_start3A_149 = tpu.memref_slice %arg6[%add3A_143, %dma_start3A_148] : memref<100x128xi32, #tpu.memory_space<vmem>> -> memref<1x128xi32, #tpu.memory_space<vmem>>
        %dma_start3A_150 = tpu.memref_squeeze %dma_start3A_149 : memref<1x128xi32, #tpu.memory_space<vmem>> -> memref<128xi32, #tpu.memory_space<vmem>>
        %dma_start3A_151 = arith.constant 0 : i32
        %dma_start3A_152 = arith.constant 0 : i32
        %dma_start3A_153 = tpu.memref_slice %arg10[%dma_start3A_151, %dma_start3A_152] : memref<10240x16xf32, #tpu.memory_space<vmem_shared>> -> memref<10240x16xf32, #tpu.memory_space<vmem_shared>>
        %dma_start3A_154 = tpu.memref_slice %arg11[%rem3A_109] : memref<2x!tpu.dma_semaphore, #tpu.memory_space<semaphore_mem>> -> memref<1x!tpu.dma_semaphore, #tpu.memory_space<semaphore_mem>>
        %dma_start3A_155 = tpu.memref_squeeze %dma_start3A_154 : memref<1x!tpu.dma_semaphore, #tpu.memory_space<semaphore_mem>> -> memref<!tpu.dma_semaphore, #tpu.memory_space<semaphore_mem>>
        tpu.enqueue_indirect_dma source(%dma_start3A_153 : memref<10240x16xf32, #tpu.memory_space<vmem_shared>>) target(%dma_start3A_147 : memref<128x16xf32, #tpu.memory_space<vmem>>) offsets(%dma_start3A_150 : memref<128xi32, #tpu.memory_space<vmem>>) semaphore(%dma_start3A_155 : memref<!tpu.dma_semaphore, #tpu.memory_space<semaphore_mem>>)
      } else {
      }
      %dma_wait3A_117 = arith.constant 0 : i32
      %dma_wait3A_118 = arith.constant 0 : i32
      %dma_wait3A_119 = tpu.memref_slice %arg8[%rem3A_105, %dma_wait3A_117, %dma_wait3A_118] : memref<2x128x16xf32, #tpu.memory_space<vmem>> -> memref<1x128x16xf32, #tpu.memory_space<vmem>>
      %dma_wait3A_120 = tpu.memref_squeeze %dma_wait3A_119 : memref<1x128x16xf32, #tpu.memory_space<vmem>> -> memref<128x16xf32, #tpu.memory_space<vmem>>
      %dma_wait3A_121 = arith.constant 0 : i32
      %dma_wait3A_122 = tpu.memref_slice %arg6[%while3A_102, %dma_wait3A_121] : memref<100x128xi32, #tpu.memory_space<vmem>> -> memref<1x128xi32, #tpu.memory_space<vmem>>
      %dma_wait3A_123 = tpu.memref_squeeze %dma_wait3A_122 : memref<1x128xi32, #tpu.memory_space<vmem>> -> memref<128xi32, #tpu.memory_space<vmem>>
      %dma_wait3A_124 = arith.constant 0 : i32
      %dma_wait3A_125 = arith.constant 0 : i32
      %dma_wait3A_126 = tpu.memref_slice %arg10[%dma_wait3A_124, %dma_wait3A_125] : memref<10240x16xf32, #tpu.memory_space<vmem_shared>> -> memref<10240x16xf32, #tpu.memory_space<vmem_shared>>
      %dma_wait3A_127 = tpu.memref_slice %arg11[%rem3A_105] : memref<2x!tpu.dma_semaphore, #tpu.memory_space<semaphore_mem>> -> memref<1x!tpu.dma_semaphore, #tpu.memory_space<semaphore_mem>>
      %dma_wait3A_128 = tpu.memref_squeeze %dma_wait3A_127 : memref<1x!tpu.dma_semaphore, #tpu.memory_space<semaphore_mem>> -> memref<!tpu.dma_semaphore, #tpu.memory_space<semaphore_mem>>
      tpu.wait_indirect_dma semaphore(%dma_wait3A_128 : memref<!tpu.dma_semaphore, #tpu.memory_space<semaphore_mem>>) src(%dma_wait3A_126 : memref<10240x16xf32, #tpu.memory_space<vmem_shared>>) dst(%dma_wait3A_120 : memref<128x16xf32, #tpu.memory_space<vmem>>)
      %dma_start3A_129 = arith.constant 0 : i32
      %dma_start3A_130 = arith.constant 0 : i32
      %dma_start3A_131 = tpu.memref_slice %arg8[%rem3A_105, %dma_start3A_129, %dma_start3A_130] : memref<2x128x16xf32, #tpu.memory_space<vmem>> -> memref<1x128x16xf32, #tpu.memory_space<vmem>>
      %dma_start3A_132 = tpu.memref_squeeze %dma_start3A_131 : memref<1x128x16xf32, #tpu.memory_space<vmem>> -> memref<128x16xf32, #tpu.memory_space<vmem>>
      %dma_start3A_133 = arith.constant 0 : i32
      %dma_start3A_134 = tpu.memref_slice %arg7[%while3A_102, %dma_start3A_133] : memref<100x128xi32, #tpu.memory_space<vmem>> -> memref<1x128xi32, #tpu.memory_space<vmem>>
      %dma_start3A_135 = tpu.memref_squeeze %dma_start3A_134 : memref<1x128xi32, #tpu.memory_space<vmem>> -> memref<128xi32, #tpu.memory_space<vmem>>
      %dma_start3A_136 = arith.constant 0 : i32
      %dma_start3A_137 = arith.constant 0 : i32
      %dma_start3A_138 = tpu.memref_slice %arg9[%dma_start3A_136, %dma_start3A_137] : memref<10240x16xf32, #tpu.memory_space<vmem_shared>> -> memref<10240x16xf32, #tpu.memory_space<vmem_shared>>
      %dma_start3A_139 = tpu.memref_slice %arg12[%rem3A_105] : memref<2x!tpu.dma_semaphore, #tpu.memory_space<semaphore_mem>> -> memref<1x!tpu.dma_semaphore, #tpu.memory_space<semaphore_mem>>
      %dma_start3A_140 = tpu.memref_squeeze %dma_start3A_139 : memref<1x!tpu.dma_semaphore, #tpu.memory_space<semaphore_mem>> -> memref<!tpu.dma_semaphore, #tpu.memory_space<semaphore_mem>>
      tpu.enqueue_indirect_dma source(%dma_start3A_132 : memref<128x16xf32, #tpu.memory_space<vmem>>) target(%dma_start3A_138 : memref<10240x16xf32, #tpu.memory_space<vmem_shared>>) offsets(%dma_start3A_135 : memref<128xi32, #tpu.memory_space<vmem>>) semaphore(%dma_start3A_140 : memref<!tpu.dma_semaphore, #tpu.memory_space<semaphore_mem>>) {add = true}
      %while3A_141 = arith.constant 0 : i32
      scf.yield %while3A_141 : i32
    }
    %while3A_84 = arith.constant 1 : i32
    %while3A_85 = scf.for %while3A_102 = %while3A_81 to %while3A_77 step %while3A_84 iter_args(%while3A_103 = %while3A_83) -> (i32)  : i32 {
      %rem3A_104 = arith.constant 2 : i32
      %rem3A_105 = arith.remsi %while3A_102, %rem3A_104 : i32
      %add3A_106 = arith.constant 1 : i32
      %add3A_107 = arith.addi %while3A_102, %add3A_106 : i32
      %rem3A_108 = arith.constant 2 : i32
      %rem3A_109 = arith.remsi %add3A_107, %rem3A_108 : i32
      %ge3A = arith.constant 1 : i32
      %ge3A_110 = arith.cmpi sge, %while3A_102, %ge3A : i32
      %convert_element_type3A = arith.extui %ge3A_110 : i1 to i32
      %cond3A = arith.constant 0 : i32
      %cond3A_111 = arith.cmpi ne, %convert_element_type3A, %cond3A : i32
      scf.if %cond3A_111 {
        %dma_wait3A_142 = arith.constant 0 : i32
        %dma_wait3A_143 = arith.constant 0 : i32
        %dma_wait3A_144 = arith.constant 0 : i32
        %dma_wait3A_145 = tpu.memref_slice %arg8[%rem3A_109, %dma_wait3A_143, %dma_wait3A_144] : memref<2x128x16xf32, #tpu.memory_space<vmem>> -> memref<1x128x16xf32, #tpu.memory_space<vmem>>
        %dma_wait3A_146 = tpu.memref_squeeze %dma_wait3A_145 : memref<1x128x16xf32, #tpu.memory_space<vmem>> -> memref<128x16xf32, #tpu.memory_space<vmem>>
        %dma_wait3A_147 = arith.constant 0 : i32
        %dma_wait3A_148 = tpu.memref_slice %arg7[%dma_wait3A_142, %dma_wait3A_147] : memref<100x128xi32, #tpu.memory_space<vmem>> -> memref<1x128xi32, #tpu.memory_space<vmem>>
        %dma_wait3A_149 = tpu.memref_squeeze %dma_wait3A_148 : memref<1x128xi32, #tpu.memory_space<vmem>> -> memref<128xi32, #tpu.memory_space<vmem>>
        %dma_wait3A_150 = arith.constant 0 : i32
        %dma_wait3A_151 = arith.constant 0 : i32
        %dma_wait3A_152 = tpu.memref_slice %arg9[%dma_wait3A_150, %dma_wait3A_151] : memref<10240x16xf32, #tpu.memory_space<vmem_shared>> -> memref<10240x16xf32, #tpu.memory_space<vmem_shared>>
        %dma_wait3A_153 = tpu.memref_slice %arg12[%rem3A_109] : memref<2x!tpu.dma_semaphore, #tpu.memory_space<semaphore_mem>> -> memref<1x!tpu.dma_semaphore, #tpu.memory_space<semaphore_mem>>
        %dma_wait3A_154 = tpu.memref_squeeze %dma_wait3A_153 : memref<1x!tpu.dma_semaphore, #tpu.memory_space<semaphore_mem>> -> memref<!tpu.dma_semaphore, #tpu.memory_space<semaphore_mem>>
        tpu.wait_indirect_dma semaphore(%dma_wait3A_154 : memref<!tpu.dma_semaphore, #tpu.memory_space<semaphore_mem>>) src(%dma_wait3A_146 : memref<128x16xf32, #tpu.memory_space<vmem>>) dst(%dma_wait3A_152 : memref<10240x16xf32, #tpu.memory_space<vmem_shared>>)
      } else {
      }
      %sub3A_112 = arith.constant 1 : i32
      %sub3A_113 = arith.subi %select_n3A, %sub3A_112 : i32
      %lt3A = arith.cmpi slt, %while3A_102, %sub3A_113 : i32
      %convert_element_type3A_114 = arith.extui %lt3A : i1 to i32
      %cond3A_115 = arith.constant 0 : i32
      %cond3A_116 = arith.cmpi ne, %convert_element_type3A_114, %cond3A_115 : i32
      scf.if %cond3A_116 {
        %add3A_142 = arith.constant 1 : i32
        %add3A_143 = arith.addi %while3A_102, %add3A_142 : i32
        %dma_start3A_144 = arith.constant 0 : i32
        %dma_start3A_145 = arith.constant 0 : i32
        %dma_start3A_146 = tpu.memref_slice %arg8[%rem3A_109, %dma_start3A_144, %dma_start3A_145] : memref<2x128x16xf32, #tpu.memory_space<vmem>> -> memref<1x128x16xf32, #tpu.memory_space<vmem>>
        %dma_start3A_147 = tpu.memref_squeeze %dma_start3A_146 : memref<1x128x16xf32, #tpu.memory_space<vmem>> -> memref<128x16xf32, #tpu.memory_space<vmem>>
        %dma_start3A_148 = arith.constant 0 : i32
        %dma_start3A_149 = tpu.memref_slice %arg6[%add3A_143, %dma_start3A_148] : memref<100x128xi32, #tpu.memory_space<vmem>> -> memref<1x128xi32, #tpu.memory_space<vmem>>
        %dma_start3A_150 = tpu.memref_squeeze %dma_start3A_149 : memref<1x128xi32, #tpu.memory_space<vmem>> -> memref<128xi32, #tpu.memory_space<vmem>>
        %dma_start3A_151 = arith.constant 0 : i32
        %dma_start3A_152 = arith.constant 0 : i32
        %dma_start3A_153 = tpu.memref_slice %arg10[%dma_start3A_151, %dma_start3A_152] : memref<10240x16xf32, #tpu.memory_space<vmem_shared>> -> memref<10240x16xf32, #tpu.memory_space<vmem_shared>>
        %dma_start3A_154 = tpu.memref_slice %arg11[%rem3A_109] : memref<2x!tpu.dma_semaphore, #tpu.memory_space<semaphore_mem>> -> memref<1x!tpu.dma_semaphore, #tpu.memory_space<semaphore_mem>>
        %dma_start3A_155 = tpu.memref_squeeze %dma_start3A_154 : memref<1x!tpu.dma_semaphore, #tpu.memory_space<semaphore_mem>> -> memref<!tpu.dma_semaphore, #tpu.memory_space<semaphore_mem>>
        tpu.enqueue_indirect_dma source(%dma_start3A_153 : memref<10240x16xf32, #tpu.memory_space<vmem_shared>>) target(%dma_start3A_147 : memref<128x16xf32, #tpu.memory_space<vmem>>) offsets(%dma_start3A_150 : memref<128xi32, #tpu.memory_space<vmem>>) semaphore(%dma_start3A_155 : memref<!tpu.dma_semaphore, #tpu.memory_space<semaphore_mem>>)
      } else {
      }
      %dma_wait3A_117 = arith.constant 0 : i32
      %dma_wait3A_118 = arith.constant 0 : i32
      %dma_wait3A_119 = tpu.memref_slice %arg8[%rem3A_105, %dma_wait3A_117, %dma_wait3A_118] : memref<2x128x16xf32, #tpu.memory_space<vmem>> -> memref<1x128x16xf32, #tpu.memory_space<vmem>>
      %dma_wait3A_120 = tpu.memref_squeeze %dma_wait3A_119 : memref<1x128x16xf32, #tpu.memory_space<vmem>> -> memref<128x16xf32, #tpu.memory_space<vmem>>
      %dma_wait3A_121 = arith.constant 0 : i32
      %dma_wait3A_122 = tpu.memref_slice %arg6[%while3A_102, %dma_wait3A_121] : memref<100x128xi32, #tpu.memory_space<vmem>> -> memref<1x128xi32, #tpu.memory_space<vmem>>
      %dma_wait3A_123 = tpu.memref_squeeze %dma_wait3A_122 : memref<1x128xi32, #tpu.memory_space<vmem>> -> memref<128xi32, #tpu.memory_space<vmem>>
      %dma_wait3A_124 = arith.constant 0 : i32
      %dma_wait3A_125 = arith.constant 0 : i32
      %dma_wait3A_126 = tpu.memref_slice %arg10[%dma_wait3A_124, %dma_wait3A_125] : memref<10240x16xf32, #tpu.memory_space<vmem_shared>> -> memref<10240x16xf32, #tpu.memory_space<vmem_shared>>
      %dma_wait3A_127 = tpu.memref_slice %arg11[%rem3A_105] : memref<2x!tpu.dma_semaphore, #tpu.memory_space<semaphore_mem>> -> memref<1x!tpu.dma_semaphore, #tpu.memory_space<semaphore_mem>>
      %dma_wait3A_128 = tpu.memref_squeeze %dma_wait3A_127 : memref<1x!tpu.dma_semaphore, #tpu.memory_space<semaphore_mem>> -> memref<!tpu.dma_semaphore, #tpu.memory_space<semaphore_mem>>
      tpu.wait_indirect_dma semaphore(%dma_wait3A_128 : memref<!tpu.dma_semaphore, #tpu.memory_space<semaphore_mem>>) src(%dma_wait3A_126 : memref<10240x16xf32, #tpu.memory_space<vmem_shared>>) dst(%dma_wait3A_120 : memref<128x16xf32, #tpu.memory_space<vmem>>)
      %dma_start3A_129 = arith.constant 0 : i32
      %dma_start3A_130 = arith.constant 0 : i32
      %dma_start3A_131 = tpu.memref_slice %arg8[%rem3A_105, %dma_start3A_129, %dma_start3A_130] : memref<2x128x16xf32, #tpu.memory_space<vmem>> -> memref<1x128x16xf32, #tpu.memory_space<vmem>>
      %dma_start3A_132 = tpu.memref_squeeze %dma_start3A_131 : memref<1x128x16xf32, #tpu.memory_space<vmem>> -> memref<128x16xf32, #tpu.memory_space<vmem>>
      %dma_start3A_133 = arith.constant 0 : i32
      %dma_start3A_134 = tpu.memref_slice %arg7[%while3A_102, %dma_start3A_133] : memref<100x128xi32, #tpu.memory_space<vmem>> -> memref<1x128xi32, #tpu.memory_space<vmem>>
      %dma_start3A_135 = tpu.memref_squeeze %dma_start3A_134 : memref<1x128xi32, #tpu.memory_space<vmem>> -> memref<128xi32, #tpu.memory_space<vmem>>
      %dma_start3A_136 = arith.constant 0 : i32
      %dma_start3A_137 = arith.constant 0 : i32
      %dma_start3A_138 = tpu.memref_slice %arg9[%dma_start3A_136, %dma_start3A_137] : memref<10240x16xf32, #tpu.memory_space<vmem_shared>> -> memref<10240x16xf32, #tpu.memory_space<vmem_shared>>
      %dma_start3A_139 = tpu.memref_slice %arg12[%rem3A_105] : memref<2x!tpu.dma_semaphore, #tpu.memory_space<semaphore_mem>> -> memref<1x!tpu.dma_semaphore, #tpu.memory_space<semaphore_mem>>
      %dma_start3A_140 = tpu.memref_squeeze %dma_start3A_139 : memref<1x!tpu.dma_semaphore, #tpu.memory_space<semaphore_mem>> -> memref<!tpu.dma_semaphore, #tpu.memory_space<semaphore_mem>>
      tpu.enqueue_indirect_dma source(%dma_start3A_132 : memref<128x16xf32, #tpu.memory_space<vmem>>) target(%dma_start3A_138 : memref<10240x16xf32, #tpu.memory_space<vmem_shared>>) offsets(%dma_start3A_135 : memref<128xi32, #tpu.memory_space<vmem>>) semaphore(%dma_start3A_140 : memref<!tpu.dma_semaphore, #tpu.memory_space<semaphore_mem>>) {add = true}
      %while3A_141 = arith.constant 0 : i32
      scf.yield %while3A_141 : i32
    }
    %sub3A = arith.constant 1 : i32
    %sub3A_86 = arith.subi %select_n3A, %sub3A : i32
    %rem3A = arith.constant 2 : i32
    %rem3A_87 = arith.remsi %sub3A_86, %rem3A : i32
    %dma_wait3A_88 = arith.constant 0 : i32
    %dma_wait3A_89 = arith.constant 0 : i32
    %dma_wait3A_90 = arith.constant 0 : i32
    %dma_wait3A_91 = tpu.memref_slice %arg8[%rem3A_87, %dma_wait3A_89, %dma_wait3A_90] : memref<2x128x16xf32, #tpu.memory_space<vmem>> -> memref<1x128x16xf32, #tpu.memory_space<vmem>>
    %dma_wait3A_92 = tpu.memref_squeeze %dma_wait3A_91 : memref<1x128x16xf32, #tpu.memory_space<vmem>> -> memref<128x16xf32, #tpu.memory_space<vmem>>
    %dma_wait3A_93 = arith.constant 0 : i32
    %dma_wait3A_94 = tpu.memref_slice %arg7[%dma_wait3A_88, %dma_wait3A_93] : memref<100x128xi32, #tpu.memory_space<vmem>> -> memref<1x128xi32, #tpu.memory_space<vmem>>
    %dma_wait3A_95 = tpu.memref_squeeze %dma_wait3A_94 : memref<1x128xi32, #tpu.memory_space<vmem>> -> memref<128xi32, #tpu.memory_space<vmem>>
    %dma_wait3A_96 = arith.constant 0 : i32
    %dma_wait3A_97 = arith.constant 0 : i32
    %dma_wait3A_98 = tpu.memref_slice %arg9[%dma_wait3A_96, %dma_wait3A_97] : memref<10240x16xf32, #tpu.memory_space<vmem_shared>> -> memref<10240x16xf32, #tpu.memory_space<vmem_shared>>
    %dma_wait3A_99 = tpu.memref_slice %arg12[%rem3A_87] : memref<2x!tpu.dma_semaphore, #tpu.memory_space<semaphore_mem>> -> memref<1x!tpu.dma_semaphore, #tpu.memory_space<semaphore_mem>>
    %dma_wait3A_100 = tpu.memref_squeeze %dma_wait3A_99 : memref<1x!tpu.dma_semaphore, #tpu.memory_space<semaphore_mem>> -> memref<!tpu.dma_semaphore, #tpu.memory_space<semaphore_mem>>
    tpu.wait_indirect_dma semaphore(%dma_wait3A_100 : memref<!tpu.dma_semaphore, #tpu.memory_space<semaphore_mem>>) src(%dma_wait3A_92 : memref<128x16xf32, #tpu.memory_space<vmem>>) dst(%dma_wait3A_98 : memref<10240x16xf32, #tpu.memory_space<vmem_shared>>)
    %barrier3A_101 = arith.constant 0 : index
    tpu.barrier barrier_id(%barrier3A_101)
    "tpu.region"() ({
      %run_scoped3A_102 = tpu.sem_alloc : memref<!tpu.dma_semaphore, #tpu.memory_space<semaphore_mem>>
      %dma_start3A_103 = arith.constant 0 : i32
      %dma_start3A_104 = tpu.memref_slice %arg5[%arg0, %mul3A_6, %dma_start3A_103] : memref<2x10240x16xf32, #tpu.memory_space<hbm>> -> memref<1x640x16xf32, #tpu.memory_space<hbm>>
      %dma_start3A_105 = tpu.memref_squeeze %dma_start3A_104 : memref<1x640x16xf32, #tpu.memory_space<hbm>> -> memref<640x16xf32, #tpu.memory_space<hbm>>
      %dma_start3A_106 = arith.constant 0 : i32
      %dma_start3A_107 = tpu.memref_slice %arg9[%mul3A_6, %dma_start3A_106] : memref<10240x16xf32, #tpu.memory_space<vmem_shared>> -> memref<640x16xf32, #tpu.memory_space<vmem_shared>>
      tpu.enqueue_dma source(%dma_start3A_107 : memref<640x16xf32, #tpu.memory_space<vmem_shared>>) target(%dma_start3A_105 : memref<640x16xf32, #tpu.memory_space<hbm>>) target_semaphore(%run_scoped3A_102 : memref<!tpu.dma_semaphore, #tpu.memory_space<semaphore_mem>>)
      %dma_wait3A_108 = arith.constant 0 : i32
      %dma_wait3A_109 = tpu.memref_slice %arg5[%arg0, %mul3A_6, %dma_wait3A_108] : memref<2x10240x16xf32, #tpu.memory_space<hbm>> -> memref<1x640x16xf32, #tpu.memory_space<hbm>>
      %dma_wait3A_110 = tpu.memref_squeeze %dma_wait3A_109 : memref<1x640x16xf32, #tpu.memory_space<hbm>> -> memref<640x16xf32, #tpu.memory_space<hbm>>
      %dma_wait3A_111 = arith.constant 0 : i32
      %dma_wait3A_112 = tpu.memref_slice %arg9[%mul3A_6, %dma_wait3A_111] : memref<10240x16xf32, #tpu.memory_space<vmem_shared>> -> memref<640x16xf32, #tpu.memory_space<vmem_shared>>
      tpu.wait_dma2 semaphore(%run_scoped3A_102 : memref<!tpu.dma_semaphore, #tpu.memory_space<semaphore_mem>>) src(%dma_wait3A_112 : memref<640x16xf32, #tpu.memory_space<vmem_shared>>) dst(%dma_wait3A_110 : memref<640x16xf32, #tpu.memory_space<hbm>>)
      tpu.yield
    }) : () -> ()
    return
  }
}

module attributes {stable_mosaic.version = 14 : i64} {
  func.func @_k0_body(%arg0: memref<2x10240x16xf32, #tpu.memory_space<vmem>>, %arg1: memref<10240x128xf32, #tpu.memory_space<vmem>>, %arg2: memref<128x128xf32, #tpu.memory_space<vmem>>, %arg3: memref<10240x128xf32, #tpu.memory_space<vmem>>, %arg4: memref<10240x1xf32, #tpu.memory_space<vmem>>) attributes {dimension_semantics = [], scalar_prefetch = 0 : i64, scratch_operands = 0 : i64, tpu.core_type = #tpu.core_type<tc>} {
    %get3A = arith.constant 0 : index
    %get3A_0 = arith.constant 0 : index
    %get3A_1 = arith.constant 0 : index
    %get3A_2 = vector.load %arg0[%get3A, %get3A_0, %get3A_1] : memref<2x10240x16xf32, #tpu.memory_space<vmem>>, vector<1x10240x16xf32>
    %get3A_3 = vector.shape_cast %get3A_2 : vector<1x10240x16xf32> to vector<10240x16xf32>
    %get3A_4 = arith.constant 1 : index
    %get3A_5 = arith.constant 0 : index
    %get3A_6 = arith.constant 0 : index
    %get3A_7 = vector.load %arg0[%get3A_4, %get3A_5, %get3A_6] : memref<2x10240x16xf32, #tpu.memory_space<vmem>>, vector<1x10240x16xf32>
    %get3A_8 = vector.shape_cast %get3A_7 : vector<1x10240x16xf32> to vector<10240x16xf32>
    %add3A = arith.addf %get3A_3, %get3A_8 : vector<10240x16xf32>
    %slice3A = vector.extract_strided_slice %add3A {offsets = [0, 0], sizes = [10240, 1], strides = [1, 1]} : vector<10240x16xf32> to vector<10240x1xf32>
    %iota3A = tpu.iota {dimensions = array<i32: 0>} : vector<10240x1xi32>
    %gt3A = arith.constant 0.000000e+00 : f32
    %gt3A_9 = vector.broadcast %gt3A : f32 to vector<10240x1xf32>
    %gt3A_10 = arith.cmpf ogt, %slice3A, %gt3A_9 : vector<10240x1xf32>
    %lt3A = arith.constant 10000 : i32
    %lt3A_11 = vector.broadcast %lt3A : i32 to vector<10240x1xi32>
    %lt3A_12 = arith.cmpi slt, %iota3A, %lt3A_11 : vector<10240x1xi32>
    %and3A = arith.andi %gt3A_10, %lt3A_12 : vector<10240x1xi1>
    %rsqrt3A = math.rsqrt %slice3A : vector<10240x1xf32>
    %jit3A = arith.constant 0.000000e+00 : f32
    %broadcast_in_dim3A = vector.broadcast %jit3A : f32 to vector<10240x1xf32>
    %select_n3A = arith.select %and3A, %rsqrt3A, %broadcast_in_dim3A : vector<10240x1xi1>, vector<10240x1xf32>
    %get3A_13 = arith.constant 0 : index
    %get3A_14 = arith.constant 0 : index
    %get3A_15 = vector.load %arg1[%get3A_13, %get3A_14] : memref<10240x128xf32, #tpu.memory_space<vmem>>, vector<10240x128xf32>
    %get3A_16 = arith.constant 0 : index
    %get3A_17 = arith.constant 0 : index
    %get3A_18 = vector.load %arg2[%get3A_16, %get3A_17] : memref<128x128xf32, #tpu.memory_space<vmem>>, vector<128x128xf32>
    %dot_general3A = arith.constant dense<0.000000e+00> : vector<10240x128xf32>
    %dot_general3A_19 = tpu.matmul %get3A_15, %get3A_18, %dot_general3A {dimension_numbers = #tpu.dot_dimension_numbers<[1], [0], [0], [1], [0, 0, 1, 1], [], []>, transpose_lhs_hint = false} : vector<10240x128xf32>, vector<128x128xf32>, vector<10240x128xf32> -> vector<10240x128xf32>
    %mul3A = vector.broadcast %select_n3A : vector<10240x1xf32> to vector<10240x128xf32>
    %mul3A_20 = arith.mulf %dot_general3A_19, %mul3A : vector<10240x128xf32>
    %swap3A = arith.constant 0 : index
    %swap3A_21 = arith.constant 0 : index
    %swap3A_22 = vector.load %arg3[%swap3A, %swap3A_21] : memref<10240x128xf32, #tpu.memory_space<vmem>>, vector<10240x128xf32>
    tpu.vector_store %arg3[%swap3A, %swap3A_21], %mul3A_20 {strides = array<i32>} : memref<10240x128xf32, #tpu.memory_space<vmem>>, vector<10240x128xf32>,
    %swap3A_23 = arith.constant 0 : index
    %swap3A_24 = arith.constant 0 : index
    %swap3A_25 = vector.load %arg4[%swap3A_23, %swap3A_24] : memref<10240x1xf32, #tpu.memory_space<vmem>>, vector<10240x1xf32>
    tpu.vector_store %arg4[%swap3A_23, %swap3A_24], %select_n3A {strides = array<i32>} : memref<10240x1xf32, #tpu.memory_space<vmem>>, vector<10240x1xf32>,
    return
  }
}

module attributes {stable_mosaic.version = 14 : i64} {
  func.func @_kmid_body(%arg0: memref<2x10240x128xf32, #tpu.memory_space<vmem>>, %arg1: memref<10240x1xf32, #tpu.memory_space<vmem>>, %arg2: memref<1x128xf32, #tpu.memory_space<vmem>>, %arg3: memref<128x64xf32, #tpu.memory_space<vmem>>, %arg4: memref<10240x64xf32, #tpu.memory_space<vmem>>) attributes {dimension_semantics = [], scalar_prefetch = 0 : i64, scratch_operands = 0 : i64, tpu.core_type = #tpu.core_type<tc>} {
    %get3A = arith.constant 0 : index
    %get3A_0 = arith.constant 0 : index
    %get3A_1 = vector.load %arg1[%get3A, %get3A_0] : memref<10240x1xf32, #tpu.memory_space<vmem>>, vector<10240x1xf32>
    %get3A_2 = arith.constant 0 : index
    %get3A_3 = arith.constant 0 : index
    %get3A_4 = arith.constant 0 : index
    %get3A_5 = vector.load %arg0[%get3A_2, %get3A_3, %get3A_4] : memref<2x10240x128xf32, #tpu.memory_space<vmem>>, vector<1x10240x128xf32>
    %get3A_6 = vector.shape_cast %get3A_5 : vector<1x10240x128xf32> to vector<10240x128xf32>
    %get3A_7 = arith.constant 1 : index
    %get3A_8 = arith.constant 0 : index
    %get3A_9 = arith.constant 0 : index
    %get3A_10 = vector.load %arg0[%get3A_7, %get3A_8, %get3A_9] : memref<2x10240x128xf32, #tpu.memory_space<vmem>>, vector<1x10240x128xf32>
    %get3A_11 = vector.shape_cast %get3A_10 : vector<1x10240x128xf32> to vector<10240x128xf32>
    %add3A = arith.addf %get3A_6, %get3A_11 : vector<10240x128xf32>
    %mul3A = vector.broadcast %get3A_1 : vector<10240x1xf32> to vector<10240x128xf32>
    %mul3A_12 = arith.mulf %add3A, %mul3A : vector<10240x128xf32>
    %get3A_13 = arith.constant 0 : index
    %get3A_14 = arith.constant 0 : index
    %get3A_15 = vector.load %arg2[%get3A_13, %get3A_14] : memref<1x128xf32, #tpu.memory_space<vmem>>, vector<1x128xf32>
    %add3A_16 = vector.broadcast %get3A_15 : vector<1x128xf32> to vector<10240x128xf32>
    %add3A_17 = arith.addf %mul3A_12, %add3A_16 : vector<10240x128xf32>
    %max3A = arith.constant 0.000000e+00 : f32
    %max3A_18 = vector.broadcast %max3A : f32 to vector<10240x128xf32>
    %max3A_19 = arith.maximumf %add3A_17, %max3A_18 : vector<10240x128xf32>
    %get3A_20 = arith.constant 0 : index
    %get3A_21 = arith.constant 0 : index
    %get3A_22 = vector.load %arg3[%get3A_20, %get3A_21] : memref<128x64xf32, #tpu.memory_space<vmem>>, vector<128x64xf32>
    %dot_general3A = arith.constant dense<0.000000e+00> : vector<10240x64xf32>
    %dot_general3A_23 = tpu.matmul %max3A_19, %get3A_22, %dot_general3A {dimension_numbers = #tpu.dot_dimension_numbers<[1], [0], [0], [1], [0, 0, 1, 1], [], []>, transpose_lhs_hint = false} : vector<10240x128xf32>, vector<128x64xf32>, vector<10240x64xf32> -> vector<10240x64xf32>
    %mul3A_24 = vector.broadcast %get3A_1 : vector<10240x1xf32> to vector<10240x64xf32>
    %mul3A_25 = arith.mulf %dot_general3A_23, %mul3A_24 : vector<10240x64xf32>
    %swap3A = arith.constant 0 : index
    %swap3A_26 = arith.constant 0 : index
    %swap3A_27 = vector.load %arg4[%swap3A, %swap3A_26] : memref<10240x64xf32, #tpu.memory_space<vmem>>, vector<10240x64xf32>
    tpu.vector_store %arg4[%swap3A, %swap3A_26], %mul3A_25 {strides = array<i32>} : memref<10240x64xf32, #tpu.memory_space<vmem>>, vector<10240x64xf32>,
    return
  }
}

module attributes {stable_mosaic.version = 14 : i64} {
  func.func @_kmid_body(%arg0: memref<2x10240x64xf32, #tpu.memory_space<vmem>>, %arg1: memref<10240x1xf32, #tpu.memory_space<vmem>>, %arg2: memref<1x64xf32, #tpu.memory_space<vmem>>, %arg3: memref<64x32xf32, #tpu.memory_space<vmem>>, %arg4: memref<10240x32xf32, #tpu.memory_space<vmem>>) attributes {dimension_semantics = [], scalar_prefetch = 0 : i64, scratch_operands = 0 : i64, tpu.core_type = #tpu.core_type<tc>} {
    %get3A = arith.constant 0 : index
    %get3A_0 = arith.constant 0 : index
    %get3A_1 = vector.load %arg1[%get3A, %get3A_0] : memref<10240x1xf32, #tpu.memory_space<vmem>>, vector<10240x1xf32>
    %get3A_2 = arith.constant 0 : index
    %get3A_3 = arith.constant 0 : index
    %get3A_4 = arith.constant 0 : index
    %get3A_5 = vector.load %arg0[%get3A_2, %get3A_3, %get3A_4] : memref<2x10240x64xf32, #tpu.memory_space<vmem>>, vector<1x10240x64xf32>
    %get3A_6 = vector.shape_cast %get3A_5 : vector<1x10240x64xf32> to vector<10240x64xf32>
    %get3A_7 = arith.constant 1 : index
    %get3A_8 = arith.constant 0 : index
    %get3A_9 = arith.constant 0 : index
    %get3A_10 = vector.load %arg0[%get3A_7, %get3A_8, %get3A_9] : memref<2x10240x64xf32, #tpu.memory_space<vmem>>, vector<1x10240x64xf32>
    %get3A_11 = vector.shape_cast %get3A_10 : vector<1x10240x64xf32> to vector<10240x64xf32>
    %add3A = arith.addf %get3A_6, %get3A_11 : vector<10240x64xf32>
    %mul3A = vector.broadcast %get3A_1 : vector<10240x1xf32> to vector<10240x64xf32>
    %mul3A_12 = arith.mulf %add3A, %mul3A : vector<10240x64xf32>
    %get3A_13 = arith.constant 0 : index
    %get3A_14 = arith.constant 0 : index
    %get3A_15 = vector.load %arg2[%get3A_13, %get3A_14] : memref<1x64xf32, #tpu.memory_space<vmem>>, vector<1x64xf32>
    %add3A_16 = vector.broadcast %get3A_15 : vector<1x64xf32> to vector<10240x64xf32>
    %add3A_17 = arith.addf %mul3A_12, %add3A_16 : vector<10240x64xf32>
    %max3A = arith.constant 0.000000e+00 : f32
    %max3A_18 = vector.broadcast %max3A : f32 to vector<10240x64xf32>
    %max3A_19 = arith.maximumf %add3A_17, %max3A_18 : vector<10240x64xf32>
    %get3A_20 = arith.constant 0 : index
    %get3A_21 = arith.constant 0 : index
    %get3A_22 = vector.load %arg3[%get3A_20, %get3A_21] : memref<64x32xf32, #tpu.memory_space<vmem>>, vector<64x32xf32>
    %dot_general3A = arith.constant dense<0.000000e+00> : vector<10240x32xf32>
    %dot_general3A_23 = tpu.matmul %max3A_19, %get3A_22, %dot_general3A {dimension_numbers = #tpu.dot_dimension_numbers<[1], [0], [0], [1], [0, 0, 1, 1], [], []>, transpose_lhs_hint = false} : vector<10240x64xf32>, vector<64x32xf32>, vector<10240x32xf32> -> vector<10240x32xf32>
    %mul3A_24 = vector.broadcast %get3A_1 : vector<10240x1xf32> to vector<10240x32xf32>
    %mul3A_25 = arith.mulf %dot_general3A_23, %mul3A_24 : vector<10240x32xf32>
    %swap3A = arith.constant 0 : index
    %swap3A_26 = arith.constant 0 : index
    %swap3A_27 = vector.load %arg4[%swap3A, %swap3A_26] : memref<10240x32xf32, #tpu.memory_space<vmem>>, vector<10240x32xf32>
    tpu.vector_store %arg4[%swap3A, %swap3A_26], %mul3A_25 {strides = array<i32>} : memref<10240x32xf32, #tpu.memory_space<vmem>>, vector<10240x32xf32>,
    return
  }
}

module attributes {stable_mosaic.version = 14 : i64} {
  func.func @_kmid_body(%arg0: memref<2x10240x32xf32, #tpu.memory_space<vmem>>, %arg1: memref<10240x1xf32, #tpu.memory_space<vmem>>, %arg2: memref<1x32xf32, #tpu.memory_space<vmem>>, %arg3: memref<32x16xf32, #tpu.memory_space<vmem>>, %arg4: memref<10240x16xf32, #tpu.memory_space<vmem>>) attributes {dimension_semantics = [], scalar_prefetch = 0 : i64, scratch_operands = 0 : i64, tpu.core_type = #tpu.core_type<tc>} {
    %get3A = arith.constant 0 : index
    %get3A_0 = arith.constant 0 : index
    %get3A_1 = vector.load %arg1[%get3A, %get3A_0] : memref<10240x1xf32, #tpu.memory_space<vmem>>, vector<10240x1xf32>
    %get3A_2 = arith.constant 0 : index
    %get3A_3 = arith.constant 0 : index
    %get3A_4 = arith.constant 0 : index
    %get3A_5 = vector.load %arg0[%get3A_2, %get3A_3, %get3A_4] : memref<2x10240x32xf32, #tpu.memory_space<vmem>>, vector<1x10240x32xf32>
    %get3A_6 = vector.shape_cast %get3A_5 : vector<1x10240x32xf32> to vector<10240x32xf32>
    %get3A_7 = arith.constant 1 : index
    %get3A_8 = arith.constant 0 : index
    %get3A_9 = arith.constant 0 : index
    %get3A_10 = vector.load %arg0[%get3A_7, %get3A_8, %get3A_9] : memref<2x10240x32xf32, #tpu.memory_space<vmem>>, vector<1x10240x32xf32>
    %get3A_11 = vector.shape_cast %get3A_10 : vector<1x10240x32xf32> to vector<10240x32xf32>
    %add3A = arith.addf %get3A_6, %get3A_11 : vector<10240x32xf32>
    %mul3A = vector.broadcast %get3A_1 : vector<10240x1xf32> to vector<10240x32xf32>
    %mul3A_12 = arith.mulf %add3A, %mul3A : vector<10240x32xf32>
    %get3A_13 = arith.constant 0 : index
    %get3A_14 = arith.constant 0 : index
    %get3A_15 = vector.load %arg2[%get3A_13, %get3A_14] : memref<1x32xf32, #tpu.memory_space<vmem>>, vector<1x32xf32>
    %add3A_16 = vector.broadcast %get3A_15 : vector<1x32xf32> to vector<10240x32xf32>
    %add3A_17 = arith.addf %mul3A_12, %add3A_16 : vector<10240x32xf32>
    %max3A = arith.constant 0.000000e+00 : f32
    %max3A_18 = vector.broadcast %max3A : f32 to vector<10240x32xf32>
    %max3A_19 = arith.maximumf %add3A_17, %max3A_18 : vector<10240x32xf32>
    %get3A_20 = arith.constant 0 : index
    %get3A_21 = arith.constant 0 : index
    %get3A_22 = vector.load %arg3[%get3A_20, %get3A_21] : memref<32x16xf32, #tpu.memory_space<vmem>>, vector<32x16xf32>
    %dot_general3A = arith.constant dense<0.000000e+00> : vector<10240x16xf32>
    %dot_general3A_23 = tpu.matmul %max3A_19, %get3A_22, %dot_general3A {dimension_numbers = #tpu.dot_dimension_numbers<[1], [0], [0], [1], [0, 0, 1, 1], [], []>, transpose_lhs_hint = false} : vector<10240x32xf32>, vector<32x16xf32>, vector<10240x16xf32> -> vector<10240x16xf32>
    %mul3A_24 = vector.broadcast %get3A_1 : vector<10240x1xf32> to vector<10240x16xf32>
    %mul3A_25 = arith.mulf %dot_general3A_23, %mul3A_24 : vector<10240x16xf32>
    %swap3A = arith.constant 0 : index
    %swap3A_26 = arith.constant 0 : index
    %swap3A_27 = vector.load %arg4[%swap3A, %swap3A_26] : memref<10240x16xf32, #tpu.memory_space<vmem>>, vector<10240x16xf32>
    tpu.vector_store %arg4[%swap3A, %swap3A_26], %mul3A_25 {strides = array<i32>} : memref<10240x16xf32, #tpu.memory_space<vmem>>, vector<10240x16xf32>,
    return
  }
}

module attributes {stable_mosaic.version = 14 : i64} {
  func.func @_k4_body(%arg0: memref<2x10240x16xf32, #tpu.memory_space<vmem>>, %arg1: memref<10240x1xf32, #tpu.memory_space<vmem>>, %arg2: memref<1x16xf32, #tpu.memory_space<vmem>>, %arg3: memref<10240x16xf32, #tpu.memory_space<vmem>>) attributes {dimension_semantics = [], scalar_prefetch = 0 : i64, scratch_operands = 0 : i64, tpu.core_type = #tpu.core_type<tc>} {
    %get3A = arith.constant 0 : index
    %get3A_0 = arith.constant 0 : index
    %get3A_1 = vector.load %arg1[%get3A, %get3A_0] : memref<10240x1xf32, #tpu.memory_space<vmem>>, vector<10240x1xf32>
    %get3A_2 = arith.constant 0 : index
    %get3A_3 = arith.constant 0 : index
    %get3A_4 = arith.constant 0 : index
    %get3A_5 = vector.load %arg0[%get3A_2, %get3A_3, %get3A_4] : memref<2x10240x16xf32, #tpu.memory_space<vmem>>, vector<1x10240x16xf32>
    %get3A_6 = vector.shape_cast %get3A_5 : vector<1x10240x16xf32> to vector<10240x16xf32>
    %get3A_7 = arith.constant 1 : index
    %get3A_8 = arith.constant 0 : index
    %get3A_9 = arith.constant 0 : index
    %get3A_10 = vector.load %arg0[%get3A_7, %get3A_8, %get3A_9] : memref<2x10240x16xf32, #tpu.memory_space<vmem>>, vector<1x10240x16xf32>
    %get3A_11 = vector.shape_cast %get3A_10 : vector<1x10240x16xf32> to vector<10240x16xf32>
    %add3A = arith.addf %get3A_6, %get3A_11 : vector<10240x16xf32>
    %mul3A = vector.broadcast %get3A_1 : vector<10240x1xf32> to vector<10240x16xf32>
    %mul3A_12 = arith.mulf %add3A, %mul3A : vector<10240x16xf32>
    %get3A_13 = arith.constant 0 : index
    %get3A_14 = arith.constant 0 : index
    %get3A_15 = vector.load %arg2[%get3A_13, %get3A_14] : memref<1x16xf32, #tpu.memory_space<vmem>>, vector<1x16xf32>
    %add3A_16 = vector.broadcast %get3A_15 : vector<1x16xf32> to vector<10240x16xf32>
    %add3A_17 = arith.addf %mul3A_12, %add3A_16 : vector<10240x16xf32>
    %max3A = arith.constant 0.000000e+00 : f32
    %max3A_18 = vector.broadcast %max3A : f32 to vector<10240x16xf32>
    %max3A_19 = arith.maximumf %add3A_17, %max3A_18 : vector<10240x16xf32>
    %mul3A_20 = vector.broadcast %get3A_1 : vector<10240x1xf32> to vector<10240x16xf32>
    %mul3A_21 = arith.mulf %max3A_19, %mul3A_20 : vector<10240x16xf32>
    %swap3A = arith.constant 0 : index
    %swap3A_22 = arith.constant 0 : index
    %swap3A_23 = vector.load %arg3[%swap3A, %swap3A_22] : memref<10240x16xf32, #tpu.memory_space<vmem>>, vector<10240x16xf32>
    tpu.vector_store %arg3[%swap3A, %swap3A_22], %mul3A_21 {strides = array<i32>} : memref<10240x16xf32, #tpu.memory_space<vmem>>, vector<10240x16xf32>,
    return
  }
}

module attributes {stable_mosaic.version = 14 : i64} {
  func.func @_k5_body(%arg0: memref<2x10240x16xf32, #tpu.memory_space<vmem>>, %arg1: memref<10240x1xf32, #tpu.memory_space<vmem>>, %arg2: memref<1x40xf32, #tpu.memory_space<vmem>>, %arg3: memref<16x40xf32, #tpu.memory_space<vmem>>, %arg4: memref<10240x40xf32, #tpu.memory_space<vmem>>) attributes {dimension_semantics = [], scalar_prefetch = 0 : i64, scratch_operands = 0 : i64, tpu.core_type = #tpu.core_type<tc>} {
    %get3A = arith.constant 0 : index
    %get3A_0 = arith.constant 0 : index
    %get3A_1 = arith.constant 0 : index
    %get3A_2 = vector.load %arg0[%get3A, %get3A_0, %get3A_1] : memref<2x10240x16xf32, #tpu.memory_space<vmem>>, vector<1x10240x16xf32>
    %get3A_3 = vector.shape_cast %get3A_2 : vector<1x10240x16xf32> to vector<10240x16xf32>
    %get3A_4 = arith.constant 1 : index
    %get3A_5 = arith.constant 0 : index
    %get3A_6 = arith.constant 0 : index
    %get3A_7 = vector.load %arg0[%get3A_4, %get3A_5, %get3A_6] : memref<2x10240x16xf32, #tpu.memory_space<vmem>>, vector<1x10240x16xf32>
    %get3A_8 = vector.shape_cast %get3A_7 : vector<1x10240x16xf32> to vector<10240x16xf32>
    %add3A = arith.addf %get3A_3, %get3A_8 : vector<10240x16xf32>
    %get3A_9 = arith.constant 0 : index
    %get3A_10 = arith.constant 0 : index
    %get3A_11 = vector.load %arg1[%get3A_9, %get3A_10] : memref<10240x1xf32, #tpu.memory_space<vmem>>, vector<10240x1xf32>
    %mul3A = vector.broadcast %get3A_11 : vector<10240x1xf32> to vector<10240x16xf32>
    %mul3A_12 = arith.mulf %add3A, %mul3A : vector<10240x16xf32>
    %get3A_13 = arith.constant 0 : index
    %get3A_14 = arith.constant 0 : index
    %get3A_15 = vector.load %arg3[%get3A_13, %get3A_14] : memref<16x40xf32, #tpu.memory_space<vmem>>, vector<16x40xf32>
    %dot_general3A = arith.constant dense<0.000000e+00> : vector<10240x40xf32>
    %dot_general3A_16 = tpu.matmul %mul3A_12, %get3A_15, %dot_general3A {dimension_numbers = #tpu.dot_dimension_numbers<[1], [0], [0], [1], [0, 0, 1, 1], [], []>, transpose_lhs_hint = false} : vector<10240x16xf32>, vector<16x40xf32>, vector<10240x40xf32> -> vector<10240x40xf32>
    %get3A_17 = arith.constant 0 : index
    %get3A_18 = arith.constant 0 : index
    %get3A_19 = vector.load %arg2[%get3A_17, %get3A_18] : memref<1x40xf32, #tpu.memory_space<vmem>>, vector<1x40xf32>
    %add3A_20 = vector.broadcast %get3A_19 : vector<1x40xf32> to vector<10240x40xf32>
    %add3A_21 = arith.addf %dot_general3A_16, %add3A_20 : vector<10240x40xf32>
    %swap3A = arith.constant 0 : index
    %swap3A_22 = arith.constant 0 : index
    %swap3A_23 = vector.load %arg4[%swap3A, %swap3A_22] : memref<10240x40xf32, #tpu.memory_space<vmem>>, vector<10240x40xf32>
    tpu.vector_store %arg4[%swap3A, %swap3A_22], %add3A_21 {strides = array<i32>} : memref<10240x40xf32, #tpu.memory_space<vmem>>, vector<10240x40xf32>,
    return
  }
}

</mosaic_0001>

<sc_bundles>
// kernel: kernel.14.cloned.1.call-start
scs
__scs_entry_jumppad:
0x0: {  	(pc) =	sbr.rel $0x88, $3  }
0x1: {  	(tag) =	ssettag $0x0;
	lr =	simm.s32 $0x1  }
0x2: {  	[smem:$0x3F95] =	sst lr;
	_ =	strace $0xD0000000  }
0x3: {  	_ = 	snop  }
0x4: {  	_ = 	snop  }
0x5: {  	_ = 	snop  }
0x6: {  	_ = 	snop  }
0x7: {  	_ = 	snop  }
__scs_overlays_trampoline_lowered:
0x8: {  	[smem:$0x3FA4] =	sst s0  }
0x9: {  	[smem:$0x3FA5] =	sst s1  }
0xa: {  	[smem:$0x3FA6] =	sst s2  }
0xb: {  	[smem:$0x3FA7] =	sst s3  }
0xc: {  	[smem:$0x3FA8] =	sst s4  }
0xd: {  	[smem:$0x3FA9] =	sst s5  }
0xe: {  	[smem:$0x3FAA] =	sst s6  }
0xf: {  	[smem:$0x3FAB] =	sst s7  }
0x10: {  	[smem:$0x3FAC] =	sst s8  }
0x11: {  	[smem:$0x3FAD] =	sst s9;
	s0 =	simm.s32 @!p0 $0x0  }
0x12: {  	s1 =	sld [smem:$0x3F93];
	s0 =	simm.s32 @p0 $0x1  }
0x13: {  	[smem:$0x3FAE] =	sst s0;
	s0 =	simm.s32 @!p1 $0x0  }
0x14: {  	s2 =	sld [smem:$0x3F92];
	s0 =	simm.s32 @p1 $0x1  }
0x15: {  	[smem:$0x3FAF] =	sst s0;
	s0 =	simm.s32 @!p2 $0x0  }
0x16: {  	s3 =	sld [smem:$0x3FDB];
	s0 =	simm.s32 @p2 $0x1  }
0x17: {  	s4 =	simm.s32 $0x1BF5;
	[smem:$0x3FB1] =	sst s0  }
0x18: {  	s0 =	sld [smem:$0x3F94];
	_ =	swait.ge [sflag:s4], $0x0  }
0x19: {  	s7 =	sld [smem:$0x3F95]  }
0x1a: {  	s8 =	sadd.s32 $0xFFFFE003, lr  }
0x1b: {  	s9 =	sadd.s32 $0xFFFFFEF7, lr;
	s5 =	simm.s32 $0xFFFFFFFF;
	p2 =	slt.u32 s8, $0xFFFFF086  }
0x1c: {  	p1 =	slt.u32 s9, $0xF7A;
	s5 =	simm.s32 @!p2 $0x0  }
0x1d: {  	s5 =	simm.s32 @p1 $0x1;
	p0 =	seq.s32 s7, s2  }
0x1e: {  	s7 =	smul.u32 @!p0 $0xF7A, s2;
	p2 =	seq.s32 @!p0 s5, $0x0  }
0x1f: {  	s9 =	smul.u32 $0xF7A, s1;
	s8 =	simm.s32 @!p0 $0x1BF5;
	p2 =	por !p2, p0  }
0x20: {  	[sflag:s8] =	ssyncset.s32 @!p0 $0xFFFFF086;
	s6 =	sadd.s32 @!p0 s3, s7;
	s7 =	simm.s32 @!p0 $0x108  }
0x21: {  	s3 =	sadd.s32 s3, s9;
	s6 =	sadd.s32 @!p0 $0x88, s6;
	s7 =	simm.s32 @p2 $0x1082  }
0x22: {  	[simem:s7], [sflag:s8] =	dma.local @!p0 [hbm:s6], $0xF7A  }
0x23: {  	s9 =	sor.u32 $0xD0000000, s2;
	s6 =	simm.s32 $0x108;
	_ =	swait.ge @!p0 [sflag:s8], $0x0  }
0x24: {  	s3 =	sadd.s32 $0x88, s3;
	s6 =	simm.s32 @!p1 $0x1082;
	[sflag:s4] =	ssyncset.s32 $0xFFFFF086  }
0x25: {  	[simem:s6], [sflag:s4] =	dma.local [hbm:s3], $0xF7A  }
0x26: {  	[smem:$0x3F95] =	sst s1;
	(tag) =	ssettag s2;
	_ =	strace s9  }
0x27: {  	s1 =	sld [smem:$0x3FA5]  }
0x28: {  	s2 =	sld [smem:$0x3FA6]  }
0x29: {  	s4 =	sld [smem:$0x3FA8]  }
0x2a: {  	p0 =	seq.s32 s5, $0x0;
	s5 =	sld [smem:$0x3FA9]  }
0x2b: {  	s6 =	sld [smem:$0x3FAA]  }
0x2c: {  	s7 =	sld [smem:$0x3FAB]  }
0x2d: {  	s3 =	simm.s32 $0x108;
	s8 =	sld [smem:$0x3FAC]  }
0x2e: {  	s3 =	simm.s32 @!p0 $0x1082;
	s9 =	sld [smem:$0x3FAD]  }
0x2f: {  	lr =	sadd.s32 s0, s3;
	s0 =	sld [smem:$0x3FA4]  }
0x30: {  	s3 =	sld [smem:$0x3FA7]  }
0x31: {  	[smem:$0x3FB0] =	sst s10  }
0x32: {  	s10 =	sld [smem:$0x3FAE];
	_ =	sdelay $0x3  }
0x33: {  	p0 =	seq.s32 s10, $0x1;
	s10 =	sld [smem:$0x3FB0];
	_ =	sdelay $0x3  }
0x34: {  	[smem:$0x3FB0] =	sst s10  }
0x35: {  	s10 =	sld [smem:$0x3FAF];
	_ =	sdelay $0x3  }
0x36: {  	p1 =	seq.s32 s10, $0x1;
	s10 =	sld [smem:$0x3FB0];
	_ =	sdelay $0x3  }
0x37: {  	[smem:$0x3FB0] =	sst s10  }
0x38: {  	s10 =	sld [smem:$0x3FB1]  }
0x39: {  	_ = 	snop;
	(pc) =	sbr.ind lr, $3  }
0x3a: {  	_ = 	snop  }
0x3b: {  	_ = 	snop  }
0x3c: {  	p2 =	seq.s32 s10, $0x1;
	s10 =	sld [smem:$0x3FB0]  }
0x3d: {  	_ =	shalt  }
0x3e: {  	_ =	shalt  }
0x3f: {  	_ =	shalt  }
0x40: {  	_ =	shalt  }
0x41: {  	_ =	shalt  }
0x42: {  	_ =	shalt  }
0x43: {  	_ =	shalt  }
0x44: {  	_ =	shalt  }
0x45: {  	_ =	shalt  }
0x46: {  	_ =	shalt  }
0x47: {  	_ =	shalt  }
0x48: {  	_ =	shalt  }
0x49: {  	_ =	shalt  }
0x4a: {  	_ =	shalt  }
0x4b: {  	_ =	shalt  }
0x4c: {  	_ =	shalt  }
0x4d: {  	_ =	shalt  }
0x4e: {  	_ =	shalt  }
0x4f: {  	_ =	shalt  }
0x50: {  	_ =	shalt  }
0x51: {  	_ =	shalt  }
0x52: {  	_ =	shalt  }
0x53: {  	_ =	shalt  }
0x54: {  	_ =	shalt  }
0x55: {  	_ =	shalt  }
0x56: {  	_ =	shalt  }
0x57: {  	_ =	shalt  }
0x58: {  	_ =	shalt  }
0x59: {  	_ =	shalt  }
0x5a: {  	_ =	shalt  }
0x5b: {  	_ =	shalt  }
0x5c: {  	_ =	shalt  }
0x5d: {  	_ =	shalt  }
0x5e: {  	_ =	shalt  }
0x5f: {  	_ =	shalt  }
0x60: {  	_ =	shalt  }
0x61: {  	_ =	shalt  }
0x62: {  	_ =	shalt  }
0x63: {  	_ =	shalt  }
0x64: {  	_ =	shalt  }
0x65: {  	_ =	shalt  }
0x66: {  	_ =	shalt  }
0x67: {  	_ =	shalt  }
0x68: {  	_ =	shalt  }
0x69: {  	_ =	shalt  }
0x6a: {  	_ =	shalt  }
0x6b: {  	_ =	shalt  }
0x6c: {  	_ =	shalt  }
0x6d: {  	_ =	shalt  }
0x6e: {  	_ =	shalt  }
0x6f: {  	_ =	shalt  }
0x70: {  	_ =	shalt  }
0x71: {  	_ =	shalt  }
0x72: {  	_ =	shalt  }
0x73: {  	_ =	shalt  }
0x74: {  	_ =	shalt  }
0x75: {  	_ =	shalt  }
0x76: {  	_ =	shalt  }
0x77: {  	_ =	shalt  }
0x78: {  	_ =	shalt  }
0x79: {  	_ =	shalt  }
0x7a: {  	_ =	shalt  }
0x7b: {  	_ =	shalt  }
0x7c: {  	_ =	shalt  }
0x7d: {  	_ =	shalt  }
0x7e: {  	_ =	shalt  }
0x7f: {  	_ =	shalt  }
0x80: {  	_ =	shalt  }
0x81: {  	_ =	shalt  }
0x82: {  	_ =	shalt  }
0x83: {  	_ =	shalt  }
0x84: {  	_ =	shalt  }
0x85: {  	_ =	shalt  }
0x86: {  	_ =	shalt  }
0x87: {  	_ =	shalt  }
.Lfunc_end0:
.L_simem_size_0:
called_computation_lowered:
.L_overlay_start_0:
0x88: {  	s2 =	sld [smem:$0x3FD9]  }
0x89: {  	s3 =	sld [smem:$0x3FFE];
	_ =	sdelay $0x1  }
0x8a: {  	s1 =	srdreg.scid  }
0x8b: {  	s0 =	sand.u32 $0x1, s1  }
0x8c: {  	s17 =	sshll.u32 s0, $0xA;
	s2 =	sadd.s32 s3, s2  }
0x8d: {  	s2 =	sadd.s32 s2, s17  }
0x8e: {  	[smem:$0x3FBC] =	sst s2  }
0x8f: {  	_ = 	snop  }
0x90: {  	s2 =	sld [smem:$0x3FD0];
	(tm) =	ssettm $0x1  }
0x91: {  	s18 =	sld [smem:$0x3FFB];
	_ =	sdelay $0x3  }
0x92: {  	_ =	strace s18  }
0x93: {  	s3 =	sld [smem:$0x3FFC];
	_ =	sdelay $0x3  }
0x94: {  	_ =	strace s3  }
0x95: {  	s3 =	sld [smem:$0x3FFD];
	_ =	sdelay $0x3  }
0x96: {  	_ =	strace s3  }
0x97: {  	_ =	strace $0x8FFFFFFF  }
0x98: {  	s19 =	sld [smem:$0x3FDB];
	_ =	sdelay $0x1  }
0x99: {  	s4 =	simm.s32 $_scs_section_size  }
0x9a: {  	s5 =	simm.s32 $_size__tile_overlayer_lowered;
	s6 =	simm.s32 $_tile_overlayer_lowered  }
0x9b: {  	s22 =	simm.s32 $0x1BFF;
	s21 =	sshll.u32 s6, $0x1;
	s3 =	sadd.s32 s4, s19  }
0x9c: {  	s7 =	simm.s32 $0x0;
	s20 =	sshll.u32 s5, $0x1;
	s5 =	sadd.s32 s21, s3  }
0x9d: {  	[timem:s7], [sflag:s22] =	dma.local [hbm:s5], s20  }
0x9e: {  	_ =	swait.ge [sflag:s22], s20  }
0x9f: {  	s4 =	ssub.s32 $0x0, s20;
	[sflag:s22] =	ssyncset.done $0x0  }
0xa0: {  	[sflag:s22] =	ssyncadd.s32 s4;
	_ =	sdelay $0x1  }
0xa1: {  	s23 =	simm.s32 $0x1B8B  }
0xa2: {  	_ =	swait.ge [sflag:s23], $0x1  }
0xa3: {  	[sflag:s23] =	ssyncset.done $0x0  }
0xa4: {  	s25 =	simm.s32 $0x1B8E;
	s24 =	sld [smem:$0x3FFE];
	[sflag:s23] =	ssyncadd.s32 $0xFFFFFFFF  }
0xa5: {  	s26 =	simm.s32 $execute0_lowered;
	[smem:$0x3FD2] =	sst s25  }
0xa6: {  	s5 =	sshll.u32 s26, $0x1;
	_ =	strace $0x80000046;
	[dreg:$0x1] =	wrdreg $0xFFFFFFFF  }
0xa7: {  	s28 =	simm.s32 $_size_execute0_lowered;
	s3 =	sadd.s32 s3, s5;
	[dreg:$0x0] =	wrdreg $0x0  }
0xa8: {  	s5 =	sshll.u32 s28, $0x1;
	[dreg:$0x2] =	wrdreg s3  }
0xa9: {  	[dreg:$0x3] =	wrdreg s5  }
0xaa: {  	[dreg:$0x4] =	wrdreg $0xC0  }
0xab: {  	_ =	task [dreg:s7], $0x5FFFF  }
0xac: {  	[dreg:$0x1] =	wrdreg $0xFFFFFFFF  }
0xad: {  	[dreg:$0x0] =	wrdreg $0x60  }
0xae: {  	[dreg:$0x2] =	wrdreg s2  }
0xaf: {  	[dreg:$0x3] =	wrdreg s24  }
0xb0: {  	[dreg:$0x4] =	wrdreg $0x3A000  }
0xb1: {  	[dreg:$0x5] =	wrdreg $0x9  }
0xb2: {  	_ =	task.clear_ibuf [dreg:s7], $0x6FFFF;
	_ =	strace $0x90000046  }
0xb3: {  	s29 =	simm.s32 $0x9;
	_ =	strace $0x80000048  }
0xb4: {  	_ =	swait.ge [sflag:s29], $0x1  }
0xb5: {  	[sflag:s29] =	ssyncadd.s32 $0xFFFFFFFF  }
0xb6: {  	_ =	strace $0x90000048  }
0xb7: {  	_ =	sfence  }
0xb8: {  	s30 =	sld [smem:$0x0];
	_ =	sdelay $0x2  }
0xb9: {  	s31 =	sshll.u32 s1, $0xD;
	s1 =	sshrl.u32 s1, $0x2  }
0xba: {  	s3 =	sand.u32 $0x4000, s31;
	s1 =	sadd.s32 s1, s30  }
0xbb: {  	s0 =	sor.u32 s3, s0;
	s1 =	sshll.u32 s1, $0x11  }
0xbc: {  	s0 =	sor.u32 s1, s0  }
0xbd: {  	s0 =	sadd.s32 $0x8F2B, s0  }
0xbe: {  	[sflag:s0] =	ssyncadd.remote.s32 $0x1  }
0xbf: {  	_ =	sfence.sel $0xFFFF  }
0xc0: {  	[dreg:$0x0] =	wrdreg $0xFFFFFFFF;
	(pc) =	sbr.abs _section_cstart, $3  }
0xc1: {  	[dreg:$0x1] =	wrdreg $0xFFFFFFFF  }
0xc2: {  	_ =	task.clear_ibuf [dreg:s7], $0x2FFFF;
	_ =	strace $0x9FFFFFFF  }
0xc3: {  	(tm) =	ssettm $0x7FFFFFFF  }
tec
execute0_lowered:
.L_overlay_start_1:
0x0: {  	(tag) =	ssettag $0x1  }
0x1: {  	s4 =	rddreg [dreg:$0x0];
	s1 =	srdreg.scid  }
0x2: {  	s0 =	stileid.u32;
	s5 =	rddreg [dreg:$0x1]  }
0x3: {  	s2 =	rddreg [dreg:$0x2];
	s3 =	simm.s32 $0x0;
	s7 =	smul.u32 $0x2800, s0  }
0x4: {  	s13 =	simm.s32 $0x2;
	s14 =	simm.s32 $0x1;
	s9 =	smul.u32 $0xA20, s0  }
0x5: {  	s15 =	simm.s32 $0x80;
	s6 =	sand.u32 $0x1, s1;
	s11 =	smul.u32 $0xA000, s0  }
0x6: {  	s18 =	simm.s32 $0x0;
	s1 =	rddreg [dreg:$0x3];
	s8 =	smul.u32 $0x28000, s6  }
0x7: {  	[smem:$0x7FF] =	sst s3;
	s16 =	sshll.u32 s0, $0x6;
	s10 =	smul.u32 $0x510, s6  }
0x8: {  	_ =	strace $0x80000047;
	s28 =	ssub.s32 $0x2, s6;
	s16 =	sor.u32 $0x1C02, s16  }
0x9: {  	s6 =	sshrl.u32 s28, $0x1;
	s30 =	sshrl.u32 s11, $0x2;
	s8 =	sadd.s32 s7, s8  }
0xa: {  	s29 =	sadd.s32 s10, s9;
	s31 =	ssub.s32 s28, s6;
	s9 =	sadd.s32 s30, s2  }
0xb: {  	s8 =	sshrl.u32 s8, $0x3;
	s4 =	sadd.s32 s4, s29;
	s6 =	sadd.s32 $0x800, s9  }
0xc: {  	s11 =	smax.u32 s31, $0x1;
	s12 =	sadd.s32 s8, s5;
	s5 =	sadd.s32 s7, s2  }
0xd: {  	s7 =	sadd.s32 $0x1000, s9;
	s8 =	sadd.s32 $0x1800, s9;
	s9 =	sadd.s32 $0x2000, s9  }
0xe: {  	v0 =	vimm.f32 $0.0e+00;
	v1 =	vimm.f32 $1.000000000e+00;
	s10 =	sadd.s32 $0x3200, s12;
	s12 =	simm.s32 $0x3200;
	s17 =	sshrl.u32 s5, $0x3  }
.LBB2_1:
0xf: {  	[tilespmem:s3], [sflag:$0x1] =	stream.linear.gather [hbm4b:s4+s3], $0x3200, $0x38;
	[tilespmem:$0x6200] =	vst v63  }
0x10: {  	s19 =	simm.s32 $0x40;
	s20 =	simm.s32 $0x0  }
.LBB2_2:
0x11: {  	p0 =	sne.s32 s19, $0x1FC0;
	[tilespmem:s20+$0x3200] =	vst v0;
	s20 =	smov.u32 s19;
	s19 =	sadd.s32 $0x40, s19  }
.Ltmp0:
0x12: {  	(pc) =	sbr.rel @p0 .LBB2_2-.Ltmp0, $2  }
0x13: {  	_ =	sdelay $0x2  }
0x14: {  	s20 =	sshra.s32 s20, $0x2  }
0x15: {  	[tilespmem:s20+$0x3200] =	vst v0  }
0x16: {  	[spmem:s5] =	stream.linear.scatter [tilespmem:s12], [sflag:$0x2], $0x800, $0x38;
	[tilespmem:$0x6200] =	vst v63  }
0x17: {  	_ =	swait.ge [sflag:s13], $0x800  }
0x18: {  	[sflag:s13] =	ssyncset.done $0x0  }
0x19: {  	[sflag:s13] =	ssyncadd.s32 $0xFFFFF800  }
0x1a: {  	[spmem:s6] =	stream.linear.scatter [tilespmem:s12], [sflag:$0x2], $0x800, $0x38;
	[tilespmem:$0x6200] =	vst v63  }
0x1b: {  	_ =	swait.ge [sflag:s13], $0x800  }
0x1c: {  	[sflag:s13] =	ssyncset.done $0x0  }
0x1d: {  	[sflag:s13] =	ssyncadd.s32 $0xFFFFF800  }
0x1e: {  	[spmem:s7] =	stream.linear.scatter [tilespmem:s12], [sflag:$0x2], $0x800, $0x38;
	[tilespmem:$0x6200] =	vst v63  }
0x1f: {  	_ =	swait.ge [sflag:s13], $0x800  }
0x20: {  	[sflag:s13] =	ssyncset.done $0x0  }
0x21: {  	[sflag:s13] =	ssyncadd.s32 $0xFFFFF800  }
0x22: {  	[spmem:s8] =	stream.linear.scatter [tilespmem:s12], [sflag:$0x2], $0x800, $0x38;
	[tilespmem:$0x6200] =	vst v63  }
0x23: {  	_ =	swait.ge [sflag:s13], $0x800  }
0x24: {  	[sflag:s13] =	ssyncset.done $0x0  }
0x25: {  	[sflag:s13] =	ssyncadd.s32 $0xFFFFF800  }
0x26: {  	[spmem:s9] =	stream.linear.scatter [tilespmem:s12], [sflag:$0x2], $0x800, $0x38;
	[tilespmem:$0x6200] =	vst v63  }
0x27: {  	_ =	swait.ge [sflag:s13], $0x800  }
0x28: {  	[sflag:s13] =	ssyncset.done $0x0  }
0x29: {  	s19 =	simm.s32 $0x40;
	s20 =	simm.s32 $0x0;
	[sflag:s13] =	ssyncadd.s32 $0xFFFFF800  }
.LBB2_4:
0x2a: {  	p0 =	sne.s32 s19, $0x1FC0;
	[tilespmem:s20+$0x3200] =	vst v1;
	s20 =	smov.u32 s19;
	s19 =	sadd.s32 $0x40, s19  }
.Ltmp1:
0x2b: {  	(pc) =	sbr.rel @p0 .LBB2_4-.Ltmp1, $2  }
0x2c: {  	_ =	sdelay $0x2  }
0x2d: {  	s20 =	sshra.s32 s20, $0x2  }
0x2e: {  	[tilespmem:s20+$0x3200] =	vst v1  }
0x2f: {  	[bflag:$0x0] =	sbarrier.arrive $0xFFFF  }
0x30: {  	_ =	swait.ge [sflag:s14], $0x3200  }
0x31: {  	[sflag:s14] =	ssyncset.done $0x0  }
0x32: {  	s19 =	simm.s32 $0x0;
	[sflag:s14] =	ssyncadd.s32 $0xFFFFCE00  }
.LBB2_6:
0x33: {  	p0 =	sne.s32 s19, $0xA000  }
.Ltmp2:
0x34: {  	_ = 	snop;
	(pc) =	sbr.rel @p0 .LBB2_6-.Ltmp2, $3  }
0x35: {  	_ =	sdelay $0x1  }
0x36: {  	s20 =	sshra.s32 s19, $0x2;
	s19 =	sadd.s32 $0x200, s19  }
0x37: {  	[spmem:s2] =	stream.indirect.scatter.add.f32 [tilespmem:s12], [sflag:$0x1], $0x10, s20, s15, $0xb8;
	[tilespmem:$0x6200] =	vst v63  }
0x38: {  	_ =	swait.ge [sflag:s14], $0x800  }
0x39: {  	s19 =	simm.s32 $0x50;
	[sflag:s14] =	ssyncset.done $0x0  }
.LBB2_8:
0x3a: {  	p0 =	sne.s32 s19, $0x1;
	s19 =	sadd.s32 $0xFFFFFFFF, s19;
	[sflag:s14] =	ssyncadd.s32 $0xFFFFF800  }
.Ltmp3:
0x3b: {  	(pc) =	sbr.rel @p0 .LBB2_8-.Ltmp3, $3  }
0x3c: {  	_ =	sdelay $0x1  }
0x3d: {  	_ =	swait.ge [sflag:s14], $0x800  }
0x3e: {  	[sflag:s14] =	ssyncset.done $0x0  }
0x3f: {  	s18 =	sadd.s32 $0x1, s18  }
0x40: {  	[sflag:s14] =	ssyncadd.s32 $0xFFFFF800;
	p0 =	sne.s32 s18, s11  }
.Ltmp4:
0x41: {  	[bflag:$0x0] =	sbarrier.arrive $0xFFFF;
	(pc) =	sbr.rel @p0 .LBB2_1-.Ltmp4, $4  }
0x42: {  	[hbm:s10], [sflag:s16] =	dma.local [spmem:s17], $0x500  }
0x43: {  	_ =	swait.ge [sflag:s13], $0x500  }
0x44: {  	[sflag:s13] =	ssyncset.done $0x0  }
0x45: {  	[sflag:s13] =	ssyncadd.s32 $0xFFFFFB00  }
0x46: {  	_ =	sfence.sel $0x180000  }
0x47: {  	[bflag:$0x0] =	sbarrier.arrive $0xFFFF  }
0x48: {  	p0 =	sne.s32 s0, $0x0;
	_ =	strace $0x90000047  }
0x49: {  	s0 =	sadd.s32 @!p0 $0x100000, s1;
	[bflag:$0x2] =	sbarrier.arrive $0xFFFF  }
0x4a: {  	[sflag:s0] =	ssyncadd.tile.s32 @!p0 $0x1;
	_ =	shalt  }
.Lfunc_end2:
_tile_overlayer_lowered:
.L_overlay_start_2:
0x4b: {  	(tag) =	ssettag $0x2  }
0x4c: {  	s0 =	rddreg [dreg:$0x0];
	s2 =	stileid.u32  }
0x4d: {  	s1 =	rddreg [dreg:$0x1];
	p0 =	sne.s32 s2, $0x0  }
0x4e: {  	s3 =	rddreg [dreg:$0x2];
	[bflag:$0x3] =	sbarrier.arrive $0xFFFF;
	s2 =	simm.s32 @!p0 $0x1C02  }
0x4f: {  	[timem:s3], [sflag:s2] =	dma.local @!p0 [hbm:s0], s1  }
0x50: {  	s0 =	simm.s32 @!p0 $0x2  }
0x51: {  	_ =	swait.ge @!p0 [sflag:s0], s1  }
0x52: {  	s1 =	ssub.s32 @!p0 $0x0, s1;
	[sflag:s0] =	ssyncset.done @!p0 $0x0  }
0x53: {  	[sflag:s0] =	ssyncadd.s32 @!p0 s1  }
0x54: {  	[bflag:$0x3] =	sbarrier.arrive $0xFFFF  }
0x55: {  	_ =	shalt  }

// kernel: kernel.17.cloned.1.call-start
scs
__scs_entry_jumppad:
0x0: {  	(pc) =	sbr.rel $0x88, $3  }
0x1: {  	(tag) =	ssettag $0x0;
	lr =	simm.s32 $0x1  }
0x2: {  	[smem:$0x3F95] =	sst lr;
	_ =	strace $0xD0000000  }
0x3: {  	_ = 	snop  }
0x4: {  	_ = 	snop  }
0x5: {  	_ = 	snop  }
0x6: {  	_ = 	snop  }
0x7: {  	_ = 	snop  }
__scs_overlays_trampoline_lowered:
0x8: {  	[smem:$0x3FA4] =	sst s0  }
0x9: {  	[smem:$0x3FA5] =	sst s1  }
0xa: {  	[smem:$0x3FA6] =	sst s2  }
0xb: {  	[smem:$0x3FA7] =	sst s3  }
0xc: {  	[smem:$0x3FA8] =	sst s4  }
0xd: {  	[smem:$0x3FA9] =	sst s5  }
0xe: {  	[smem:$0x3FAA] =	sst s6  }
0xf: {  	[smem:$0x3FAB] =	sst s7  }
0x10: {  	[smem:$0x3FAC] =	sst s8  }
0x11: {  	[smem:$0x3FAD] =	sst s9;
	s0 =	simm.s32 @!p0 $0x0  }
0x12: {  	s1 =	sld [smem:$0x3F93];
	s0 =	simm.s32 @p0 $0x1  }
0x13: {  	[smem:$0x3FAE] =	sst s0;
	s0 =	simm.s32 @!p1 $0x0  }
0x14: {  	s2 =	sld [smem:$0x3F92];
	s0 =	simm.s32 @p1 $0x1  }
0x15: {  	[smem:$0x3FAF] =	sst s0;
	s0 =	simm.s32 @!p2 $0x0  }
0x16: {  	s3 =	sld [smem:$0x3FDB];
	s0 =	simm.s32 @p2 $0x1  }
0x17: {  	s4 =	simm.s32 $0x1BF5;
	[smem:$0x3FB1] =	sst s0  }
0x18: {  	s0 =	sld [smem:$0x3F94];
	_ =	swait.ge [sflag:s4], $0x0  }
0x19: {  	s7 =	sld [smem:$0x3F95]  }
0x1a: {  	s8 =	sadd.s32 $0xFFFFE003, lr  }
0x1b: {  	s9 =	sadd.s32 $0xFFFFFEF7, lr;
	s5 =	simm.s32 $0xFFFFFFFF;
	p2 =	slt.u32 s8, $0xFFFFF086  }
0x1c: {  	p1 =	slt.u32 s9, $0xF7A;
	s5 =	simm.s32 @!p2 $0x0  }
0x1d: {  	s5 =	simm.s32 @p1 $0x1;
	p0 =	seq.s32 s7, s2  }
0x1e: {  	s7 =	smul.u32 @!p0 $0xF7A, s2;
	p2 =	seq.s32 @!p0 s5, $0x0  }
0x1f: {  	s9 =	smul.u32 $0xF7A, s1;
	s8 =	simm.s32 @!p0 $0x1BF5;
	p2 =	por !p2, p0  }
0x20: {  	[sflag:s8] =	ssyncset.s32 @!p0 $0xFFFFF086;
	s6 =	sadd.s32 @!p0 s3, s7;
	s7 =	simm.s32 @!p0 $0x108  }
0x21: {  	s3 =	sadd.s32 s3, s9;
	s6 =	sadd.s32 @!p0 $0x88, s6;
	s7 =	simm.s32 @p2 $0x1082  }
0x22: {  	[simem:s7], [sflag:s8] =	dma.local @!p0 [hbm:s6], $0xF7A  }
0x23: {  	s9 =	sor.u32 $0xD0000000, s2;
	s6 =	simm.s32 $0x108;
	_ =	swait.ge @!p0 [sflag:s8], $0x0  }
0x24: {  	s3 =	sadd.s32 $0x88, s3;
	s6 =	simm.s32 @!p1 $0x1082;
	[sflag:s4] =	ssyncset.s32 $0xFFFFF086  }
0x25: {  	[simem:s6], [sflag:s4] =	dma.local [hbm:s3], $0xF7A  }
0x26: {  	[smem:$0x3F95] =	sst s1;
	(tag) =	ssettag s2;
	_ =	strace s9  }
0x27: {  	s1 =	sld [smem:$0x3FA5]  }
0x28: {  	s2 =	sld [smem:$0x3FA6]  }
0x29: {  	s4 =	sld [smem:$0x3FA8]  }
0x2a: {  	p0 =	seq.s32 s5, $0x0;
	s5 =	sld [smem:$0x3FA9]  }
0x2b: {  	s6 =	sld [smem:$0x3FAA]  }
0x2c: {  	s7 =	sld [smem:$0x3FAB]  }
0x2d: {  	s3 =	simm.s32 $0x108;
	s8 =	sld [smem:$0x3FAC]  }
0x2e: {  	s3 =	simm.s32 @!p0 $0x1082;
	s9 =	sld [smem:$0x3FAD]  }
0x2f: {  	lr =	sadd.s32 s0, s3;
	s0 =	sld [smem:$0x3FA4]  }
0x30: {  	s3 =	sld [smem:$0x3FA7]  }
0x31: {  	[smem:$0x3FB0] =	sst s10  }
0x32: {  	s10 =	sld [smem:$0x3FAE];
	_ =	sdelay $0x3  }
0x33: {  	p0 =	seq.s32 s10, $0x1;
	s10 =	sld [smem:$0x3FB0];
	_ =	sdelay $0x3  }
0x34: {  	[smem:$0x3FB0] =	sst s10  }
0x35: {  	s10 =	sld [smem:$0x3FAF];
	_ =	sdelay $0x3  }
0x36: {  	p1 =	seq.s32 s10, $0x1;
	s10 =	sld [smem:$0x3FB0];
	_ =	sdelay $0x3  }
0x37: {  	[smem:$0x3FB0] =	sst s10  }
0x38: {  	s10 =	sld [smem:$0x3FB1]  }
0x39: {  	_ = 	snop;
	(pc) =	sbr.ind lr, $3  }
0x3a: {  	_ = 	snop  }
0x3b: {  	_ = 	snop  }
0x3c: {  	p2 =	seq.s32 s10, $0x1;
	s10 =	sld [smem:$0x3FB0]  }
0x3d: {  	_ =	shalt  }
0x3e: {  	_ =	shalt  }
0x3f: {  	_ =	shalt  }
0x40: {  	_ =	shalt  }
0x41: {  	_ =	shalt  }
0x42: {  	_ =	shalt  }
0x43: {  	_ =	shalt  }
0x44: {  	_ =	shalt  }
0x45: {  	_ =	shalt  }
0x46: {  	_ =	shalt  }
0x47: {  	_ =	shalt  }
0x48: {  	_ =	shalt  }
0x49: {  	_ =	shalt  }
0x4a: {  	_ =	shalt  }
0x4b: {  	_ =	shalt  }
0x4c: {  	_ =	shalt  }
0x4d: {  	_ =	shalt  }
0x4e: {  	_ =	shalt  }
0x4f: {  	_ =	shalt  }
0x50: {  	_ =	shalt  }
0x51: {  	_ =	shalt  }
0x52: {  	_ =	shalt  }
0x53: {  	_ =	shalt  }
0x54: {  	_ =	shalt  }
0x55: {  	_ =	shalt  }
0x56: {  	_ =	shalt  }
0x57: {  	_ =	shalt  }
0x58: {  	_ =	shalt  }
0x59: {  	_ =	shalt  }
0x5a: {  	_ =	shalt  }
0x5b: {  	_ =	shalt  }
0x5c: {  	_ =	shalt  }
0x5d: {  	_ =	shalt  }
0x5e: {  	_ =	shalt  }
0x5f: {  	_ =	shalt  }
0x60: {  	_ =	shalt  }
0x61: {  	_ =	shalt  }
0x62: {  	_ =	shalt  }
0x63: {  	_ =	shalt  }
0x64: {  	_ =	shalt  }
0x65: {  	_ =	shalt  }
0x66: {  	_ =	shalt  }
0x67: {  	_ =	shalt  }
0x68: {  	_ =	shalt  }
0x69: {  	_ =	shalt  }
0x6a: {  	_ =	shalt  }
0x6b: {  	_ =	shalt  }
0x6c: {  	_ =	shalt  }
0x6d: {  	_ =	shalt  }
0x6e: {  	_ =	shalt  }
0x6f: {  	_ =	shalt  }
0x70: {  	_ =	shalt  }
0x71: {  	_ =	shalt  }
0x72: {  	_ =	shalt  }
0x73: {  	_ =	shalt  }
0x74: {  	_ =	shalt  }
0x75: {  	_ =	shalt  }
0x76: {  	_ =	shalt  }
0x77: {  	_ =	shalt  }
0x78: {  	_ =	shalt  }
0x79: {  	_ =	shalt  }
0x7a: {  	_ =	shalt  }
0x7b: {  	_ =	shalt  }
0x7c: {  	_ =	shalt  }
0x7d: {  	_ =	shalt  }
0x7e: {  	_ =	shalt  }
0x7f: {  	_ =	shalt  }
0x80: {  	_ =	shalt  }
0x81: {  	_ =	shalt  }
0x82: {  	_ =	shalt  }
0x83: {  	_ =	shalt  }
0x84: {  	_ =	shalt  }
0x85: {  	_ =	shalt  }
0x86: {  	_ =	shalt  }
0x87: {  	_ =	shalt  }
.Lfunc_end0:
.L_simem_size_0:
called_computation.1_lowered:
.L_overlay_start_0:
0x88: {  	s2 =	sld [smem:$0x3FD9]  }
0x89: {  	s3 =	sld [smem:$0x3FFE];
	_ =	sdelay $0x1  }
0x8a: {  	s1 =	srdreg.scid  }
0x8b: {  	s0 =	sand.u32 $0x1, s1  }
0x8c: {  	s17 =	sshll.u32 s0, $0xA;
	s2 =	sadd.s32 s3, s2  }
0x8d: {  	s2 =	sadd.s32 s2, s17  }
0x8e: {  	[smem:$0x3FBC] =	sst s2  }
0x8f: {  	_ = 	snop  }
0x90: {  	s2 =	sld [smem:$0x3FD0];
	(tm) =	ssettm $0x1  }
0x91: {  	s18 =	sld [smem:$0x3FFB];
	_ =	sdelay $0x3  }
0x92: {  	_ =	strace s18  }
0x93: {  	s3 =	sld [smem:$0x3FFC];
	_ =	sdelay $0x3  }
0x94: {  	_ =	strace s3  }
0x95: {  	s3 =	sld [smem:$0x3FFD];
	_ =	sdelay $0x3  }
0x96: {  	_ =	strace s3  }
0x97: {  	_ =	strace $0x8FFFFFFF  }
0x98: {  	s19 =	sld [smem:$0x3FDB];
	_ =	sdelay $0x1  }
0x99: {  	s4 =	simm.s32 $_scs_section_size  }
0x9a: {  	s5 =	simm.s32 $_size__tile_overlayer_lowered;
	s6 =	simm.s32 $_tile_overlayer_lowered  }
0x9b: {  	s22 =	simm.s32 $0x1BFF;
	s21 =	sshll.u32 s6, $0x1;
	s3 =	sadd.s32 s4, s19  }
0x9c: {  	s7 =	simm.s32 $0x0;
	s20 =	sshll.u32 s5, $0x1;
	s5 =	sadd.s32 s21, s3  }
0x9d: {  	[timem:s7], [sflag:s22] =	dma.local [hbm:s5], s20  }
0x9e: {  	_ =	swait.ge [sflag:s22], s20  }
0x9f: {  	s4 =	ssub.s32 $0x0, s20;
	[sflag:s22] =	ssyncset.done $0x0  }
0xa0: {  	[sflag:s22] =	ssyncadd.s32 s4;
	_ =	sdelay $0x1  }
0xa1: {  	s23 =	simm.s32 $0x1B8B  }
0xa2: {  	_ =	swait.ge [sflag:s23], $0x1  }
0xa3: {  	[sflag:s23] =	ssyncset.done $0x0  }
0xa4: {  	s25 =	simm.s32 $0x1B8E;
	s24 =	sld [smem:$0x3FFE];
	[sflag:s23] =	ssyncadd.s32 $0xFFFFFFFF  }
0xa5: {  	s26 =	simm.s32 $execute0_lowered;
	[smem:$0x3FD2] =	sst s25  }
0xa6: {  	s5 =	sshll.u32 s26, $0x1;
	_ =	strace $0x80000049;
	[dreg:$0x1] =	wrdreg $0xFFFFFFFF  }
0xa7: {  	s28 =	simm.s32 $_size_execute0_lowered;
	s3 =	sadd.s32 s3, s5;
	[dreg:$0x0] =	wrdreg $0x0  }
0xa8: {  	s5 =	sshll.u32 s28, $0x1;
	[dreg:$0x2] =	wrdreg s3  }
0xa9: {  	[dreg:$0x3] =	wrdreg s5  }
0xaa: {  	[dreg:$0x4] =	wrdreg $0xC0  }
0xab: {  	_ =	task [dreg:s7], $0x5FFFF  }
0xac: {  	[dreg:$0x1] =	wrdreg $0xFFFFFFFF  }
0xad: {  	[dreg:$0x0] =	wrdreg $0x60  }
0xae: {  	[dreg:$0x2] =	wrdreg s24  }
0xaf: {  	[dreg:$0x3] =	wrdreg s2  }
0xb0: {  	[dreg:$0x4] =	wrdreg $0x144000  }
0xb1: {  	[dreg:$0x5] =	wrdreg $0xA4000  }
0xb2: {  	[dreg:$0x6] =	wrdreg $0x9  }
0xb3: {  	_ =	task.clear_ibuf [dreg:s7], $0x7FFFF;
	_ =	strace $0x90000049  }
0xb4: {  	s29 =	simm.s32 $0x9;
	_ =	strace $0x8000004B  }
0xb5: {  	_ =	swait.ge [sflag:s29], $0x1  }
0xb6: {  	[sflag:s29] =	ssyncadd.s32 $0xFFFFFFFF  }
0xb7: {  	_ =	strace $0x9000004B  }
0xb8: {  	_ =	sfence  }
0xb9: {  	s30 =	sld [smem:$0x0];
	_ =	sdelay $0x2  }
0xba: {  	s31 =	sshll.u32 s1, $0xD;
	s1 =	sshrl.u32 s1, $0x2  }
0xbb: {  	s3 =	sand.u32 $0x4000, s31;
	s1 =	sadd.s32 s1, s30  }
0xbc: {  	s0 =	sor.u32 s3, s0;
	s1 =	sshll.u32 s1, $0x11  }
0xbd: {  	s0 =	sor.u32 s1, s0  }
0xbe: {  	s0 =	sadd.s32 $0x8F2B, s0  }
0xbf: {  	[sflag:s0] =	ssyncadd.remote.s32 $0x1  }
0xc0: {  	_ =	sfence.sel $0xFFFF  }
0xc1: {  	[dreg:$0x0] =	wrdreg $0xFFFFFFFF;
	(pc) =	sbr.abs _section_cstart, $3  }
0xc2: {  	[dreg:$0x1] =	wrdreg $0xFFFFFFFF  }
0xc3: {  	_ =	task.clear_ibuf [dreg:s7], $0x2FFFF;
	_ =	strace $0x9FFFFFFF  }
0xc4: {  	(tm) =	ssettm $0x7FFFFFFF  }
0xc5: {  	_ =	shalt  }
tec
execute0_lowered:
.L_overlay_start_1:
0x0: {  	(tag) =	ssettag $0x1  }
0x1: {  	s0 =	rddreg [dreg:$0x0]  }
0x2: {  	s2 =	rddreg [dreg:$0x1]  }
0x3: {  	s1 =	rddreg [dreg:$0x2];
	s11 =	stileid.u32  }
0x4: {  	s4 =	srdreg.scid;
	s5 =	smul.u32 $0x14000, s11  }
0x5: {  	s3 =	rddreg [dreg:$0x3];
	s7 =	smul.u32 $0xA2, s11  }
0x6: {  	s28 =	simm.s32 $0x80;
	s29 =	simm.s32 $0x8400;
	s10 =	smul.u32 $0xA000, s11  }
0x7: {  	s30 =	simm.s32 $0x5A00;
	s6 =	sand.u32 $0x1, s4;
	s19 =	smul.u32 $0x28000, s11  }
0x8: {  	s31 =	simm.s32 $0x3;
	s4 =	simm.s32 $0x0;
	s8 =	smul.u32 $0x51, s6  }
0x9: {  	s23 =	sshll.u32 s11, $0x6;
	[smem:$0x7FF] =	sst s4;
	s14 =	smul.u32 $0x140000, s6  }
0xa: {  	s6 =	ssub.s32 $0x2, s6;
	s9 =	sshrl.u32 s5, $0x3;
	_ =	strace $0x8000004A  }
0xb: {  	s17 =	sshrl.u32 s6, $0x1;
	s21 =	sadd.s32 s10, s1;
	[dreg:$0x8] =	wrdreg s23  }
0xc: {  	s10 =	sadd.s32 s10, s3;
	s7 =	sadd.s32 s8, s7;
	s15 =	sadd.s32 s9, s0  }
0xd: {  	s5 =	sadd.s32 s5, s14;
	s18 =	ssub.s32 s6, s17;
	s6 =	sshrl.u32 s19, $0x2  }
0xe: {  	s9 =	sor.u32 $0x1C05, s23;
	s19 =	simm.s32 $0x3200;
	s23 =	simm.s32 $0x10  }
0xf: {  	s7 =	sshll.u32 s7, $0x4;
	s5 =	sshrl.u32 s5, $0x3;
	s22 =	sadd.s32 $0x17C00, s15  }
0x10: {  	s6 =	sadd.s32 s6, s3;
	s25 =	sadd.s32 $0x17C08, s15;
	s26 =	smax.u32 s18, $0x1  }
0x11: {  	s16 =	sadd.s32 s7, s0;
	s0 =	sadd.s32 s5, s0;
	[dreg:$0x7] =	wrdreg s22  }
0x12: {  	s2 =	sadd.s32 s2, s7;
	s11 =	sadd.s32 $0x2000, s6;
	[dreg:$0xa] =	wrdreg s25  }
0x13: {  	s12 =	sadd.s32 $0x4000, s6;
	s13 =	sadd.s32 $0x6000, s6;
	[dreg:$0xc] =	wrdreg s26  }
0x14: {  	s14 =	sadd.s32 $0x8000, s6;
	s20 =	sadd.s32 $0xD200, s16;
	[dreg:$0x6] =	wrdreg s2  }
0x15: {  	s22 =	simm.s32 $0x8;
	s24 =	sadd.s32 $0x3FC00, s0;
	[dreg:$0x5] =	wrdreg s20  }
0x16: {  	s25 =	simm.s32 $0x6;
	s0 =	sadd.s32 $0x3FC08, s0;
	[dreg:$0x9] =	wrdreg s24  }
0x17: {  	s26 =	simm.s32 $0x5;
	s2 =	simm.s32 $0x0;
	[dreg:$0xb] =	wrdreg s0  }
0x18: {  	v0 =	vimm.f32 $0.0e+00;
	s20 =	sshrl.u32 s21, $0x3;
	s21 =	simm.s32 $0x1;
	s24 =	simm.s32 $0x6400  }
.LBB2_1:
0x19: {  	s0 =	rddreg [dreg:$0x5]  }
0x1a: {  	s17 =	rddreg [dreg:$0x6]  }
0x1b: {  	[tilespmem:s4], [sflag:$0x5] =	stream.linear.gather [hbm4b:s0+s4], $0x3200, $0x38;
	[tilespmem:$0x1E400] =	vst v63  }
0x1c: {  	s18 =	rddreg [dreg:$0x7];
	s5 =	simm.s32 $0x100;
	s0 =	simm.s32 $0x0  }
0x1d: {  	[tilespmem:s19], [sflag:$0x5] =	stream.linear.gather [hbm4b:s17+s4], $0x3200, $0x38;
	[tilespmem:$0x1E400] =	vst v63  }
0x1e: {  	[spmem:s20@s22], [sflag:s9] =	dma.strided [hbm:s18@s23], $0x1400, s21, $0x8   }
.LBB2_2:
0x1f: {  	p0 =	sne.s32 s5, $0x7F00;
	[tilespmem:s0+$0x6430] =	vst v0;
	s6 =	smov.u32 s5;
	s5 =	sadd.s32 $0x100, s5  }
.Ltmp0:
0x20: {  	[tilespmem:s0+$0x6420] =	vst v0;
	(pc) =	sbr.rel @p0 .LBB2_2-.Ltmp0, $3  }
0x21: {  	[tilespmem:s0+$0x6400] =	vst v0  }
0x22: {  	[tilespmem:s0+$0x6410] =	vst v0;
	_ =	sdelay $0x1  }
0x23: {  	s0 =	sshra.s32 s6, $0x2  }
0x24: {  	[tilespmem:s0+$0x6430] =	vst v0  }
0x25: {  	[tilespmem:s0+$0x6420] =	vst v0  }
0x26: {  	[tilespmem:s0+$0x6400] =	vst v0  }
0x27: {  	[tilespmem:s0+$0x6410] =	vst v0  }
0x28: {  	[spmem:s10] =	stream.linear.scatter [tilespmem:s24], [sflag:$0x6], $0x2000, $0x38;
	[tilespmem:$0x1E400] =	vst v63  }
0x29: {  	_ =	swait.ge [sflag:s25], $0x2000  }
0x2a: {  	[sflag:s25] =	ssyncset.done $0x0  }
0x2b: {  	[sflag:s25] =	ssyncadd.s32 $0xFFFFE000  }
0x2c: {  	[spmem:s11] =	stream.linear.scatter [tilespmem:s24], [sflag:$0x6], $0x2000, $0x38;
	[tilespmem:$0x1E400] =	vst v63  }
0x2d: {  	_ =	swait.ge [sflag:s25], $0x2000  }
0x2e: {  	[sflag:s25] =	ssyncset.done $0x0  }
0x2f: {  	[sflag:s25] =	ssyncadd.s32 $0xFFFFE000  }
0x30: {  	[spmem:s12] =	stream.linear.scatter [tilespmem:s24], [sflag:$0x6], $0x2000, $0x38;
	[tilespmem:$0x1E400] =	vst v63  }
0x31: {  	_ =	swait.ge [sflag:s25], $0x2000  }
0x32: {  	[sflag:s25] =	ssyncset.done $0x0  }
0x33: {  	[sflag:s25] =	ssyncadd.s32 $0xFFFFE000  }
0x34: {  	[spmem:s13] =	stream.linear.scatter [tilespmem:s24], [sflag:$0x6], $0x2000, $0x38;
	[tilespmem:$0x1E400] =	vst v63  }
0x35: {  	_ =	swait.ge [sflag:s25], $0x2000  }
0x36: {  	[sflag:s25] =	ssyncset.done $0x0  }
0x37: {  	[sflag:s25] =	ssyncadd.s32 $0xFFFFE000  }
0x38: {  	[spmem:s14] =	stream.linear.scatter [tilespmem:s24], [sflag:$0x6], $0x2000, $0x38;
	[tilespmem:$0x1E400] =	vst v63  }
0x39: {  	_ =	swait.ge [sflag:s25], $0x2000  }
0x3a: {  	[sflag:s25] =	ssyncset.done $0x0  }
0x3b: {  	[sflag:s25] =	ssyncadd.s32 $0xFFFFE000  }
0x3c: {  	_ =	swait.ge [sflag:s26], $0x3200  }
0x3d: {  	[sflag:s26] =	ssyncset.done $0x0  }
0x3e: {  	[sflag:s26] =	ssyncadd.s32 $0xFFFFCE00  }
0x3f: {  	_ =	swait.ge [sflag:s26], $0x3200  }
0x40: {  	[sflag:s26] =	ssyncset.done $0x0  }
0x41: {  	[sflag:s26] =	ssyncadd.s32 $0xFFFFCE00  }
0x42: {  	_ =	swait.ge [sflag:s26], $0x1400  }
0x43: {  	[sflag:s26] =	ssyncset.done $0x0  }
0x44: {  	[sflag:s26] =	ssyncadd.s32 $0xFFFFEC00  }
0x45: {  	[bflag:$0x0] =	sbarrier.arrive $0xFFFF  }
0x46: {  	[tilespmem:s24], [sflag:$0x1] =	stream.indirect.gather [spmem:s1], $0x40, s4, s28, $0xb8;
	[tilespmem:$0x1E400] =	vst v63  }
0x47: {  	_ = 	snop  }
0x48: {  	[tilespmem:s29], [sflag:$0x2] =	stream.indirect.gather [spmem:s1], $0x40, s28, s28, $0xb8;
	[tilespmem:$0x1E400] =	vst v63  }
0x49: {  	s16 =	simm.s32 $0x2;
	s0 =	simm.s32 $0x100;
	_ =	swait.ge [sflag:s21], $0x2000  }
0x4a: {  	s8 =	simm.s32 $0x1;
	s5 =	sand.u32 $0x1, s16;
	[sflag:s21] =	ssyncset.done $0x0  }
0x4b: {  	s16 =	sand.u32 $0x1, s8;
	s6 =	sadd.s32 $0x3, s5;
	[sflag:s21] =	ssyncadd.s32 $0xFFFFE000  }
0x4c: {  	[spmem:s3] =	stream.indirect.scatter.add.f32 [tilespmem:s24], [sflag:$0x3], $0x40, s19, s28, $0xb8;
	[tilespmem:$0x1E400] =	vst v63  }
0x4d: {  	s7 =	sshll.u32 s5, $0xD;
	s5 =	sadd.s32 $0x1, s5;
	_ =	swait.ge [sflag:s6], $0x2000  }
0x4e: {  	s18 =	sshll.u32 s16, $0xD;
	s8 =	sadd.s32 $0x1, s16;
	[sflag:s6] =	ssyncset.done $0x0  }
0x4f: {  	s16 =	sadd.s32 $0x3, s16;
	s17 =	sadd.s32 $0x6400, s7;
	[sflag:s6] =	ssyncadd.s32 $0xFFFFE000  }
0x50: {  	[tilespmem:s17], [sflag:s5] =	stream.indirect.gather [spmem:s1], $0x40, s0, s28, $0xb8;
	[tilespmem:$0x1E400] =	vst v63  }
0x51: {  	s15 =	sadd.s32 $0x6400, s18;
	s7 =	simm.s32 $0x3280;
	_ =	swait.ge [sflag:s8], $0x2000  }
0x52: {  	s6 =	simm.s32 $0x3;
	s5 =	simm.s32 $0x3280;
	[sflag:s8] =	ssyncset.done $0x0  }
.LBB2_4:
0x53: {  	[sflag:s8] =	ssyncadd.s32 $0xFFFFE000  }
0x54: {  	s5 =	sadd.s32 $0x80, s5;
	s0 =	sadd.s32 $0x80, s0;
	s8 =	smov.u32 s6  }
0x55: {  	[spmem:s3] =	stream.indirect.scatter.add.f32 [tilespmem:s15], [sflag:s16], $0x40, s7, s28, $0xb8;
	[tilespmem:$0x1E400] =	vst v63  }
0x56: {  	p0 =	sne.s32 s6, $0x50;
	s6 =	sadd.s32 $0x1, s6;
	s15 =	sand.u32 $0x1, s8  }
0x57: {  	s7 =	smov.u32 s5;
	s16 =	sadd.s32 $0x3, s15;
	s17 =	sshll.u32 s15, $0xD  }
0x58: {  	s8 =	sadd.s32 $0xFFFFFFFF, s8;
	_ =	swait.ge [sflag:s16], $0x2000  }
0x59: {  	s15 =	sadd.s32 $0x1, s15;
	s18 =	sand.u32 $0x1, s8;
	[sflag:s16] =	ssyncset.done $0x0  }
.Ltmp1:
0x5a: {  	s8 =	sadd.s32 $0x6400, s17;
	[sflag:s16] =	ssyncadd.s32 $0xFFFFE000;
	(pc) =	sbr.rel @p0 .LBB2_4-.Ltmp1, $4  }
0x5b: {  	[tilespmem:s8], [sflag:s15] =	stream.indirect.gather [spmem:s1], $0x40, s0, s28, $0xb8;
	[tilespmem:$0x1E400] =	vst v63  }
0x5c: {  	s15 =	sshll.u32 s18, $0xD;
	s8 =	sadd.s32 $0x1, s18  }
0x5d: {  	_ =	swait.ge [sflag:s8], $0x2000  }
0x5e: {  	s16 =	sadd.s32 $0x3, s18;
	s15 =	sadd.s32 $0x6400, s15;
	[sflag:s8] =	ssyncset.done $0x0  }
0x5f: {  	[sflag:s8] =	ssyncadd.s32 $0xFFFFE000  }
0x60: {  	[spmem:s3] =	stream.indirect.scatter.add.f32 [tilespmem:s15], [sflag:s16], $0x40, s7, s28, $0xb8;
	[tilespmem:$0x1E400] =	vst v63  }
0x61: {  	_ =	swait.ge [sflag:s16], $0x2000  }
0x62: {  	[sflag:s16] =	ssyncset.done $0x0  }
0x63: {  	[sflag:s16] =	ssyncadd.s32 $0xFFFFE000  }
0x64: {  	_ =	swait.ge [sflag:s21], $0x2000  }
0x65: {  	[sflag:s21] =	ssyncset.done $0x0  }
0x66: {  	[sflag:s21] =	ssyncadd.s32 $0xFFFFE000  }
0x67: {  	[spmem:s3] =	stream.indirect.scatter.add.f32 [tilespmem:s24], [sflag:$0x3], $0x40, s30, s28, $0xb8;
	[tilespmem:$0x1E400] =	vst v63  }
0x68: {  	_ =	swait.ge [sflag:s31], $0x2000  }
0x69: {  	[sflag:s31] =	ssyncset.done $0x0  }
0x6a: {  	[sflag:s31] =	ssyncadd.s32 $0xFFFFE000  }
0x6b: {  	[bflag:$0x0] =	sbarrier.arrive $0xFFFF  }
0x6c: {  	s0 =	rddreg [dreg:$0x8]  }
0x6d: {  	s5 =	sshrl.u32 s10, $0x3;
	s6 =	rddreg [dreg:$0x9];
	s0 =	sor.u32 $0x1C06, s0  }
0x6e: {  	[hbm:s6@s23], [sflag:s0] =	dma.strided [spmem:s5@s22], $0x1400, s21, $0x8   }
0x6f: {  	_ =	swait.ge [sflag:s25], $0x1400  }
0x70: {  	s7 =	simm.s32 $0x100;
	[sflag:s25] =	ssyncset.done $0x0  }
0x71: {  	s6 =	simm.s32 $0x0;
	s30 =	rddreg [dreg:$0xa];
	[sflag:s25] =	ssyncadd.s32 $0xFFFFEC00  }
0x72: {  	[spmem:s20@s22], [sflag:s9] =	dma.strided [hbm:s30@s23], $0x1400, s21, $0x8   }
.LBB2_6:
0x73: {  	p0 =	sne.s32 s7, $0x7F00;
	[tilespmem:s6+$0x6430] =	vst v0;
	s8 =	smov.u32 s7;
	s7 =	sadd.s32 $0x100, s7  }
.Ltmp2:
0x74: {  	[tilespmem:s6+$0x6420] =	vst v0;
	(pc) =	sbr.rel @p0 .LBB2_6-.Ltmp2, $3  }
0x75: {  	[tilespmem:s6+$0x6400] =	vst v0  }
0x76: {  	[tilespmem:s6+$0x6410] =	vst v0;
	_ =	sdelay $0x1  }
0x77: {  	s6 =	sshra.s32 s8, $0x2  }
0x78: {  	[tilespmem:s6+$0x6430] =	vst v0  }
0x79: {  	[tilespmem:s6+$0x6420] =	vst v0  }
0x7a: {  	[tilespmem:s6+$0x6400] =	vst v0  }
0x7b: {  	[tilespmem:s6+$0x6410] =	vst v0  }
0x7c: {  	[spmem:s10] =	stream.linear.scatter [tilespmem:s24], [sflag:$0x6], $0x2000, $0x38;
	[tilespmem:$0x1E400] =	vst v63  }
0x7d: {  	_ =	swait.ge [sflag:s25], $0x2000  }
0x7e: {  	[sflag:s25] =	ssyncset.done $0x0  }
0x7f: {  	[sflag:s25] =	ssyncadd.s32 $0xFFFFE000  }
0x80: {  	[spmem:s11] =	stream.linear.scatter [tilespmem:s24], [sflag:$0x6], $0x2000, $0x38;
	[tilespmem:$0x1E400] =	vst v63  }
0x81: {  	_ =	swait.ge [sflag:s25], $0x2000  }
0x82: {  	[sflag:s25] =	ssyncset.done $0x0  }
0x83: {  	[sflag:s25] =	ssyncadd.s32 $0xFFFFE000  }
0x84: {  	[spmem:s12] =	stream.linear.scatter [tilespmem:s24], [sflag:$0x6], $0x2000, $0x38;
	[tilespmem:$0x1E400] =	vst v63  }
0x85: {  	_ =	swait.ge [sflag:s25], $0x2000  }
0x86: {  	[sflag:s25] =	ssyncset.done $0x0  }
0x87: {  	[sflag:s25] =	ssyncadd.s32 $0xFFFFE000  }
0x88: {  	[spmem:s13] =	stream.linear.scatter [tilespmem:s24], [sflag:$0x6], $0x2000, $0x38;
	[tilespmem:$0x1E400] =	vst v63  }
0x89: {  	_ =	swait.ge [sflag:s25], $0x2000  }
0x8a: {  	[sflag:s25] =	ssyncset.done $0x0  }
0x8b: {  	[sflag:s25] =	ssyncadd.s32 $0xFFFFE000  }
0x8c: {  	[spmem:s14] =	stream.linear.scatter [tilespmem:s24], [sflag:$0x6], $0x2000, $0x38;
	[tilespmem:$0x1E400] =	vst v63  }
0x8d: {  	_ =	swait.ge [sflag:s25], $0x2000  }
0x8e: {  	[sflag:s25] =	ssyncset.done $0x0  }
0x8f: {  	[sflag:s25] =	ssyncadd.s32 $0xFFFFE000  }
0x90: {  	_ =	swait.ge [sflag:s26], $0x1400  }
0x91: {  	[sflag:s26] =	ssyncset.done $0x0  }
0x92: {  	[sflag:s26] =	ssyncadd.s32 $0xFFFFEC00  }
0x93: {  	[bflag:$0x0] =	sbarrier.arrive $0xFFFF  }
0x94: {  	[tilespmem:s24], [sflag:$0x1] =	stream.indirect.gather [spmem:s1], $0x40, s4, s28, $0xb8;
	[tilespmem:$0x1E400] =	vst v63  }
0x95: {  	_ = 	snop  }
0x96: {  	[tilespmem:s29], [sflag:$0x2] =	stream.indirect.gather [spmem:s1], $0x40, s28, s28, $0xb8;
	[tilespmem:$0x1E400] =	vst v63  }
0x97: {  	s18 =	simm.s32 $0x2;
	s6 =	simm.s32 $0x100;
	_ =	swait.ge [sflag:s21], $0x2000  }
0x98: {  	s16 =	simm.s32 $0x1;
	s7 =	sand.u32 $0x1, s18;
	[sflag:s21] =	ssyncset.done $0x0  }
0x99: {  	s18 =	sand.u32 $0x1, s16;
	s8 =	sadd.s32 $0x3, s7;
	[sflag:s21] =	ssyncadd.s32 $0xFFFFE000  }
0x9a: {  	[spmem:s3] =	stream.indirect.scatter.add.f32 [tilespmem:s24], [sflag:$0x3], $0x40, s19, s28, $0xb8;
	[tilespmem:$0x1E400] =	vst v63  }
0x9b: {  	s15 =	sshll.u32 s7, $0xD;
	s7 =	sadd.s32 $0x1, s7;
	_ =	swait.ge [sflag:s8], $0x2000  }
0x9c: {  	s30 =	sshll.u32 s18, $0xD;
	s16 =	sadd.s32 $0x1, s18;
	[sflag:s8] =	ssyncset.done $0x0  }
0x9d: {  	s18 =	sadd.s32 $0x3, s18;
	s29 =	sadd.s32 $0x6400, s15;
	[sflag:s8] =	ssyncadd.s32 $0xFFFFE000  }
0x9e: {  	[tilespmem:s29], [sflag:s7] =	stream.indirect.gather [spmem:s1], $0x40, s6, s28, $0xb8;
	[tilespmem:$0x1E400] =	vst v63  }
0x9f: {  	s17 =	sadd.s32 $0x6400, s30;
	s15 =	simm.s32 $0x3;
	_ =	swait.ge [sflag:s16], $0x2000  }
0xa0: {  	s8 =	simm.s32 $0x3280;
	s7 =	simm.s32 $0x3280;
	[sflag:s16] =	ssyncset.done $0x0  }
.LBB2_8:
0xa1: {  	[sflag:s16] =	ssyncadd.s32 $0xFFFFE000  }
0xa2: {  	s7 =	sadd.s32 $0x80, s7;
	s6 =	sadd.s32 $0x80, s6;
	s16 =	smov.u32 s15  }
0xa3: {  	[spmem:s3] =	stream.indirect.scatter.add.f32 [tilespmem:s17], [sflag:s18], $0x40, s8, s28, $0xb8;
	[tilespmem:$0x1E400] =	vst v63  }
0xa4: {  	p0 =	sne.s32 s15, $0x50;
	s15 =	sadd.s32 $0x1, s15;
	s17 =	sand.u32 $0x1, s16  }
0xa5: {  	s8 =	smov.u32 s7;
	s18 =	sadd.s32 $0x3, s17;
	s29 =	sshll.u32 s17, $0xD  }
0xa6: {  	s16 =	sadd.s32 $0xFFFFFFFF, s16;
	_ =	swait.ge [sflag:s18], $0x2000  }
0xa7: {  	s17 =	sadd.s32 $0x1, s17;
	s30 =	sand.u32 $0x1, s16;
	[sflag:s18] =	ssyncset.done $0x0  }
.Ltmp3:
0xa8: {  	s16 =	sadd.s32 $0x6400, s29;
	[sflag:s18] =	ssyncadd.s32 $0xFFFFE000;
	(pc) =	sbr.rel @p0 .LBB2_8-.Ltmp3, $4  }
0xa9: {  	[tilespmem:s16], [sflag:s17] =	stream.indirect.gather [spmem:s1], $0x40, s6, s28, $0xb8;
	[tilespmem:$0x1E400] =	vst v63  }
0xaa: {  	s17 =	sshll.u32 s30, $0xD;
	s16 =	sadd.s32 $0x1, s30  }
0xab: {  	_ =	swait.ge [sflag:s16], $0x2000  }
0xac: {  	s18 =	sadd.s32 $0x3, s30;
	s17 =	sadd.s32 $0x6400, s17;
	[sflag:s16] =	ssyncset.done $0x0  }
0xad: {  	[sflag:s16] =	ssyncadd.s32 $0xFFFFE000  }
0xae: {  	[spmem:s3] =	stream.indirect.scatter.add.f32 [tilespmem:s17], [sflag:s18], $0x40, s8, s28, $0xb8;
	[tilespmem:$0x1E400] =	vst v63  }
0xaf: {  	_ =	swait.ge [sflag:s18], $0x2000  }
0xb0: {  	[sflag:s18] =	ssyncset.done $0x0  }
0xb1: {  	[sflag:s18] =	ssyncadd.s32 $0xFFFFE000  }
0xb2: {  	_ =	swait.ge [sflag:s21], $0x2000  }
0xb3: {  	[sflag:s21] =	ssyncset.done $0x0  }
0xb4: {  	s30 =	simm.s32 $0x5A00;
	[sflag:s21] =	ssyncadd.s32 $0xFFFFE000  }
0xb5: {  	[spmem:s3] =	stream.indirect.scatter.add.f32 [tilespmem:s24], [sflag:$0x3], $0x40, s30, s28, $0xb8;
	[tilespmem:$0x1E400] =	vst v63  }
0xb6: {  	_ =	swait.ge [sflag:s31], $0x2000  }
0xb7: {  	[sflag:s31] =	ssyncset.done $0x0  }
0xb8: {  	[sflag:s31] =	ssyncadd.s32 $0xFFFFE000  }
0xb9: {  	[bflag:$0x0] =	sbarrier.arrive $0xFFFF  }
0xba: {  	s6 =	rddreg [dreg:$0xb]  }
0xbb: {  	[hbm:s6@s23], [sflag:s0] =	dma.strided [spmem:s5@s22], $0x1400, s21, $0x8   }
0xbc: {  	_ =	swait.ge [sflag:s25], $0x1400  }
0xbd: {  	s2 =	sadd.s32 $0x1, s2;
	s18 =	rddreg [dreg:$0xc]  }
0xbe: {  	p0 =	sne.s32 s2, s18  }
.Ltmp4:
0xbf: {  	_ = 	snop;
	(pc) =	sbr.rel @p0 .LBB2_1-.Ltmp4, $3  }
0xc0: {  	_ =	sdelay $0x1  }
0xc1: {  	[sflag:s25] =	ssyncset.done $0x0  }
0xc2: {  	s29 =	simm.s32 $0x8400;
	[sflag:s25] =	ssyncadd.s32 $0xFFFFEC00  }
0xc3: {  	_ =	sfence.sel $0x180000  }
0xc4: {  	[bflag:$0x0] =	sbarrier.arrive $0xFFFF  }
0xc5: {  	_ =	strace $0x9000004A  }
0xc6: {  	s0 =	stileid.u32;
	[bflag:$0x2] =	sbarrier.arrive $0xFFFF  }
0xc7: {  	p0 =	sne.s32 s0, $0x0;
	s0 =	rddreg [dreg:$0x4]  }
0xc8: {  	s0 =	sadd.s32 @!p0 $0x100000, s0  }
0xc9: {  	[sflag:s0] =	ssyncadd.tile.s32 @!p0 $0x1;
	_ =	shalt  }
.Lfunc_end2:
_tile_overlayer_lowered:
.L_overlay_start_2:
0xca: {  	(tag) =	ssettag $0x2  }
0xcb: {  	s0 =	rddreg [dreg:$0x0];
	s2 =	stileid.u32  }
0xcc: {  	s1 =	rddreg [dreg:$0x1];
	p0 =	sne.s32 s2, $0x0  }
0xcd: {  	s3 =	rddreg [dreg:$0x2];
	[bflag:$0x3] =	sbarrier.arrive $0xFFFF;
	s2 =	simm.s32 @!p0 $0x1C06  }
0xce: {  	[timem:s3], [sflag:s2] =	dma.local @!p0 [hbm:s0], s1  }
0xcf: {  	s0 =	simm.s32 @!p0 $0x6  }
0xd0: {  	_ =	swait.ge @!p0 [sflag:s0], s1  }
0xd1: {  	s1 =	ssub.s32 @!p0 $0x0, s1;
	[sflag:s0] =	ssyncset.done @!p0 $0x0  }
0xd2: {  	[sflag:s0] =	ssyncadd.s32 @!p0 s1  }
0xd3: {  	[bflag:$0x3] =	sbarrier.arrive $0xFFFF  }
0xd4: {  	_ =	shalt  }

// kernel: kernel.20.cloned.1.call-start
scs
__scs_entry_jumppad:
0x0: {  	(pc) =	sbr.rel $0x88, $3  }
0x1: {  	(tag) =	ssettag $0x0;
	lr =	simm.s32 $0x1  }
0x2: {  	[smem:$0x3F95] =	sst lr;
	_ =	strace $0xD0000000  }
0x3: {  	_ = 	snop  }
0x4: {  	_ = 	snop  }
0x5: {  	_ = 	snop  }
0x6: {  	_ = 	snop  }
0x7: {  	_ = 	snop  }
__scs_overlays_trampoline_lowered:
0x8: {  	[smem:$0x3FA4] =	sst s0  }
0x9: {  	[smem:$0x3FA5] =	sst s1  }
0xa: {  	[smem:$0x3FA6] =	sst s2  }
0xb: {  	[smem:$0x3FA7] =	sst s3  }
0xc: {  	[smem:$0x3FA8] =	sst s4  }
0xd: {  	[smem:$0x3FA9] =	sst s5  }
0xe: {  	[smem:$0x3FAA] =	sst s6  }
0xf: {  	[smem:$0x3FAB] =	sst s7  }
0x10: {  	[smem:$0x3FAC] =	sst s8  }
0x11: {  	[smem:$0x3FAD] =	sst s9;
	s0 =	simm.s32 @!p0 $0x0  }
0x12: {  	s1 =	sld [smem:$0x3F93];
	s0 =	simm.s32 @p0 $0x1  }
0x13: {  	[smem:$0x3FAE] =	sst s0;
	s0 =	simm.s32 @!p1 $0x0  }
0x14: {  	s2 =	sld [smem:$0x3F92];
	s0 =	simm.s32 @p1 $0x1  }
0x15: {  	[smem:$0x3FAF] =	sst s0;
	s0 =	simm.s32 @!p2 $0x0  }
0x16: {  	s3 =	sld [smem:$0x3FDB];
	s0 =	simm.s32 @p2 $0x1  }
0x17: {  	s4 =	simm.s32 $0x1BF5;
	[smem:$0x3FB1] =	sst s0  }
0x18: {  	s0 =	sld [smem:$0x3F94];
	_ =	swait.ge [sflag:s4], $0x0  }
0x19: {  	s7 =	sld [smem:$0x3F95]  }
0x1a: {  	s8 =	sadd.s32 $0xFFFFE003, lr  }
0x1b: {  	s9 =	sadd.s32 $0xFFFFFEF7, lr;
	s5 =	simm.s32 $0xFFFFFFFF;
	p2 =	slt.u32 s8, $0xFFFFF086  }
0x1c: {  	p1 =	slt.u32 s9, $0xF7A;
	s5 =	simm.s32 @!p2 $0x0  }
0x1d: {  	s5 =	simm.s32 @p1 $0x1;
	p0 =	seq.s32 s7, s2  }
0x1e: {  	s7 =	smul.u32 @!p0 $0xF7A, s2;
	p2 =	seq.s32 @!p0 s5, $0x0  }
0x1f: {  	s9 =	smul.u32 $0xF7A, s1;
	s8 =	simm.s32 @!p0 $0x1BF5;
	p2 =	por !p2, p0  }
0x20: {  	[sflag:s8] =	ssyncset.s32 @!p0 $0xFFFFF086;
	s6 =	sadd.s32 @!p0 s3, s7;
	s7 =	simm.s32 @!p0 $0x108  }
0x21: {  	s3 =	sadd.s32 s3, s9;
	s6 =	sadd.s32 @!p0 $0x88, s6;
	s7 =	simm.s32 @p2 $0x1082  }
0x22: {  	[simem:s7], [sflag:s8] =	dma.local @!p0 [hbm:s6], $0xF7A  }
0x23: {  	s9 =	sor.u32 $0xD0000000, s2;
	s6 =	simm.s32 $0x108;
	_ =	swait.ge @!p0 [sflag:s8], $0x0  }
0x24: {  	s3 =	sadd.s32 $0x88, s3;
	s6 =	simm.s32 @!p1 $0x1082;
	[sflag:s4] =	ssyncset.s32 $0xFFFFF086  }
0x25: {  	[simem:s6], [sflag:s4] =	dma.local [hbm:s3], $0xF7A  }
0x26: {  	[smem:$0x3F95] =	sst s1;
	(tag) =	ssettag s2;
	_ =	strace s9  }
0x27: {  	s1 =	sld [smem:$0x3FA5]  }
0x28: {  	s2 =	sld [smem:$0x3FA6]  }
0x29: {  	s4 =	sld [smem:$0x3FA8]  }
0x2a: {  	p0 =	seq.s32 s5, $0x0;
	s5 =	sld [smem:$0x3FA9]  }
0x2b: {  	s6 =	sld [smem:$0x3FAA]  }
0x2c: {  	s7 =	sld [smem:$0x3FAB]  }
0x2d: {  	s3 =	simm.s32 $0x108;
	s8 =	sld [smem:$0x3FAC]  }
0x2e: {  	s3 =	simm.s32 @!p0 $0x1082;
	s9 =	sld [smem:$0x3FAD]  }
0x2f: {  	lr =	sadd.s32 s0, s3;
	s0 =	sld [smem:$0x3FA4]  }
0x30: {  	s3 =	sld [smem:$0x3FA7]  }
0x31: {  	[smem:$0x3FB0] =	sst s10  }
0x32: {  	s10 =	sld [smem:$0x3FAE];
	_ =	sdelay $0x3  }
0x33: {  	p0 =	seq.s32 s10, $0x1;
	s10 =	sld [smem:$0x3FB0];
	_ =	sdelay $0x3  }
0x34: {  	[smem:$0x3FB0] =	sst s10  }
0x35: {  	s10 =	sld [smem:$0x3FAF];
	_ =	sdelay $0x3  }
0x36: {  	p1 =	seq.s32 s10, $0x1;
	s10 =	sld [smem:$0x3FB0];
	_ =	sdelay $0x3  }
0x37: {  	[smem:$0x3FB0] =	sst s10  }
0x38: {  	s10 =	sld [smem:$0x3FB1]  }
0x39: {  	_ = 	snop;
	(pc) =	sbr.ind lr, $3  }
0x3a: {  	_ = 	snop  }
0x3b: {  	_ = 	snop  }
0x3c: {  	p2 =	seq.s32 s10, $0x1;
	s10 =	sld [smem:$0x3FB0]  }
0x3d: {  	_ =	shalt  }
0x3e: {  	_ =	shalt  }
0x3f: {  	_ =	shalt  }
0x40: {  	_ =	shalt  }
0x41: {  	_ =	shalt  }
0x42: {  	_ =	shalt  }
0x43: {  	_ =	shalt  }
0x44: {  	_ =	shalt  }
0x45: {  	_ =	shalt  }
0x46: {  	_ =	shalt  }
0x47: {  	_ =	shalt  }
0x48: {  	_ =	shalt  }
0x49: {  	_ =	shalt  }
0x4a: {  	_ =	shalt  }
0x4b: {  	_ =	shalt  }
0x4c: {  	_ =	shalt  }
0x4d: {  	_ =	shalt  }
0x4e: {  	_ =	shalt  }
0x4f: {  	_ =	shalt  }
0x50: {  	_ =	shalt  }
0x51: {  	_ =	shalt  }
0x52: {  	_ =	shalt  }
0x53: {  	_ =	shalt  }
0x54: {  	_ =	shalt  }
0x55: {  	_ =	shalt  }
0x56: {  	_ =	shalt  }
0x57: {  	_ =	shalt  }
0x58: {  	_ =	shalt  }
0x59: {  	_ =	shalt  }
0x5a: {  	_ =	shalt  }
0x5b: {  	_ =	shalt  }
0x5c: {  	_ =	shalt  }
0x5d: {  	_ =	shalt  }
0x5e: {  	_ =	shalt  }
0x5f: {  	_ =	shalt  }
0x60: {  	_ =	shalt  }
0x61: {  	_ =	shalt  }
0x62: {  	_ =	shalt  }
0x63: {  	_ =	shalt  }
0x64: {  	_ =	shalt  }
0x65: {  	_ =	shalt  }
0x66: {  	_ =	shalt  }
0x67: {  	_ =	shalt  }
0x68: {  	_ =	shalt  }
0x69: {  	_ =	shalt  }
0x6a: {  	_ =	shalt  }
0x6b: {  	_ =	shalt  }
0x6c: {  	_ =	shalt  }
0x6d: {  	_ =	shalt  }
0x6e: {  	_ =	shalt  }
0x6f: {  	_ =	shalt  }
0x70: {  	_ =	shalt  }
0x71: {  	_ =	shalt  }
0x72: {  	_ =	shalt  }
0x73: {  	_ =	shalt  }
0x74: {  	_ =	shalt  }
0x75: {  	_ =	shalt  }
0x76: {  	_ =	shalt  }
0x77: {  	_ =	shalt  }
0x78: {  	_ =	shalt  }
0x79: {  	_ =	shalt  }
0x7a: {  	_ =	shalt  }
0x7b: {  	_ =	shalt  }
0x7c: {  	_ =	shalt  }
0x7d: {  	_ =	shalt  }
0x7e: {  	_ =	shalt  }
0x7f: {  	_ =	shalt  }
0x80: {  	_ =	shalt  }
0x81: {  	_ =	shalt  }
0x82: {  	_ =	shalt  }
0x83: {  	_ =	shalt  }
0x84: {  	_ =	shalt  }
0x85: {  	_ =	shalt  }
0x86: {  	_ =	shalt  }
0x87: {  	_ =	shalt  }
.Lfunc_end0:
.L_simem_size_0:
called_computation.2_lowered:
.L_overlay_start_0:
0x88: {  	s2 =	sld [smem:$0x3FD9]  }
0x89: {  	s3 =	sld [smem:$0x3FFE];
	_ =	sdelay $0x1  }
0x8a: {  	s1 =	srdreg.scid  }
0x8b: {  	s0 =	sand.u32 $0x1, s1  }
0x8c: {  	s17 =	sshll.u32 s0, $0xA;
	s2 =	sadd.s32 s3, s2  }
0x8d: {  	s2 =	sadd.s32 s2, s17  }
0x8e: {  	[smem:$0x3FBC] =	sst s2  }
0x8f: {  	_ = 	snop  }
0x90: {  	s2 =	sld [smem:$0x3FD0];
	(tm) =	ssettm $0x1  }
0x91: {  	s18 =	sld [smem:$0x3FFB];
	_ =	sdelay $0x3  }
0x92: {  	_ =	strace s18  }
0x93: {  	s3 =	sld [smem:$0x3FFC];
	_ =	sdelay $0x3  }
0x94: {  	_ =	strace s3  }
0x95: {  	s3 =	sld [smem:$0x3FFD];
	_ =	sdelay $0x3  }
0x96: {  	_ =	strace s3  }
0x97: {  	_ =	strace $0x8FFFFFFF  }
0x98: {  	s19 =	sld [smem:$0x3FDB];
	_ =	sdelay $0x1  }
0x99: {  	s4 =	simm.s32 $_scs_section_size  }
0x9a: {  	s5 =	simm.s32 $_size__tile_overlayer_lowered;
	s6 =	simm.s32 $_tile_overlayer_lowered  }
0x9b: {  	s22 =	simm.s32 $0x1BFF;
	s21 =	sshll.u32 s6, $0x1;
	s3 =	sadd.s32 s4, s19  }
0x9c: {  	s7 =	simm.s32 $0x0;
	s20 =	sshll.u32 s5, $0x1;
	s5 =	sadd.s32 s21, s3  }
0x9d: {  	[timem:s7], [sflag:s22] =	dma.local [hbm:s5], s20  }
0x9e: {  	_ =	swait.ge [sflag:s22], s20  }
0x9f: {  	s4 =	ssub.s32 $0x0, s20;
	[sflag:s22] =	ssyncset.done $0x0  }
0xa0: {  	[sflag:s22] =	ssyncadd.s32 s4;
	_ =	sdelay $0x1  }
0xa1: {  	s23 =	simm.s32 $0x1B8B  }
0xa2: {  	_ =	swait.ge [sflag:s23], $0x1  }
0xa3: {  	[sflag:s23] =	ssyncset.done $0x0  }
0xa4: {  	s25 =	simm.s32 $0x1B8E;
	s24 =	sld [smem:$0x3FFE];
	[sflag:s23] =	ssyncadd.s32 $0xFFFFFFFF  }
0xa5: {  	s26 =	simm.s32 $execute0_lowered;
	[smem:$0x3FD2] =	sst s25  }
0xa6: {  	s5 =	sshll.u32 s26, $0x1;
	_ =	strace $0x8000004C;
	[dreg:$0x1] =	wrdreg $0xFFFFFFFF  }
0xa7: {  	s28 =	simm.s32 $_size_execute0_lowered;
	s3 =	sadd.s32 s3, s5;
	[dreg:$0x0] =	wrdreg $0x0  }
0xa8: {  	s5 =	sshll.u32 s28, $0x1;
	[dreg:$0x2] =	wrdreg s3  }
0xa9: {  	[dreg:$0x3] =	wrdreg s5  }
0xaa: {  	[dreg:$0x4] =	wrdreg $0xC0  }
0xab: {  	_ =	task [dreg:s7], $0x5FFFF  }
0xac: {  	[dreg:$0x1] =	wrdreg $0xFFFFFFFF  }
0xad: {  	[dreg:$0x0] =	wrdreg $0x60  }
0xae: {  	[dreg:$0x2] =	wrdreg s24  }
0xaf: {  	[dreg:$0x3] =	wrdreg s2  }
0xb0: {  	[dreg:$0x4] =	wrdreg $0x144000  }
0xb1: {  	[dreg:$0x5] =	wrdreg $0xA4000  }
0xb2: {  	[dreg:$0x6] =	wrdreg $0x9  }
0xb3: {  	_ =	task.clear_ibuf [dreg:s7], $0x7FFFF;
	_ =	strace $0x9000004C  }
0xb4: {  	s29 =	simm.s32 $0x9;
	_ =	strace $0x8000004E  }
0xb5: {  	_ =	swait.ge [sflag:s29], $0x1  }
0xb6: {  	[sflag:s29] =	ssyncadd.s32 $0xFFFFFFFF  }
0xb7: {  	_ =	strace $0x9000004E  }
0xb8: {  	_ =	sfence  }
0xb9: {  	s30 =	sld [smem:$0x0];
	_ =	sdelay $0x2  }
0xba: {  	s31 =	sshll.u32 s1, $0xD;
	s1 =	sshrl.u32 s1, $0x2  }
0xbb: {  	s3 =	sand.u32 $0x4000, s31;
	s1 =	sadd.s32 s1, s30  }
0xbc: {  	s0 =	sor.u32 s3, s0;
	s1 =	sshll.u32 s1, $0x11  }
0xbd: {  	s0 =	sor.u32 s1, s0  }
0xbe: {  	s0 =	sadd.s32 $0x8F2B, s0  }
0xbf: {  	[sflag:s0] =	ssyncadd.remote.s32 $0x1  }
0xc0: {  	_ =	sfence.sel $0xFFFF  }
0xc1: {  	[dreg:$0x0] =	wrdreg $0xFFFFFFFF;
	(pc) =	sbr.abs _section_cstart, $3  }
0xc2: {  	[dreg:$0x1] =	wrdreg $0xFFFFFFFF  }
0xc3: {  	_ =	task.clear_ibuf [dreg:s7], $0x2FFFF;
	_ =	strace $0x9FFFFFFF  }
0xc4: {  	(tm) =	ssettm $0x7FFFFFFF  }
0xc5: {  	_ =	shalt  }
tec
execute0_lowered:
.L_overlay_start_1:
0x0: {  	(tag) =	ssettag $0x1  }
0x1: {  	s0 =	rddreg [dreg:$0x0]  }
0x2: {  	s2 =	rddreg [dreg:$0x1]  }
0x3: {  	s1 =	rddreg [dreg:$0x2];
	s12 =	stileid.u32  }
0x4: {  	s4 =	srdreg.scid;
	s3 =	rddreg [dreg:$0x3];
	s17 =	simm.s32 $0x3200  }
0x5: {  	s19 =	simm.s32 $0x6400;
	s20 =	simm.s32 $0x6;
	s10 =	smul.u32 $0xA000, s12  }
0x6: {  	s21 =	simm.s32 $0x5;
	s22 =	simm.s32 $0x80;
	s6 =	smul.u32 $0xA2, s12  }
0x7: {  	s24 =	simm.s32 $0x1;
	s5 =	sand.u32 $0x1, s4;
	s11 =	smul.u32 $0x28000, s12  }
0x8: {  	s28 =	simm.s32 $0x0;
	s4 =	simm.s32 $0x0;
	s7 =	smul.u32 $0x51, s5  }
0x9: {  	[smem:$0x7FF] =	sst s4;
	s8 =	smul.u32 $0xA0000, s5;
	s5 =	ssub.s32 $0x2, s5  }
0xa: {  	_ =	strace $0x8000004D;
	s9 =	sshrl.u32 s10, $0x3;
	s29 =	sshrl.u32 s5, $0x1  }
0xb: {  	s31 =	sadd.s32 s10, s1;
	s11 =	sshrl.u32 s11, $0x2;
	s6 =	sadd.s32 s7, s6  }
0xc: {  	s9 =	sadd.s32 s9, s0;
	s25 =	sadd.s32 s10, s8;
	s16 =	ssub.s32 s5, s29  }
0xd: {  	s14 =	sadd.s32 s11, s3;
	s10 =	sadd.s32 s10, s3;
	s18 =	sshrl.u32 s31, $0x3  }
0xe: {  	s6 =	sshll.u32 s6, $0x4;
	s7 =	sshrl.u32 s25, $0x3;
	s8 =	sadd.s32 $0x17C00, s9  }
0xf: {  	s11 =	sadd.s32 $0x2000, s14;
	s13 =	sadd.s32 $0x6000, s14;
	s16 =	smax.u32 s16, $0x1  }
0x10: {  	s26 =	sadd.s32 s6, s0;
	s0 =	sadd.s32 s7, s0;
	s2 =	sadd.s32 s2, s6  }
0x11: {  	s7 =	sshll.u32 s12, $0x6;
	s12 =	sadd.s32 $0x4000, s14;
	s14 =	sadd.s32 $0x8000, s14  }
0x12: {  	s30 =	sadd.s32 $0xD200, s26;
	[dreg:$0x6] =	wrdreg s2;
	s9 =	sor.u32 $0x1C05, s7  }
0x13: {  	v0 =	vimm.f32 $0.0e+00;
	s15 =	sadd.s32 $0x2BC00, s0;
	s26 =	simm.s32 $0x3;
	[dreg:$0x5] =	wrdreg s30  }
.LBB2_1:
0x14: {  	s0 =	rddreg [dreg:$0x5]  }
0x15: {  	[tilespmem:s4], [sflag:$0x5] =	stream.linear.gather [hbm4b:s0+s4], $0x3200, $0x38;
	[tilespmem:$0x1E400] =	vst v63  }
0x16: {  	s31 =	rddreg [dreg:$0x6];
	s2 =	simm.s32 $0x0;
	s0 =	simm.s32 $0x100  }
0x17: {  	[tilespmem:s17], [sflag:$0x5] =	stream.linear.gather [hbm4b:s31+s4], $0x3200, $0x38;
	[tilespmem:$0x1E400] =	vst v63  }
0x18: {  	[spmem:s18], [sflag:s9] =	dma.local [hbm:s8], $0x1400  }
.LBB2_2:
0x19: {  	p0 =	sne.s32 s0, $0x7F00;
	[tilespmem:s2+$0x6430] =	vst v0;
	s23 =	smov.u32 s0;
	s0 =	sadd.s32 $0x100, s0  }
.Ltmp0:
0x1a: {  	[tilespmem:s2+$0x6420] =	vst v0;
	(pc) =	sbr.rel @p0 .LBB2_2-.Ltmp0, $3  }
0x1b: {  	[tilespmem:s2+$0x6400] =	vst v0  }
0x1c: {  	[tilespmem:s2+$0x6410] =	vst v0;
	_ =	sdelay $0x1  }
0x1d: {  	s2 =	sshra.s32 s23, $0x2  }
0x1e: {  	[tilespmem:s2+$0x6430] =	vst v0  }
0x1f: {  	[tilespmem:s2+$0x6420] =	vst v0  }
0x20: {  	[tilespmem:s2+$0x6400] =	vst v0  }
0x21: {  	[tilespmem:s2+$0x6410] =	vst v0  }
0x22: {  	[spmem:s10] =	stream.linear.scatter [tilespmem:s19], [sflag:$0x6], $0x2000, $0x38;
	[tilespmem:$0x1E400] =	vst v63  }
0x23: {  	_ =	swait.ge [sflag:s20], $0x2000  }
0x24: {  	[sflag:s20] =	ssyncset.done $0x0  }
0x25: {  	[sflag:s20] =	ssyncadd.s32 $0xFFFFE000  }
0x26: {  	[spmem:s11] =	stream.linear.scatter [tilespmem:s19], [sflag:$0x6], $0x2000, $0x38;
	[tilespmem:$0x1E400] =	vst v63  }
0x27: {  	_ =	swait.ge [sflag:s20], $0x2000  }
0x28: {  	[sflag:s20] =	ssyncset.done $0x0  }
0x29: {  	[sflag:s20] =	ssyncadd.s32 $0xFFFFE000  }
0x2a: {  	[spmem:s12] =	stream.linear.scatter [tilespmem:s19], [sflag:$0x6], $0x2000, $0x38;
	[tilespmem:$0x1E400] =	vst v63  }
0x2b: {  	_ =	swait.ge [sflag:s20], $0x2000  }
0x2c: {  	[sflag:s20] =	ssyncset.done $0x0  }
0x2d: {  	[sflag:s20] =	ssyncadd.s32 $0xFFFFE000  }
0x2e: {  	[spmem:s13] =	stream.linear.scatter [tilespmem:s19], [sflag:$0x6], $0x2000, $0x38;
	[tilespmem:$0x1E400] =	vst v63  }
0x2f: {  	_ =	swait.ge [sflag:s20], $0x2000  }
0x30: {  	[sflag:s20] =	ssyncset.done $0x0  }
0x31: {  	[sflag:s20] =	ssyncadd.s32 $0xFFFFE000  }
0x32: {  	[spmem:s14] =	stream.linear.scatter [tilespmem:s19], [sflag:$0x6], $0x2000, $0x38;
	[tilespmem:$0x1E400] =	vst v63  }
0x33: {  	_ =	swait.ge [sflag:s20], $0x2000  }
0x34: {  	[sflag:s20] =	ssyncset.done $0x0  }
0x35: {  	[sflag:s20] =	ssyncadd.s32 $0xFFFFE000  }
0x36: {  	_ =	swait.ge [sflag:s21], $0x3200  }
0x37: {  	[sflag:s21] =	ssyncset.done $0x0  }
0x38: {  	[sflag:s21] =	ssyncadd.s32 $0xFFFFCE00  }
0x39: {  	_ =	swait.ge [sflag:s21], $0x3200  }
0x3a: {  	[sflag:s21] =	ssyncset.done $0x0  }
0x3b: {  	[sflag:s21] =	ssyncadd.s32 $0xFFFFCE00  }
0x3c: {  	_ =	swait.ge [sflag:s21], $0x1400  }
0x3d: {  	[sflag:s21] =	ssyncset.done $0x0  }
0x3e: {  	[sflag:s21] =	ssyncadd.s32 $0xFFFFEC00  }
0x3f: {  	[bflag:$0x0] =	sbarrier.arrive $0xFFFF  }
0x40: {  	[tilespmem:s19], [sflag:$0x1] =	stream.indirect.gather [spmem:s1], $0x40, s4, s22, $0xb8;
	[tilespmem:$0x1E400] =	vst v63  }
0x41: {  	s0 =	simm.s32 $0x8400  }
0x42: {  	[tilespmem:s0], [sflag:$0x2] =	stream.indirect.gather [spmem:s1], $0x40, s22, s22, $0xb8;
	[tilespmem:$0x1E400] =	vst v63  }
0x43: {  	s2 =	simm.s32 $0x2;
	_ =	swait.ge [sflag:s24], $0x2000  }
0x44: {  	s0 =	sand.u32 $0x1, s2;
	[sflag:s24] =	ssyncset.done $0x0  }
0x45: {  	s5 =	sadd.s32 $0x3, s0;
	[sflag:s24] =	ssyncadd.s32 $0xFFFFE000  }
0x46: {  	[spmem:s3] =	stream.indirect.scatter.add.f32 [tilespmem:s19], [sflag:$0x3], $0x40, s17, s22, $0xb8;
	[tilespmem:$0x1E400] =	vst v63  }
0x47: {  	s29 =	simm.s32 $0x100;
	s25 =	simm.s32 $0x1;
	_ =	swait.ge [sflag:s5], $0x2000  }
0x48: {  	s25 =	sand.u32 $0x1, s25;
	s23 =	sshll.u32 s0, $0xD;
	[sflag:s5] =	ssyncset.done $0x0  }
0x49: {  	s0 =	sadd.s32 $0x1, s0;
	s6 =	sadd.s32 $0x6400, s23;
	[sflag:s5] =	ssyncadd.s32 $0xFFFFE000  }
0x4a: {  	[tilespmem:s6], [sflag:s0] =	stream.indirect.gather [spmem:s1], $0x40, s29, s22, $0xb8;
	[tilespmem:$0x1E400] =	vst v63  }
0x4b: {  	s30 =	simm.s32 $0x3280;
	s31 =	simm.s32 $0x3;
	s0 =	sadd.s32 $0x1, s25  }
0x4c: {  	s2 =	simm.s32 $0x3280;
	s23 =	sshll.u32 s25, $0xD;
	_ =	swait.ge [sflag:s0], $0x2000  }
0x4d: {  	s23 =	sadd.s32 $0x6400, s23;
	s25 =	sadd.s32 $0x3, s25;
	[sflag:s0] =	ssyncset.done $0x0  }
.LBB2_4:
0x4e: {  	[sflag:s0] =	ssyncadd.s32 $0xFFFFE000  }
0x4f: {  	s30 =	sadd.s32 $0x80, s30;
	s29 =	sadd.s32 $0x80, s29;
	s0 =	smov.u32 s31  }
0x50: {  	[spmem:s3] =	stream.indirect.scatter.add.f32 [tilespmem:s23], [sflag:s25], $0x40, s2, s22, $0xb8;
	[tilespmem:$0x1E400] =	vst v63  }
0x51: {  	p0 =	sne.s32 s31, $0x50;
	s31 =	sadd.s32 $0x1, s31;
	s23 =	sand.u32 $0x1, s0  }
0x52: {  	s2 =	smov.u32 s30;
	s25 =	sadd.s32 $0x3, s23;
	s5 =	sshll.u32 s23, $0xD  }
0x53: {  	s0 =	sadd.s32 $0xFFFFFFFF, s0;
	_ =	swait.ge [sflag:s25], $0x2000  }
0x54: {  	s23 =	sadd.s32 $0x1, s23;
	s6 =	sand.u32 $0x1, s0;
	[sflag:s25] =	ssyncset.done $0x0  }
.Ltmp1:
0x55: {  	s0 =	sadd.s32 $0x6400, s5;
	[sflag:s25] =	ssyncadd.s32 $0xFFFFE000;
	(pc) =	sbr.rel @p0 .LBB2_4-.Ltmp1, $4  }
0x56: {  	[tilespmem:s0], [sflag:s23] =	stream.indirect.gather [spmem:s1], $0x40, s29, s22, $0xb8;
	[tilespmem:$0x1E400] =	vst v63  }
0x57: {  	s5 =	sshll.u32 s6, $0xD;
	s0 =	sadd.s32 $0x1, s6  }
0x58: {  	_ =	swait.ge [sflag:s0], $0x2000  }
0x59: {  	s25 =	sadd.s32 $0x3, s6;
	s23 =	sadd.s32 $0x6400, s5;
	[sflag:s0] =	ssyncset.done $0x0  }
0x5a: {  	[sflag:s0] =	ssyncadd.s32 $0xFFFFE000  }
0x5b: {  	[spmem:s3] =	stream.indirect.scatter.add.f32 [tilespmem:s23], [sflag:s25], $0x40, s2, s22, $0xb8;
	[tilespmem:$0x1E400] =	vst v63  }
0x5c: {  	_ =	swait.ge [sflag:s25], $0x2000  }
0x5d: {  	[sflag:s25] =	ssyncset.done $0x0  }
0x5e: {  	[sflag:s25] =	ssyncadd.s32 $0xFFFFE000  }
0x5f: {  	_ =	swait.ge [sflag:s24], $0x2000  }
0x60: {  	[sflag:s24] =	ssyncset.done $0x0  }
0x61: {  	s29 =	simm.s32 $0x5A00;
	[sflag:s24] =	ssyncadd.s32 $0xFFFFE000  }
0x62: {  	[spmem:s3] =	stream.indirect.scatter.add.f32 [tilespmem:s19], [sflag:$0x3], $0x40, s29, s22, $0xb8;
	[tilespmem:$0x1E400] =	vst v63  }
0x63: {  	_ =	swait.ge [sflag:s26], $0x2000  }
0x64: {  	s28 =	sadd.s32 $0x1, s28;
	[sflag:s26] =	ssyncset.done $0x0  }
0x65: {  	s30 =	sor.u32 $0x1C06, s7;
	p0 =	sne.s32 s28, s16;
	[sflag:s26] =	ssyncadd.s32 $0xFFFFE000  }
.Ltmp2:
0x66: {  	s31 =	sshrl.u32 s10, $0x3;
	[bflag:$0x0] =	sbarrier.arrive $0xFFFF;
	(pc) =	sbr.rel @p0 .LBB2_1-.Ltmp2, $4  }
0x67: {  	[hbm:s15], [sflag:s30] =	dma.local [spmem:s31], $0x1400  }
0x68: {  	_ =	swait.ge [sflag:s20], $0x1400  }
0x69: {  	[sflag:s20] =	ssyncset.done $0x0  }
0x6a: {  	[sflag:s20] =	ssyncadd.s32 $0xFFFFEC00  }
0x6b: {  	_ =	sfence.sel $0x180000  }
0x6c: {  	[bflag:$0x0] =	sbarrier.arrive $0xFFFF  }
0x6d: {  	_ =	strace $0x9000004D  }
0x6e: {  	s0 =	stileid.u32;
	[bflag:$0x2] =	sbarrier.arrive $0xFFFF  }
0x6f: {  	p0 =	sne.s32 s0, $0x0;
	s0 =	rddreg [dreg:$0x4]  }
0x70: {  	s0 =	sadd.s32 @!p0 $0x100000, s0  }
0x71: {  	[sflag:s0] =	ssyncadd.tile.s32 @!p0 $0x1;
	_ =	shalt  }
.Lfunc_end2:
_tile_overlayer_lowered:
.L_overlay_start_2:
0x72: {  	(tag) =	ssettag $0x2  }
0x73: {  	s0 =	rddreg [dreg:$0x0];
	s2 =	stileid.u32  }
0x74: {  	s1 =	rddreg [dreg:$0x1];
	p0 =	sne.s32 s2, $0x0  }
0x75: {  	s3 =	rddreg [dreg:$0x2];
	[bflag:$0x3] =	sbarrier.arrive $0xFFFF;
	s2 =	simm.s32 @!p0 $0x1C06  }
0x76: {  	[timem:s3], [sflag:s2] =	dma.local @!p0 [hbm:s0], s1  }
0x77: {  	s0 =	simm.s32 @!p0 $0x6  }
0x78: {  	_ =	swait.ge @!p0 [sflag:s0], s1  }
0x79: {  	s1 =	ssub.s32 @!p0 $0x0, s1;
	[sflag:s0] =	ssyncset.done @!p0 $0x0  }
0x7a: {  	[sflag:s0] =	ssyncadd.s32 @!p0 s1  }
0x7b: {  	[bflag:$0x3] =	sbarrier.arrive $0xFFFF  }
0x7c: {  	_ =	shalt  }

// kernel: kernel.23.cloned.1.call-start
scs
__scs_entry_jumppad:
0x0: {  	(pc) =	sbr.rel $0x88, $3  }
0x1: {  	(tag) =	ssettag $0x0;
	lr =	simm.s32 $0x1  }
0x2: {  	[smem:$0x3F95] =	sst lr;
	_ =	strace $0xD0000000  }
0x3: {  	_ = 	snop  }
0x4: {  	_ = 	snop  }
0x5: {  	_ = 	snop  }
0x6: {  	_ = 	snop  }
0x7: {  	_ = 	snop  }
__scs_overlays_trampoline_lowered:
0x8: {  	[smem:$0x3FA4] =	sst s0  }
0x9: {  	[smem:$0x3FA5] =	sst s1  }
0xa: {  	[smem:$0x3FA6] =	sst s2  }
0xb: {  	[smem:$0x3FA7] =	sst s3  }
0xc: {  	[smem:$0x3FA8] =	sst s4  }
0xd: {  	[smem:$0x3FA9] =	sst s5  }
0xe: {  	[smem:$0x3FAA] =	sst s6  }
0xf: {  	[smem:$0x3FAB] =	sst s7  }
0x10: {  	[smem:$0x3FAC] =	sst s8  }
0x11: {  	[smem:$0x3FAD] =	sst s9;
	s0 =	simm.s32 @!p0 $0x0  }
0x12: {  	s1 =	sld [smem:$0x3F93];
	s0 =	simm.s32 @p0 $0x1  }
0x13: {  	[smem:$0x3FAE] =	sst s0;
	s0 =	simm.s32 @!p1 $0x0  }
0x14: {  	s2 =	sld [smem:$0x3F92];
	s0 =	simm.s32 @p1 $0x1  }
0x15: {  	[smem:$0x3FAF] =	sst s0;
	s0 =	simm.s32 @!p2 $0x0  }
0x16: {  	s3 =	sld [smem:$0x3FDB];
	s0 =	simm.s32 @p2 $0x1  }
0x17: {  	s4 =	simm.s32 $0x1BF5;
	[smem:$0x3FB1] =	sst s0  }
0x18: {  	s0 =	sld [smem:$0x3F94];
	_ =	swait.ge [sflag:s4], $0x0  }
0x19: {  	s7 =	sld [smem:$0x3F95]  }
0x1a: {  	s8 =	sadd.s32 $0xFFFFE003, lr  }
0x1b: {  	s9 =	sadd.s32 $0xFFFFFEF7, lr;
	s5 =	simm.s32 $0xFFFFFFFF;
	p2 =	slt.u32 s8, $0xFFFFF086  }
0x1c: {  	p1 =	slt.u32 s9, $0xF7A;
	s5 =	simm.s32 @!p2 $0x0  }
0x1d: {  	s5 =	simm.s32 @p1 $0x1;
	p0 =	seq.s32 s7, s2  }
0x1e: {  	s7 =	smul.u32 @!p0 $0xF7A, s2;
	p2 =	seq.s32 @!p0 s5, $0x0  }
0x1f: {  	s9 =	smul.u32 $0xF7A, s1;
	s8 =	simm.s32 @!p0 $0x1BF5;
	p2 =	por !p2, p0  }
0x20: {  	[sflag:s8] =	ssyncset.s32 @!p0 $0xFFFFF086;
	s6 =	sadd.s32 @!p0 s3, s7;
	s7 =	simm.s32 @!p0 $0x108  }
0x21: {  	s3 =	sadd.s32 s3, s9;
	s6 =	sadd.s32 @!p0 $0x88, s6;
	s7 =	simm.s32 @p2 $0x1082  }
0x22: {  	[simem:s7], [sflag:s8] =	dma.local @!p0 [hbm:s6], $0xF7A  }
0x23: {  	s9 =	sor.u32 $0xD0000000, s2;
	s6 =	simm.s32 $0x108;
	_ =	swait.ge @!p0 [sflag:s8], $0x0  }
0x24: {  	s3 =	sadd.s32 $0x88, s3;
	s6 =	simm.s32 @!p1 $0x1082;
	[sflag:s4] =	ssyncset.s32 $0xFFFFF086  }
0x25: {  	[simem:s6], [sflag:s4] =	dma.local [hbm:s3], $0xF7A  }
0x26: {  	[smem:$0x3F95] =	sst s1;
	(tag) =	ssettag s2;
	_ =	strace s9  }
0x27: {  	s1 =	sld [smem:$0x3FA5]  }
0x28: {  	s2 =	sld [smem:$0x3FA6]  }
0x29: {  	s4 =	sld [smem:$0x3FA8]  }
0x2a: {  	p0 =	seq.s32 s5, $0x0;
	s5 =	sld [smem:$0x3FA9]  }
0x2b: {  	s6 =	sld [smem:$0x3FAA]  }
0x2c: {  	s7 =	sld [smem:$0x3FAB]  }
0x2d: {  	s3 =	simm.s32 $0x108;
	s8 =	sld [smem:$0x3FAC]  }
0x2e: {  	s3 =	simm.s32 @!p0 $0x1082;
	s9 =	sld [smem:$0x3FAD]  }
0x2f: {  	lr =	sadd.s32 s0, s3;
	s0 =	sld [smem:$0x3FA4]  }
0x30: {  	s3 =	sld [smem:$0x3FA7]  }
0x31: {  	[smem:$0x3FB0] =	sst s10  }
0x32: {  	s10 =	sld [smem:$0x3FAE];
	_ =	sdelay $0x3  }
0x33: {  	p0 =	seq.s32 s10, $0x1;
	s10 =	sld [smem:$0x3FB0];
	_ =	sdelay $0x3  }
0x34: {  	[smem:$0x3FB0] =	sst s10  }
0x35: {  	s10 =	sld [smem:$0x3FAF];
	_ =	sdelay $0x3  }
0x36: {  	p1 =	seq.s32 s10, $0x1;
	s10 =	sld [smem:$0x3FB0];
	_ =	sdelay $0x3  }
0x37: {  	[smem:$0x3FB0] =	sst s10  }
0x38: {  	s10 =	sld [smem:$0x3FB1]  }
0x39: {  	_ = 	snop;
	(pc) =	sbr.ind lr, $3  }
0x3a: {  	_ = 	snop  }
0x3b: {  	_ = 	snop  }
0x3c: {  	p2 =	seq.s32 s10, $0x1;
	s10 =	sld [smem:$0x3FB0]  }
0x3d: {  	_ =	shalt  }
0x3e: {  	_ =	shalt  }
0x3f: {  	_ =	shalt  }
0x40: {  	_ =	shalt  }
0x41: {  	_ =	shalt  }
0x42: {  	_ =	shalt  }
0x43: {  	_ =	shalt  }
0x44: {  	_ =	shalt  }
0x45: {  	_ =	shalt  }
0x46: {  	_ =	shalt  }
0x47: {  	_ =	shalt  }
0x48: {  	_ =	shalt  }
0x49: {  	_ =	shalt  }
0x4a: {  	_ =	shalt  }
0x4b: {  	_ =	shalt  }
0x4c: {  	_ =	shalt  }
0x4d: {  	_ =	shalt  }
0x4e: {  	_ =	shalt  }
0x4f: {  	_ =	shalt  }
0x50: {  	_ =	shalt  }
0x51: {  	_ =	shalt  }
0x52: {  	_ =	shalt  }
0x53: {  	_ =	shalt  }
0x54: {  	_ =	shalt  }
0x55: {  	_ =	shalt  }
0x56: {  	_ =	shalt  }
0x57: {  	_ =	shalt  }
0x58: {  	_ =	shalt  }
0x59: {  	_ =	shalt  }
0x5a: {  	_ =	shalt  }
0x5b: {  	_ =	shalt  }
0x5c: {  	_ =	shalt  }
0x5d: {  	_ =	shalt  }
0x5e: {  	_ =	shalt  }
0x5f: {  	_ =	shalt  }
0x60: {  	_ =	shalt  }
0x61: {  	_ =	shalt  }
0x62: {  	_ =	shalt  }
0x63: {  	_ =	shalt  }
0x64: {  	_ =	shalt  }
0x65: {  	_ =	shalt  }
0x66: {  	_ =	shalt  }
0x67: {  	_ =	shalt  }
0x68: {  	_ =	shalt  }
0x69: {  	_ =	shalt  }
0x6a: {  	_ =	shalt  }
0x6b: {  	_ =	shalt  }
0x6c: {  	_ =	shalt  }
0x6d: {  	_ =	shalt  }
0x6e: {  	_ =	shalt  }
0x6f: {  	_ =	shalt  }
0x70: {  	_ =	shalt  }
0x71: {  	_ =	shalt  }
0x72: {  	_ =	shalt  }
0x73: {  	_ =	shalt  }
0x74: {  	_ =	shalt  }
0x75: {  	_ =	shalt  }
0x76: {  	_ =	shalt  }
0x77: {  	_ =	shalt  }
0x78: {  	_ =	shalt  }
0x79: {  	_ =	shalt  }
0x7a: {  	_ =	shalt  }
0x7b: {  	_ =	shalt  }
0x7c: {  	_ =	shalt  }
0x7d: {  	_ =	shalt  }
0x7e: {  	_ =	shalt  }
0x7f: {  	_ =	shalt  }
0x80: {  	_ =	shalt  }
0x81: {  	_ =	shalt  }
0x82: {  	_ =	shalt  }
0x83: {  	_ =	shalt  }
0x84: {  	_ =	shalt  }
0x85: {  	_ =	shalt  }
0x86: {  	_ =	shalt  }
0x87: {  	_ =	shalt  }
.Lfunc_end0:
.L_simem_size_0:
called_computation.3_lowered:
.L_overlay_start_0:
0x88: {  	s2 =	sld [smem:$0x3FD9]  }
0x89: {  	s3 =	sld [smem:$0x3FFE];
	_ =	sdelay $0x1  }
0x8a: {  	s1 =	srdreg.scid  }
0x8b: {  	s0 =	sand.u32 $0x1, s1  }
0x8c: {  	s17 =	sshll.u32 s0, $0xA;
	s2 =	sadd.s32 s3, s2  }
0x8d: {  	s2 =	sadd.s32 s2, s17  }
0x8e: {  	[smem:$0x3FBC] =	sst s2  }
0x8f: {  	_ = 	snop  }
0x90: {  	s2 =	sld [smem:$0x3FD0];
	(tm) =	ssettm $0x1  }
0x91: {  	s18 =	sld [smem:$0x3FFB];
	_ =	sdelay $0x3  }
0x92: {  	_ =	strace s18  }
0x93: {  	s3 =	sld [smem:$0x3FFC];
	_ =	sdelay $0x3  }
0x94: {  	_ =	strace s3  }
0x95: {  	s3 =	sld [smem:$0x3FFD];
	_ =	sdelay $0x3  }
0x96: {  	_ =	strace s3  }
0x97: {  	_ =	strace $0x8FFFFFFF  }
0x98: {  	s19 =	sld [smem:$0x3FDB];
	_ =	sdelay $0x1  }
0x99: {  	s4 =	simm.s32 $_scs_section_size  }
0x9a: {  	s5 =	simm.s32 $_size__tile_overlayer_lowered;
	s6 =	simm.s32 $_tile_overlayer_lowered  }
0x9b: {  	s22 =	simm.s32 $0x1BFF;
	s21 =	sshll.u32 s6, $0x1;
	s3 =	sadd.s32 s4, s19  }
0x9c: {  	s7 =	simm.s32 $0x0;
	s20 =	sshll.u32 s5, $0x1;
	s5 =	sadd.s32 s21, s3  }
0x9d: {  	[timem:s7], [sflag:s22] =	dma.local [hbm:s5], s20  }
0x9e: {  	_ =	swait.ge [sflag:s22], s20  }
0x9f: {  	s4 =	ssub.s32 $0x0, s20;
	[sflag:s22] =	ssyncset.done $0x0  }
0xa0: {  	[sflag:s22] =	ssyncadd.s32 s4;
	_ =	sdelay $0x1  }
0xa1: {  	s23 =	simm.s32 $0x1B8B  }
0xa2: {  	_ =	swait.ge [sflag:s23], $0x1  }
0xa3: {  	[sflag:s23] =	ssyncset.done $0x0  }
0xa4: {  	s25 =	simm.s32 $0x1B8E;
	s24 =	sld [smem:$0x3FFE];
	[sflag:s23] =	ssyncadd.s32 $0xFFFFFFFF  }
0xa5: {  	s26 =	simm.s32 $execute0_lowered;
	[smem:$0x3FD2] =	sst s25  }
0xa6: {  	s5 =	sshll.u32 s26, $0x1;
	_ =	strace $0x8000004F;
	[dreg:$0x1] =	wrdreg $0xFFFFFFFF  }
0xa7: {  	s28 =	simm.s32 $_size_execute0_lowered;
	s3 =	sadd.s32 s3, s5;
	[dreg:$0x0] =	wrdreg $0x0  }
0xa8: {  	s5 =	sshll.u32 s28, $0x1;
	[dreg:$0x2] =	wrdreg s3  }
0xa9: {  	[dreg:$0x3] =	wrdreg s5  }
0xaa: {  	[dreg:$0x4] =	wrdreg $0xC0  }
0xab: {  	_ =	task [dreg:s7], $0x5FFFF  }
0xac: {  	[dreg:$0x1] =	wrdreg $0xFFFFFFFF  }
0xad: {  	[dreg:$0x0] =	wrdreg $0x60  }
0xae: {  	[dreg:$0x2] =	wrdreg s24  }
0xaf: {  	[dreg:$0x3] =	wrdreg s2  }
0xb0: {  	[dreg:$0x4] =	wrdreg $0xD4000  }
0xb1: {  	[dreg:$0x5] =	wrdreg $0x84000  }
0xb2: {  	[dreg:$0x6] =	wrdreg $0x9  }
0xb3: {  	_ =	task.clear_ibuf [dreg:s7], $0x7FFFF;
	_ =	strace $0x9000004F  }
0xb4: {  	s29 =	simm.s32 $0x9;
	_ =	strace $0x80000051  }
0xb5: {  	_ =	swait.ge [sflag:s29], $0x1  }
0xb6: {  	[sflag:s29] =	ssyncadd.s32 $0xFFFFFFFF  }
0xb7: {  	_ =	strace $0x90000051  }
0xb8: {  	_ =	sfence  }
0xb9: {  	s30 =	sld [smem:$0x0];
	_ =	sdelay $0x2  }
0xba: {  	s31 =	sshll.u32 s1, $0xD;
	s1 =	sshrl.u32 s1, $0x2  }
0xbb: {  	s3 =	sand.u32 $0x4000, s31;
	s1 =	sadd.s32 s1, s30  }
0xbc: {  	s0 =	sor.u32 s3, s0;
	s1 =	sshll.u32 s1, $0x11  }
0xbd: {  	s0 =	sor.u32 s1, s0  }
0xbe: {  	s0 =	sadd.s32 $0x8F2B, s0  }
0xbf: {  	[sflag:s0] =	ssyncadd.remote.s32 $0x1  }
0xc0: {  	_ =	sfence.sel $0xFFFF  }
0xc1: {  	[dreg:$0x0] =	wrdreg $0xFFFFFFFF;
	(pc) =	sbr.abs _section_cstart, $3  }
0xc2: {  	[dreg:$0x1] =	wrdreg $0xFFFFFFFF  }
0xc3: {  	_ =	task.clear_ibuf [dreg:s7], $0x2FFFF;
	_ =	strace $0x9FFFFFFF  }
0xc4: {  	(tm) =	ssettm $0x7FFFFFFF  }
0xc5: {  	_ =	shalt  }
tec
execute0_lowered:
.L_overlay_start_1:
0x0: {  	(tag) =	ssettag $0x1  }
0x1: {  	s0 =	rddreg [dreg:$0x0]  }
0x2: {  	s2 =	rddreg [dreg:$0x1]  }
0x3: {  	s1 =	rddreg [dreg:$0x2];
	s13 =	stileid.u32  }
0x4: {  	s4 =	srdreg.scid;
	s6 =	smul.u32 $0x5000, s13  }
0x5: {  	s3 =	rddreg [dreg:$0x3];
	s28 =	simm.s32 $0x4;
	s7 =	smul.u32 $0xA2, s13  }
0x6: {  	s29 =	simm.s32 $0x0;
	s5 =	sand.u32 $0x1, s4;
	s22 =	smul.u32 $0x14000, s13  }
0x7: {  	s4 =	simm.s32 $0x0;
	s25 =	sshll.u32 s13, $0x6;
	s8 =	smul.u32 $0x52, s5  }
0x8: {  	[smem:$0x7FF] =	sst s4;
	s10 =	smul.u32 $0x50000, s5;
	s20 =	ssub.s32 $0x2, s5  }
0x9: {  	p0 =	seq.s32 s5, $0x0;
	s5 =	simm.s32 $0x52;
	s30 =	sor.u32 $0x1C05, s25  }
0xa: {  	s9 =	sshrl.u32 s6, $0x3;
	_ =	strace $0x80000050;
	s11 =	sshrl.u32 s20, $0x1  }
0xb: {  	s5 =	simm.s32 @!p0 $0x50;
	s24 =	sadd.s32 s6, s1;
	[dreg:$0x7] =	wrdreg s25  }
0xc: {  	s26 =	sshrl.u32 s22, $0x2;
	[dreg:$0x9] =	wrdreg s30;
	s22 =	simm.s32 $0x6  }
0xd: {  	s9 =	sadd.s32 s9, s0;
	s7 =	sadd.s32 s8, s7;
	s19 =	sadd.s32 s6, s10  }
0xe: {  	s21 =	ssub.s32 s20, s11;
	s11 =	sadd.s32 s6, s3;
	s16 =	sadd.s32 $0xFFFFFFFF, s5  }
0xf: {  	s20 =	sshrl.u32 s24, $0x3;
	s24 =	simm.s32 $0x80;
	s7 =	sshll.u32 s7, $0x4  }
0x10: {  	s8 =	sshrl.u32 s19, $0x3;
	s9 =	sadd.s32 $0x3200, s9;
	s18 =	smax.u32 s21, $0x1  }
0x11: {  	s19 =	simm.s32 $0x3200;
	s21 =	simm.s32 $0x6400;
	s12 =	sadd.s32 s7, s0  }
0x12: {  	s0 =	sadd.s32 s8, s0;
	s2 =	sadd.s32 s2, s7;
	[dreg:$0x8] =	wrdreg s9  }
0x13: {  	s7 =	sadd.s32 s26, s3;
	s26 =	simm.s32 $0x1;
	s23 =	sadd.s32 $0xD200, s12  }
0x14: {  	[dreg:$0x6] =	wrdreg s2;
	s31 =	sadd.s32 $0x1000, s7;
	s13 =	sadd.s32 $0x2000, s7  }
0x15: {  	s14 =	sadd.s32 $0x3000, s7;
	s15 =	sadd.s32 $0x4000, s7;
	[dreg:$0x5] =	wrdreg s23  }
0x16: {  	v0 =	vimm.f32 $0.0e+00;
	s17 =	sadd.s32 $0x17C00, s0;
	[dreg:$0xa] =	wrdreg s31;
	s23 =	simm.s32 $0x5  }
.LBB2_1:
0x17: {  	s0 =	rddreg [dreg:$0x5]  }
0x18: {  	s30 =	rddreg [dreg:$0x6]  }
0x19: {  	s31 =	rddreg [dreg:$0x8]  }
0x1a: {  	[tilespmem:s4], [sflag:$0x5] =	stream.linear.gather [hbm4b:s0+s4], $0x3200, $0x38;
	[tilespmem:$0x12400] =	vst v63  }
0x1b: {  	s2 =	rddreg [dreg:$0x9]  }
0x1c: {  	[tilespmem:s19], [sflag:$0x5] =	stream.linear.gather [hbm4b:s30+s4], $0x3200, $0x38;
	[tilespmem:$0x12400] =	vst v63  }
0x1d: {  	[spmem:s20], [sflag:s2] =	dma.local [hbm:s31], $0xA00  }
0x1e: {  	s0 =	simm.s32 $0x80;
	s2 =	simm.s32 $0x0  }
.LBB2_2:
0x1f: {  	p0 =	sne.s32 s0, $0x3F80;
	[tilespmem:s2+$0x6400] =	vst v0;
	s6 =	smov.u32 s0;
	s0 =	sadd.s32 $0x80, s0  }
.Ltmp0:
0x20: {  	[tilespmem:s2+$0x6410] =	vst v0;
	(pc) =	sbr.rel @p0 .LBB2_2-.Ltmp0, $2  }
0x21: {  	_ =	sdelay $0x2  }
0x22: {  	s2 =	sshra.s32 s6, $0x2  }
0x23: {  	[tilespmem:s2+$0x6400] =	vst v0  }
0x24: {  	[tilespmem:s2+$0x6410] =	vst v0  }
0x25: {  	[spmem:s11] =	stream.linear.scatter [tilespmem:s21], [sflag:$0x6], $0x1000, $0x38;
	[tilespmem:$0x12400] =	vst v63  }
0x26: {  	_ =	swait.ge [sflag:s22], $0x1000  }
0x27: {  	[sflag:s22] =	ssyncset.done $0x0  }
0x28: {  	s0 =	rddreg [dreg:$0xa];
	[sflag:s22] =	ssyncadd.s32 $0xFFFFF000  }
0x29: {  	[spmem:s0] =	stream.linear.scatter [tilespmem:s21], [sflag:$0x6], $0x1000, $0x38;
	[tilespmem:$0x12400] =	vst v63  }
0x2a: {  	_ =	swait.ge [sflag:s22], $0x1000  }
0x2b: {  	[sflag:s22] =	ssyncset.done $0x0  }
0x2c: {  	[sflag:s22] =	ssyncadd.s32 $0xFFFFF000  }
0x2d: {  	[spmem:s13] =	stream.linear.scatter [tilespmem:s21], [sflag:$0x6], $0x1000, $0x38;
	[tilespmem:$0x12400] =	vst v63  }
0x2e: {  	_ =	swait.ge [sflag:s22], $0x1000  }
0x2f: {  	[sflag:s22] =	ssyncset.done $0x0  }
0x30: {  	[sflag:s22] =	ssyncadd.s32 $0xFFFFF000  }
0x31: {  	[spmem:s14] =	stream.linear.scatter [tilespmem:s21], [sflag:$0x6], $0x1000, $0x38;
	[tilespmem:$0x12400] =	vst v63  }
0x32: {  	_ =	swait.ge [sflag:s22], $0x1000  }
0x33: {  	[sflag:s22] =	ssyncset.done $0x0  }
0x34: {  	[sflag:s22] =	ssyncadd.s32 $0xFFFFF000  }
0x35: {  	[spmem:s15] =	stream.linear.scatter [tilespmem:s21], [sflag:$0x6], $0x1000, $0x38;
	[tilespmem:$0x12400] =	vst v63  }
0x36: {  	_ =	swait.ge [sflag:s22], $0x1000  }
0x37: {  	[sflag:s22] =	ssyncset.done $0x0  }
0x38: {  	[sflag:s22] =	ssyncadd.s32 $0xFFFFF000  }
0x39: {  	_ =	swait.ge [sflag:s23], $0x3200  }
0x3a: {  	[sflag:s23] =	ssyncset.done $0x0  }
0x3b: {  	[sflag:s23] =	ssyncadd.s32 $0xFFFFCE00  }
0x3c: {  	_ =	swait.ge [sflag:s23], $0x3200  }
0x3d: {  	[sflag:s23] =	ssyncset.done $0x0  }
0x3e: {  	[sflag:s23] =	ssyncadd.s32 $0xFFFFCE00  }
0x3f: {  	_ =	swait.ge [sflag:s23], $0xA00  }
0x40: {  	[sflag:s23] =	ssyncset.done $0x0  }
0x41: {  	[sflag:s23] =	ssyncadd.s32 $0xFFFFF600  }
0x42: {  	[bflag:$0x0] =	sbarrier.arrive $0xFFFF  }
0x43: {  	[tilespmem:s21], [sflag:$0x1] =	stream.indirect.gather [spmem:s1], $0x20, s4, s24, $0xb8;
	[tilespmem:$0x12400] =	vst v63  }
0x44: {  	s25 =	simm.s32 $0x7400;
	s6 =	simm.s32 $0x2;
	s30 =	simm.s32 $0x100  }
0x45: {  	[tilespmem:s25], [sflag:$0x2] =	stream.indirect.gather [spmem:s1], $0x20, s24, s24, $0xb8;
	[tilespmem:$0x12400] =	vst v63  }
0x46: {  	s9 =	simm.s32 $0x1;
	s31 =	simm.s32 $0x3;
	_ =	swait.ge [sflag:s26], $0x1000  }
0x47: {  	p0 =	sne.s32 s5, $0x3;
	s7 =	sand.u32 $0x1, s6;
	[sflag:s26] =	ssyncset.done $0x0  }
0x48: {  	s12 =	sand.u32 $0x1, s9;
	s2 =	sadd.s32 $0x3, s7;
	[sflag:s26] =	ssyncadd.s32 $0xFFFFF000  }
0x49: {  	[spmem:s3] =	stream.indirect.scatter.add.f32 [tilespmem:s21], [sflag:$0x3], $0x20, s19, s24, $0xb8;
	[tilespmem:$0x12400] =	vst v63  }
0x4a: {  	s8 =	sshll.u32 s7, $0xC;
	s7 =	sadd.s32 $0x1, s7;
	_ =	swait.ge [sflag:s2], $0x1000  }
.Ltmp1:
0x4b: {  	s10 =	sadd.s32 $0x1, s12;
	[sflag:s2] =	ssyncset.done $0x0;
	(pc) =	sbr.rel @!p0 .LBB2_5-.Ltmp1, $4  }
0x4c: {  	s9 =	sor.u32 $0x6400, s8;
	s8 =	sshll.u32 s12, $0xC;
	[sflag:s2] =	ssyncadd.s32 $0xFFFFF000  }
0x4d: {  	[tilespmem:s9], [sflag:s7] =	stream.indirect.gather [spmem:s1], $0x20, s30, s24, $0xb8;
	[tilespmem:$0x12400] =	vst v63  }
0x4e: {  	s12 =	sadd.s32 $0x3, s12;
	s8 =	sor.u32 $0x6400, s8;
	_ =	swait.ge [sflag:s10], $0x1000  }
0x4f: {  	s0 =	simm.s32 $0x3280;
	s25 =	simm.s32 $0x3300;
	[sflag:s10] =	ssyncset.done $0x0  }
.LBB2_4:
0x50: {  	s6 =	smov.u32 s31;
	s30 =	sadd.s32 $0x80, s30  }
0x51: {  	s7 =	smov.u32 s31;
	s31 =	sadd.s32 $0x1, s31;
	[sflag:s10] =	ssyncadd.s32 $0xFFFFF000  }
0x52: {  	[spmem:s3] =	stream.indirect.scatter.add.f32 [tilespmem:s8], [sflag:s12], $0x20, s0, s24, $0xb8;
	[tilespmem:$0x12400] =	vst v63  }
0x53: {  	p0 =	sne.s32 s5, s31;
	s8 =	sand.u32 $0x1, s7;
	s0 =	smov.u32 s25  }
0x54: {  	s2 =	sadd.s32 $0x3, s8;
	s9 =	sshll.u32 s8, $0xC  }
0x55: {  	s10 =	sadd.s32 $0xFFFFFFFF, s7;
	_ =	swait.ge [sflag:s2], $0x1000  }
0x56: {  	s12 =	sand.u32 $0x1, s10;
	s7 =	sadd.s32 $0x1, s8;
	[sflag:s2] =	ssyncset.done $0x0  }
.Ltmp2:
0x57: {  	s9 =	sor.u32 $0x6400, s9;
	[sflag:s2] =	ssyncadd.s32 $0xFFFFF000;
	(pc) =	sbr.rel @p0 .LBB2_4-.Ltmp2, $4  }
0x58: {  	[tilespmem:s9], [sflag:s7] =	stream.indirect.gather [spmem:s1], $0x20, s30, s24, $0xb8;
	[tilespmem:$0x12400] =	vst v63  }
0x59: {  	s8 =	sshll.u32 s12, $0xC;
	s10 =	sadd.s32 $0x1, s12  }
0x5a: {  	s25 =	sadd.s32 $0x80, s25;
	_ =	swait.ge [sflag:s10], $0x1000  }
0x5b: {  	s12 =	sadd.s32 $0x3, s12;
	s8 =	sor.u32 $0x6400, s8;
	[sflag:s10] =	ssyncset.done $0x0  }
.LBB2_5:
0x5c: {  	[sflag:s10] =	ssyncadd.s32 $0xFFFFF000  }
0x5d: {  	[spmem:s3] =	stream.indirect.scatter.add.f32 [tilespmem:s8], [sflag:s12], $0x20, s0, s24, $0xb8;
	[tilespmem:$0x12400] =	vst v63  }
0x5e: {  	_ =	swait.ge [sflag:s12], $0x1000  }
0x5f: {  	p0 =	sge.u32 s6, s16;
	[sflag:s12] =	ssyncset.done $0x0  }
0x60: {  	s0 =	sadd.s32 $0x80, s30;
	s6 =	simm.s32 @!p0 $0x80;
	[sflag:s12] =	ssyncadd.s32 $0xFFFFF000  }
0x61: {  	[tilespmem:s8], [sflag:s10] =	stream.indirect.gather @!p0 [spmem:s1], $0x20, s0, s6, $0xb8;
	[tilespmem:$0x12400] =	vst v63  }
0x62: {  	_ =	swait.ge [sflag:s7], $0x1000  }
0x63: {  	[sflag:s7] =	ssyncset.done $0x0  }
0x64: {  	[sflag:s7] =	ssyncadd.s32 $0xFFFFF000  }
0x65: {  	[spmem:s3] =	stream.indirect.scatter.add.f32 [tilespmem:s9], [sflag:s2], $0x20, s25, s24, $0xb8;
	[tilespmem:$0x12400] =	vst v63  }
0x66: {  	_ =	swait.ge [sflag:s28], $0x1000  }
0x67: {  	[sflag:s28] =	ssyncset.done $0x0  }
0x68: {  	[sflag:s28] =	ssyncadd.s32 $0xFFFFF000  }
0x69: {  	s29 =	sadd.s32 $0x1, s29;
	[bflag:$0x0] =	sbarrier.arrive $0xFFFF  }
0x6a: {  	p0 =	sne.s32 s29, s18;
	s30 =	rddreg [dreg:$0x7]  }
.Ltmp3:
0x6b: {  	s31 =	sshrl.u32 s11, $0x3;
	s0 =	sor.u32 $0x1C06, s30;
	(pc) =	sbr.rel @p0 .LBB2_1-.Ltmp3, $4  }
0x6c: {  	[hbm:s17], [sflag:s0] =	dma.local [spmem:s31], $0xA00  }
0x6d: {  	_ =	swait.ge [sflag:s22], $0xA00  }
0x6e: {  	[sflag:s22] =	ssyncset.done $0x0  }
0x6f: {  	[sflag:s22] =	ssyncadd.s32 $0xFFFFF600  }
0x70: {  	_ =	sfence.sel $0x180000  }
0x71: {  	[bflag:$0x0] =	sbarrier.arrive $0xFFFF  }
0x72: {  	_ =	strace $0x90000050  }
0x73: {  	s0 =	stileid.u32;
	[bflag:$0x2] =	sbarrier.arrive $0xFFFF  }
0x74: {  	p0 =	sne.s32 s0, $0x0;
	s0 =	rddreg [dreg:$0x4]  }
0x75: {  	s0 =	sadd.s32 @!p0 $0x100000, s0  }
0x76: {  	[sflag:s0] =	ssyncadd.tile.s32 @!p0 $0x1;
	_ =	shalt  }
.Lfunc_end2:
_tile_overlayer_lowered:
.L_overlay_start_2:
0x77: {  	(tag) =	ssettag $0x2  }
0x78: {  	s0 =	rddreg [dreg:$0x0];
	s2 =	stileid.u32  }
0x79: {  	s1 =	rddreg [dreg:$0x1];
	p0 =	sne.s32 s2, $0x0  }
0x7a: {  	s3 =	rddreg [dreg:$0x2];
	[bflag:$0x3] =	sbarrier.arrive $0xFFFF;
	s2 =	simm.s32 @!p0 $0x1C06  }
0x7b: {  	[timem:s3], [sflag:s2] =	dma.local @!p0 [hbm:s0], s1  }
0x7c: {  	s0 =	simm.s32 @!p0 $0x6  }
0x7d: {  	_ =	swait.ge @!p0 [sflag:s0], s1  }
0x7e: {  	s1 =	ssub.s32 @!p0 $0x0, s1;
	[sflag:s0] =	ssyncset.done @!p0 $0x0  }
0x7f: {  	[sflag:s0] =	ssyncadd.s32 @!p0 s1  }
0x80: {  	[bflag:$0x3] =	sbarrier.arrive $0xFFFF  }
0x81: {  	_ =	shalt  }

// kernel: kernel.26.cloned.1.call-start
scs
__scs_entry_jumppad:
0x0: {  	(pc) =	sbr.rel $0x88, $3  }
0x1: {  	(tag) =	ssettag $0x0;
	lr =	simm.s32 $0x1  }
0x2: {  	[smem:$0x3F95] =	sst lr;
	_ =	strace $0xD0000000  }
0x3: {  	_ = 	snop  }
0x4: {  	_ = 	snop  }
0x5: {  	_ = 	snop  }
0x6: {  	_ = 	snop  }
0x7: {  	_ = 	snop  }
__scs_overlays_trampoline_lowered:
0x8: {  	[smem:$0x3FA4] =	sst s0  }
0x9: {  	[smem:$0x3FA5] =	sst s1  }
0xa: {  	[smem:$0x3FA6] =	sst s2  }
0xb: {  	[smem:$0x3FA7] =	sst s3  }
0xc: {  	[smem:$0x3FA8] =	sst s4  }
0xd: {  	[smem:$0x3FA9] =	sst s5  }
0xe: {  	[smem:$0x3FAA] =	sst s6  }
0xf: {  	[smem:$0x3FAB] =	sst s7  }
0x10: {  	[smem:$0x3FAC] =	sst s8  }
0x11: {  	[smem:$0x3FAD] =	sst s9;
	s0 =	simm.s32 @!p0 $0x0  }
0x12: {  	s1 =	sld [smem:$0x3F93];
	s0 =	simm.s32 @p0 $0x1  }
0x13: {  	[smem:$0x3FAE] =	sst s0;
	s0 =	simm.s32 @!p1 $0x0  }
0x14: {  	s2 =	sld [smem:$0x3F92];
	s0 =	simm.s32 @p1 $0x1  }
0x15: {  	[smem:$0x3FAF] =	sst s0;
	s0 =	simm.s32 @!p2 $0x0  }
0x16: {  	s3 =	sld [smem:$0x3FDB];
	s0 =	simm.s32 @p2 $0x1  }
0x17: {  	s4 =	simm.s32 $0x1BF5;
	[smem:$0x3FB1] =	sst s0  }
0x18: {  	s0 =	sld [smem:$0x3F94];
	_ =	swait.ge [sflag:s4], $0x0  }
0x19: {  	s7 =	sld [smem:$0x3F95]  }
0x1a: {  	s8 =	sadd.s32 $0xFFFFE003, lr  }
0x1b: {  	s9 =	sadd.s32 $0xFFFFFEF7, lr;
	s5 =	simm.s32 $0xFFFFFFFF;
	p2 =	slt.u32 s8, $0xFFFFF086  }
0x1c: {  	p1 =	slt.u32 s9, $0xF7A;
	s5 =	simm.s32 @!p2 $0x0  }
0x1d: {  	s5 =	simm.s32 @p1 $0x1;
	p0 =	seq.s32 s7, s2  }
0x1e: {  	s7 =	smul.u32 @!p0 $0xF7A, s2;
	p2 =	seq.s32 @!p0 s5, $0x0  }
0x1f: {  	s9 =	smul.u32 $0xF7A, s1;
	s8 =	simm.s32 @!p0 $0x1BF5;
	p2 =	por !p2, p0  }
0x20: {  	[sflag:s8] =	ssyncset.s32 @!p0 $0xFFFFF086;
	s6 =	sadd.s32 @!p0 s3, s7;
	s7 =	simm.s32 @!p0 $0x108  }
0x21: {  	s3 =	sadd.s32 s3, s9;
	s6 =	sadd.s32 @!p0 $0x88, s6;
	s7 =	simm.s32 @p2 $0x1082  }
0x22: {  	[simem:s7], [sflag:s8] =	dma.local @!p0 [hbm:s6], $0xF7A  }
0x23: {  	s9 =	sor.u32 $0xD0000000, s2;
	s6 =	simm.s32 $0x108;
	_ =	swait.ge @!p0 [sflag:s8], $0x0  }
0x24: {  	s3 =	sadd.s32 $0x88, s3;
	s6 =	simm.s32 @!p1 $0x1082;
	[sflag:s4] =	ssyncset.s32 $0xFFFFF086  }
0x25: {  	[simem:s6], [sflag:s4] =	dma.local [hbm:s3], $0xF7A  }
0x26: {  	[smem:$0x3F95] =	sst s1;
	(tag) =	ssettag s2;
	_ =	strace s9  }
0x27: {  	s1 =	sld [smem:$0x3FA5]  }
0x28: {  	s2 =	sld [smem:$0x3FA6]  }
0x29: {  	s4 =	sld [smem:$0x3FA8]  }
0x2a: {  	p0 =	seq.s32 s5, $0x0;
	s5 =	sld [smem:$0x3FA9]  }
0x2b: {  	s6 =	sld [smem:$0x3FAA]  }
0x2c: {  	s7 =	sld [smem:$0x3FAB]  }
0x2d: {  	s3 =	simm.s32 $0x108;
	s8 =	sld [smem:$0x3FAC]  }
0x2e: {  	s3 =	simm.s32 @!p0 $0x1082;
	s9 =	sld [smem:$0x3FAD]  }
0x2f: {  	lr =	sadd.s32 s0, s3;
	s0 =	sld [smem:$0x3FA4]  }
0x30: {  	s3 =	sld [smem:$0x3FA7]  }
0x31: {  	[smem:$0x3FB0] =	sst s10  }
0x32: {  	s10 =	sld [smem:$0x3FAE];
	_ =	sdelay $0x3  }
0x33: {  	p0 =	seq.s32 s10, $0x1;
	s10 =	sld [smem:$0x3FB0];
	_ =	sdelay $0x3  }
0x34: {  	[smem:$0x3FB0] =	sst s10  }
0x35: {  	s10 =	sld [smem:$0x3FAF];
	_ =	sdelay $0x3  }
0x36: {  	p1 =	seq.s32 s10, $0x1;
	s10 =	sld [smem:$0x3FB0];
	_ =	sdelay $0x3  }
0x37: {  	[smem:$0x3FB0] =	sst s10  }
0x38: {  	s10 =	sld [smem:$0x3FB1]  }
0x39: {  	_ = 	snop;
	(pc) =	sbr.ind lr, $3  }
0x3a: {  	_ = 	snop  }
0x3b: {  	_ = 	snop  }
0x3c: {  	p2 =	seq.s32 s10, $0x1;
	s10 =	sld [smem:$0x3FB0]  }
0x3d: {  	_ =	shalt  }
0x3e: {  	_ =	shalt  }
0x3f: {  	_ =	shalt  }
0x40: {  	_ =	shalt  }
0x41: {  	_ =	shalt  }
0x42: {  	_ =	shalt  }
0x43: {  	_ =	shalt  }
0x44: {  	_ =	shalt  }
0x45: {  	_ =	shalt  }
0x46: {  	_ =	shalt  }
0x47: {  	_ =	shalt  }
0x48: {  	_ =	shalt  }
0x49: {  	_ =	shalt  }
0x4a: {  	_ =	shalt  }
0x4b: {  	_ =	shalt  }
0x4c: {  	_ =	shalt  }
0x4d: {  	_ =	shalt  }
0x4e: {  	_ =	shalt  }
0x4f: {  	_ =	shalt  }
0x50: {  	_ =	shalt  }
0x51: {  	_ =	shalt  }
0x52: {  	_ =	shalt  }
0x53: {  	_ =	shalt  }
0x54: {  	_ =	shalt  }
0x55: {  	_ =	shalt  }
0x56: {  	_ =	shalt  }
0x57: {  	_ =	shalt  }
0x58: {  	_ =	shalt  }
0x59: {  	_ =	shalt  }
0x5a: {  	_ =	shalt  }
0x5b: {  	_ =	shalt  }
0x5c: {  	_ =	shalt  }
0x5d: {  	_ =	shalt  }
0x5e: {  	_ =	shalt  }
0x5f: {  	_ =	shalt  }
0x60: {  	_ =	shalt  }
0x61: {  	_ =	shalt  }
0x62: {  	_ =	shalt  }
0x63: {  	_ =	shalt  }
0x64: {  	_ =	shalt  }
0x65: {  	_ =	shalt  }
0x66: {  	_ =	shalt  }
0x67: {  	_ =	shalt  }
0x68: {  	_ =	shalt  }
0x69: {  	_ =	shalt  }
0x6a: {  	_ =	shalt  }
0x6b: {  	_ =	shalt  }
0x6c: {  	_ =	shalt  }
0x6d: {  	_ =	shalt  }
0x6e: {  	_ =	shalt  }
0x6f: {  	_ =	shalt  }
0x70: {  	_ =	shalt  }
0x71: {  	_ =	shalt  }
0x72: {  	_ =	shalt  }
0x73: {  	_ =	shalt  }
0x74: {  	_ =	shalt  }
0x75: {  	_ =	shalt  }
0x76: {  	_ =	shalt  }
0x77: {  	_ =	shalt  }
0x78: {  	_ =	shalt  }
0x79: {  	_ =	shalt  }
0x7a: {  	_ =	shalt  }
0x7b: {  	_ =	shalt  }
0x7c: {  	_ =	shalt  }
0x7d: {  	_ =	shalt  }
0x7e: {  	_ =	shalt  }
0x7f: {  	_ =	shalt  }
0x80: {  	_ =	shalt  }
0x81: {  	_ =	shalt  }
0x82: {  	_ =	shalt  }
0x83: {  	_ =	shalt  }
0x84: {  	_ =	shalt  }
0x85: {  	_ =	shalt  }
0x86: {  	_ =	shalt  }
0x87: {  	_ =	shalt  }
.Lfunc_end0:
.L_simem_size_0:
called_computation.4_lowered:
.L_overlay_start_0:
0x88: {  	s2 =	sld [smem:$0x3FD9]  }
0x89: {  	s3 =	sld [smem:$0x3FFE];
	_ =	sdelay $0x1  }
0x8a: {  	s1 =	srdreg.scid  }
0x8b: {  	s0 =	sand.u32 $0x1, s1  }
0x8c: {  	s17 =	sshll.u32 s0, $0xA;
	s2 =	sadd.s32 s3, s2  }
0x8d: {  	s2 =	sadd.s32 s2, s17  }
0x8e: {  	[smem:$0x3FBC] =	sst s2  }
0x8f: {  	_ = 	snop  }
0x90: {  	s2 =	sld [smem:$0x3FD0];
	(tm) =	ssettm $0x1  }
0x91: {  	s18 =	sld [smem:$0x3FFB];
	_ =	sdelay $0x3  }
0x92: {  	_ =	strace s18  }
0x93: {  	s3 =	sld [smem:$0x3FFC];
	_ =	sdelay $0x3  }
0x94: {  	_ =	strace s3  }
0x95: {  	s3 =	sld [smem:$0x3FFD];
	_ =	sdelay $0x3  }
0x96: {  	_ =	strace s3  }
0x97: {  	_ =	strace $0x8FFFFFFF  }
0x98: {  	s19 =	sld [smem:$0x3FDB];
	_ =	sdelay $0x1  }
0x99: {  	s4 =	simm.s32 $_scs_section_size  }
0x9a: {  	s5 =	simm.s32 $_size__tile_overlayer_lowered;
	s6 =	simm.s32 $_tile_overlayer_lowered  }
0x9b: {  	s22 =	simm.s32 $0x1BFF;
	s21 =	sshll.u32 s6, $0x1;
	s3 =	sadd.s32 s4, s19  }
0x9c: {  	s7 =	simm.s32 $0x0;
	s20 =	sshll.u32 s5, $0x1;
	s5 =	sadd.s32 s21, s3  }
0x9d: {  	[timem:s7], [sflag:s22] =	dma.local [hbm:s5], s20  }
0x9e: {  	_ =	swait.ge [sflag:s22], s20  }
0x9f: {  	s4 =	ssub.s32 $0x0, s20;
	[sflag:s22] =	ssyncset.done $0x0  }
0xa0: {  	[sflag:s22] =	ssyncadd.s32 s4;
	_ =	sdelay $0x1  }
0xa1: {  	s23 =	simm.s32 $0x1B8B  }
0xa2: {  	_ =	swait.ge [sflag:s23], $0x1  }
0xa3: {  	[sflag:s23] =	ssyncset.done $0x0  }
0xa4: {  	s25 =	simm.s32 $0x1B8E;
	s24 =	sld [smem:$0x3FFE];
	[sflag:s23] =	ssyncadd.s32 $0xFFFFFFFF  }
0xa5: {  	s26 =	simm.s32 $execute0_lowered;
	[smem:$0x3FD2] =	sst s25  }
0xa6: {  	s5 =	sshll.u32 s26, $0x1;
	_ =	strace $0x80000052;
	[dreg:$0x1] =	wrdreg $0xFFFFFFFF  }
0xa7: {  	s28 =	simm.s32 $_size_execute0_lowered;
	s3 =	sadd.s32 s3, s5;
	[dreg:$0x0] =	wrdreg $0x0  }
0xa8: {  	s5 =	sshll.u32 s28, $0x1;
	[dreg:$0x2] =	wrdreg s3  }
0xa9: {  	[dreg:$0x3] =	wrdreg s5  }
0xaa: {  	[dreg:$0x4] =	wrdreg $0xC0  }
0xab: {  	_ =	task [dreg:s7], $0x5FFFF  }
0xac: {  	[dreg:$0x1] =	wrdreg $0xFFFFFFFF  }
0xad: {  	[dreg:$0x0] =	wrdreg $0x60  }
0xae: {  	[dreg:$0x2] =	wrdreg s24  }
0xaf: {  	[dreg:$0x3] =	wrdreg s2  }
0xb0: {  	[dreg:$0x4] =	wrdreg $0x9C000  }
0xb1: {  	[dreg:$0x5] =	wrdreg $0x74000  }
0xb2: {  	[dreg:$0x6] =	wrdreg $0x9  }
0xb3: {  	_ =	task.clear_ibuf [dreg:s7], $0x7FFFF;
	_ =	strace $0x90000052  }
0xb4: {  	s29 =	simm.s32 $0x9;
	_ =	strace $0x80000054  }
0xb5: {  	_ =	swait.ge [sflag:s29], $0x1  }
0xb6: {  	[sflag:s29] =	ssyncadd.s32 $0xFFFFFFFF  }
0xb7: {  	_ =	strace $0x90000054  }
0xb8: {  	_ =	sfence  }
0xb9: {  	s30 =	sld [smem:$0x0];
	_ =	sdelay $0x2  }
0xba: {  	s31 =	sshll.u32 s1, $0xD;
	s1 =	sshrl.u32 s1, $0x2  }
0xbb: {  	s3 =	sand.u32 $0x4000, s31;
	s1 =	sadd.s32 s1, s30  }
0xbc: {  	s0 =	sor.u32 s3, s0;
	s1 =	sshll.u32 s1, $0x11  }
0xbd: {  	s0 =	sor.u32 s1, s0  }
0xbe: {  	s0 =	sadd.s32 $0x8F2B, s0  }
0xbf: {  	[sflag:s0] =	ssyncadd.remote.s32 $0x1  }
0xc0: {  	_ =	sfence.sel $0xFFFF  }
0xc1: {  	[dreg:$0x0] =	wrdreg $0xFFFFFFFF;
	(pc) =	sbr.abs _section_cstart, $3  }
0xc2: {  	[dreg:$0x1] =	wrdreg $0xFFFFFFFF  }
0xc3: {  	_ =	task.clear_ibuf [dreg:s7], $0x2FFFF;
	_ =	strace $0x9FFFFFFF  }
0xc4: {  	(tm) =	ssettm $0x7FFFFFFF  }
0xc5: {  	_ =	shalt  }
tec
execute0_lowered:
.L_overlay_start_1:
0x0: {  	(tag) =	ssettag $0x1  }
0x1: {  	s0 =	rddreg [dreg:$0x0]  }
0x2: {  	s2 =	rddreg [dreg:$0x1]  }
0x3: {  	s1 =	rddreg [dreg:$0x2];
	s12 =	stileid.u32  }
0x4: {  	s4 =	srdreg.scid;
	s3 =	rddreg [dreg:$0x3];
	s17 =	simm.s32 $0x3200  }
0x5: {  	s19 =	simm.s32 $0x6400;
	s20 =	simm.s32 $0x6;
	s10 =	smul.u32 $0x2800, s12  }
0x6: {  	s21 =	simm.s32 $0x5;
	s22 =	simm.s32 $0x80;
	s6 =	smul.u32 $0xA2, s12  }
0x7: {  	s24 =	simm.s32 $0x1;
	s5 =	sand.u32 $0x1, s4;
	s11 =	smul.u32 $0xA000, s12  }
0x8: {  	s28 =	simm.s32 $0x0;
	s4 =	simm.s32 $0x0;
	s7 =	smul.u32 $0x51, s5  }
0x9: {  	[smem:$0x7FF] =	sst s4;
	s8 =	smul.u32 $0x28000, s5;
	s5 =	ssub.s32 $0x2, s5  }
0xa: {  	_ =	strace $0x80000053;
	s9 =	sshrl.u32 s10, $0x3;
	s29 =	sshrl.u32 s5, $0x1  }
0xb: {  	s31 =	sadd.s32 s10, s1;
	s11 =	sshrl.u32 s11, $0x2;
	s6 =	sadd.s32 s7, s6  }
0xc: {  	s9 =	sadd.s32 s9, s0;
	s25 =	sadd.s32 s10, s8;
	s16 =	ssub.s32 s5, s29  }
0xd: {  	s14 =	sadd.s32 s11, s3;
	s10 =	sadd.s32 s10, s3;
	s18 =	sshrl.u32 s31, $0x3  }
0xe: {  	s6 =	sshll.u32 s6, $0x4;
	s7 =	sshrl.u32 s25, $0x3;
	s8 =	sadd.s32 $0x3200, s9  }
0xf: {  	s11 =	sadd.s32 $0x800, s14;
	s13 =	sadd.s32 $0x1800, s14;
	s16 =	smax.u32 s16, $0x1  }
0x10: {  	s26 =	sadd.s32 s6, s0;
	s0 =	sadd.s32 s7, s0;
	s2 =	sadd.s32 s2, s6  }
0x11: {  	s7 =	sshll.u32 s12, $0x6;
	s12 =	sadd.s32 $0x1000, s14;
	s14 =	sadd.s32 $0x2000, s14  }
0x12: {  	s30 =	sadd.s32 $0xD200, s26;
	[dreg:$0x6] =	wrdreg s2;
	s9 =	sor.u32 $0x1C05, s7  }
0x13: {  	v0 =	vimm.f32 $0.0e+00;
	s15 =	sadd.s32 $0x17C00, s0;
	s26 =	simm.s32 $0x3;
	[dreg:$0x5] =	wrdreg s30  }
.LBB2_1:
0x14: {  	s0 =	rddreg [dreg:$0x5]  }
0x15: {  	[tilespmem:s4], [sflag:$0x5] =	stream.linear.gather [hbm4b:s0+s4], $0x3200, $0x38;
	[tilespmem:$0xC400] =	vst v63  }
0x16: {  	s31 =	rddreg [dreg:$0x6];
	s2 =	simm.s32 $0x0;
	s0 =	simm.s32 $0x40  }
0x17: {  	[tilespmem:s17], [sflag:$0x5] =	stream.linear.gather [hbm4b:s31+s4], $0x3200, $0x38;
	[tilespmem:$0xC400] =	vst v63  }
0x18: {  	[spmem:s18], [sflag:s9] =	dma.local [hbm:s8], $0x500  }
.LBB2_2:
0x19: {  	p0 =	sne.s32 s0, $0x1FC0;
	[tilespmem:s2+$0x6400] =	vst v0;
	s2 =	smov.u32 s0;
	s0 =	sadd.s32 $0x40, s0  }
.Ltmp0:
0x1a: {  	(pc) =	sbr.rel @p0 .LBB2_2-.Ltmp0, $2  }
0x1b: {  	_ =	sdelay $0x2  }
0x1c: {  	s2 =	sshra.s32 s2, $0x2  }
0x1d: {  	[tilespmem:s2+$0x6400] =	vst v0  }
0x1e: {  	[spmem:s10] =	stream.linear.scatter [tilespmem:s19], [sflag:$0x6], $0x800, $0x38;
	[tilespmem:$0xC400] =	vst v63  }
0x1f: {  	_ =	swait.ge [sflag:s20], $0x800  }
0x20: {  	[sflag:s20] =	ssyncset.done $0x0  }
0x21: {  	[sflag:s20] =	ssyncadd.s32 $0xFFFFF800  }
0x22: {  	[spmem:s11] =	stream.linear.scatter [tilespmem:s19], [sflag:$0x6], $0x800, $0x38;
	[tilespmem:$0xC400] =	vst v63  }
0x23: {  	_ =	swait.ge [sflag:s20], $0x800  }
0x24: {  	[sflag:s20] =	ssyncset.done $0x0  }
0x25: {  	[sflag:s20] =	ssyncadd.s32 $0xFFFFF800  }
0x26: {  	[spmem:s12] =	stream.linear.scatter [tilespmem:s19], [sflag:$0x6], $0x800, $0x38;
	[tilespmem:$0xC400] =	vst v63  }
0x27: {  	_ =	swait.ge [sflag:s20], $0x800  }
0x28: {  	[sflag:s20] =	ssyncset.done $0x0  }
0x29: {  	[sflag:s20] =	ssyncadd.s32 $0xFFFFF800  }
0x2a: {  	[spmem:s13] =	stream.linear.scatter [tilespmem:s19], [sflag:$0x6], $0x800, $0x38;
	[tilespmem:$0xC400] =	vst v63  }
0x2b: {  	_ =	swait.ge [sflag:s20], $0x800  }
0x2c: {  	[sflag:s20] =	ssyncset.done $0x0  }
0x2d: {  	[sflag:s20] =	ssyncadd.s32 $0xFFFFF800  }
0x2e: {  	[spmem:s14] =	stream.linear.scatter [tilespmem:s19], [sflag:$0x6], $0x800, $0x38;
	[tilespmem:$0xC400] =	vst v63  }
0x2f: {  	_ =	swait.ge [sflag:s20], $0x800  }
0x30: {  	[sflag:s20] =	ssyncset.done $0x0  }
0x31: {  	[sflag:s20] =	ssyncadd.s32 $0xFFFFF800  }
0x32: {  	_ =	swait.ge [sflag:s21], $0x3200  }
0x33: {  	[sflag:s21] =	ssyncset.done $0x0  }
0x34: {  	[sflag:s21] =	ssyncadd.s32 $0xFFFFCE00  }
0x35: {  	_ =	swait.ge [sflag:s21], $0x3200  }
0x36: {  	[sflag:s21] =	ssyncset.done $0x0  }
0x37: {  	[sflag:s21] =	ssyncadd.s32 $0xFFFFCE00  }
0x38: {  	_ =	swait.ge [sflag:s21], $0x500  }
0x39: {  	[sflag:s21] =	ssyncset.done $0x0  }
0x3a: {  	[sflag:s21] =	ssyncadd.s32 $0xFFFFFB00  }
0x3b: {  	[bflag:$0x0] =	sbarrier.arrive $0xFFFF  }
0x3c: {  	[tilespmem:s19], [sflag:$0x1] =	stream.indirect.gather [spmem:s1], $0x10, s4, s22, $0xb8;
	[tilespmem:$0xC400] =	vst v63  }
0x3d: {  	s0 =	simm.s32 $0x6C00  }
0x3e: {  	[tilespmem:s0], [sflag:$0x2] =	stream.indirect.gather [spmem:s1], $0x10, s22, s22, $0xb8;
	[tilespmem:$0xC400] =	vst v63  }
0x3f: {  	s2 =	simm.s32 $0x2;
	_ =	swait.ge [sflag:s24], $0x800  }
0x40: {  	s0 =	sand.u32 $0x1, s2;
	[sflag:s24] =	ssyncset.done $0x0  }
0x41: {  	s5 =	sadd.s32 $0x3, s0;
	[sflag:s24] =	ssyncadd.s32 $0xFFFFF800  }
0x42: {  	[spmem:s3] =	stream.indirect.scatter.add.f32 [tilespmem:s19], [sflag:$0x3], $0x10, s17, s22, $0xb8;
	[tilespmem:$0xC400] =	vst v63  }
0x43: {  	s29 =	simm.s32 $0x100;
	s25 =	simm.s32 $0x1;
	_ =	swait.ge [sflag:s5], $0x800  }
0x44: {  	s25 =	sand.u32 $0x1, s25;
	s23 =	sshll.u32 s0, $0xB;
	[sflag:s5] =	ssyncset.done $0x0  }
0x45: {  	s0 =	sadd.s32 $0x1, s0;
	s6 =	sor.u32 $0x6400, s23;
	[sflag:s5] =	ssyncadd.s32 $0xFFFFF800  }
0x46: {  	[tilespmem:s6], [sflag:s0] =	stream.indirect.gather [spmem:s1], $0x10, s29, s22, $0xb8;
	[tilespmem:$0xC400] =	vst v63  }
0x47: {  	s30 =	simm.s32 $0x3280;
	s31 =	simm.s32 $0x3;
	s0 =	sadd.s32 $0x1, s25  }
0x48: {  	s2 =	simm.s32 $0x3280;
	s23 =	sshll.u32 s25, $0xB;
	_ =	swait.ge [sflag:s0], $0x800  }
0x49: {  	s23 =	sor.u32 $0x6400, s23;
	s25 =	sadd.s32 $0x3, s25;
	[sflag:s0] =	ssyncset.done $0x0  }
.LBB2_4:
0x4a: {  	[sflag:s0] =	ssyncadd.s32 $0xFFFFF800  }
0x4b: {  	s30 =	sadd.s32 $0x80, s30;
	s29 =	sadd.s32 $0x80, s29;
	s0 =	smov.u32 s31  }
0x4c: {  	[spmem:s3] =	stream.indirect.scatter.add.f32 [tilespmem:s23], [sflag:s25], $0x10, s2, s22, $0xb8;
	[tilespmem:$0xC400] =	vst v63  }
0x4d: {  	p0 =	sne.s32 s31, $0x50;
	s31 =	sadd.s32 $0x1, s31;
	s23 =	sand.u32 $0x1, s0  }
0x4e: {  	s2 =	smov.u32 s30;
	s25 =	sadd.s32 $0x3, s23;
	s5 =	sshll.u32 s23, $0xB  }
0x4f: {  	s0 =	sadd.s32 $0xFFFFFFFF, s0;
	_ =	swait.ge [sflag:s25], $0x800  }
0x50: {  	s23 =	sadd.s32 $0x1, s23;
	s6 =	sand.u32 $0x1, s0;
	[sflag:s25] =	ssyncset.done $0x0  }
.Ltmp1:
0x51: {  	s0 =	sor.u32 $0x6400, s5;
	[sflag:s25] =	ssyncadd.s32 $0xFFFFF800;
	(pc) =	sbr.rel @p0 .LBB2_4-.Ltmp1, $4  }
0x52: {  	[tilespmem:s0], [sflag:s23] =	stream.indirect.gather [spmem:s1], $0x10, s29, s22, $0xb8;
	[tilespmem:$0xC400] =	vst v63  }
0x53: {  	s5 =	sshll.u32 s6, $0xB;
	s0 =	sadd.s32 $0x1, s6  }
0x54: {  	_ =	swait.ge [sflag:s0], $0x800  }
0x55: {  	s25 =	sadd.s32 $0x3, s6;
	s23 =	sor.u32 $0x6400, s5;
	[sflag:s0] =	ssyncset.done $0x0  }
0x56: {  	[sflag:s0] =	ssyncadd.s32 $0xFFFFF800  }
0x57: {  	[spmem:s3] =	stream.indirect.scatter.add.f32 [tilespmem:s23], [sflag:s25], $0x10, s2, s22, $0xb8;
	[tilespmem:$0xC400] =	vst v63  }
0x58: {  	_ =	swait.ge [sflag:s25], $0x800  }
0x59: {  	[sflag:s25] =	ssyncset.done $0x0  }
0x5a: {  	[sflag:s25] =	ssyncadd.s32 $0xFFFFF800  }
0x5b: {  	_ =	swait.ge [sflag:s24], $0x800  }
0x5c: {  	[sflag:s24] =	ssyncset.done $0x0  }
0x5d: {  	s29 =	simm.s32 $0x5A00;
	[sflag:s24] =	ssyncadd.s32 $0xFFFFF800  }
0x5e: {  	[spmem:s3] =	stream.indirect.scatter.add.f32 [tilespmem:s19], [sflag:$0x3], $0x10, s29, s22, $0xb8;
	[tilespmem:$0xC400] =	vst v63  }
0x5f: {  	_ =	swait.ge [sflag:s26], $0x800  }
0x60: {  	s28 =	sadd.s32 $0x1, s28;
	[sflag:s26] =	ssyncset.done $0x0  }
0x61: {  	s30 =	sor.u32 $0x1C06, s7;
	p0 =	sne.s32 s28, s16;
	[sflag:s26] =	ssyncadd.s32 $0xFFFFF800  }
.Ltmp2:
0x62: {  	s31 =	sshrl.u32 s10, $0x3;
	[bflag:$0x0] =	sbarrier.arrive $0xFFFF;
	(pc) =	sbr.rel @p0 .LBB2_1-.Ltmp2, $4  }
0x63: {  	[hbm:s15], [sflag:s30] =	dma.local [spmem:s31], $0x500  }
0x64: {  	_ =	swait.ge [sflag:s20], $0x500  }
0x65: {  	[sflag:s20] =	ssyncset.done $0x0  }
0x66: {  	[sflag:s20] =	ssyncadd.s32 $0xFFFFFB00  }
0x67: {  	_ =	sfence.sel $0x180000  }
0x68: {  	[bflag:$0x0] =	sbarrier.arrive $0xFFFF  }
0x69: {  	_ =	strace $0x90000053  }
0x6a: {  	s0 =	stileid.u32;
	[bflag:$0x2] =	sbarrier.arrive $0xFFFF  }
0x6b: {  	p0 =	sne.s32 s0, $0x0;
	s0 =	rddreg [dreg:$0x4]  }
0x6c: {  	s0 =	sadd.s32 @!p0 $0x100000, s0  }
0x6d: {  	[sflag:s0] =	ssyncadd.tile.s32 @!p0 $0x1;
	_ =	shalt  }
.Lfunc_end2:
_tile_overlayer_lowered:
.L_overlay_start_2:
0x6e: {  	(tag) =	ssettag $0x2  }
0x6f: {  	s0 =	rddreg [dreg:$0x0];
	s2 =	stileid.u32  }
0x70: {  	s1 =	rddreg [dreg:$0x1];
	p0 =	sne.s32 s2, $0x0  }
0x71: {  	s3 =	rddreg [dreg:$0x2];
	[bflag:$0x3] =	sbarrier.arrive $0xFFFF;
	s2 =	simm.s32 @!p0 $0x1C06  }
0x72: {  	[timem:s3], [sflag:s2] =	dma.local @!p0 [hbm:s0], s1  }
0x73: {  	s0 =	simm.s32 @!p0 $0x6  }
0x74: {  	_ =	swait.ge @!p0 [sflag:s0], s1  }
0x75: {  	s1 =	ssub.s32 @!p0 $0x0, s1;
	[sflag:s0] =	ssyncset.done @!p0 $0x0  }
0x76: {  	[sflag:s0] =	ssyncadd.s32 @!p0 s1  }
0x77: {  	[bflag:$0x3] =	sbarrier.arrive $0xFFFF  }
0x78: {  	_ =	shalt  }

// kernel: kernel.29.cloned.1.call-start
scs
__scs_entry_jumppad:
0x0: {  	(pc) =	sbr.rel $0x88, $3  }
0x1: {  	(tag) =	ssettag $0x0;
	lr =	simm.s32 $0x1  }
0x2: {  	[smem:$0x3F95] =	sst lr;
	_ =	strace $0xD0000000  }
0x3: {  	_ = 	snop  }
0x4: {  	_ = 	snop  }
0x5: {  	_ = 	snop  }
0x6: {  	_ = 	snop  }
0x7: {  	_ = 	snop  }
__scs_overlays_trampoline_lowered:
0x8: {  	[smem:$0x3FA4] =	sst s0  }
0x9: {  	[smem:$0x3FA5] =	sst s1  }
0xa: {  	[smem:$0x3FA6] =	sst s2  }
0xb: {  	[smem:$0x3FA7] =	sst s3  }
0xc: {  	[smem:$0x3FA8] =	sst s4  }
0xd: {  	[smem:$0x3FA9] =	sst s5  }
0xe: {  	[smem:$0x3FAA] =	sst s6  }
0xf: {  	[smem:$0x3FAB] =	sst s7  }
0x10: {  	[smem:$0x3FAC] =	sst s8  }
0x11: {  	[smem:$0x3FAD] =	sst s9;
	s0 =	simm.s32 @!p0 $0x0  }
0x12: {  	s1 =	sld [smem:$0x3F93];
	s0 =	simm.s32 @p0 $0x1  }
0x13: {  	[smem:$0x3FAE] =	sst s0;
	s0 =	simm.s32 @!p1 $0x0  }
0x14: {  	s2 =	sld [smem:$0x3F92];
	s0 =	simm.s32 @p1 $0x1  }
0x15: {  	[smem:$0x3FAF] =	sst s0;
	s0 =	simm.s32 @!p2 $0x0  }
0x16: {  	s3 =	sld [smem:$0x3FDB];
	s0 =	simm.s32 @p2 $0x1  }
0x17: {  	s4 =	simm.s32 $0x1BF5;
	[smem:$0x3FB1] =	sst s0  }
0x18: {  	s0 =	sld [smem:$0x3F94];
	_ =	swait.ge [sflag:s4], $0x0  }
0x19: {  	s7 =	sld [smem:$0x3F95]  }
0x1a: {  	s8 =	sadd.s32 $0xFFFFE003, lr  }
0x1b: {  	s9 =	sadd.s32 $0xFFFFFEF7, lr;
	s5 =	simm.s32 $0xFFFFFFFF;
	p2 =	slt.u32 s8, $0xFFFFF086  }
0x1c: {  	p1 =	slt.u32 s9, $0xF7A;
	s5 =	simm.s32 @!p2 $0x0  }
0x1d: {  	s5 =	simm.s32 @p1 $0x1;
	p0 =	seq.s32 s7, s2  }
0x1e: {  	s7 =	smul.u32 @!p0 $0xF7A, s2;
	p2 =	seq.s32 @!p0 s5, $0x0  }
0x1f: {  	s9 =	smul.u32 $0xF7A, s1;
	s8 =	simm.s32 @!p0 $0x1BF5;
	p2 =	por !p2, p0  }
0x20: {  	[sflag:s8] =	ssyncset.s32 @!p0 $0xFFFFF086;
	s6 =	sadd.s32 @!p0 s3, s7;
	s7 =	simm.s32 @!p0 $0x108  }
0x21: {  	s3 =	sadd.s32 s3, s9;
	s6 =	sadd.s32 @!p0 $0x88, s6;
	s7 =	simm.s32 @p2 $0x1082  }
0x22: {  	[simem:s7], [sflag:s8] =	dma.local @!p0 [hbm:s6], $0xF7A  }
0x23: {  	s9 =	sor.u32 $0xD0000000, s2;
	s6 =	simm.s32 $0x108;
	_ =	swait.ge @!p0 [sflag:s8], $0x0  }
0x24: {  	s3 =	sadd.s32 $0x88, s3;
	s6 =	simm.s32 @!p1 $0x1082;
	[sflag:s4] =	ssyncset.s32 $0xFFFFF086  }
0x25: {  	[simem:s6], [sflag:s4] =	dma.local [hbm:s3], $0xF7A  }
0x26: {  	[smem:$0x3F95] =	sst s1;
	(tag) =	ssettag s2;
	_ =	strace s9  }
0x27: {  	s1 =	sld [smem:$0x3FA5]  }
0x28: {  	s2 =	sld [smem:$0x3FA6]  }
0x29: {  	s4 =	sld [smem:$0x3FA8]  }
0x2a: {  	p0 =	seq.s32 s5, $0x0;
	s5 =	sld [smem:$0x3FA9]  }
0x2b: {  	s6 =	sld [smem:$0x3FAA]  }
0x2c: {  	s7 =	sld [smem:$0x3FAB]  }
0x2d: {  	s3 =	simm.s32 $0x108;
	s8 =	sld [smem:$0x3FAC]  }
0x2e: {  	s3 =	simm.s32 @!p0 $0x1082;
	s9 =	sld [smem:$0x3FAD]  }
0x2f: {  	lr =	sadd.s32 s0, s3;
	s0 =	sld [smem:$0x3FA4]  }
0x30: {  	s3 =	sld [smem:$0x3FA7]  }
0x31: {  	[smem:$0x3FB0] =	sst s10  }
0x32: {  	s10 =	sld [smem:$0x3FAE];
	_ =	sdelay $0x3  }
0x33: {  	p0 =	seq.s32 s10, $0x1;
	s10 =	sld [smem:$0x3FB0];
	_ =	sdelay $0x3  }
0x34: {  	[smem:$0x3FB0] =	sst s10  }
0x35: {  	s10 =	sld [smem:$0x3FAF];
	_ =	sdelay $0x3  }
0x36: {  	p1 =	seq.s32 s10, $0x1;
	s10 =	sld [smem:$0x3FB0];
	_ =	sdelay $0x3  }
0x37: {  	[smem:$0x3FB0] =	sst s10  }
0x38: {  	s10 =	sld [smem:$0x3FB1]  }
0x39: {  	_ = 	snop;
	(pc) =	sbr.ind lr, $3  }
0x3a: {  	_ = 	snop  }
0x3b: {  	_ = 	snop  }
0x3c: {  	p2 =	seq.s32 s10, $0x1;
	s10 =	sld [smem:$0x3FB0]  }
0x3d: {  	_ =	shalt  }
0x3e: {  	_ =	shalt  }
0x3f: {  	_ =	shalt  }
0x40: {  	_ =	shalt  }
0x41: {  	_ =	shalt  }
0x42: {  	_ =	shalt  }
0x43: {  	_ =	shalt  }
0x44: {  	_ =	shalt  }
0x45: {  	_ =	shalt  }
0x46: {  	_ =	shalt  }
0x47: {  	_ =	shalt  }
0x48: {  	_ =	shalt  }
0x49: {  	_ =	shalt  }
0x4a: {  	_ =	shalt  }
0x4b: {  	_ =	shalt  }
0x4c: {  	_ =	shalt  }
0x4d: {  	_ =	shalt  }
0x4e: {  	_ =	shalt  }
0x4f: {  	_ =	shalt  }
0x50: {  	_ =	shalt  }
0x51: {  	_ =	shalt  }
0x52: {  	_ =	shalt  }
0x53: {  	_ =	shalt  }
0x54: {  	_ =	shalt  }
0x55: {  	_ =	shalt  }
0x56: {  	_ =	shalt  }
0x57: {  	_ =	shalt  }
0x58: {  	_ =	shalt  }
0x59: {  	_ =	shalt  }
0x5a: {  	_ =	shalt  }
0x5b: {  	_ =	shalt  }
0x5c: {  	_ =	shalt  }
0x5d: {  	_ =	shalt  }
0x5e: {  	_ =	shalt  }
0x5f: {  	_ =	shalt  }
0x60: {  	_ =	shalt  }
0x61: {  	_ =	shalt  }
0x62: {  	_ =	shalt  }
0x63: {  	_ =	shalt  }
0x64: {  	_ =	shalt  }
0x65: {  	_ =	shalt  }
0x66: {  	_ =	shalt  }
0x67: {  	_ =	shalt  }
0x68: {  	_ =	shalt  }
0x69: {  	_ =	shalt  }
0x6a: {  	_ =	shalt  }
0x6b: {  	_ =	shalt  }
0x6c: {  	_ =	shalt  }
0x6d: {  	_ =	shalt  }
0x6e: {  	_ =	shalt  }
0x6f: {  	_ =	shalt  }
0x70: {  	_ =	shalt  }
0x71: {  	_ =	shalt  }
0x72: {  	_ =	shalt  }
0x73: {  	_ =	shalt  }
0x74: {  	_ =	shalt  }
0x75: {  	_ =	shalt  }
0x76: {  	_ =	shalt  }
0x77: {  	_ =	shalt  }
0x78: {  	_ =	shalt  }
0x79: {  	_ =	shalt  }
0x7a: {  	_ =	shalt  }
0x7b: {  	_ =	shalt  }
0x7c: {  	_ =	shalt  }
0x7d: {  	_ =	shalt  }
0x7e: {  	_ =	shalt  }
0x7f: {  	_ =	shalt  }
0x80: {  	_ =	shalt  }
0x81: {  	_ =	shalt  }
0x82: {  	_ =	shalt  }
0x83: {  	_ =	shalt  }
0x84: {  	_ =	shalt  }
0x85: {  	_ =	shalt  }
0x86: {  	_ =	shalt  }
0x87: {  	_ =	shalt  }
.Lfunc_end0:
.L_simem_size_0:
called_computation.5_lowered:
.L_overlay_start_0:
0x88: {  	s2 =	sld [smem:$0x3FD9]  }
0x89: {  	s3 =	sld [smem:$0x3FFE];
	_ =	sdelay $0x1  }
0x8a: {  	s1 =	srdreg.scid  }
0x8b: {  	s0 =	sand.u32 $0x1, s1  }
0x8c: {  	s17 =	sshll.u32 s0, $0xA;
	s2 =	sadd.s32 s3, s2  }
0x8d: {  	s2 =	sadd.s32 s2, s17  }
0x8e: {  	[smem:$0x3FBC] =	sst s2  }
0x8f: {  	_ = 	snop  }
0x90: {  	s2 =	sld [smem:$0x3FD0];
	(tm) =	ssettm $0x1  }
0x91: {  	s18 =	sld [smem:$0x3FFB];
	_ =	sdelay $0x3  }
0x92: {  	_ =	strace s18  }
0x93: {  	s3 =	sld [smem:$0x3FFC];
	_ =	sdelay $0x3  }
0x94: {  	_ =	strace s3  }
0x95: {  	s3 =	sld [smem:$0x3FFD];
	_ =	sdelay $0x3  }
0x96: {  	_ =	strace s3  }
0x97: {  	_ =	strace $0x8FFFFFFF  }
0x98: {  	s19 =	sld [smem:$0x3FDB];
	_ =	sdelay $0x1  }
0x99: {  	s4 =	simm.s32 $_scs_section_size  }
0x9a: {  	s5 =	simm.s32 $_size__tile_overlayer_lowered;
	s6 =	simm.s32 $_tile_overlayer_lowered  }
0x9b: {  	s22 =	simm.s32 $0x1BFF;
	s21 =	sshll.u32 s6, $0x1;
	s3 =	sadd.s32 s4, s19  }
0x9c: {  	s7 =	simm.s32 $0x0;
	s20 =	sshll.u32 s5, $0x1;
	s5 =	sadd.s32 s21, s3  }
0x9d: {  	[timem:s7], [sflag:s22] =	dma.local [hbm:s5], s20  }
0x9e: {  	_ =	swait.ge [sflag:s22], s20  }
0x9f: {  	s4 =	ssub.s32 $0x0, s20;
	[sflag:s22] =	ssyncset.done $0x0  }
0xa0: {  	[sflag:s22] =	ssyncadd.s32 s4;
	_ =	sdelay $0x1  }
0xa1: {  	s23 =	simm.s32 $0x1B8B  }
0xa2: {  	_ =	swait.ge [sflag:s23], $0x1  }
0xa3: {  	[sflag:s23] =	ssyncset.done $0x0  }
0xa4: {  	s25 =	simm.s32 $0x1B8E;
	s24 =	sld [smem:$0x3FFE];
	[sflag:s23] =	ssyncadd.s32 $0xFFFFFFFF  }
0xa5: {  	s26 =	simm.s32 $execute0_lowered;
	[smem:$0x3FD2] =	sst s25  }
0xa6: {  	s5 =	sshll.u32 s26, $0x1;
	_ =	strace $0x80000055;
	[dreg:$0x1] =	wrdreg $0xFFFFFFFF  }
0xa7: {  	s28 =	simm.s32 $_size_execute0_lowered;
	s3 =	sadd.s32 s3, s5;
	[dreg:$0x0] =	wrdreg $0x0  }
0xa8: {  	s5 =	sshll.u32 s28, $0x1;
	[dreg:$0x2] =	wrdreg s3  }
0xa9: {  	[dreg:$0x3] =	wrdreg s5  }
0xaa: {  	[dreg:$0x4] =	wrdreg $0xC0  }
0xab: {  	_ =	task [dreg:s7], $0x5FFFF  }
0xac: {  	[dreg:$0x1] =	wrdreg $0xFFFFFFFF  }
0xad: {  	[dreg:$0x0] =	wrdreg $0x60  }
0xae: {  	[dreg:$0x2] =	wrdreg s24  }
0xaf: {  	[dreg:$0x3] =	wrdreg s2  }
0xb0: {  	[dreg:$0x4] =	wrdreg $0x9C000  }
0xb1: {  	[dreg:$0x5] =	wrdreg $0x74000  }
0xb2: {  	[dreg:$0x6] =	wrdreg $0x9  }
0xb3: {  	_ =	task.clear_ibuf [dreg:s7], $0x7FFFF;
	_ =	strace $0x90000055  }
0xb4: {  	s29 =	simm.s32 $0x9;
	_ =	strace $0x80000057  }
0xb5: {  	_ =	swait.ge [sflag:s29], $0x1  }
0xb6: {  	[sflag:s29] =	ssyncadd.s32 $0xFFFFFFFF  }
0xb7: {  	_ =	strace $0x90000057  }
0xb8: {  	_ =	sfence  }
0xb9: {  	s30 =	sld [smem:$0x0];
	_ =	sdelay $0x2  }
0xba: {  	s31 =	sshll.u32 s1, $0xD;
	s1 =	sshrl.u32 s1, $0x2  }
0xbb: {  	s3 =	sand.u32 $0x4000, s31;
	s1 =	sadd.s32 s1, s30  }
0xbc: {  	s0 =	sor.u32 s3, s0;
	s1 =	sshll.u32 s1, $0x11  }
0xbd: {  	s0 =	sor.u32 s1, s0  }
0xbe: {  	s0 =	sadd.s32 $0x8F2B, s0  }
0xbf: {  	[sflag:s0] =	ssyncadd.remote.s32 $0x1  }
0xc0: {  	_ =	sfence.sel $0xFFFF  }
0xc1: {  	[dreg:$0x0] =	wrdreg $0xFFFFFFFF;
	(pc) =	sbr.abs _section_cstart, $3  }
0xc2: {  	[dreg:$0x1] =	wrdreg $0xFFFFFFFF  }
0xc3: {  	_ =	task.clear_ibuf [dreg:s7], $0x2FFFF;
	_ =	strace $0x9FFFFFFF  }
0xc4: {  	(tm) =	ssettm $0x7FFFFFFF  }
0xc5: {  	_ =	shalt  }
tec
execute0_lowered:
.L_overlay_start_1:
0x0: {  	(tag) =	ssettag $0x1  }
0x1: {  	s0 =	rddreg [dreg:$0x0]  }
0x2: {  	s2 =	rddreg [dreg:$0x1]  }
0x3: {  	s1 =	rddreg [dreg:$0x2];
	s12 =	stileid.u32  }
0x4: {  	s4 =	srdreg.scid;
	s3 =	rddreg [dreg:$0x3];
	s17 =	simm.s32 $0x3200  }
0x5: {  	s19 =	simm.s32 $0x6400;
	s20 =	simm.s32 $0x6;
	s10 =	smul.u32 $0x2800, s12  }
0x6: {  	s21 =	simm.s32 $0x5;
	s22 =	simm.s32 $0x80;
	s6 =	smul.u32 $0xA2, s12  }
0x7: {  	s24 =	simm.s32 $0x1;
	s5 =	sand.u32 $0x1, s4;
	s11 =	smul.u32 $0xA000, s12  }
0x8: {  	s28 =	simm.s32 $0x0;
	s4 =	simm.s32 $0x0;
	s7 =	smul.u32 $0x51, s5  }
0x9: {  	[smem:$0x7FF] =	sst s4;
	s8 =	smul.u32 $0x28000, s5;
	s5 =	ssub.s32 $0x2, s5  }
0xa: {  	_ =	strace $0x80000056;
	s9 =	sshrl.u32 s10, $0x3;
	s29 =	sshrl.u32 s5, $0x1  }
0xb: {  	s31 =	sadd.s32 s10, s1;
	s11 =	sshrl.u32 s11, $0x2;
	s6 =	sadd.s32 s7, s6  }
0xc: {  	s9 =	sadd.s32 s9, s0;
	s25 =	sadd.s32 s10, s8;
	s16 =	ssub.s32 s5, s29  }
0xd: {  	s14 =	sadd.s32 s11, s3;
	s10 =	sadd.s32 s10, s3;
	s18 =	sshrl.u32 s31, $0x3  }
0xe: {  	s6 =	sshll.u32 s6, $0x4;
	s7 =	sshrl.u32 s25, $0x3;
	s8 =	sadd.s32 $0x3200, s9  }
0xf: {  	s11 =	sadd.s32 $0x800, s14;
	s13 =	sadd.s32 $0x1800, s14;
	s16 =	smax.u32 s16, $0x1  }
0x10: {  	s26 =	sadd.s32 s6, s0;
	s0 =	sadd.s32 s7, s0;
	s2 =	sadd.s32 s2, s6  }
0x11: {  	s7 =	sshll.u32 s12, $0x6;
	s12 =	sadd.s32 $0x1000, s14;
	s14 =	sadd.s32 $0x2000, s14  }
0x12: {  	s30 =	sadd.s32 $0xD200, s26;
	[dreg:$0x6] =	wrdreg s2;
	s9 =	sor.u32 $0x1C05, s7  }
0x13: {  	v0 =	vimm.f32 $0.0e+00;
	s15 =	sadd.s32 $0x17C00, s0;
	s26 =	simm.s32 $0x3;
	[dreg:$0x5] =	wrdreg s30  }
.LBB2_1:
0x14: {  	s0 =	rddreg [dreg:$0x5]  }
0x15: {  	[tilespmem:s4], [sflag:$0x5] =	stream.linear.gather [hbm4b:s0+s4], $0x3200, $0x38;
	[tilespmem:$0xC400] =	vst v63  }
0x16: {  	s31 =	rddreg [dreg:$0x6];
	s2 =	simm.s32 $0x0;
	s0 =	simm.s32 $0x40  }
0x17: {  	[tilespmem:s17], [sflag:$0x5] =	stream.linear.gather [hbm4b:s31+s4], $0x3200, $0x38;
	[tilespmem:$0xC400] =	vst v63  }
0x18: {  	[spmem:s18], [sflag:s9] =	dma.local [hbm:s8], $0x500  }
.LBB2_2:
0x19: {  	p0 =	sne.s32 s0, $0x1FC0;
	[tilespmem:s2+$0x6400] =	vst v0;
	s2 =	smov.u32 s0;
	s0 =	sadd.s32 $0x40, s0  }
.Ltmp0:
0x1a: {  	(pc) =	sbr.rel @p0 .LBB2_2-.Ltmp0, $2  }
0x1b: {  	_ =	sdelay $0x2  }
0x1c: {  	s2 =	sshra.s32 s2, $0x2  }
0x1d: {  	[tilespmem:s2+$0x6400] =	vst v0  }
0x1e: {  	[spmem:s10] =	stream.linear.scatter [tilespmem:s19], [sflag:$0x6], $0x800, $0x38;
	[tilespmem:$0xC400] =	vst v63  }
0x1f: {  	_ =	swait.ge [sflag:s20], $0x800  }
0x20: {  	[sflag:s20] =	ssyncset.done $0x0  }
0x21: {  	[sflag:s20] =	ssyncadd.s32 $0xFFFFF800  }
0x22: {  	[spmem:s11] =	stream.linear.scatter [tilespmem:s19], [sflag:$0x6], $0x800, $0x38;
	[tilespmem:$0xC400] =	vst v63  }
0x23: {  	_ =	swait.ge [sflag:s20], $0x800  }
0x24: {  	[sflag:s20] =	ssyncset.done $0x0  }
0x25: {  	[sflag:s20] =	ssyncadd.s32 $0xFFFFF800  }
0x26: {  	[spmem:s12] =	stream.linear.scatter [tilespmem:s19], [sflag:$0x6], $0x800, $0x38;
	[tilespmem:$0xC400] =	vst v63  }
0x27: {  	_ =	swait.ge [sflag:s20], $0x800  }
0x28: {  	[sflag:s20] =	ssyncset.done $0x0  }
0x29: {  	[sflag:s20] =	ssyncadd.s32 $0xFFFFF800  }
0x2a: {  	[spmem:s13] =	stream.linear.scatter [tilespmem:s19], [sflag:$0x6], $0x800, $0x38;
	[tilespmem:$0xC400] =	vst v63  }
0x2b: {  	_ =	swait.ge [sflag:s20], $0x800  }
0x2c: {  	[sflag:s20] =	ssyncset.done $0x0  }
0x2d: {  	[sflag:s20] =	ssyncadd.s32 $0xFFFFF800  }
0x2e: {  	[spmem:s14] =	stream.linear.scatter [tilespmem:s19], [sflag:$0x6], $0x800, $0x38;
	[tilespmem:$0xC400] =	vst v63  }
0x2f: {  	_ =	swait.ge [sflag:s20], $0x800  }
0x30: {  	[sflag:s20] =	ssyncset.done $0x0  }
0x31: {  	[sflag:s20] =	ssyncadd.s32 $0xFFFFF800  }
0x32: {  	_ =	swait.ge [sflag:s21], $0x3200  }
0x33: {  	[sflag:s21] =	ssyncset.done $0x0  }
0x34: {  	[sflag:s21] =	ssyncadd.s32 $0xFFFFCE00  }
0x35: {  	_ =	swait.ge [sflag:s21], $0x3200  }
0x36: {  	[sflag:s21] =	ssyncset.done $0x0  }
0x37: {  	[sflag:s21] =	ssyncadd.s32 $0xFFFFCE00  }
0x38: {  	_ =	swait.ge [sflag:s21], $0x500  }
0x39: {  	[sflag:s21] =	ssyncset.done $0x0  }
0x3a: {  	[sflag:s21] =	ssyncadd.s32 $0xFFFFFB00  }
0x3b: {  	[bflag:$0x0] =	sbarrier.arrive $0xFFFF  }
0x3c: {  	[tilespmem:s19], [sflag:$0x1] =	stream.indirect.gather [spmem:s1], $0x10, s4, s22, $0xb8;
	[tilespmem:$0xC400] =	vst v63  }
0x3d: {  	s0 =	simm.s32 $0x6C00  }
0x3e: {  	[tilespmem:s0], [sflag:$0x2] =	stream.indirect.gather [spmem:s1], $0x10, s22, s22, $0xb8;
	[tilespmem:$0xC400] =	vst v63  }
0x3f: {  	s2 =	simm.s32 $0x2;
	_ =	swait.ge [sflag:s24], $0x800  }
0x40: {  	s0 =	sand.u32 $0x1, s2;
	[sflag:s24] =	ssyncset.done $0x0  }
0x41: {  	s5 =	sadd.s32 $0x3, s0;
	[sflag:s24] =	ssyncadd.s32 $0xFFFFF800  }
0x42: {  	[spmem:s3] =	stream.indirect.scatter.add.f32 [tilespmem:s19], [sflag:$0x3], $0x10, s17, s22, $0xb8;
	[tilespmem:$0xC400] =	vst v63  }
0x43: {  	s29 =	simm.s32 $0x100;
	s25 =	simm.s32 $0x1;
	_ =	swait.ge [sflag:s5], $0x800  }
0x44: {  	s25 =	sand.u32 $0x1, s25;
	s23 =	sshll.u32 s0, $0xB;
	[sflag:s5] =	ssyncset.done $0x0  }
0x45: {  	s0 =	sadd.s32 $0x1, s0;
	s6 =	sor.u32 $0x6400, s23;
	[sflag:s5] =	ssyncadd.s32 $0xFFFFF800  }
0x46: {  	[tilespmem:s6], [sflag:s0] =	stream.indirect.gather [spmem:s1], $0x10, s29, s22, $0xb8;
	[tilespmem:$0xC400] =	vst v63  }
0x47: {  	s30 =	simm.s32 $0x3280;
	s31 =	simm.s32 $0x3;
	s0 =	sadd.s32 $0x1, s25  }
0x48: {  	s2 =	simm.s32 $0x3280;
	s23 =	sshll.u32 s25, $0xB;
	_ =	swait.ge [sflag:s0], $0x800  }
0x49: {  	s23 =	sor.u32 $0x6400, s23;
	s25 =	sadd.s32 $0x3, s25;
	[sflag:s0] =	ssyncset.done $0x0  }
.LBB2_4:
0x4a: {  	[sflag:s0] =	ssyncadd.s32 $0xFFFFF800  }
0x4b: {  	s30 =	sadd.s32 $0x80, s30;
	s29 =	sadd.s32 $0x80, s29;
	s0 =	smov.u32 s31  }
0x4c: {  	[spmem:s3] =	stream.indirect.scatter.add.f32 [tilespmem:s23], [sflag:s25], $0x10, s2, s22, $0xb8;
	[tilespmem:$0xC400] =	vst v63  }
0x4d: {  	p0 =	sne.s32 s31, $0x50;
	s31 =	sadd.s32 $0x1, s31;
	s23 =	sand.u32 $0x1, s0  }
0x4e: {  	s2 =	smov.u32 s30;
	s25 =	sadd.s32 $0x3, s23;
	s5 =	sshll.u32 s23, $0xB  }
0x4f: {  	s0 =	sadd.s32 $0xFFFFFFFF, s0;
	_ =	swait.ge [sflag:s25], $0x800  }
0x50: {  	s23 =	sadd.s32 $0x1, s23;
	s6 =	sand.u32 $0x1, s0;
	[sflag:s25] =	ssyncset.done $0x0  }
.Ltmp1:
0x51: {  	s0 =	sor.u32 $0x6400, s5;
	[sflag:s25] =	ssyncadd.s32 $0xFFFFF800;
	(pc) =	sbr.rel @p0 .LBB2_4-.Ltmp1, $4  }
0x52: {  	[tilespmem:s0], [sflag:s23] =	stream.indirect.gather [spmem:s1], $0x10, s29, s22, $0xb8;
	[tilespmem:$0xC400] =	vst v63  }
0x53: {  	s5 =	sshll.u32 s6, $0xB;
	s0 =	sadd.s32 $0x1, s6  }
0x54: {  	_ =	swait.ge [sflag:s0], $0x800  }
0x55: {  	s25 =	sadd.s32 $0x3, s6;
	s23 =	sor.u32 $0x6400, s5;
	[sflag:s0] =	ssyncset.done $0x0  }
0x56: {  	[sflag:s0] =	ssyncadd.s32 $0xFFFFF800  }
0x57: {  	[spmem:s3] =	stream.indirect.scatter.add.f32 [tilespmem:s23], [sflag:s25], $0x10, s2, s22, $0xb8;
	[tilespmem:$0xC400] =	vst v63  }
0x58: {  	_ =	swait.ge [sflag:s25], $0x800  }
0x59: {  	[sflag:s25] =	ssyncset.done $0x0  }
0x5a: {  	[sflag:s25] =	ssyncadd.s32 $0xFFFFF800  }
0x5b: {  	_ =	swait.ge [sflag:s24], $0x800  }
0x5c: {  	[sflag:s24] =	ssyncset.done $0x0  }
0x5d: {  	s29 =	simm.s32 $0x5A00;
	[sflag:s24] =	ssyncadd.s32 $0xFFFFF800  }
0x5e: {  	[spmem:s3] =	stream.indirect.scatter.add.f32 [tilespmem:s19], [sflag:$0x3], $0x10, s29, s22, $0xb8;
	[tilespmem:$0xC400] =	vst v63  }
0x5f: {  	_ =	swait.ge [sflag:s26], $0x800  }
0x60: {  	s28 =	sadd.s32 $0x1, s28;
	[sflag:s26] =	ssyncset.done $0x0  }
0x61: {  	s30 =	sor.u32 $0x1C06, s7;
	p0 =	sne.s32 s28, s16;
	[sflag:s26] =	ssyncadd.s32 $0xFFFFF800  }
.Ltmp2:
0x62: {  	s31 =	sshrl.u32 s10, $0x3;
	[bflag:$0x0] =	sbarrier.arrive $0xFFFF;
	(pc) =	sbr.rel @p0 .LBB2_1-.Ltmp2, $4  }
0x63: {  	[hbm:s15], [sflag:s30] =	dma.local [spmem:s31], $0x500  }
0x64: {  	_ =	swait.ge [sflag:s20], $0x500  }
0x65: {  	[sflag:s20] =	ssyncset.done $0x0  }
0x66: {  	[sflag:s20] =	ssyncadd.s32 $0xFFFFFB00  }
0x67: {  	_ =	sfence.sel $0x180000  }
0x68: {  	[bflag:$0x0] =	sbarrier.arrive $0xFFFF  }
0x69: {  	_ =	strace $0x90000056  }
0x6a: {  	s0 =	stileid.u32;
	[bflag:$0x2] =	sbarrier.arrive $0xFFFF  }
0x6b: {  	p0 =	sne.s32 s0, $0x0;
	s0 =	rddreg [dreg:$0x4]  }
0x6c: {  	s0 =	sadd.s32 @!p0 $0x100000, s0  }
0x6d: {  	[sflag:s0] =	ssyncadd.tile.s32 @!p0 $0x1;
	_ =	shalt  }
.Lfunc_end2:
_tile_overlayer_lowered:
.L_overlay_start_2:
0x6e: {  	(tag) =	ssettag $0x2  }
0x6f: {  	s0 =	rddreg [dreg:$0x0];
	s2 =	stileid.u32  }
0x70: {  	s1 =	rddreg [dreg:$0x1];
	p0 =	sne.s32 s2, $0x0  }
0x71: {  	s3 =	rddreg [dreg:$0x2];
	[bflag:$0x3] =	sbarrier.arrive $0xFFFF;
	s2 =	simm.s32 @!p0 $0x1C06  }
0x72: {  	[timem:s3], [sflag:s2] =	dma.local @!p0 [hbm:s0], s1  }
0x73: {  	s0 =	simm.s32 @!p0 $0x6  }
0x74: {  	_ =	swait.ge @!p0 [sflag:s0], s1  }
0x75: {  	s1 =	ssub.s32 @!p0 $0x0, s1;
	[sflag:s0] =	ssyncset.done @!p0 $0x0  }
0x76: {  	[sflag:s0] =	ssyncadd.s32 @!p0 s1  }
0x77: {  	[bflag:$0x3] =	sbarrier.arrive $0xFFFF  }
0x78: {  	_ =	shalt  }

</sc_bundles>
